<compile_context>
chip_gen: v7x
topology: tpu7x:2x2x1
jax: 0.10.2.dev20260603
libtpu: 0.0.44.dev20260713+nightly
codegen_flags: <defaults>
</compile_context>

<pallas_src>
import functools

import jax
import jax.numpy as jnp
from jax import lax
from jax.experimental import pallas as pl
from jax.experimental.pallas import tpu as pltpu
from jax.experimental.pallas import tpu_sc as plsc

N = 10000
E = 320000
D = 128

_NC = 2
_NS = 16
_NW = _NC * _NS
_EPW = E // _NW
_CH = 80
_NCHUNK = _EPW // _CH
_NRB = 3
_NIB = 5
_NITER = 135
_RPT = 624
_ZR = 48


def _sc_segment_sum(x, edges):
    mesh = plsc.VectorSubcoreMesh(core_axis_name="c", subcore_axis_name="s")

    @functools.partial(
        pl.kernel,
        out_type=jax.ShapeDtypeStruct((_NC, N, D), jnp.float32),
        mesh=mesh,
        scratch_types=[
            pltpu.VMEM((_NIB, _CH), jnp.int32),
            pltpu.VMEM((_NIB, _CH), jnp.int32),
            pltpu.VMEM((_NRB, _CH, D), jnp.float32),
            pltpu.VMEM((_ZR, D), jnp.float32),
            pltpu.VMEM_SHARED((N, D), jnp.float32),
            pltpu.SemaphoreType.DMA((_NIB,)),
            pltpu.SemaphoreType.DMA((_NRB,)),
            pltpu.SemaphoreType.DMA((_NRB,)),
        ],
    )
    def seg(x_hbm, edges_hbm, out_hbm, sidx_v, didx_v, rows_v, zbuf,
            u_sh, isem, gsem, ssem):
        c = lax.axis_index("c")
        s = lax.axis_index("s")
        wid = s * _NC + c

        ebase = wid * _EPW

        def _iload(k, b):
            pltpu.async_copy(
                edges_hbm.at[pl.ds(ebase + k * _CH, _CH)], sidx_v.at[b],
                isem.at[b])
            pltpu.async_copy(
                edges_hbm.at[pl.ds(E + ebase + k * _CH, _CH)], didx_v.at[b],
                isem.at[b])

        def _iwait(b):
            pltpu.make_async_copy(
                edges_hbm.at[pl.ds(0, _CH)], sidx_v.at[b], isem.at[b]).wait()
            pltpu.make_async_copy(
                edges_hbm.at[pl.ds(0, _CH)], didx_v.at[b], isem.at[b]).wait()

        def _gwait(b):
            pltpu.make_async_copy(
                x_hbm.at[pl.ds(0, _CH)], rows_v.at[b], gsem.at[b]).wait()

        def _swait(b):
            pltpu.make_async_copy(
                x_hbm.at[pl.ds(0, _CH)], rows_v.at[b], ssem.at[b]).wait()

        for b in range(3):
            _iload(b, b)

        zero16 = jnp.zeros((16,), jnp.float32)

        def _zrow(i, carry):
            for j in range(D // 16):
                zbuf[i, pl.ds(j * 16, 16)] = zero16
            return carry

        lax.fori_loop(0, _ZR, _zrow, 0)

        zcopies = []
        for r in range(_RPT // _ZR):
            zcopies.append(pltpu.async_copy(
                zbuf, u_sh.at[pl.ds(s * _RPT + r * _ZR, _ZR)], ssem.at[0]))

        @pl.when(s == _NS - 1)
        def _():
            pltpu.async_copy(
                zbuf.at[pl.ds(0, N - _NS * _RPT)],
                u_sh.at[pl.ds(_NS * _RPT, N - _NS * _RPT)],
                ssem.at[0]).wait()

        _iwait(0)
        pltpu.async_copy(x_hbm.at[sidx_v.at[0]], rows_v.at[0], gsem.at[0])
        for cp in zcopies:
            cp.wait()
        plsc.subcore_barrier()

        def _group(g, carry):
            for j in range(15):
                kb = g * 15 + j
                b3 = j % _NRB
                b5 = j % _NIB
                bs = (j + 1) % _NRB
                bi = (j + 3) % _NIB
                bw = (j + 1) % _NIB

                @pl.when((kb >= 2) & (kb < _NCHUNK + 2))
                def _():
                    _swait(bs)

                @pl.when(kb + 3 < _NCHUNK)
                def _():
                    _iload(kb + 3, bi)

                @pl.when(kb + 1 < _NCHUNK)
                def _():
                    _iwait(bw)
                    pltpu.async_copy(
                        x_hbm.at[sidx_v.at[bw]], rows_v.at[bs], gsem.at[bs])

                @pl.when(kb < _NCHUNK)
                def _():
                    _gwait(b3)
                    pltpu.async_copy(
                        rows_v.at[b3], u_sh.at[didx_v.at[b5]], ssem.at[b3],
                        add=True)
            return carry

        lax.fori_loop(0, _NITER // 15, _group, 0)
        plsc.subcore_barrier()

        pltpu.sync_copy(
            u_sh.at[pl.ds(s * _RPT, _RPT)],
            out_hbm.at[c, pl.ds(s * _RPT, _RPT)],
        )

        @pl.when(s == _NS - 1)
        def _():
            pltpu.sync_copy(
                u_sh.at[pl.ds(_NS * _RPT, N - _NS * _RPT)],
                out_hbm.at[c, pl.ds(_NS * _RPT, N - _NS * _RPT)],
            )

    return seg(x, edges)


_BLK = 5000


def _tc_body(u2_ref, x_ref, w_ref, b_ref, g_ref, be_ref, o_ref):
    u = u2_ref[0] + u2_ref[1]
    h = lax.dot_general(u, w_ref[...], (((1,), (1,)), ((), ())),
                        preferred_element_type=jnp.float32)
    h = jnp.maximum(h + b_ref[...], 0.0) + x_ref[...]
    mu = jnp.mean(h, axis=-1, keepdims=True)
    var = jnp.mean((h - mu) ** 2, axis=-1, keepdims=True)
    o_ref[...] = (h - mu) * lax.rsqrt(var + 1e-5) * g_ref[...] + be_ref[...]


def _tc_fused(u2, x, w, b, gamma, beta):
    return pl.pallas_call(
        _tc_body,
        grid=(N // _BLK,),
        in_specs=[
            pl.BlockSpec((_NC, _BLK, D), lambda i: (0, i, 0)),
            pl.BlockSpec((_BLK, D), lambda i: (i, 0)),
            pl.BlockSpec((D, D), lambda i: (0, 0)),
            pl.BlockSpec((1, D), lambda i: (0, 0)),
            pl.BlockSpec((1, D), lambda i: (0, 0)),
            pl.BlockSpec((1, D), lambda i: (0, 0)),
        ],
        out_specs=pl.BlockSpec((_BLK, D), lambda i: (i, 0)),
        out_shape=jax.ShapeDtypeStruct((N, D), jnp.float32),
    )(u2, x, w, b.reshape(1, D), gamma.reshape(1, D), beta.reshape(1, D))


def kernel(x, edge_index, W, b, gamma, beta):
    edges = edge_index.astype(jnp.int32).reshape(2 * E)
    u2 = _sc_segment_sum(x, edges)
    return _tc_fused(u2, x, W, b, gamma, beta)

# --- scband reference (transcript-rebuilt; emitter-appended) ---
"""Pipeline reference for scband-graph-conv-65197603553461 (READ-ONLY COPY).

The authoritative reference and input builder live on the scoring server;
editing this copy changes nothing except your own understanding.
"""

import jax, jax.numpy as jnp
import numpy as np

N_NODES = 10000
N_EDGES = 320000
D = 128

def setup_inputs(seed: int = 0) -> dict:
    key = jax.random.key(seed)
    k1, k2, k3, k4 = jax.random.split(key, 4)
    x = jax.random.normal(k1, (N_NODES, D), dtype=jnp.float32)
    edge_index = jax.random.randint(k2, (2, N_EDGES), 0, N_NODES, dtype=jnp.int64)
    # Linear(hidden_dim, hidden_dim, bias=True)
    bound = 1.0 / np.sqrt(D)
    W = jax.random.uniform(k3, (D, D), minval=-bound, maxval=bound, dtype=jnp.float32)
    b = jax.random.uniform(k4, (D,), minval=-bound, maxval=bound, dtype=jnp.float32)
    # LayerNorm params
    gamma = jnp.ones((D,), dtype=jnp.float32)
    beta = jnp.zeros((D,), dtype=jnp.float32)
    return {"x": x, "edge_index": edge_index, "W": W, "b": b, "gamma": gamma, "beta": beta}

def _layernorm(h, gamma, beta, eps=1e-5):
    mu = jnp.mean(h, axis=-1, keepdims=True)
    var = jnp.var(h, axis=-1, keepdims=True)
    return (h - mu) / jnp.sqrt(var + eps) * gamma + beta

def reference(x, edge_index, W, b, gamma, beta):
    # DGL update_all(copy_u('h','m'), sum('m','u')):
    # for each edge (src, dst), message = x[src]; u[dst] = sum of messages.
    src = edge_index[0]
    dst = edge_index[1]
    msgs = jnp.take(x, src, axis=0)                      # gather  [E, D]
    u = jax.ops.segment_sum(msgs, dst, num_segments=N_NODES)  # scatter-add [N, D]
    h = u @ W.T + b                                      # Linear
    h = jax.nn.relu(h)                                   # Activation
    h = _layernorm(h + x, gamma, beta)                   # LayerNorm(h + h0)
    # dropout is identity in eval mode
    return h

if __name__ == "__main__":
    import jax
    _d = setup_inputs()
    print(jax.jit(kernel)(*tuple(_d.values())))

</pallas_src>

<mosaic_0001>
#map = affine_map<(d0, d1) -> (0, 0)>
#map1 = affine_map<(d0, d1) -> (0)>
#map2 = affine_map<(d0, d1) -> (0, 0, 0)>
module attributes {stable_mosaic.version = 14 : i64} {
  func.func @seg(%arg0: i32, %arg1: i32, %arg2: memref<10000x128xf32, #tpu.memory_space<hbm>>, %arg3: memref<640000xi32, #tpu.memory_space<hbm>>, %arg4: memref<2x10000x128xf32, #tpu.memory_space<hbm>>, %arg5: memref<5x80xi32, #tpu.memory_space<vmem>>, %arg6: memref<5x80xi32, #tpu.memory_space<vmem>>, %arg7: memref<3x80x128xf32, #tpu.memory_space<vmem>>, %arg8: memref<48x128xf32, #tpu.memory_space<vmem>>, %arg9: memref<10000x128xf32, #tpu.memory_space<vmem_shared>>, %arg10: memref<5x!tpu.dma_semaphore, #tpu.memory_space<semaphore_mem>>, %arg11: memref<3x!tpu.dma_semaphore, #tpu.memory_space<semaphore_mem>>, %arg12: memref<3x!tpu.dma_semaphore, #tpu.memory_space<semaphore_mem>>) attributes {dimension_semantics = [#tpu.dimension_semantics<core_parallel>, #tpu.dimension_semantics<subcore_parallel>], iteration_bounds = array<i64: 2, 16>, scalar_prefetch = 0 : i64, scratch_operands = 8 : i64, tpu.core_type = #tpu.core_type<sc_vector_subcore>, window_params = [{transform_indices = #map}, {transform_indices = #map1}, {transform_indices = #map2}]} {
    %mul3A = arith.constant 2 : i32
    %mul3A_0 = arith.muli %arg1, %mul3A : i32
    %add3A = arith.addi %mul3A_0, %arg0 : i32
    %mul3A_1 = arith.constant 10000 : i32
    %mul3A_2 = arith.muli %add3A, %mul3A_1 : i32
    %add3A_3 = arith.constant 0 : i32
    %add3A_4 = arith.addi %mul3A_2, %add3A_3 : i32
    %dma_start3A = arith.constant 0 : i32
    %dma_start3A_5 = arith.constant 0 : i32
    %dma_start3A_6 = arith.constant 0 : i32
    %dma_start3A_7 = tpu.memref_slice %arg5[%dma_start3A, %dma_start3A_6] : memref<5x80xi32, #tpu.memory_space<vmem>> -> memref<1x80xi32, #tpu.memory_space<vmem>>
    %dma_start3A_8 = tpu.memref_squeeze %dma_start3A_7 : memref<1x80xi32, #tpu.memory_space<vmem>> -> memref<80xi32, #tpu.memory_space<vmem>>
    %dma_start3A_9 = tpu.memref_slice %arg3[%add3A_4] : memref<640000xi32, #tpu.memory_space<hbm>> -> memref<80xi32, #tpu.memory_space<hbm>>
    %dma_start3A_10 = tpu.memref_slice %arg10[%dma_start3A_5] : memref<5x!tpu.dma_semaphore, #tpu.memory_space<semaphore_mem>> -> memref<1x!tpu.dma_semaphore, #tpu.memory_space<semaphore_mem>>
    %dma_start3A_11 = tpu.memref_squeeze %dma_start3A_10 : memref<1x!tpu.dma_semaphore, #tpu.memory_space<semaphore_mem>> -> memref<!tpu.dma_semaphore, #tpu.memory_space<semaphore_mem>>
    %dma_start3A_12 = arith.constant 0 : i32
    %dma_start3A_13 = tpu.memref_slice %arg5[%dma_start3A, %dma_start3A_12] : memref<5x80xi32, #tpu.memory_space<vmem>> -> memref<1x80xi32, #tpu.memory_space<vmem>>
    %dma_start3A_14 = tpu.memref_squeeze %dma_start3A_13 : memref<1x80xi32, #tpu.memory_space<vmem>> -> memref<80xi32, #tpu.memory_space<vmem>>
    %dma_start3A_15 = tpu.memref_slice %arg3[%add3A_4] : memref<640000xi32, #tpu.memory_space<hbm>> -> memref<80xi32, #tpu.memory_space<hbm>>
    tpu.enqueue_dma source(%dma_start3A_15 : memref<80xi32, #tpu.memory_space<hbm>>) target(%dma_start3A_14 : memref<80xi32, #tpu.memory_space<vmem>>) target_semaphore(%dma_start3A_11 : memref<!tpu.dma_semaphore, #tpu.memory_space<semaphore_mem>>)
    %add3A_16 = arith.constant 320000 : i32
    %add3A_17 = arith.addi %add3A_16, %mul3A_2 : i32
    %add3A_18 = arith.constant 0 : i32
    %add3A_19 = arith.addi %add3A_17, %add3A_18 : i32
    %dma_start3A_20 = arith.constant 0 : i32
    %dma_start3A_21 = arith.constant 0 : i32
    %dma_start3A_22 = arith.constant 0 : i32
    %dma_start3A_23 = tpu.memref_slice %arg6[%dma_start3A_20, %dma_start3A_22] : memref<5x80xi32, #tpu.memory_space<vmem>> -> memref<1x80xi32, #tpu.memory_space<vmem>>
    %dma_start3A_24 = tpu.memref_squeeze %dma_start3A_23 : memref<1x80xi32, #tpu.memory_space<vmem>> -> memref<80xi32, #tpu.memory_space<vmem>>
    %dma_start3A_25 = tpu.memref_slice %arg3[%add3A_19] : memref<640000xi32, #tpu.memory_space<hbm>> -> memref<80xi32, #tpu.memory_space<hbm>>
    %dma_start3A_26 = tpu.memref_slice %arg10[%dma_start3A_21] : memref<5x!tpu.dma_semaphore, #tpu.memory_space<semaphore_mem>> -> memref<1x!tpu.dma_semaphore, #tpu.memory_space<semaphore_mem>>
    %dma_start3A_27 = tpu.memref_squeeze %dma_start3A_26 : memref<1x!tpu.dma_semaphore, #tpu.memory_space<semaphore_mem>> -> memref<!tpu.dma_semaphore, #tpu.memory_space<semaphore_mem>>
    %dma_start3A_28 = arith.constant 0 : i32
    %dma_start3A_29 = tpu.memref_slice %arg6[%dma_start3A_20, %dma_start3A_28] : memref<5x80xi32, #tpu.memory_space<vmem>> -> memref<1x80xi32, #tpu.memory_space<vmem>>
    %dma_start3A_30 = tpu.memref_squeeze %dma_start3A_29 : memref<1x80xi32, #tpu.memory_space<vmem>> -> memref<80xi32, #tpu.memory_space<vmem>>
    %dma_start3A_31 = tpu.memref_slice %arg3[%add3A_19] : memref<640000xi32, #tpu.memory_space<hbm>> -> memref<80xi32, #tpu.memory_space<hbm>>
    tpu.enqueue_dma source(%dma_start3A_31 : memref<80xi32, #tpu.memory_space<hbm>>) target(%dma_start3A_30 : memref<80xi32, #tpu.memory_space<vmem>>) target_semaphore(%dma_start3A_27 : memref<!tpu.dma_semaphore, #tpu.memory_space<semaphore_mem>>)
    %add3A_32 = arith.constant 80 : i32
    %add3A_33 = arith.addi %mul3A_2, %add3A_32 : i32
    %dma_start3A_34 = arith.constant 1 : i32
    %dma_start3A_35 = arith.constant 1 : i32
    %dma_start3A_36 = arith.constant 0 : i32
    %dma_start3A_37 = tpu.memref_slice %arg5[%dma_start3A_34, %dma_start3A_36] : memref<5x80xi32, #tpu.memory_space<vmem>> -> memref<1x80xi32, #tpu.memory_space<vmem>>
    %dma_start3A_38 = tpu.memref_squeeze %dma_start3A_37 : memref<1x80xi32, #tpu.memory_space<vmem>> -> memref<80xi32, #tpu.memory_space<vmem>>
    %dma_start3A_39 = tpu.memref_slice %arg3[%add3A_33] : memref<640000xi32, #tpu.memory_space<hbm>> -> memref<80xi32, #tpu.memory_space<hbm>>
    %dma_start3A_40 = tpu.memref_slice %arg10[%dma_start3A_35] : memref<5x!tpu.dma_semaphore, #tpu.memory_space<semaphore_mem>> -> memref<1x!tpu.dma_semaphore, #tpu.memory_space<semaphore_mem>>
    %dma_start3A_41 = tpu.memref_squeeze %dma_start3A_40 : memref<1x!tpu.dma_semaphore, #tpu.memory_space<semaphore_mem>> -> memref<!tpu.dma_semaphore, #tpu.memory_space<semaphore_mem>>
    %dma_start3A_42 = arith.constant 0 : i32
    %dma_start3A_43 = tpu.memref_slice %arg5[%dma_start3A_34, %dma_start3A_42] : memref<5x80xi32, #tpu.memory_space<vmem>> -> memref<1x80xi32, #tpu.memory_space<vmem>>
    %dma_start3A_44 = tpu.memref_squeeze %dma_start3A_43 : memref<1x80xi32, #tpu.memory_space<vmem>> -> memref<80xi32, #tpu.memory_space<vmem>>
    %dma_start3A_45 = tpu.memref_slice %arg3[%add3A_33] : memref<640000xi32, #tpu.memory_space<hbm>> -> memref<80xi32, #tpu.memory_space<hbm>>
    tpu.enqueue_dma source(%dma_start3A_45 : memref<80xi32, #tpu.memory_space<hbm>>) target(%dma_start3A_44 : memref<80xi32, #tpu.memory_space<vmem>>) target_semaphore(%dma_start3A_41 : memref<!tpu.dma_semaphore, #tpu.memory_space<semaphore_mem>>)
    %add3A_46 = arith.constant 320000 : i32
    %add3A_47 = arith.addi %add3A_46, %mul3A_2 : i32
    %add3A_48 = arith.constant 80 : i32
    %add3A_49 = arith.addi %add3A_47, %add3A_48 : i32
    %dma_start3A_50 = arith.constant 1 : i32
    %dma_start3A_51 = arith.constant 1 : i32
    %dma_start3A_52 = arith.constant 0 : i32
    %dma_start3A_53 = tpu.memref_slice %arg6[%dma_start3A_50, %dma_start3A_52] : memref<5x80xi32, #tpu.memory_space<vmem>> -> memref<1x80xi32, #tpu.memory_space<vmem>>
    %dma_start3A_54 = tpu.memref_squeeze %dma_start3A_53 : memref<1x80xi32, #tpu.memory_space<vmem>> -> memref<80xi32, #tpu.memory_space<vmem>>
    %dma_start3A_55 = tpu.memref_slice %arg3[%add3A_49] : memref<640000xi32, #tpu.memory_space<hbm>> -> memref<80xi32, #tpu.memory_space<hbm>>
    %dma_start3A_56 = tpu.memref_slice %arg10[%dma_start3A_51] : memref<5x!tpu.dma_semaphore, #tpu.memory_space<semaphore_mem>> -> memref<1x!tpu.dma_semaphore, #tpu.memory_space<semaphore_mem>>
    %dma_start3A_57 = tpu.memref_squeeze %dma_start3A_56 : memref<1x!tpu.dma_semaphore, #tpu.memory_space<semaphore_mem>> -> memref<!tpu.dma_semaphore, #tpu.memory_space<semaphore_mem>>
    %dma_start3A_58 = arith.constant 0 : i32
    %dma_start3A_59 = tpu.memref_slice %arg6[%dma_start3A_50, %dma_start3A_58] : memref<5x80xi32, #tpu.memory_space<vmem>> -> memref<1x80xi32, #tpu.memory_space<vmem>>
    %dma_start3A_60 = tpu.memref_squeeze %dma_start3A_59 : memref<1x80xi32, #tpu.memory_space<vmem>> -> memref<80xi32, #tpu.memory_space<vmem>>
    %dma_start3A_61 = tpu.memref_slice %arg3[%add3A_49] : memref<640000xi32, #tpu.memory_space<hbm>> -> memref<80xi32, #tpu.memory_space<hbm>>
    tpu.enqueue_dma source(%dma_start3A_61 : memref<80xi32, #tpu.memory_space<hbm>>) target(%dma_start3A_60 : memref<80xi32, #tpu.memory_space<vmem>>) target_semaphore(%dma_start3A_57 : memref<!tpu.dma_semaphore, #tpu.memory_space<semaphore_mem>>)
    %add3A_62 = arith.constant 160 : i32
    %add3A_63 = arith.addi %mul3A_2, %add3A_62 : i32
    %dma_start3A_64 = arith.constant 2 : i32
    %dma_start3A_65 = arith.constant 2 : i32
    %dma_start3A_66 = arith.constant 0 : i32
    %dma_start3A_67 = tpu.memref_slice %arg5[%dma_start3A_64, %dma_start3A_66] : memref<5x80xi32, #tpu.memory_space<vmem>> -> memref<1x80xi32, #tpu.memory_space<vmem>>
    %dma_start3A_68 = tpu.memref_squeeze %dma_start3A_67 : memref<1x80xi32, #tpu.memory_space<vmem>> -> memref<80xi32, #tpu.memory_space<vmem>>
    %dma_start3A_69 = tpu.memref_slice %arg3[%add3A_63] : memref<640000xi32, #tpu.memory_space<hbm>> -> memref<80xi32, #tpu.memory_space<hbm>>
    %dma_start3A_70 = tpu.memref_slice %arg10[%dma_start3A_65] : memref<5x!tpu.dma_semaphore, #tpu.memory_space<semaphore_mem>> -> memref<1x!tpu.dma_semaphore, #tpu.memory_space<semaphore_mem>>
    %dma_start3A_71 = tpu.memref_squeeze %dma_start3A_70 : memref<1x!tpu.dma_semaphore, #tpu.memory_space<semaphore_mem>> -> memref<!tpu.dma_semaphore, #tpu.memory_space<semaphore_mem>>
    %dma_start3A_72 = arith.constant 0 : i32
    %dma_start3A_73 = tpu.memref_slice %arg5[%dma_start3A_64, %dma_start3A_72] : memref<5x80xi32, #tpu.memory_space<vmem>> -> memref<1x80xi32, #tpu.memory_space<vmem>>
    %dma_start3A_74 = tpu.memref_squeeze %dma_start3A_73 : memref<1x80xi32, #tpu.memory_space<vmem>> -> memref<80xi32, #tpu.memory_space<vmem>>
    %dma_start3A_75 = tpu.memref_slice %arg3[%add3A_63] : memref<640000xi32, #tpu.memory_space<hbm>> -> memref<80xi32, #tpu.memory_space<hbm>>
    tpu.enqueue_dma source(%dma_start3A_75 : memref<80xi32, #tpu.memory_space<hbm>>) target(%dma_start3A_74 : memref<80xi32, #tpu.memory_space<vmem>>) target_semaphore(%dma_start3A_71 : memref<!tpu.dma_semaphore, #tpu.memory_space<semaphore_mem>>)
    %add3A_76 = arith.constant 320000 : i32
    %add3A_77 = arith.addi %add3A_76, %mul3A_2 : i32
    %add3A_78 = arith.constant 160 : i32
    %add3A_79 = arith.addi %add3A_77, %add3A_78 : i32
    %dma_start3A_80 = arith.constant 2 : i32
    %dma_start3A_81 = arith.constant 2 : i32
    %dma_start3A_82 = arith.constant 0 : i32
    %dma_start3A_83 = tpu.memref_slice %arg6[%dma_start3A_80, %dma_start3A_82] : memref<5x80xi32, #tpu.memory_space<vmem>> -> memref<1x80xi32, #tpu.memory_space<vmem>>
    %dma_start3A_84 = tpu.memref_squeeze %dma_start3A_83 : memref<1x80xi32, #tpu.memory_space<vmem>> -> memref<80xi32, #tpu.memory_space<vmem>>
    %dma_start3A_85 = tpu.memref_slice %arg3[%add3A_79] : memref<640000xi32, #tpu.memory_space<hbm>> -> memref<80xi32, #tpu.memory_space<hbm>>
    %dma_start3A_86 = tpu.memref_slice %arg10[%dma_start3A_81] : memref<5x!tpu.dma_semaphore, #tpu.memory_space<semaphore_mem>> -> memref<1x!tpu.dma_semaphore, #tpu.memory_space<semaphore_mem>>
    %dma_start3A_87 = tpu.memref_squeeze %dma_start3A_86 : memref<1x!tpu.dma_semaphore, #tpu.memory_space<semaphore_mem>> -> memref<!tpu.dma_semaphore, #tpu.memory_space<semaphore_mem>>
    %dma_start3A_88 = arith.constant 0 : i32
    %dma_start3A_89 = tpu.memref_slice %arg6[%dma_start3A_80, %dma_start3A_88] : memref<5x80xi32, #tpu.memory_space<vmem>> -> memref<1x80xi32, #tpu.memory_space<vmem>>
    %dma_start3A_90 = tpu.memref_squeeze %dma_start3A_89 : memref<1x80xi32, #tpu.memory_space<vmem>> -> memref<80xi32, #tpu.memory_space<vmem>>
    %dma_start3A_91 = tpu.memref_slice %arg3[%add3A_79] : memref<640000xi32, #tpu.memory_space<hbm>> -> memref<80xi32, #tpu.memory_space<hbm>>
    tpu.enqueue_dma source(%dma_start3A_91 : memref<80xi32, #tpu.memory_space<hbm>>) target(%dma_start3A_90 : memref<80xi32, #tpu.memory_space<vmem>>) target_semaphore(%dma_start3A_87 : memref<!tpu.dma_semaphore, #tpu.memory_space<semaphore_mem>>)
    %broadcast_in_dim3A = arith.constant 0.000000e+00 : f32
    %broadcast_in_dim3A_92 = vector.broadcast %broadcast_in_dim3A : f32 to vector<16xf32>
    %scan3A = arith.constant 0 : i32
    %scan3A_93 = arith.constant 0 : i32
    %scan3A_94 = arith.constant 48 : i32
    %scan3A_95 = arith.addi %scan3A_93, %scan3A_94 : i32
    %scan3A_96 = arith.constant 1 : i32
    scf.for %scan3A_392 = %scan3A_93 to %scan3A_95 step %scan3A_96  : i32 {
      %swap3A = arith.index_cast %scan3A_392 : i32 to index
      %swap3A_393 = arith.constant 0 : index
      %swap3A_394 = tpu.vector_load %arg8[%swap3A, %swap3A_393] {strides = array<i32>} : memref<48x128xf32, #tpu.memory_space<vmem>>, vector<1x16xf32>,
      %swap3A_395 = vector.shape_cast %swap3A_394 : vector<1x16xf32> to vector<16xf32>
      %swap3A_396 = vector.shape_cast %broadcast_in_dim3A_92 : vector<16xf32> to vector<1x16xf32>
      tpu.vector_store %arg8[%swap3A, %swap3A_393], %swap3A_396 {strides = array<i32>} : memref<48x128xf32, #tpu.memory_space<vmem>>, vector<1x16xf32>,
      %swap3A_397 = arith.index_cast %scan3A_392 : i32 to index
      %swap3A_398 = arith.constant 16 : index
      %swap3A_399 = tpu.vector_load %arg8[%swap3A_397, %swap3A_398] {strides = array<i32>} : memref<48x128xf32, #tpu.memory_space<vmem>>, vector<1x16xf32>,
      %swap3A_400 = vector.shape_cast %swap3A_399 : vector<1x16xf32> to vector<16xf32>
      %swap3A_401 = vector.shape_cast %broadcast_in_dim3A_92 : vector<16xf32> to vector<1x16xf32>
      tpu.vector_store %arg8[%swap3A_397, %swap3A_398], %swap3A_401 {strides = array<i32>} : memref<48x128xf32, #tpu.memory_space<vmem>>, vector<1x16xf32>,
      %swap3A_402 = arith.index_cast %scan3A_392 : i32 to index
      %swap3A_403 = arith.constant 32 : index
      %swap3A_404 = tpu.vector_load %arg8[%swap3A_402, %swap3A_403] {strides = array<i32>} : memref<48x128xf32, #tpu.memory_space<vmem>>, vector<1x16xf32>,
      %swap3A_405 = vector.shape_cast %swap3A_404 : vector<1x16xf32> to vector<16xf32>
      %swap3A_406 = vector.shape_cast %broadcast_in_dim3A_92 : vector<16xf32> to vector<1x16xf32>
      tpu.vector_store %arg8[%swap3A_402, %swap3A_403], %swap3A_406 {strides = array<i32>} : memref<48x128xf32, #tpu.memory_space<vmem>>, vector<1x16xf32>,
      %swap3A_407 = arith.index_cast %scan3A_392 : i32 to index
      %swap3A_408 = arith.constant 48 : index
      %swap3A_409 = tpu.vector_load %arg8[%swap3A_407, %swap3A_408] {strides = array<i32>} : memref<48x128xf32, #tpu.memory_space<vmem>>, vector<1x16xf32>,
      %swap3A_410 = vector.shape_cast %swap3A_409 : vector<1x16xf32> to vector<16xf32>
      %swap3A_411 = vector.shape_cast %broadcast_in_dim3A_92 : vector<16xf32> to vector<1x16xf32>
      tpu.vector_store %arg8[%swap3A_407, %swap3A_408], %swap3A_411 {strides = array<i32>} : memref<48x128xf32, #tpu.memory_space<vmem>>, vector<1x16xf32>,
      %swap3A_412 = arith.index_cast %scan3A_392 : i32 to index
      %swap3A_413 = arith.constant 64 : index
      %swap3A_414 = tpu.vector_load %arg8[%swap3A_412, %swap3A_413] {strides = array<i32>} : memref<48x128xf32, #tpu.memory_space<vmem>>, vector<1x16xf32>,
      %swap3A_415 = vector.shape_cast %swap3A_414 : vector<1x16xf32> to vector<16xf32>
      %swap3A_416 = vector.shape_cast %broadcast_in_dim3A_92 : vector<16xf32> to vector<1x16xf32>
      tpu.vector_store %arg8[%swap3A_412, %swap3A_413], %swap3A_416 {strides = array<i32>} : memref<48x128xf32, #tpu.memory_space<vmem>>, vector<1x16xf32>,
      %swap3A_417 = arith.index_cast %scan3A_392 : i32 to index
      %swap3A_418 = arith.constant 80 : index
      %swap3A_419 = tpu.vector_load %arg8[%swap3A_417, %swap3A_418] {strides = array<i32>} : memref<48x128xf32, #tpu.memory_space<vmem>>, vector<1x16xf32>,
      %swap3A_420 = vector.shape_cast %swap3A_419 : vector<1x16xf32> to vector<16xf32>
      %swap3A_421 = vector.shape_cast %broadcast_in_dim3A_92 : vector<16xf32> to vector<1x16xf32>
      tpu.vector_store %arg8[%swap3A_417, %swap3A_418], %swap3A_421 {strides = array<i32>} : memref<48x128xf32, #tpu.memory_space<vmem>>, vector<1x16xf32>,
      %swap3A_422 = arith.index_cast %scan3A_392 : i32 to index
      %swap3A_423 = arith.constant 96 : index
      %swap3A_424 = tpu.vector_load %arg8[%swap3A_422, %swap3A_423] {strides = array<i32>} : memref<48x128xf32, #tpu.memory_space<vmem>>, vector<1x16xf32>,
      %swap3A_425 = vector.shape_cast %swap3A_424 : vector<1x16xf32> to vector<16xf32>
      %swap3A_426 = vector.shape_cast %broadcast_in_dim3A_92 : vector<16xf32> to vector<1x16xf32>
      tpu.vector_store %arg8[%swap3A_422, %swap3A_423], %swap3A_426 {strides = array<i32>} : memref<48x128xf32, #tpu.memory_space<vmem>>, vector<1x16xf32>,
      %swap3A_427 = arith.index_cast %scan3A_392 : i32 to index
      %swap3A_428 = arith.constant 112 : index
      %swap3A_429 = tpu.vector_load %arg8[%swap3A_427, %swap3A_428] {strides = array<i32>} : memref<48x128xf32, #tpu.memory_space<vmem>>, vector<1x16xf32>,
      %swap3A_430 = vector.shape_cast %swap3A_429 : vector<1x16xf32> to vector<16xf32>
      %swap3A_431 = vector.shape_cast %broadcast_in_dim3A_92 : vector<16xf32> to vector<1x16xf32>
      tpu.vector_store %arg8[%swap3A_427, %swap3A_428], %swap3A_431 {strides = array<i32>} : memref<48x128xf32, #tpu.memory_space<vmem>>, vector<1x16xf32>,
    }
    %scan3A_97 = arith.constant 48 : i32
    %mul3A_98 = arith.constant 624 : i32
    %mul3A_99 = arith.muli %arg1, %mul3A_98 : i32
    %add3A_100 = arith.constant 0 : i32
    %add3A_101 = arith.addi %mul3A_99, %add3A_100 : i32
    %dma_start3A_102 = arith.constant 0 : i32
    %dma_start3A_103 = arith.constant 0 : i32
    %dma_start3A_104 = tpu.memref_slice %arg9[%add3A_101, %dma_start3A_103] : memref<10000x128xf32, #tpu.memory_space<vmem_shared>> -> memref<48x128xf32, #tpu.memory_space<vmem_shared>>
    %dma_start3A_105 = tpu.memref_slice %arg12[%dma_start3A_102] : memref<3x!tpu.dma_semaphore, #tpu.memory_space<semaphore_mem>> -> memref<1x!tpu.dma_semaphore, #tpu.memory_space<semaphore_mem>>
    %dma_start3A_106 = tpu.memref_squeeze %dma_start3A_105 : memref<1x!tpu.dma_semaphore, #tpu.memory_space<semaphore_mem>> -> memref<!tpu.dma_semaphore, #tpu.memory_space<semaphore_mem>>
    %dma_start3A_107 = arith.constant 0 : i32
    %dma_start3A_108 = tpu.memref_slice %arg9[%add3A_101, %dma_start3A_107] : memref<10000x128xf32, #tpu.memory_space<vmem_shared>> -> memref<48x128xf32, #tpu.memory_space<vmem_shared>>
    tpu.enqueue_dma source(%arg8 : memref<48x128xf32, #tpu.memory_space<vmem>>) target(%dma_start3A_108 : memref<48x128xf32, #tpu.memory_space<vmem_shared>>) target_semaphore(%dma_start3A_106 : memref<!tpu.dma_semaphore, #tpu.memory_space<semaphore_mem>>)
    %mul3A_109 = arith.constant 624 : i32
    %mul3A_110 = arith.muli %arg1, %mul3A_109 : i32
    %add3A_111 = arith.constant 48 : i32
    %add3A_112 = arith.addi %mul3A_110, %add3A_111 : i32
    %dma_start3A_113 = arith.constant 0 : i32
    %dma_start3A_114 = arith.constant 0 : i32
    %dma_start3A_115 = tpu.memref_slice %arg9[%add3A_112, %dma_start3A_114] : memref<10000x128xf32, #tpu.memory_space<vmem_shared>> -> memref<48x128xf32, #tpu.memory_space<vmem_shared>>
    %dma_start3A_116 = tpu.memref_slice %arg12[%dma_start3A_113] : memref<3x!tpu.dma_semaphore, #tpu.memory_space<semaphore_mem>> -> memref<1x!tpu.dma_semaphore, #tpu.memory_space<semaphore_mem>>
    %dma_start3A_117 = tpu.memref_squeeze %dma_start3A_116 : memref<1x!tpu.dma_semaphore, #tpu.memory_space<semaphore_mem>> -> memref<!tpu.dma_semaphore, #tpu.memory_space<semaphore_mem>>
    %dma_start3A_118 = arith.constant 0 : i32
    %dma_start3A_119 = tpu.memref_slice %arg9[%add3A_112, %dma_start3A_118] : memref<10000x128xf32, #tpu.memory_space<vmem_shared>> -> memref<48x128xf32, #tpu.memory_space<vmem_shared>>
    tpu.enqueue_dma source(%arg8 : memref<48x128xf32, #tpu.memory_space<vmem>>) target(%dma_start3A_119 : memref<48x128xf32, #tpu.memory_space<vmem_shared>>) target_semaphore(%dma_start3A_117 : memref<!tpu.dma_semaphore, #tpu.memory_space<semaphore_mem>>)
    %mul3A_120 = arith.constant 624 : i32
    %mul3A_121 = arith.muli %arg1, %mul3A_120 : i32
    %add3A_122 = arith.constant 96 : i32
    %add3A_123 = arith.addi %mul3A_121, %add3A_122 : i32
    %dma_start3A_124 = arith.constant 0 : i32
    %dma_start3A_125 = arith.constant 0 : i32
    %dma_start3A_126 = tpu.memref_slice %arg9[%add3A_123, %dma_start3A_125] : memref<10000x128xf32, #tpu.memory_space<vmem_shared>> -> memref<48x128xf32, #tpu.memory_space<vmem_shared>>
    %dma_start3A_127 = tpu.memref_slice %arg12[%dma_start3A_124] : memref<3x!tpu.dma_semaphore, #tpu.memory_space<semaphore_mem>> -> memref<1x!tpu.dma_semaphore, #tpu.memory_space<semaphore_mem>>
    %dma_start3A_128 = tpu.memref_squeeze %dma_start3A_127 : memref<1x!tpu.dma_semaphore, #tpu.memory_space<semaphore_mem>> -> memref<!tpu.dma_semaphore, #tpu.memory_space<semaphore_mem>>
    %dma_start3A_129 = arith.constant 0 : i32
    %dma_start3A_130 = tpu.memref_slice %arg9[%add3A_123, %dma_start3A_129] : memref<10000x128xf32, #tpu.memory_space<vmem_shared>> -> memref<48x128xf32, #tpu.memory_space<vmem_shared>>
    tpu.enqueue_dma source(%arg8 : memref<48x128xf32, #tpu.memory_space<vmem>>) target(%dma_start3A_130 : memref<48x128xf32, #tpu.memory_space<vmem_shared>>) target_semaphore(%dma_start3A_128 : memref<!tpu.dma_semaphore, #tpu.memory_space<semaphore_mem>>)
    %mul3A_131 = arith.constant 624 : i32
    %mul3A_132 = arith.muli %arg1, %mul3A_131 : i32
    %add3A_133 = arith.constant 144 : i32
    %add3A_134 = arith.addi %mul3A_132, %add3A_133 : i32
    %dma_start3A_135 = arith.constant 0 : i32
    %dma_start3A_136 = arith.constant 0 : i32
    %dma_start3A_137 = tpu.memref_slice %arg9[%add3A_134, %dma_start3A_136] : memref<10000x128xf32, #tpu.memory_space<vmem_shared>> -> memref<48x128xf32, #tpu.memory_space<vmem_shared>>
    %dma_start3A_138 = tpu.memref_slice %arg12[%dma_start3A_135] : memref<3x!tpu.dma_semaphore, #tpu.memory_space<semaphore_mem>> -> memref<1x!tpu.dma_semaphore, #tpu.memory_space<semaphore_mem>>
    %dma_start3A_139 = tpu.memref_squeeze %dma_start3A_138 : memref<1x!tpu.dma_semaphore, #tpu.memory_space<semaphore_mem>> -> memref<!tpu.dma_semaphore, #tpu.memory_space<semaphore_mem>>
    %dma_start3A_140 = arith.constant 0 : i32
    %dma_start3A_141 = tpu.memref_slice %arg9[%add3A_134, %dma_start3A_140] : memref<10000x128xf32, #tpu.memory_space<vmem_shared>> -> memref<48x128xf32, #tpu.memory_space<vmem_shared>>
    tpu.enqueue_dma source(%arg8 : memref<48x128xf32, #tpu.memory_space<vmem>>) target(%dma_start3A_141 : memref<48x128xf32, #tpu.memory_space<vmem_shared>>) target_semaphore(%dma_start3A_139 : memref<!tpu.dma_semaphore, #tpu.memory_space<semaphore_mem>>)
    %mul3A_142 = arith.constant 624 : i32
    %mul3A_143 = arith.muli %arg1, %mul3A_142 : i32
    %add3A_144 = arith.constant 192 : i32
    %add3A_145 = arith.addi %mul3A_143, %add3A_144 : i32
    %dma_start3A_146 = arith.constant 0 : i32
    %dma_start3A_147 = arith.constant 0 : i32
    %dma_start3A_148 = tpu.memref_slice %arg9[%add3A_145, %dma_start3A_147] : memref<10000x128xf32, #tpu.memory_space<vmem_shared>> -> memref<48x128xf32, #tpu.memory_space<vmem_shared>>
    %dma_start3A_149 = tpu.memref_slice %arg12[%dma_start3A_146] : memref<3x!tpu.dma_semaphore, #tpu.memory_space<semaphore_mem>> -> memref<1x!tpu.dma_semaphore, #tpu.memory_space<semaphore_mem>>
    %dma_start3A_150 = tpu.memref_squeeze %dma_start3A_149 : memref<1x!tpu.dma_semaphore, #tpu.memory_space<semaphore_mem>> -> memref<!tpu.dma_semaphore, #tpu.memory_space<semaphore_mem>>
    %dma_start3A_151 = arith.constant 0 : i32
    %dma_start3A_152 = tpu.memref_slice %arg9[%add3A_145, %dma_start3A_151] : memref<10000x128xf32, #tpu.memory_space<vmem_shared>> -> memref<48x128xf32, #tpu.memory_space<vmem_shared>>
    tpu.enqueue_dma source(%arg8 : memref<48x128xf32, #tpu.memory_space<vmem>>) target(%dma_start3A_152 : memref<48x128xf32, #tpu.memory_space<vmem_shared>>) target_semaphore(%dma_start3A_150 : memref<!tpu.dma_semaphore, #tpu.memory_space<semaphore_mem>>)
    %mul3A_153 = arith.constant 624 : i32
    %mul3A_154 = arith.muli %arg1, %mul3A_153 : i32
    %add3A_155 = arith.constant 240 : i32
    %add3A_156 = arith.addi %mul3A_154, %add3A_155 : i32
    %dma_start3A_157 = arith.constant 0 : i32
    %dma_start3A_158 = arith.constant 0 : i32
    %dma_start3A_159 = tpu.memref_slice %arg9[%add3A_156, %dma_start3A_158] : memref<10000x128xf32, #tpu.memory_space<vmem_shared>> -> memref<48x128xf32, #tpu.memory_space<vmem_shared>>
    %dma_start3A_160 = tpu.memref_slice %arg12[%dma_start3A_157] : memref<3x!tpu.dma_semaphore, #tpu.memory_space<semaphore_mem>> -> memref<1x!tpu.dma_semaphore, #tpu.memory_space<semaphore_mem>>
    %dma_start3A_161 = tpu.memref_squeeze %dma_start3A_160 : memref<1x!tpu.dma_semaphore, #tpu.memory_space<semaphore_mem>> -> memref<!tpu.dma_semaphore, #tpu.memory_space<semaphore_mem>>
    %dma_start3A_162 = arith.constant 0 : i32
    %dma_start3A_163 = tpu.memref_slice %arg9[%add3A_156, %dma_start3A_162] : memref<10000x128xf32, #tpu.memory_space<vmem_shared>> -> memref<48x128xf32, #tpu.memory_space<vmem_shared>>
    tpu.enqueue_dma source(%arg8 : memref<48x128xf32, #tpu.memory_space<vmem>>) target(%dma_start3A_163 : memref<48x128xf32, #tpu.memory_space<vmem_shared>>) target_semaphore(%dma_start3A_161 : memref<!tpu.dma_semaphore, #tpu.memory_space<semaphore_mem>>)
    %mul3A_164 = arith.constant 624 : i32
    %mul3A_165 = arith.muli %arg1, %mul3A_164 : i32
    %add3A_166 = arith.constant 288 : i32
    %add3A_167 = arith.addi %mul3A_165, %add3A_166 : i32
    %dma_start3A_168 = arith.constant 0 : i32
    %dma_start3A_169 = arith.constant 0 : i32
    %dma_start3A_170 = tpu.memref_slice %arg9[%add3A_167, %dma_start3A_169] : memref<10000x128xf32, #tpu.memory_space<vmem_shared>> -> memref<48x128xf32, #tpu.memory_space<vmem_shared>>
    %dma_start3A_171 = tpu.memref_slice %arg12[%dma_start3A_168] : memref<3x!tpu.dma_semaphore, #tpu.memory_space<semaphore_mem>> -> memref<1x!tpu.dma_semaphore, #tpu.memory_space<semaphore_mem>>
    %dma_start3A_172 = tpu.memref_squeeze %dma_start3A_171 : memref<1x!tpu.dma_semaphore, #tpu.memory_space<semaphore_mem>> -> memref<!tpu.dma_semaphore, #tpu.memory_space<semaphore_mem>>
    %dma_start3A_173 = arith.constant 0 : i32
    %dma_start3A_174 = tpu.memref_slice %arg9[%add3A_167, %dma_start3A_173] : memref<10000x128xf32, #tpu.memory_space<vmem_shared>> -> memref<48x128xf32, #tpu.memory_space<vmem_shared>>
    tpu.enqueue_dma source(%arg8 : memref<48x128xf32, #tpu.memory_space<vmem>>) target(%dma_start3A_174 : memref<48x128xf32, #tpu.memory_space<vmem_shared>>) target_semaphore(%dma_start3A_172 : memref<!tpu.dma_semaphore, #tpu.memory_space<semaphore_mem>>)
    %mul3A_175 = arith.constant 624 : i32
    %mul3A_176 = arith.muli %arg1, %mul3A_175 : i32
    %add3A_177 = arith.constant 336 : i32
    %add3A_178 = arith.addi %mul3A_176, %add3A_177 : i32
    %dma_start3A_179 = arith.constant 0 : i32
    %dma_start3A_180 = arith.constant 0 : i32
    %dma_start3A_181 = tpu.memref_slice %arg9[%add3A_178, %dma_start3A_180] : memref<10000x128xf32, #tpu.memory_space<vmem_shared>> -> memref<48x128xf32, #tpu.memory_space<vmem_shared>>
    %dma_start3A_182 = tpu.memref_slice %arg12[%dma_start3A_179] : memref<3x!tpu.dma_semaphore, #tpu.memory_space<semaphore_mem>> -> memref<1x!tpu.dma_semaphore, #tpu.memory_space<semaphore_mem>>
    %dma_start3A_183 = tpu.memref_squeeze %dma_start3A_182 : memref<1x!tpu.dma_semaphore, #tpu.memory_space<semaphore_mem>> -> memref<!tpu.dma_semaphore, #tpu.memory_space<semaphore_mem>>
    %dma_start3A_184 = arith.constant 0 : i32
    %dma_start3A_185 = tpu.memref_slice %arg9[%add3A_178, %dma_start3A_184] : memref<10000x128xf32, #tpu.memory_space<vmem_shared>> -> memref<48x128xf32, #tpu.memory_space<vmem_shared>>
    tpu.enqueue_dma source(%arg8 : memref<48x128xf32, #tpu.memory_space<vmem>>) target(%dma_start3A_185 : memref<48x128xf32, #tpu.memory_space<vmem_shared>>) target_semaphore(%dma_start3A_183 : memref<!tpu.dma_semaphore, #tpu.memory_space<semaphore_mem>>)
    %mul3A_186 = arith.constant 624 : i32
    %mul3A_187 = arith.muli %arg1, %mul3A_186 : i32
    %add3A_188 = arith.constant 384 : i32
    %add3A_189 = arith.addi %mul3A_187, %add3A_188 : i32
    %dma_start3A_190 = arith.constant 0 : i32
    %dma_start3A_191 = arith.constant 0 : i32
    %dma_start3A_192 = tpu.memref_slice %arg9[%add3A_189, %dma_start3A_191] : memref<10000x128xf32, #tpu.memory_space<vmem_shared>> -> memref<48x128xf32, #tpu.memory_space<vmem_shared>>
    %dma_start3A_193 = tpu.memref_slice %arg12[%dma_start3A_190] : memref<3x!tpu.dma_semaphore, #tpu.memory_space<semaphore_mem>> -> memref<1x!tpu.dma_semaphore, #tpu.memory_space<semaphore_mem>>
    %dma_start3A_194 = tpu.memref_squeeze %dma_start3A_193 : memref<1x!tpu.dma_semaphore, #tpu.memory_space<semaphore_mem>> -> memref<!tpu.dma_semaphore, #tpu.memory_space<semaphore_mem>>
    %dma_start3A_195 = arith.constant 0 : i32
    %dma_start3A_196 = tpu.memref_slice %arg9[%add3A_189, %dma_start3A_195] : memref<10000x128xf32, #tpu.memory_space<vmem_shared>> -> memref<48x128xf32, #tpu.memory_space<vmem_shared>>
    tpu.enqueue_dma source(%arg8 : memref<48x128xf32, #tpu.memory_space<vmem>>) target(%dma_start3A_196 : memref<48x128xf32, #tpu.memory_space<vmem_shared>>) target_semaphore(%dma_start3A_194 : memref<!tpu.dma_semaphore, #tpu.memory_space<semaphore_mem>>)
    %mul3A_197 = arith.constant 624 : i32
    %mul3A_198 = arith.muli %arg1, %mul3A_197 : i32
    %add3A_199 = arith.constant 432 : i32
    %add3A_200 = arith.addi %mul3A_198, %add3A_199 : i32
    %dma_start3A_201 = arith.constant 0 : i32
    %dma_start3A_202 = arith.constant 0 : i32
    %dma_start3A_203 = tpu.memref_slice %arg9[%add3A_200, %dma_start3A_202] : memref<10000x128xf32, #tpu.memory_space<vmem_shared>> -> memref<48x128xf32, #tpu.memory_space<vmem_shared>>
    %dma_start3A_204 = tpu.memref_slice %arg12[%dma_start3A_201] : memref<3x!tpu.dma_semaphore, #tpu.memory_space<semaphore_mem>> -> memref<1x!tpu.dma_semaphore, #tpu.memory_space<semaphore_mem>>
    %dma_start3A_205 = tpu.memref_squeeze %dma_start3A_204 : memref<1x!tpu.dma_semaphore, #tpu.memory_space<semaphore_mem>> -> memref<!tpu.dma_semaphore, #tpu.memory_space<semaphore_mem>>
    %dma_start3A_206 = arith.constant 0 : i32
    %dma_start3A_207 = tpu.memref_slice %arg9[%add3A_200, %dma_start3A_206] : memref<10000x128xf32, #tpu.memory_space<vmem_shared>> -> memref<48x128xf32, #tpu.memory_space<vmem_shared>>
    tpu.enqueue_dma source(%arg8 : memref<48x128xf32, #tpu.memory_space<vmem>>) target(%dma_start3A_207 : memref<48x128xf32, #tpu.memory_space<vmem_shared>>) target_semaphore(%dma_start3A_205 : memref<!tpu.dma_semaphore, #tpu.memory_space<semaphore_mem>>)
    %mul3A_208 = arith.constant 624 : i32
    %mul3A_209 = arith.muli %arg1, %mul3A_208 : i32
    %add3A_210 = arith.constant 480 : i32
    %add3A_211 = arith.addi %mul3A_209, %add3A_210 : i32
    %dma_start3A_212 = arith.constant 0 : i32
    %dma_start3A_213 = arith.constant 0 : i32
    %dma_start3A_214 = tpu.memref_slice %arg9[%add3A_211, %dma_start3A_213] : memref<10000x128xf32, #tpu.memory_space<vmem_shared>> -> memref<48x128xf32, #tpu.memory_space<vmem_shared>>
    %dma_start3A_215 = tpu.memref_slice %arg12[%dma_start3A_212] : memref<3x!tpu.dma_semaphore, #tpu.memory_space<semaphore_mem>> -> memref<1x!tpu.dma_semaphore, #tpu.memory_space<semaphore_mem>>
    %dma_start3A_216 = tpu.memref_squeeze %dma_start3A_215 : memref<1x!tpu.dma_semaphore, #tpu.memory_space<semaphore_mem>> -> memref<!tpu.dma_semaphore, #tpu.memory_space<semaphore_mem>>
    %dma_start3A_217 = arith.constant 0 : i32
    %dma_start3A_218 = tpu.memref_slice %arg9[%add3A_211, %dma_start3A_217] : memref<10000x128xf32, #tpu.memory_space<vmem_shared>> -> memref<48x128xf32, #tpu.memory_space<vmem_shared>>
    tpu.enqueue_dma source(%arg8 : memref<48x128xf32, #tpu.memory_space<vmem>>) target(%dma_start3A_218 : memref<48x128xf32, #tpu.memory_space<vmem_shared>>) target_semaphore(%dma_start3A_216 : memref<!tpu.dma_semaphore, #tpu.memory_space<semaphore_mem>>)
    %mul3A_219 = arith.constant 624 : i32
    %mul3A_220 = arith.muli %arg1, %mul3A_219 : i32
    %add3A_221 = arith.constant 528 : i32
    %add3A_222 = arith.addi %mul3A_220, %add3A_221 : i32
    %dma_start3A_223 = arith.constant 0 : i32
    %dma_start3A_224 = arith.constant 0 : i32
    %dma_start3A_225 = tpu.memref_slice %arg9[%add3A_222, %dma_start3A_224] : memref<10000x128xf32, #tpu.memory_space<vmem_shared>> -> memref<48x128xf32, #tpu.memory_space<vmem_shared>>
    %dma_start3A_226 = tpu.memref_slice %arg12[%dma_start3A_223] : memref<3x!tpu.dma_semaphore, #tpu.memory_space<semaphore_mem>> -> memref<1x!tpu.dma_semaphore, #tpu.memory_space<semaphore_mem>>
    %dma_start3A_227 = tpu.memref_squeeze %dma_start3A_226 : memref<1x!tpu.dma_semaphore, #tpu.memory_space<semaphore_mem>> -> memref<!tpu.dma_semaphore, #tpu.memory_space<semaphore_mem>>
    %dma_start3A_228 = arith.constant 0 : i32
    %dma_start3A_229 = tpu.memref_slice %arg9[%add3A_222, %dma_start3A_228] : memref<10000x128xf32, #tpu.memory_space<vmem_shared>> -> memref<48x128xf32, #tpu.memory_space<vmem_shared>>
    tpu.enqueue_dma source(%arg8 : memref<48x128xf32, #tpu.memory_space<vmem>>) target(%dma_start3A_229 : memref<48x128xf32, #tpu.memory_space<vmem_shared>>) target_semaphore(%dma_start3A_227 : memref<!tpu.dma_semaphore, #tpu.memory_space<semaphore_mem>>)
    %mul3A_230 = arith.constant 624 : i32
    %mul3A_231 = arith.muli %arg1, %mul3A_230 : i32
    %add3A_232 = arith.constant 576 : i32
    %add3A_233 = arith.addi %mul3A_231, %add3A_232 : i32
    %dma_start3A_234 = arith.constant 0 : i32
    %dma_start3A_235 = arith.constant 0 : i32
    %dma_start3A_236 = tpu.memref_slice %arg9[%add3A_233, %dma_start3A_235] : memref<10000x128xf32, #tpu.memory_space<vmem_shared>> -> memref<48x128xf32, #tpu.memory_space<vmem_shared>>
    %dma_start3A_237 = tpu.memref_slice %arg12[%dma_start3A_234] : memref<3x!tpu.dma_semaphore, #tpu.memory_space<semaphore_mem>> -> memref<1x!tpu.dma_semaphore, #tpu.memory_space<semaphore_mem>>
    %dma_start3A_238 = tpu.memref_squeeze %dma_start3A_237 : memref<1x!tpu.dma_semaphore, #tpu.memory_space<semaphore_mem>> -> memref<!tpu.dma_semaphore, #tpu.memory_space<semaphore_mem>>
    %dma_start3A_239 = arith.constant 0 : i32
    %dma_start3A_240 = tpu.memref_slice %arg9[%add3A_233, %dma_start3A_239] : memref<10000x128xf32, #tpu.memory_space<vmem_shared>> -> memref<48x128xf32, #tpu.memory_space<vmem_shared>>
    tpu.enqueue_dma source(%arg8 : memref<48x128xf32, #tpu.memory_space<vmem>>) target(%dma_start3A_240 : memref<48x128xf32, #tpu.memory_space<vmem_shared>>) target_semaphore(%dma_start3A_238 : memref<!tpu.dma_semaphore, #tpu.memory_space<semaphore_mem>>)
    %eq3A = arith.constant 15 : i32
    %eq3A_241 = arith.cmpi eq, %arg1, %eq3A : i32
    %convert_element_type3A = arith.extui %eq3A_241 : i1 to i32
    %cond3A = arith.constant 0 : i32
    %cond3A_242 = arith.cmpi ne, %convert_element_type3A, %cond3A : i32
    scf.if %cond3A_242 {
      %dma_start3A_392 = arith.constant 0 : i32
      %dma_start3A_393 = arith.constant 0 : i32
      %dma_start3A_394 = arith.constant 0 : i32
      %dma_start3A_395 = tpu.memref_slice %arg8[%dma_start3A_393, %dma_start3A_394] : memref<48x128xf32, #tpu.memory_space<vmem>> -> memref<16x128xf32, #tpu.memory_space<vmem>>
      %dma_start3A_396 = arith.constant 9984 : i32
      %dma_start3A_397 = arith.constant 0 : i32
      %dma_start3A_398 = tpu.memref_slice %arg9[%dma_start3A_396, %dma_start3A_397] : memref<10000x128xf32, #tpu.memory_space<vmem_shared>> -> memref<16x128xf32, #tpu.memory_space<vmem_shared>>
      %dma_start3A_399 = tpu.memref_slice %arg12[%dma_start3A_392] : memref<3x!tpu.dma_semaphore, #tpu.memory_space<semaphore_mem>> -> memref<1x!tpu.dma_semaphore, #tpu.memory_space<semaphore_mem>>
      %dma_start3A_400 = tpu.memref_squeeze %dma_start3A_399 : memref<1x!tpu.dma_semaphore, #tpu.memory_space<semaphore_mem>> -> memref<!tpu.dma_semaphore, #tpu.memory_space<semaphore_mem>>
      %dma_start3A_401 = arith.constant 9984 : i32
      %dma_start3A_402 = arith.constant 0 : i32
      %dma_start3A_403 = tpu.memref_slice %arg9[%dma_start3A_401, %dma_start3A_402] : memref<10000x128xf32, #tpu.memory_space<vmem_shared>> -> memref<16x128xf32, #tpu.memory_space<vmem_shared>>
      %dma_start3A_404 = arith.constant 0 : i32
      %dma_start3A_405 = arith.constant 0 : i32
      %dma_start3A_406 = tpu.memref_slice %arg8[%dma_start3A_404, %dma_start3A_405] : memref<48x128xf32, #tpu.memory_space<vmem>> -> memref<16x128xf32, #tpu.memory_space<vmem>>
      tpu.enqueue_dma source(%dma_start3A_406 : memref<16x128xf32, #tpu.memory_space<vmem>>) target(%dma_start3A_403 : memref<16x128xf32, #tpu.memory_space<vmem_shared>>) target_semaphore(%dma_start3A_400 : memref<!tpu.dma_semaphore, #tpu.memory_space<semaphore_mem>>)
      %dma_wait3A_407 = arith.constant 0 : i32
      %dma_wait3A_408 = arith.constant 0 : i32
      %dma_wait3A_409 = arith.constant 0 : i32
      %dma_wait3A_410 = tpu.memref_slice %arg8[%dma_wait3A_408, %dma_wait3A_409] : memref<48x128xf32, #tpu.memory_space<vmem>> -> memref<16x128xf32, #tpu.memory_space<vmem>>
      %dma_wait3A_411 = arith.constant 9984 : i32
      %dma_wait3A_412 = arith.constant 0 : i32
      %dma_wait3A_413 = tpu.memref_slice %arg9[%dma_wait3A_411, %dma_wait3A_412] : memref<10000x128xf32, #tpu.memory_space<vmem_shared>> -> memref<16x128xf32, #tpu.memory_space<vmem_shared>>
      %dma_wait3A_414 = tpu.memref_slice %arg12[%dma_wait3A_407] : memref<3x!tpu.dma_semaphore, #tpu.memory_space<semaphore_mem>> -> memref<1x!tpu.dma_semaphore, #tpu.memory_space<semaphore_mem>>
      %dma_wait3A_415 = tpu.memref_squeeze %dma_wait3A_414 : memref<1x!tpu.dma_semaphore, #tpu.memory_space<semaphore_mem>> -> memref<!tpu.dma_semaphore, #tpu.memory_space<semaphore_mem>>
      %dma_wait3A_416 = arith.constant 9984 : i32
      %dma_wait3A_417 = arith.constant 0 : i32
      %dma_wait3A_418 = tpu.memref_slice %arg9[%dma_wait3A_416, %dma_wait3A_417] : memref<10000x128xf32, #tpu.memory_space<vmem_shared>> -> memref<16x128xf32, #tpu.memory_space<vmem_shared>>
      %dma_wait3A_419 = arith.constant 0 : i32
      %dma_wait3A_420 = arith.constant 0 : i32
      %dma_wait3A_421 = tpu.memref_slice %arg8[%dma_wait3A_419, %dma_wait3A_420] : memref<48x128xf32, #tpu.memory_space<vmem>> -> memref<16x128xf32, #tpu.memory_space<vmem>>
      tpu.wait_dma2 semaphore(%dma_wait3A_415 : memref<!tpu.dma_semaphore, #tpu.memory_space<semaphore_mem>>) src(%dma_wait3A_421 : memref<16x128xf32, #tpu.memory_space<vmem>>) dst(%dma_wait3A_418 : memref<16x128xf32, #tpu.memory_space<vmem_shared>>)
    } else {
    }
    %dma_wait3A = arith.constant 0 : i32
    %dma_wait3A_243 = arith.constant 0 : i32
    %dma_wait3A_244 = arith.constant 0 : i32
    %dma_wait3A_245 = tpu.memref_slice %arg5[%dma_wait3A, %dma_wait3A_244] : memref<5x80xi32, #tpu.memory_space<vmem>> -> memref<1x80xi32, #tpu.memory_space<vmem>>
    %dma_wait3A_246 = tpu.memref_squeeze %dma_wait3A_245 : memref<1x80xi32, #tpu.memory_space<vmem>> -> memref<80xi32, #tpu.memory_space<vmem>>
    %dma_wait3A_247 = arith.constant 0 : i32
    %dma_wait3A_248 = tpu.memref_slice %arg3[%dma_wait3A_247] : memref<640000xi32, #tpu.memory_space<hbm>> -> memref<80xi32, #tpu.memory_space<hbm>>
    %dma_wait3A_249 = tpu.memref_slice %arg10[%dma_wait3A_243] : memref<5x!tpu.dma_semaphore, #tpu.memory_space<semaphore_mem>> -> memref<1x!tpu.dma_semaphore, #tpu.memory_space<semaphore_mem>>
    %dma_wait3A_250 = tpu.memref_squeeze %dma_wait3A_249 : memref<1x!tpu.dma_semaphore, #tpu.memory_space<semaphore_mem>> -> memref<!tpu.dma_semaphore, #tpu.memory_space<semaphore_mem>>
    %dma_wait3A_251 = arith.constant 0 : i32
    %dma_wait3A_252 = tpu.memref_slice %arg5[%dma_wait3A, %dma_wait3A_251] : memref<5x80xi32, #tpu.memory_space<vmem>> -> memref<1x80xi32, #tpu.memory_space<vmem>>
    %dma_wait3A_253 = tpu.memref_squeeze %dma_wait3A_252 : memref<1x80xi32, #tpu.memory_space<vmem>> -> memref<80xi32, #tpu.memory_space<vmem>>
    %dma_wait3A_254 = arith.constant 0 : i32
    %dma_wait3A_255 = tpu.memref_slice %arg3[%dma_wait3A_254] : memref<640000xi32, #tpu.memory_space<hbm>> -> memref<80xi32, #tpu.memory_space<hbm>>
    tpu.wait_dma2 semaphore(%dma_wait3A_250 : memref<!tpu.dma_semaphore, #tpu.memory_space<semaphore_mem>>) src(%dma_wait3A_255 : memref<80xi32, #tpu.memory_space<hbm>>) dst(%dma_wait3A_253 : memref<80xi32, #tpu.memory_space<vmem>>)
    %dma_wait3A_256 = arith.constant 0 : i32
    %dma_wait3A_257 = arith.constant 0 : i32
    %dma_wait3A_258 = arith.constant 0 : i32
    %dma_wait3A_259 = tpu.memref_slice %arg6[%dma_wait3A_256, %dma_wait3A_258] : memref<5x80xi32, #tpu.memory_space<vmem>> -> memref<1x80xi32, #tpu.memory_space<vmem>>
    %dma_wait3A_260 = tpu.memref_squeeze %dma_wait3A_259 : memref<1x80xi32, #tpu.memory_space<vmem>> -> memref<80xi32, #tpu.memory_space<vmem>>
    %dma_wait3A_261 = arith.constant 0 : i32
    %dma_wait3A_262 = tpu.memref_slice %arg3[%dma_wait3A_261] : memref<640000xi32, #tpu.memory_space<hbm>> -> memref<80xi32, #tpu.memory_space<hbm>>
    %dma_wait3A_263 = tpu.memref_slice %arg10[%dma_wait3A_257] : memref<5x!tpu.dma_semaphore, #tpu.memory_space<semaphore_mem>> -> memref<1x!tpu.dma_semaphore, #tpu.memory_space<semaphore_mem>>
    %dma_wait3A_264 = tpu.memref_squeeze %dma_wait3A_263 : memref<1x!tpu.dma_semaphore, #tpu.memory_space<semaphore_mem>> -> memref<!tpu.dma_semaphore, #tpu.memory_space<semaphore_mem>>
    %dma_wait3A_265 = arith.constant 0 : i32
    %dma_wait3A_266 = tpu.memref_slice %arg6[%dma_wait3A_256, %dma_wait3A_265] : memref<5x80xi32, #tpu.memory_space<vmem>> -> memref<1x80xi32, #tpu.memory_space<vmem>>
    %dma_wait3A_267 = tpu.memref_squeeze %dma_wait3A_266 : memref<1x80xi32, #tpu.memory_space<vmem>> -> memref<80xi32, #tpu.memory_space<vmem>>
    %dma_wait3A_268 = arith.constant 0 : i32
    %dma_wait3A_269 = tpu.memref_slice %arg3[%dma_wait3A_268] : memref<640000xi32, #tpu.memory_space<hbm>> -> memref<80xi32, #tpu.memory_space<hbm>>
    tpu.wait_dma2 semaphore(%dma_wait3A_264 : memref<!tpu.dma_semaphore, #tpu.memory_space<semaphore_mem>>) src(%dma_wait3A_269 : memref<80xi32, #tpu.memory_space<hbm>>) dst(%dma_wait3A_267 : memref<80xi32, #tpu.memory_space<vmem>>)
    %dma_start3A_270 = arith.constant 0 : i32
    %dma_start3A_271 = arith.constant 0 : i32
    %dma_start3A_272 = arith.constant 0 : i32
    %dma_start3A_273 = arith.constant 0 : i32
    %dma_start3A_274 = arith.constant 0 : i32
    %dma_start3A_275 = tpu.memref_slice %arg7[%dma_start3A_271, %dma_start3A_273, %dma_start3A_274] : memref<3x80x128xf32, #tpu.memory_space<vmem>> -> memref<1x80x128xf32, #tpu.memory_space<vmem>>
    %dma_start3A_276 = tpu.memref_squeeze %dma_start3A_275 : memref<1x80x128xf32, #tpu.memory_space<vmem>> -> memref<80x128xf32, #tpu.memory_space<vmem>>
    %dma_start3A_277 = arith.constant 0 : i32
    %dma_start3A_278 = tpu.memref_slice %arg5[%dma_start3A_270, %dma_start3A_277] : memref<5x80xi32, #tpu.memory_space<vmem>> -> memref<1x80xi32, #tpu.memory_space<vmem>>
    %dma_start3A_279 = tpu.memref_squeeze %dma_start3A_278 : memref<1x80xi32, #tpu.memory_space<vmem>> -> memref<80xi32, #tpu.memory_space<vmem>>
    %dma_start3A_280 = arith.constant 0 : i32
    %dma_start3A_281 = arith.constant 0 : i32
    %dma_start3A_282 = tpu.memref_slice %arg2[%dma_start3A_280, %dma_start3A_281] : memref<10000x128xf32, #tpu.memory_space<hbm>> -> memref<10000x128xf32, #tpu.memory_space<hbm>>
    %dma_start3A_283 = tpu.memref_slice %arg11[%dma_start3A_272] : memref<3x!tpu.dma_semaphore, #tpu.memory_space<semaphore_mem>> -> memref<1x!tpu.dma_semaphore, #tpu.memory_space<semaphore_mem>>
    %dma_start3A_284 = tpu.memref_squeeze %dma_start3A_283 : memref<1x!tpu.dma_semaphore, #tpu.memory_space<semaphore_mem>> -> memref<!tpu.dma_semaphore, #tpu.memory_space<semaphore_mem>>
    tpu.enqueue_indirect_dma source(%dma_start3A_282 : memref<10000x128xf32, #tpu.memory_space<hbm>>) target(%dma_start3A_276 : memref<80x128xf32, #tpu.memory_space<vmem>>) offsets(%dma_start3A_279 : memref<80xi32, #tpu.memory_space<vmem>>) semaphore(%dma_start3A_284 : memref<!tpu.dma_semaphore, #tpu.memory_space<semaphore_mem>>)
    %dma_wait3A_285 = arith.constant 0 : i32
    %dma_wait3A_286 = arith.constant 0 : i32
    %dma_wait3A_287 = tpu.memref_slice %arg9[%add3A_101, %dma_wait3A_286] : memref<10000x128xf32, #tpu.memory_space<vmem_shared>> -> memref<48x128xf32, #tpu.memory_space<vmem_shared>>
    %dma_wait3A_288 = tpu.memref_slice %arg12[%dma_wait3A_285] : memref<3x!tpu.dma_semaphore, #tpu.memory_space<semaphore_mem>> -> memref<1x!tpu.dma_semaphore, #tpu.memory_space<semaphore_mem>>
    %dma_wait3A_289 = tpu.memref_squeeze %dma_wait3A_288 : memref<1x!tpu.dma_semaphore, #tpu.memory_space<semaphore_mem>> -> memref<!tpu.dma_semaphore, #tpu.memory_space<semaphore_mem>>
    %dma_wait3A_290 = arith.constant 0 : i32
    %dma_wait3A_291 = tpu.memref_slice %arg9[%add3A_101, %dma_wait3A_290] : memref<10000x128xf32, #tpu.memory_space<vmem_shared>> -> memref<48x128xf32, #tpu.memory_space<vmem_shared>>
    tpu.wait_dma2 semaphore(%dma_wait3A_289 : memref<!tpu.dma_semaphore, #tpu.memory_space<semaphore_mem>>) src(%arg8 : memref<48x128xf32, #tpu.memory_space<vmem>>) dst(%dma_wait3A_291 : memref<48x128xf32, #tpu.memory_space<vmem_shared>>)
    %dma_wait3A_292 = arith.constant 0 : i32
    %dma_wait3A_293 = arith.constant 0 : i32
    %dma_wait3A_294 = tpu.memref_slice %arg9[%add3A_112, %dma_wait3A_293] : memref<10000x128xf32, #tpu.memory_space<vmem_shared>> -> memref<48x128xf32, #tpu.memory_space<vmem_shared>>
    %dma_wait3A_295 = tpu.memref_slice %arg12[%dma_wait3A_292] : memref<3x!tpu.dma_semaphore, #tpu.memory_space<semaphore_mem>> -> memref<1x!tpu.dma_semaphore, #tpu.memory_space<semaphore_mem>>
    %dma_wait3A_296 = tpu.memref_squeeze %dma_wait3A_295 : memref<1x!tpu.dma_semaphore, #tpu.memory_space<semaphore_mem>> -> memref<!tpu.dma_semaphore, #tpu.memory_space<semaphore_mem>>
    %dma_wait3A_297 = arith.constant 0 : i32
    %dma_wait3A_298 = tpu.memref_slice %arg9[%add3A_112, %dma_wait3A_297] : memref<10000x128xf32, #tpu.memory_space<vmem_shared>> -> memref<48x128xf32, #tpu.memory_space<vmem_shared>>
    tpu.wait_dma2 semaphore(%dma_wait3A_296 : memref<!tpu.dma_semaphore, #tpu.memory_space<semaphore_mem>>) src(%arg8 : memref<48x128xf32, #tpu.memory_space<vmem>>) dst(%dma_wait3A_298 : memref<48x128xf32, #tpu.memory_space<vmem_shared>>)
    %dma_wait3A_299 = arith.constant 0 : i32
    %dma_wait3A_300 = arith.constant 0 : i32
    %dma_wait3A_301 = tpu.memref_slice %arg9[%add3A_123, %dma_wait3A_300] : memref<10000x128xf32, #tpu.memory_space<vmem_shared>> -> memref<48x128xf32, #tpu.memory_space<vmem_shared>>
    %dma_wait3A_302 = tpu.memref_slice %arg12[%dma_wait3A_299] : memref<3x!tpu.dma_semaphore, #tpu.memory_space<semaphore_mem>> -> memref<1x!tpu.dma_semaphore, #tpu.memory_space<semaphore_mem>>
    %dma_wait3A_303 = tpu.memref_squeeze %dma_wait3A_302 : memref<1x!tpu.dma_semaphore, #tpu.memory_space<semaphore_mem>> -> memref<!tpu.dma_semaphore, #tpu.memory_space<semaphore_mem>>
    %dma_wait3A_304 = arith.constant 0 : i32
    %dma_wait3A_305 = tpu.memref_slice %arg9[%add3A_123, %dma_wait3A_304] : memref<10000x128xf32, #tpu.memory_space<vmem_shared>> -> memref<48x128xf32, #tpu.memory_space<vmem_shared>>
    tpu.wait_dma2 semaphore(%dma_wait3A_303 : memref<!tpu.dma_semaphore, #tpu.memory_space<semaphore_mem>>) src(%arg8 : memref<48x128xf32, #tpu.memory_space<vmem>>) dst(%dma_wait3A_305 : memref<48x128xf32, #tpu.memory_space<vmem_shared>>)
    %dma_wait3A_306 = arith.constant 0 : i32
    %dma_wait3A_307 = arith.constant 0 : i32
    %dma_wait3A_308 = tpu.memref_slice %arg9[%add3A_134, %dma_wait3A_307] : memref<10000x128xf32, #tpu.memory_space<vmem_shared>> -> memref<48x128xf32, #tpu.memory_space<vmem_shared>>
    %dma_wait3A_309 = tpu.memref_slice %arg12[%dma_wait3A_306] : memref<3x!tpu.dma_semaphore, #tpu.memory_space<semaphore_mem>> -> memref<1x!tpu.dma_semaphore, #tpu.memory_space<semaphore_mem>>
    %dma_wait3A_310 = tpu.memref_squeeze %dma_wait3A_309 : memref<1x!tpu.dma_semaphore, #tpu.memory_space<semaphore_mem>> -> memref<!tpu.dma_semaphore, #tpu.memory_space<semaphore_mem>>
    %dma_wait3A_311 = arith.constant 0 : i32
    %dma_wait3A_312 = tpu.memref_slice %arg9[%add3A_134, %dma_wait3A_311] : memref<10000x128xf32, #tpu.memory_space<vmem_shared>> -> memref<48x128xf32, #tpu.memory_space<vmem_shared>>
    tpu.wait_dma2 semaphore(%dma_wait3A_310 : memref<!tpu.dma_semaphore, #tpu.memory_space<semaphore_mem>>) src(%arg8 : memref<48x128xf32, #tpu.memory_space<vmem>>) dst(%dma_wait3A_312 : memref<48x128xf32, #tpu.memory_space<vmem_shared>>)
    %dma_wait3A_313 = arith.constant 0 : i32
    %dma_wait3A_314 = arith.constant 0 : i32
    %dma_wait3A_315 = tpu.memref_slice %arg9[%add3A_145, %dma_wait3A_314] : memref<10000x128xf32, #tpu.memory_space<vmem_shared>> -> memref<48x128xf32, #tpu.memory_space<vmem_shared>>
    %dma_wait3A_316 = tpu.memref_slice %arg12[%dma_wait3A_313] : memref<3x!tpu.dma_semaphore, #tpu.memory_space<semaphore_mem>> -> memref<1x!tpu.dma_semaphore, #tpu.memory_space<semaphore_mem>>
    %dma_wait3A_317 = tpu.memref_squeeze %dma_wait3A_316 : memref<1x!tpu.dma_semaphore, #tpu.memory_space<semaphore_mem>> -> memref<!tpu.dma_semaphore, #tpu.memory_space<semaphore_mem>>
    %dma_wait3A_318 = arith.constant 0 : i32
    %dma_wait3A_319 = tpu.memref_slice %arg9[%add3A_145, %dma_wait3A_318] : memref<10000x128xf32, #tpu.memory_space<vmem_shared>> -> memref<48x128xf32, #tpu.memory_space<vmem_shared>>
    tpu.wait_dma2 semaphore(%dma_wait3A_317 : memref<!tpu.dma_semaphore, #tpu.memory_space<semaphore_mem>>) src(%arg8 : memref<48x128xf32, #tpu.memory_space<vmem>>) dst(%dma_wait3A_319 : memref<48x128xf32, #tpu.memory_space<vmem_shared>>)
    %dma_wait3A_320 = arith.constant 0 : i32
    %dma_wait3A_321 = arith.constant 0 : i32
    %dma_wait3A_322 = tpu.memref_slice %arg9[%add3A_156, %dma_wait3A_321] : memref<10000x128xf32, #tpu.memory_space<vmem_shared>> -> memref<48x128xf32, #tpu.memory_space<vmem_shared>>
    %dma_wait3A_323 = tpu.memref_slice %arg12[%dma_wait3A_320] : memref<3x!tpu.dma_semaphore, #tpu.memory_space<semaphore_mem>> -> memref<1x!tpu.dma_semaphore, #tpu.memory_space<semaphore_mem>>
    %dma_wait3A_324 = tpu.memref_squeeze %dma_wait3A_323 : memref<1x!tpu.dma_semaphore, #tpu.memory_space<semaphore_mem>> -> memref<!tpu.dma_semaphore, #tpu.memory_space<semaphore_mem>>
    %dma_wait3A_325 = arith.constant 0 : i32
    %dma_wait3A_326 = tpu.memref_slice %arg9[%add3A_156, %dma_wait3A_325] : memref<10000x128xf32, #tpu.memory_space<vmem_shared>> -> memref<48x128xf32, #tpu.memory_space<vmem_shared>>
    tpu.wait_dma2 semaphore(%dma_wait3A_324 : memref<!tpu.dma_semaphore, #tpu.memory_space<semaphore_mem>>) src(%arg8 : memref<48x128xf32, #tpu.memory_space<vmem>>) dst(%dma_wait3A_326 : memref<48x128xf32, #tpu.memory_space<vmem_shared>>)
    %dma_wait3A_327 = arith.constant 0 : i32
    %dma_wait3A_328 = arith.constant 0 : i32
    %dma_wait3A_329 = tpu.memref_slice %arg9[%add3A_167, %dma_wait3A_328] : memref<10000x128xf32, #tpu.memory_space<vmem_shared>> -> memref<48x128xf32, #tpu.memory_space<vmem_shared>>
    %dma_wait3A_330 = tpu.memref_slice %arg12[%dma_wait3A_327] : memref<3x!tpu.dma_semaphore, #tpu.memory_space<semaphore_mem>> -> memref<1x!tpu.dma_semaphore, #tpu.memory_space<semaphore_mem>>
    %dma_wait3A_331 = tpu.memref_squeeze %dma_wait3A_330 : memref<1x!tpu.dma_semaphore, #tpu.memory_space<semaphore_mem>> -> memref<!tpu.dma_semaphore, #tpu.memory_space<semaphore_mem>>
    %dma_wait3A_332 = arith.constant 0 : i32
    %dma_wait3A_333 = tpu.memref_slice %arg9[%add3A_167, %dma_wait3A_332] : memref<10000x128xf32, #tpu.memory_space<vmem_shared>> -> memref<48x128xf32, #tpu.memory_space<vmem_shared>>
    tpu.wait_dma2 semaphore(%dma_wait3A_331 : memref<!tpu.dma_semaphore, #tpu.memory_space<semaphore_mem>>) src(%arg8 : memref<48x128xf32, #tpu.memory_space<vmem>>) dst(%dma_wait3A_333 : memref<48x128xf32, #tpu.memory_space<vmem_shared>>)
    %dma_wait3A_334 = arith.constant 0 : i32
    %dma_wait3A_335 = arith.constant 0 : i32
    %dma_wait3A_336 = tpu.memref_slice %arg9[%add3A_178, %dma_wait3A_335] : memref<10000x128xf32, #tpu.memory_space<vmem_shared>> -> memref<48x128xf32, #tpu.memory_space<vmem_shared>>
    %dma_wait3A_337 = tpu.memref_slice %arg12[%dma_wait3A_334] : memref<3x!tpu.dma_semaphore, #tpu.memory_space<semaphore_mem>> -> memref<1x!tpu.dma_semaphore, #tpu.memory_space<semaphore_mem>>
    %dma_wait3A_338 = tpu.memref_squeeze %dma_wait3A_337 : memref<1x!tpu.dma_semaphore, #tpu.memory_space<semaphore_mem>> -> memref<!tpu.dma_semaphore, #tpu.memory_space<semaphore_mem>>
    %dma_wait3A_339 = arith.constant 0 : i32
    %dma_wait3A_340 = tpu.memref_slice %arg9[%add3A_178, %dma_wait3A_339] : memref<10000x128xf32, #tpu.memory_space<vmem_shared>> -> memref<48x128xf32, #tpu.memory_space<vmem_shared>>
    tpu.wait_dma2 semaphore(%dma_wait3A_338 : memref<!tpu.dma_semaphore, #tpu.memory_space<semaphore_mem>>) src(%arg8 : memref<48x128xf32, #tpu.memory_space<vmem>>) dst(%dma_wait3A_340 : memref<48x128xf32, #tpu.memory_space<vmem_shared>>)
    %dma_wait3A_341 = arith.constant 0 : i32
    %dma_wait3A_342 = arith.constant 0 : i32
    %dma_wait3A_343 = tpu.memref_slice %arg9[%add3A_189, %dma_wait3A_342] : memref<10000x128xf32, #tpu.memory_space<vmem_shared>> -> memref<48x128xf32, #tpu.memory_space<vmem_shared>>
    %dma_wait3A_344 = tpu.memref_slice %arg12[%dma_wait3A_341] : memref<3x!tpu.dma_semaphore, #tpu.memory_space<semaphore_mem>> -> memref<1x!tpu.dma_semaphore, #tpu.memory_space<semaphore_mem>>
    %dma_wait3A_345 = tpu.memref_squeeze %dma_wait3A_344 : memref<1x!tpu.dma_semaphore, #tpu.memory_space<semaphore_mem>> -> memref<!tpu.dma_semaphore, #tpu.memory_space<semaphore_mem>>
    %dma_wait3A_346 = arith.constant 0 : i32
    %dma_wait3A_347 = tpu.memref_slice %arg9[%add3A_189, %dma_wait3A_346] : memref<10000x128xf32, #tpu.memory_space<vmem_shared>> -> memref<48x128xf32, #tpu.memory_space<vmem_shared>>
    tpu.wait_dma2 semaphore(%dma_wait3A_345 : memref<!tpu.dma_semaphore, #tpu.memory_space<semaphore_mem>>) src(%arg8 : memref<48x128xf32, #tpu.memory_space<vmem>>) dst(%dma_wait3A_347 : memref<48x128xf32, #tpu.memory_space<vmem_shared>>)
    %dma_wait3A_348 = arith.constant 0 : i32
    %dma_wait3A_349 = arith.constant 0 : i32
    %dma_wait3A_350 = tpu.memref_slice %arg9[%add3A_200, %dma_wait3A_349] : memref<10000x128xf32, #tpu.memory_space<vmem_shared>> -> memref<48x128xf32, #tpu.memory_space<vmem_shared>>
    %dma_wait3A_351 = tpu.memref_slice %arg12[%dma_wait3A_348] : memref<3x!tpu.dma_semaphore, #tpu.memory_space<semaphore_mem>> -> memref<1x!tpu.dma_semaphore, #tpu.memory_space<semaphore_mem>>
    %dma_wait3A_352 = tpu.memref_squeeze %dma_wait3A_351 : memref<1x!tpu.dma_semaphore, #tpu.memory_space<semaphore_mem>> -> memref<!tpu.dma_semaphore, #tpu.memory_space<semaphore_mem>>
    %dma_wait3A_353 = arith.constant 0 : i32
    %dma_wait3A_354 = tpu.memref_slice %arg9[%add3A_200, %dma_wait3A_353] : memref<10000x128xf32, #tpu.memory_space<vmem_shared>> -> memref<48x128xf32, #tpu.memory_space<vmem_shared>>
    tpu.wait_dma2 semaphore(%dma_wait3A_352 : memref<!tpu.dma_semaphore, #tpu.memory_space<semaphore_mem>>) src(%arg8 : memref<48x128xf32, #tpu.memory_space<vmem>>) dst(%dma_wait3A_354 : memref<48x128xf32, #tpu.memory_space<vmem_shared>>)
    %dma_wait3A_355 = arith.constant 0 : i32
    %dma_wait3A_356 = arith.constant 0 : i32
    %dma_wait3A_357 = tpu.memref_slice %arg9[%add3A_211, %dma_wait3A_356] : memref<10000x128xf32, #tpu.memory_space<vmem_shared>> -> memref<48x128xf32, #tpu.memory_space<vmem_shared>>
    %dma_wait3A_358 = tpu.memref_slice %arg12[%dma_wait3A_355] : memref<3x!tpu.dma_semaphore, #tpu.memory_space<semaphore_mem>> -> memref<1x!tpu.dma_semaphore, #tpu.memory_space<semaphore_mem>>
    %dma_wait3A_359 = tpu.memref_squeeze %dma_wait3A_358 : memref<1x!tpu.dma_semaphore, #tpu.memory_space<semaphore_mem>> -> memref<!tpu.dma_semaphore, #tpu.memory_space<semaphore_mem>>
    %dma_wait3A_360 = arith.constant 0 : i32
    %dma_wait3A_361 = tpu.memref_slice %arg9[%add3A_211, %dma_wait3A_360] : memref<10000x128xf32, #tpu.memory_space<vmem_shared>> -> memref<48x128xf32, #tpu.memory_space<vmem_shared>>
    tpu.wait_dma2 semaphore(%dma_wait3A_359 : memref<!tpu.dma_semaphore, #tpu.memory_space<semaphore_mem>>) src(%arg8 : memref<48x128xf32, #tpu.memory_space<vmem>>) dst(%dma_wait3A_361 : memref<48x128xf32, #tpu.memory_space<vmem_shared>>)
    %dma_wait3A_362 = arith.constant 0 : i32
    %dma_wait3A_363 = arith.constant 0 : i32
    %dma_wait3A_364 = tpu.memref_slice %arg9[%add3A_222, %dma_wait3A_363] : memref<10000x128xf32, #tpu.memory_space<vmem_shared>> -> memref<48x128xf32, #tpu.memory_space<vmem_shared>>
    %dma_wait3A_365 = tpu.memref_slice %arg12[%dma_wait3A_362] : memref<3x!tpu.dma_semaphore, #tpu.memory_space<semaphore_mem>> -> memref<1x!tpu.dma_semaphore, #tpu.memory_space<semaphore_mem>>
    %dma_wait3A_366 = tpu.memref_squeeze %dma_wait3A_365 : memref<1x!tpu.dma_semaphore, #tpu.memory_space<semaphore_mem>> -> memref<!tpu.dma_semaphore, #tpu.memory_space<semaphore_mem>>
    %dma_wait3A_367 = arith.constant 0 : i32
    %dma_wait3A_368 = tpu.memref_slice %arg9[%add3A_222, %dma_wait3A_367] : memref<10000x128xf32, #tpu.memory_space<vmem_shared>> -> memref<48x128xf32, #tpu.memory_space<vmem_shared>>
    tpu.wait_dma2 semaphore(%dma_wait3A_366 : memref<!tpu.dma_semaphore, #tpu.memory_space<semaphore_mem>>) src(%arg8 : memref<48x128xf32, #tpu.memory_space<vmem>>) dst(%dma_wait3A_368 : memref<48x128xf32, #tpu.memory_space<vmem_shared>>)
    %dma_wait3A_369 = arith.constant 0 : i32
    %dma_wait3A_370 = arith.constant 0 : i32
    %dma_wait3A_371 = tpu.memref_slice %arg9[%add3A_233, %dma_wait3A_370] : memref<10000x128xf32, #tpu.memory_space<vmem_shared>> -> memref<48x128xf32, #tpu.memory_space<vmem_shared>>
    %dma_wait3A_372 = tpu.memref_slice %arg12[%dma_wait3A_369] : memref<3x!tpu.dma_semaphore, #tpu.memory_space<semaphore_mem>> -> memref<1x!tpu.dma_semaphore, #tpu.memory_space<semaphore_mem>>
    %dma_wait3A_373 = tpu.memref_squeeze %dma_wait3A_372 : memref<1x!tpu.dma_semaphore, #tpu.memory_space<semaphore_mem>> -> memref<!tpu.dma_semaphore, #tpu.memory_space<semaphore_mem>>
    %dma_wait3A_374 = arith.constant 0 : i32
    %dma_wait3A_375 = tpu.memref_slice %arg9[%add3A_233, %dma_wait3A_374] : memref<10000x128xf32, #tpu.memory_space<vmem_shared>> -> memref<48x128xf32, #tpu.memory_space<vmem_shared>>
    tpu.wait_dma2 semaphore(%dma_wait3A_373 : memref<!tpu.dma_semaphore, #tpu.memory_space<semaphore_mem>>) src(%arg8 : memref<48x128xf32, #tpu.memory_space<vmem>>) dst(%dma_wait3A_375 : memref<48x128xf32, #tpu.memory_space<vmem_shared>>)
    %barrier3A = arith.constant 0 : index
    tpu.barrier barrier_id(%barrier3A)
    %scan3A_376 = arith.constant 0 : i32
    %scan3A_377 = arith.constant 0 : i32
    %scan3A_378 = arith.constant 9 : i32
    %scan3A_379 = arith.addi %scan3A_377, %scan3A_378 : i32
    %scan3A_380 = arith.constant 1 : i32
    scf.for %scan3A_392 = %scan3A_377 to %scan3A_379 step %scan3A_380  : i32 {
      %mul3A_393 = arith.constant 15 : i32
      %mul3A_394 = arith.muli %scan3A_392, %mul3A_393 : i32
      %add3A_395 = arith.constant 0 : i32
      %add3A_396 = arith.addi %mul3A_394, %add3A_395 : i32
      %ge3A = arith.constant 2 : i32
      %ge3A_397 = arith.cmpi sge, %add3A_396, %ge3A : i32
      %lt3A = arith.constant 127 : i32
      %lt3A_398 = arith.cmpi slt, %add3A_396, %lt3A : i32
      %and3A = arith.andi %ge3A_397, %lt3A_398 : i1
      %convert_element_type3A_399 = arith.extui %and3A : i1 to i32
      %cond3A_400 = arith.constant 0 : i32
      %cond3A_401 = arith.cmpi ne, %convert_element_type3A_399, %cond3A_400 : i32
      scf.if %cond3A_401 {
        %dma_wait3A_855 = arith.constant 1 : i32
        %dma_wait3A_856 = arith.constant 1 : i32
        %dma_wait3A_857 = arith.constant 0 : i32
        %dma_wait3A_858 = arith.constant 0 : i32
        %dma_wait3A_859 = tpu.memref_slice %arg7[%dma_wait3A_855, %dma_wait3A_857, %dma_wait3A_858] : memref<3x80x128xf32, #tpu.memory_space<vmem>> -> memref<1x80x128xf32, #tpu.memory_space<vmem>>
        %dma_wait3A_860 = tpu.memref_squeeze %dma_wait3A_859 : memref<1x80x128xf32, #tpu.memory_space<vmem>> -> memref<80x128xf32, #tpu.memory_space<vmem>>
        %dma_wait3A_861 = arith.constant 0 : i32
        %dma_wait3A_862 = arith.constant 0 : i32
        %dma_wait3A_863 = tpu.memref_slice %arg2[%dma_wait3A_861, %dma_wait3A_862] : memref<10000x128xf32, #tpu.memory_space<hbm>> -> memref<80x128xf32, #tpu.memory_space<hbm>>
        %dma_wait3A_864 = tpu.memref_slice %arg12[%dma_wait3A_856] : memref<3x!tpu.dma_semaphore, #tpu.memory_space<semaphore_mem>> -> memref<1x!tpu.dma_semaphore, #tpu.memory_space<semaphore_mem>>
        %dma_wait3A_865 = tpu.memref_squeeze %dma_wait3A_864 : memref<1x!tpu.dma_semaphore, #tpu.memory_space<semaphore_mem>> -> memref<!tpu.dma_semaphore, #tpu.memory_space<semaphore_mem>>
        %dma_wait3A_866 = arith.constant 0 : i32
        %dma_wait3A_867 = arith.constant 0 : i32
        %dma_wait3A_868 = tpu.memref_slice %arg7[%dma_wait3A_855, %dma_wait3A_866, %dma_wait3A_867] : memref<3x80x128xf32, #tpu.memory_space<vmem>> -> memref<1x80x128xf32, #tpu.memory_space<vmem>>
        %dma_wait3A_869 = tpu.memref_squeeze %dma_wait3A_868 : memref<1x80x128xf32, #tpu.memory_space<vmem>> -> memref<80x128xf32, #tpu.memory_space<vmem>>
        %dma_wait3A_870 = arith.constant 0 : i32
        %dma_wait3A_871 = arith.constant 0 : i32
        %dma_wait3A_872 = tpu.memref_slice %arg2[%dma_wait3A_870, %dma_wait3A_871] : memref<10000x128xf32, #tpu.memory_space<hbm>> -> memref<80x128xf32, #tpu.memory_space<hbm>>
        tpu.wait_dma2 semaphore(%dma_wait3A_865 : memref<!tpu.dma_semaphore, #tpu.memory_space<semaphore_mem>>) src(%dma_wait3A_872 : memref<80x128xf32, #tpu.memory_space<hbm>>) dst(%dma_wait3A_869 : memref<80x128xf32, #tpu.memory_space<vmem>>)
      } else {
      }
      %add3A_402 = arith.constant 3 : i32
      %add3A_403 = arith.addi %add3A_396, %add3A_402 : i32
      %lt3A_404 = arith.constant 125 : i32
      %lt3A_405 = arith.cmpi slt, %add3A_403, %lt3A_404 : i32
      %convert_element_type3A_406 = arith.extui %lt3A_405 : i1 to i32
      %cond3A_407 = arith.constant 0 : i32
      %cond3A_408 = arith.cmpi ne, %convert_element_type3A_406, %cond3A_407 : i32
      scf.if %cond3A_408 {
        %add3A_855 = arith.constant 3 : i32
        %add3A_856 = arith.addi %add3A_396, %add3A_855 : i32
        %mul3A_857 = arith.constant 80 : i32
        %mul3A_858 = arith.muli %add3A_856, %mul3A_857 : i32
        %add3A_859 = arith.addi %mul3A_2, %mul3A_858 : i32
        %dma_start3A_860 = arith.constant 3 : i32
        %dma_start3A_861 = arith.constant 3 : i32
        %dma_start3A_862 = arith.constant 0 : i32
        %dma_start3A_863 = tpu.memref_slice %arg5[%dma_start3A_860, %dma_start3A_862] : memref<5x80xi32, #tpu.memory_space<vmem>> -> memref<1x80xi32, #tpu.memory_space<vmem>>
        %dma_start3A_864 = tpu.memref_squeeze %dma_start3A_863 : memref<1x80xi32, #tpu.memory_space<vmem>> -> memref<80xi32, #tpu.memory_space<vmem>>
        %dma_start3A_865 = tpu.memref_slice %arg3[%add3A_859] : memref<640000xi32, #tpu.memory_space<hbm>> -> memref<80xi32, #tpu.memory_space<hbm>>
        %dma_start3A_866 = tpu.memref_slice %arg10[%dma_start3A_861] : memref<5x!tpu.dma_semaphore, #tpu.memory_space<semaphore_mem>> -> memref<1x!tpu.dma_semaphore, #tpu.memory_space<semaphore_mem>>
        %dma_start3A_867 = tpu.memref_squeeze %dma_start3A_866 : memref<1x!tpu.dma_semaphore, #tpu.memory_space<semaphore_mem>> -> memref<!tpu.dma_semaphore, #tpu.memory_space<semaphore_mem>>
        %dma_start3A_868 = arith.constant 0 : i32
        %dma_start3A_869 = tpu.memref_slice %arg5[%dma_start3A_860, %dma_start3A_868] : memref<5x80xi32, #tpu.memory_space<vmem>> -> memref<1x80xi32, #tpu.memory_space<vmem>>
        %dma_start3A_870 = tpu.memref_squeeze %dma_start3A_869 : memref<1x80xi32, #tpu.memory_space<vmem>> -> memref<80xi32, #tpu.memory_space<vmem>>
        %dma_start3A_871 = tpu.memref_slice %arg3[%add3A_859] : memref<640000xi32, #tpu.memory_space<hbm>> -> memref<80xi32, #tpu.memory_space<hbm>>
        tpu.enqueue_dma source(%dma_start3A_871 : memref<80xi32, #tpu.memory_space<hbm>>) target(%dma_start3A_870 : memref<80xi32, #tpu.memory_space<vmem>>) target_semaphore(%dma_start3A_867 : memref<!tpu.dma_semaphore, #tpu.memory_space<semaphore_mem>>)
        %add3A_872 = arith.constant 320000 : i32
        %add3A_873 = arith.addi %add3A_872, %mul3A_2 : i32
        %mul3A_874 = arith.constant 80 : i32
        %mul3A_875 = arith.muli %add3A_856, %mul3A_874 : i32
        %add3A_876 = arith.addi %add3A_873, %mul3A_875 : i32
        %dma_start3A_877 = arith.constant 3 : i32
        %dma_start3A_878 = arith.constant 3 : i32
        %dma_start3A_879 = arith.constant 0 : i32
        %dma_start3A_880 = tpu.memref_slice %arg6[%dma_start3A_877, %dma_start3A_879] : memref<5x80xi32, #tpu.memory_space<vmem>> -> memref<1x80xi32, #tpu.memory_space<vmem>>
        %dma_start3A_881 = tpu.memref_squeeze %dma_start3A_880 : memref<1x80xi32, #tpu.memory_space<vmem>> -> memref<80xi32, #tpu.memory_space<vmem>>
        %dma_start3A_882 = tpu.memref_slice %arg3[%add3A_876] : memref<640000xi32, #tpu.memory_space<hbm>> -> memref<80xi32, #tpu.memory_space<hbm>>
        %dma_start3A_883 = tpu.memref_slice %arg10[%dma_start3A_878] : memref<5x!tpu.dma_semaphore, #tpu.memory_space<semaphore_mem>> -> memref<1x!tpu.dma_semaphore, #tpu.memory_space<semaphore_mem>>
        %dma_start3A_884 = tpu.memref_squeeze %dma_start3A_883 : memref<1x!tpu.dma_semaphore, #tpu.memory_space<semaphore_mem>> -> memref<!tpu.dma_semaphore, #tpu.memory_space<semaphore_mem>>
        %dma_start3A_885 = arith.constant 0 : i32
        %dma_start3A_886 = tpu.memref_slice %arg6[%dma_start3A_877, %dma_start3A_885] : memref<5x80xi32, #tpu.memory_space<vmem>> -> memref<1x80xi32, #tpu.memory_space<vmem>>
        %dma_start3A_887 = tpu.memref_squeeze %dma_start3A_886 : memref<1x80xi32, #tpu.memory_space<vmem>> -> memref<80xi32, #tpu.memory_space<vmem>>
        %dma_start3A_888 = tpu.memref_slice %arg3[%add3A_876] : memref<640000xi32, #tpu.memory_space<hbm>> -> memref<80xi32, #tpu.memory_space<hbm>>
        tpu.enqueue_dma source(%dma_start3A_888 : memref<80xi32, #tpu.memory_space<hbm>>) target(%dma_start3A_887 : memref<80xi32, #tpu.memory_space<vmem>>) target_semaphore(%dma_start3A_884 : memref<!tpu.dma_semaphore, #tpu.memory_space<semaphore_mem>>)
      } else {
      }
      %add3A_409 = arith.constant 1 : i32
      %add3A_410 = arith.addi %add3A_396, %add3A_409 : i32
      %lt3A_411 = arith.constant 125 : i32
      %lt3A_412 = arith.cmpi slt, %add3A_410, %lt3A_411 : i32
      %convert_element_type3A_413 = arith.extui %lt3A_412 : i1 to i32
      %cond3A_414 = arith.constant 0 : i32
      %cond3A_415 = arith.cmpi ne, %convert_element_type3A_413, %cond3A_414 : i32
      scf.if %cond3A_415 {
        %dma_wait3A_855 = arith.constant 1 : i32
        %dma_wait3A_856 = arith.constant 1 : i32
        %dma_wait3A_857 = arith.constant 0 : i32
        %dma_wait3A_858 = tpu.memref_slice %arg5[%dma_wait3A_855, %dma_wait3A_857] : memref<5x80xi32, #tpu.memory_space<vmem>> -> memref<1x80xi32, #tpu.memory_space<vmem>>
        %dma_wait3A_859 = tpu.memref_squeeze %dma_wait3A_858 : memref<1x80xi32, #tpu.memory_space<vmem>> -> memref<80xi32, #tpu.memory_space<vmem>>
        %dma_wait3A_860 = arith.constant 0 : i32
        %dma_wait3A_861 = tpu.memref_slice %arg3[%dma_wait3A_860] : memref<640000xi32, #tpu.memory_space<hbm>> -> memref<80xi32, #tpu.memory_space<hbm>>
        %dma_wait3A_862 = tpu.memref_slice %arg10[%dma_wait3A_856] : memref<5x!tpu.dma_semaphore, #tpu.memory_space<semaphore_mem>> -> memref<1x!tpu.dma_semaphore, #tpu.memory_space<semaphore_mem>>
        %dma_wait3A_863 = tpu.memref_squeeze %dma_wait3A_862 : memref<1x!tpu.dma_semaphore, #tpu.memory_space<semaphore_mem>> -> memref<!tpu.dma_semaphore, #tpu.memory_space<semaphore_mem>>
        %dma_wait3A_864 = arith.constant 0 : i32
        %dma_wait3A_865 = tpu.memref_slice %arg5[%dma_wait3A_855, %dma_wait3A_864] : memref<5x80xi32, #tpu.memory_space<vmem>> -> memref<1x80xi32, #tpu.memory_space<vmem>>
        %dma_wait3A_866 = tpu.memref_squeeze %dma_wait3A_865 : memref<1x80xi32, #tpu.memory_space<vmem>> -> memref<80xi32, #tpu.memory_space<vmem>>
        %dma_wait3A_867 = arith.constant 0 : i32
        %dma_wait3A_868 = tpu.memref_slice %arg3[%dma_wait3A_867] : memref<640000xi32, #tpu.memory_space<hbm>> -> memref<80xi32, #tpu.memory_space<hbm>>
        tpu.wait_dma2 semaphore(%dma_wait3A_863 : memref<!tpu.dma_semaphore, #tpu.memory_space<semaphore_mem>>) src(%dma_wait3A_868 : memref<80xi32, #tpu.memory_space<hbm>>) dst(%dma_wait3A_866 : memref<80xi32, #tpu.memory_space<vmem>>)
        %dma_wait3A_869 = arith.constant 1 : i32
        %dma_wait3A_870 = arith.constant 1 : i32
        %dma_wait3A_871 = arith.constant 0 : i32
        %dma_wait3A_872 = tpu.memref_slice %arg6[%dma_wait3A_869, %dma_wait3A_871] : memref<5x80xi32, #tpu.memory_space<vmem>> -> memref<1x80xi32, #tpu.memory_space<vmem>>
        %dma_wait3A_873 = tpu.memref_squeeze %dma_wait3A_872 : memref<1x80xi32, #tpu.memory_space<vmem>> -> memref<80xi32, #tpu.memory_space<vmem>>
        %dma_wait3A_874 = arith.constant 0 : i32
        %dma_wait3A_875 = tpu.memref_slice %arg3[%dma_wait3A_874] : memref<640000xi32, #tpu.memory_space<hbm>> -> memref<80xi32, #tpu.memory_space<hbm>>
        %dma_wait3A_876 = tpu.memref_slice %arg10[%dma_wait3A_870] : memref<5x!tpu.dma_semaphore, #tpu.memory_space<semaphore_mem>> -> memref<1x!tpu.dma_semaphore, #tpu.memory_space<semaphore_mem>>
        %dma_wait3A_877 = tpu.memref_squeeze %dma_wait3A_876 : memref<1x!tpu.dma_semaphore, #tpu.memory_space<semaphore_mem>> -> memref<!tpu.dma_semaphore, #tpu.memory_space<semaphore_mem>>
        %dma_wait3A_878 = arith.constant 0 : i32
        %dma_wait3A_879 = tpu.memref_slice %arg6[%dma_wait3A_869, %dma_wait3A_878] : memref<5x80xi32, #tpu.memory_space<vmem>> -> memref<1x80xi32, #tpu.memory_space<vmem>>
        %dma_wait3A_880 = tpu.memref_squeeze %dma_wait3A_879 : memref<1x80xi32, #tpu.memory_space<vmem>> -> memref<80xi32, #tpu.memory_space<vmem>>
        %dma_wait3A_881 = arith.constant 0 : i32
        %dma_wait3A_882 = tpu.memref_slice %arg3[%dma_wait3A_881] : memref<640000xi32, #tpu.memory_space<hbm>> -> memref<80xi32, #tpu.memory_space<hbm>>
        tpu.wait_dma2 semaphore(%dma_wait3A_877 : memref<!tpu.dma_semaphore, #tpu.memory_space<semaphore_mem>>) src(%dma_wait3A_882 : memref<80xi32, #tpu.memory_space<hbm>>) dst(%dma_wait3A_880 : memref<80xi32, #tpu.memory_space<vmem>>)
        %dma_start3A_883 = arith.constant 1 : i32
        %dma_start3A_884 = arith.constant 1 : i32
        %dma_start3A_885 = arith.constant 1 : i32
        %dma_start3A_886 = arith.constant 0 : i32
        %dma_start3A_887 = arith.constant 0 : i32
        %dma_start3A_888 = tpu.memref_slice %arg7[%dma_start3A_884, %dma_start3A_886, %dma_start3A_887] : memref<3x80x128xf32, #tpu.memory_space<vmem>> -> memref<1x80x128xf32, #tpu.memory_space<vmem>>
        %dma_start3A_889 = tpu.memref_squeeze %dma_start3A_888 : memref<1x80x128xf32, #tpu.memory_space<vmem>> -> memref<80x128xf32, #tpu.memory_space<vmem>>
        %dma_start3A_890 = arith.constant 0 : i32
        %dma_start3A_891 = tpu.memref_slice %arg5[%dma_start3A_883, %dma_start3A_890] : memref<5x80xi32, #tpu.memory_space<vmem>> -> memref<1x80xi32, #tpu.memory_space<vmem>>
        %dma_start3A_892 = tpu.memref_squeeze %dma_start3A_891 : memref<1x80xi32, #tpu.memory_space<vmem>> -> memref<80xi32, #tpu.memory_space<vmem>>
        %dma_start3A_893 = arith.constant 0 : i32
        %dma_start3A_894 = arith.constant 0 : i32
        %dma_start3A_895 = tpu.memref_slice %arg2[%dma_start3A_893, %dma_start3A_894] : memref<10000x128xf32, #tpu.memory_space<hbm>> -> memref<10000x128xf32, #tpu.memory_space<hbm>>
        %dma_start3A_896 = tpu.memref_slice %arg11[%dma_start3A_885] : memref<3x!tpu.dma_semaphore, #tpu.memory_space<semaphore_mem>> -> memref<1x!tpu.dma_semaphore, #tpu.memory_space<semaphore_mem>>
        %dma_start3A_897 = tpu.memref_squeeze %dma_start3A_896 : memref<1x!tpu.dma_semaphore, #tpu.memory_space<semaphore_mem>> -> memref<!tpu.dma_semaphore, #tpu.memory_space<semaphore_mem>>
        tpu.enqueue_indirect_dma source(%dma_start3A_895 : memref<10000x128xf32, #tpu.memory_space<hbm>>) target(%dma_start3A_889 : memref<80x128xf32, #tpu.memory_space<vmem>>) offsets(%dma_start3A_892 : memref<80xi32, #tpu.memory_space<vmem>>) semaphore(%dma_start3A_897 : memref<!tpu.dma_semaphore, #tpu.memory_space<semaphore_mem>>)
      } else {
      }
      %lt3A_416 = arith.constant 125 : i32
      %lt3A_417 = arith.cmpi slt, %add3A_396, %lt3A_416 : i32
      %convert_element_type3A_418 = arith.extui %lt3A_417 : i1 to i32
      %cond3A_419 = arith.constant 0 : i32
      %cond3A_420 = arith.cmpi ne, %convert_element_type3A_418, %cond3A_419 : i32
      scf.if %cond3A_420 {
        %dma_wait3A_855 = arith.constant 0 : i32
        %dma_wait3A_856 = arith.constant 0 : i32
        %dma_wait3A_857 = arith.constant 0 : i32
        %dma_wait3A_858 = arith.constant 0 : i32
        %dma_wait3A_859 = tpu.memref_slice %arg7[%dma_wait3A_855, %dma_wait3A_857, %dma_wait3A_858] : memref<3x80x128xf32, #tpu.memory_space<vmem>> -> memref<1x80x128xf32, #tpu.memory_space<vmem>>
        %dma_wait3A_860 = tpu.memref_squeeze %dma_wait3A_859 : memref<1x80x128xf32, #tpu.memory_space<vmem>> -> memref<80x128xf32, #tpu.memory_space<vmem>>
        %dma_wait3A_861 = arith.constant 0 : i32
        %dma_wait3A_862 = arith.constant 0 : i32
        %dma_wait3A_863 = tpu.memref_slice %arg2[%dma_wait3A_861, %dma_wait3A_862] : memref<10000x128xf32, #tpu.memory_space<hbm>> -> memref<80x128xf32, #tpu.memory_space<hbm>>
        %dma_wait3A_864 = tpu.memref_slice %arg11[%dma_wait3A_856] : memref<3x!tpu.dma_semaphore, #tpu.memory_space<semaphore_mem>> -> memref<1x!tpu.dma_semaphore, #tpu.memory_space<semaphore_mem>>
        %dma_wait3A_865 = tpu.memref_squeeze %dma_wait3A_864 : memref<1x!tpu.dma_semaphore, #tpu.memory_space<semaphore_mem>> -> memref<!tpu.dma_semaphore, #tpu.memory_space<semaphore_mem>>
        %dma_wait3A_866 = arith.constant 0 : i32
        %dma_wait3A_867 = arith.constant 0 : i32
        %dma_wait3A_868 = tpu.memref_slice %arg7[%dma_wait3A_855, %dma_wait3A_866, %dma_wait3A_867] : memref<3x80x128xf32, #tpu.memory_space<vmem>> -> memref<1x80x128xf32, #tpu.memory_space<vmem>>
        %dma_wait3A_869 = tpu.memref_squeeze %dma_wait3A_868 : memref<1x80x128xf32, #tpu.memory_space<vmem>> -> memref<80x128xf32, #tpu.memory_space<vmem>>
        %dma_wait3A_870 = arith.constant 0 : i32
        %dma_wait3A_871 = arith.constant 0 : i32
        %dma_wait3A_872 = tpu.memref_slice %arg2[%dma_wait3A_870, %dma_wait3A_871] : memref<10000x128xf32, #tpu.memory_space<hbm>> -> memref<80x128xf32, #tpu.memory_space<hbm>>
        tpu.wait_dma2 semaphore(%dma_wait3A_865 : memref<!tpu.dma_semaphore, #tpu.memory_space<semaphore_mem>>) src(%dma_wait3A_872 : memref<80x128xf32, #tpu.memory_space<hbm>>) dst(%dma_wait3A_869 : memref<80x128xf32, #tpu.memory_space<vmem>>)
        %dma_start3A_873 = arith.constant 0 : i32
        %dma_start3A_874 = arith.constant 0 : i32
        %dma_start3A_875 = arith.constant 0 : i32
        %dma_start3A_876 = arith.constant 0 : i32
        %dma_start3A_877 = arith.constant 0 : i32
        %dma_start3A_878 = tpu.memref_slice %arg7[%dma_start3A_873, %dma_start3A_876, %dma_start3A_877] : memref<3x80x128xf32, #tpu.memory_space<vmem>> -> memref<1x80x128xf32, #tpu.memory_space<vmem>>
        %dma_start3A_879 = tpu.memref_squeeze %dma_start3A_878 : memref<1x80x128xf32, #tpu.memory_space<vmem>> -> memref<80x128xf32, #tpu.memory_space<vmem>>
        %dma_start3A_880 = arith.constant 0 : i32
        %dma_start3A_881 = tpu.memref_slice %arg6[%dma_start3A_874, %dma_start3A_880] : memref<5x80xi32, #tpu.memory_space<vmem>> -> memref<1x80xi32, #tpu.memory_space<vmem>>
        %dma_start3A_882 = tpu.memref_squeeze %dma_start3A_881 : memref<1x80xi32, #tpu.memory_space<vmem>> -> memref<80xi32, #tpu.memory_space<vmem>>
        %dma_start3A_883 = arith.constant 0 : i32
        %dma_start3A_884 = arith.constant 0 : i32
        %dma_start3A_885 = tpu.memref_slice %arg9[%dma_start3A_883, %dma_start3A_884] : memref<10000x128xf32, #tpu.memory_space<vmem_shared>> -> memref<10000x128xf32, #tpu.memory_space<vmem_shared>>
        %dma_start3A_886 = tpu.memref_slice %arg12[%dma_start3A_875] : memref<3x!tpu.dma_semaphore, #tpu.memory_space<semaphore_mem>> -> memref<1x!tpu.dma_semaphore, #tpu.memory_space<semaphore_mem>>
        %dma_start3A_887 = tpu.memref_squeeze %dma_start3A_886 : memref<1x!tpu.dma_semaphore, #tpu.memory_space<semaphore_mem>> -> memref<!tpu.dma_semaphore, #tpu.memory_space<semaphore_mem>>
        tpu.enqueue_indirect_dma source(%dma_start3A_879 : memref<80x128xf32, #tpu.memory_space<vmem>>) target(%dma_start3A_885 : memref<10000x128xf32, #tpu.memory_space<vmem_shared>>) offsets(%dma_start3A_882 : memref<80xi32, #tpu.memory_space<vmem>>) semaphore(%dma_start3A_887 : memref<!tpu.dma_semaphore, #tpu.memory_space<semaphore_mem>>) {add = true}
      } else {
      }
      %mul3A_421 = arith.constant 15 : i32
      %mul3A_422 = arith.muli %scan3A_392, %mul3A_421 : i32
      %add3A_423 = arith.constant 1 : i32
      %add3A_424 = arith.addi %mul3A_422, %add3A_423 : i32
      %ge3A_425 = arith.constant 2 : i32
      %ge3A_426 = arith.cmpi sge, %add3A_424, %ge3A_425 : i32
      %lt3A_427 = arith.constant 127 : i32
      %lt3A_428 = arith.cmpi slt, %add3A_424, %lt3A_427 : i32
      %and3A_429 = arith.andi %ge3A_426, %lt3A_428 : i1
      %convert_element_type3A_430 = arith.extui %and3A_429 : i1 to i32
      %cond3A_431 = arith.constant 0 : i32
      %cond3A_432 = arith.cmpi ne, %convert_element_type3A_430, %cond3A_431 : i32
      scf.if %cond3A_432 {
        %dma_wait3A_855 = arith.constant 2 : i32
        %dma_wait3A_856 = arith.constant 2 : i32
        %dma_wait3A_857 = arith.constant 0 : i32
        %dma_wait3A_858 = arith.constant 0 : i32
        %dma_wait3A_859 = tpu.memref_slice %arg7[%dma_wait3A_855, %dma_wait3A_857, %dma_wait3A_858] : memref<3x80x128xf32, #tpu.memory_space<vmem>> -> memref<1x80x128xf32, #tpu.memory_space<vmem>>
        %dma_wait3A_860 = tpu.memref_squeeze %dma_wait3A_859 : memref<1x80x128xf32, #tpu.memory_space<vmem>> -> memref<80x128xf32, #tpu.memory_space<vmem>>
        %dma_wait3A_861 = arith.constant 0 : i32
        %dma_wait3A_862 = arith.constant 0 : i32
        %dma_wait3A_863 = tpu.memref_slice %arg2[%dma_wait3A_861, %dma_wait3A_862] : memref<10000x128xf32, #tpu.memory_space<hbm>> -> memref<80x128xf32, #tpu.memory_space<hbm>>
        %dma_wait3A_864 = tpu.memref_slice %arg12[%dma_wait3A_856] : memref<3x!tpu.dma_semaphore, #tpu.memory_space<semaphore_mem>> -> memref<1x!tpu.dma_semaphore, #tpu.memory_space<semaphore_mem>>
        %dma_wait3A_865 = tpu.memref_squeeze %dma_wait3A_864 : memref<1x!tpu.dma_semaphore, #tpu.memory_space<semaphore_mem>> -> memref<!tpu.dma_semaphore, #tpu.memory_space<semaphore_mem>>
        %dma_wait3A_866 = arith.constant 0 : i32
        %dma_wait3A_867 = arith.constant 0 : i32
        %dma_wait3A_868 = tpu.memref_slice %arg7[%dma_wait3A_855, %dma_wait3A_866, %dma_wait3A_867] : memref<3x80x128xf32, #tpu.memory_space<vmem>> -> memref<1x80x128xf32, #tpu.memory_space<vmem>>
        %dma_wait3A_869 = tpu.memref_squeeze %dma_wait3A_868 : memref<1x80x128xf32, #tpu.memory_space<vmem>> -> memref<80x128xf32, #tpu.memory_space<vmem>>
        %dma_wait3A_870 = arith.constant 0 : i32
        %dma_wait3A_871 = arith.constant 0 : i32
        %dma_wait3A_872 = tpu.memref_slice %arg2[%dma_wait3A_870, %dma_wait3A_871] : memref<10000x128xf32, #tpu.memory_space<hbm>> -> memref<80x128xf32, #tpu.memory_space<hbm>>
        tpu.wait_dma2 semaphore(%dma_wait3A_865 : memref<!tpu.dma_semaphore, #tpu.memory_space<semaphore_mem>>) src(%dma_wait3A_872 : memref<80x128xf32, #tpu.memory_space<hbm>>) dst(%dma_wait3A_869 : memref<80x128xf32, #tpu.memory_space<vmem>>)
      } else {
      }
      %add3A_433 = arith.constant 3 : i32
      %add3A_434 = arith.addi %add3A_424, %add3A_433 : i32
      %lt3A_435 = arith.constant 125 : i32
      %lt3A_436 = arith.cmpi slt, %add3A_434, %lt3A_435 : i32
      %convert_element_type3A_437 = arith.extui %lt3A_436 : i1 to i32
      %cond3A_438 = arith.constant 0 : i32
      %cond3A_439 = arith.cmpi ne, %convert_element_type3A_437, %cond3A_438 : i32
      scf.if %cond3A_439 {
        %add3A_855 = arith.constant 3 : i32
        %add3A_856 = arith.addi %add3A_424, %add3A_855 : i32
        %mul3A_857 = arith.constant 80 : i32
        %mul3A_858 = arith.muli %add3A_856, %mul3A_857 : i32
        %add3A_859 = arith.addi %mul3A_2, %mul3A_858 : i32
        %dma_start3A_860 = arith.constant 4 : i32
        %dma_start3A_861 = arith.constant 4 : i32
        %dma_start3A_862 = arith.constant 0 : i32
        %dma_start3A_863 = tpu.memref_slice %arg5[%dma_start3A_860, %dma_start3A_862] : memref<5x80xi32, #tpu.memory_space<vmem>> -> memref<1x80xi32, #tpu.memory_space<vmem>>
        %dma_start3A_864 = tpu.memref_squeeze %dma_start3A_863 : memref<1x80xi32, #tpu.memory_space<vmem>> -> memref<80xi32, #tpu.memory_space<vmem>>
        %dma_start3A_865 = tpu.memref_slice %arg3[%add3A_859] : memref<640000xi32, #tpu.memory_space<hbm>> -> memref<80xi32, #tpu.memory_space<hbm>>
        %dma_start3A_866 = tpu.memref_slice %arg10[%dma_start3A_861] : memref<5x!tpu.dma_semaphore, #tpu.memory_space<semaphore_mem>> -> memref<1x!tpu.dma_semaphore, #tpu.memory_space<semaphore_mem>>
        %dma_start3A_867 = tpu.memref_squeeze %dma_start3A_866 : memref<1x!tpu.dma_semaphore, #tpu.memory_space<semaphore_mem>> -> memref<!tpu.dma_semaphore, #tpu.memory_space<semaphore_mem>>
        %dma_start3A_868 = arith.constant 0 : i32
        %dma_start3A_869 = tpu.memref_slice %arg5[%dma_start3A_860, %dma_start3A_868] : memref<5x80xi32, #tpu.memory_space<vmem>> -> memref<1x80xi32, #tpu.memory_space<vmem>>
        %dma_start3A_870 = tpu.memref_squeeze %dma_start3A_869 : memref<1x80xi32, #tpu.memory_space<vmem>> -> memref<80xi32, #tpu.memory_space<vmem>>
        %dma_start3A_871 = tpu.memref_slice %arg3[%add3A_859] : memref<640000xi32, #tpu.memory_space<hbm>> -> memref<80xi32, #tpu.memory_space<hbm>>
        tpu.enqueue_dma source(%dma_start3A_871 : memref<80xi32, #tpu.memory_space<hbm>>) target(%dma_start3A_870 : memref<80xi32, #tpu.memory_space<vmem>>) target_semaphore(%dma_start3A_867 : memref<!tpu.dma_semaphore, #tpu.memory_space<semaphore_mem>>)
        %add3A_872 = arith.constant 320000 : i32
        %add3A_873 = arith.addi %add3A_872, %mul3A_2 : i32
        %mul3A_874 = arith.constant 80 : i32
        %mul3A_875 = arith.muli %add3A_856, %mul3A_874 : i32
        %add3A_876 = arith.addi %add3A_873, %mul3A_875 : i32
        %dma_start3A_877 = arith.constant 4 : i32
        %dma_start3A_878 = arith.constant 4 : i32
        %dma_start3A_879 = arith.constant 0 : i32
        %dma_start3A_880 = tpu.memref_slice %arg6[%dma_start3A_877, %dma_start3A_879] : memref<5x80xi32, #tpu.memory_space<vmem>> -> memref<1x80xi32, #tpu.memory_space<vmem>>
        %dma_start3A_881 = tpu.memref_squeeze %dma_start3A_880 : memref<1x80xi32, #tpu.memory_space<vmem>> -> memref<80xi32, #tpu.memory_space<vmem>>
        %dma_start3A_882 = tpu.memref_slice %arg3[%add3A_876] : memref<640000xi32, #tpu.memory_space<hbm>> -> memref<80xi32, #tpu.memory_space<hbm>>
        %dma_start3A_883 = tpu.memref_slice %arg10[%dma_start3A_878] : memref<5x!tpu.dma_semaphore, #tpu.memory_space<semaphore_mem>> -> memref<1x!tpu.dma_semaphore, #tpu.memory_space<semaphore_mem>>
        %dma_start3A_884 = tpu.memref_squeeze %dma_start3A_883 : memref<1x!tpu.dma_semaphore, #tpu.memory_space<semaphore_mem>> -> memref<!tpu.dma_semaphore, #tpu.memory_space<semaphore_mem>>
        %dma_start3A_885 = arith.constant 0 : i32
        %dma_start3A_886 = tpu.memref_slice %arg6[%dma_start3A_877, %dma_start3A_885] : memref<5x80xi32, #tpu.memory_space<vmem>> -> memref<1x80xi32, #tpu.memory_space<vmem>>
        %dma_start3A_887 = tpu.memref_squeeze %dma_start3A_886 : memref<1x80xi32, #tpu.memory_space<vmem>> -> memref<80xi32, #tpu.memory_space<vmem>>
        %dma_start3A_888 = tpu.memref_slice %arg3[%add3A_876] : memref<640000xi32, #tpu.memory_space<hbm>> -> memref<80xi32, #tpu.memory_space<hbm>>
        tpu.enqueue_dma source(%dma_start3A_888 : memref<80xi32, #tpu.memory_space<hbm>>) target(%dma_start3A_887 : memref<80xi32, #tpu.memory_space<vmem>>) target_semaphore(%dma_start3A_884 : memref<!tpu.dma_semaphore, #tpu.memory_space<semaphore_mem>>)
      } else {
      }
      %add3A_440 = arith.constant 1 : i32
      %add3A_441 = arith.addi %add3A_424, %add3A_440 : i32
      %lt3A_442 = arith.constant 125 : i32
      %lt3A_443 = arith.cmpi slt, %add3A_441, %lt3A_442 : i32
      %convert_element_type3A_444 = arith.extui %lt3A_443 : i1 to i32
      %cond3A_445 = arith.constant 0 : i32
      %cond3A_446 = arith.cmpi ne, %convert_element_type3A_444, %cond3A_445 : i32
      scf.if %cond3A_446 {
        %dma_wait3A_855 = arith.constant 2 : i32
        %dma_wait3A_856 = arith.constant 2 : i32
        %dma_wait3A_857 = arith.constant 0 : i32
        %dma_wait3A_858 = tpu.memref_slice %arg5[%dma_wait3A_855, %dma_wait3A_857] : memref<5x80xi32, #tpu.memory_space<vmem>> -> memref<1x80xi32, #tpu.memory_space<vmem>>
        %dma_wait3A_859 = tpu.memref_squeeze %dma_wait3A_858 : memref<1x80xi32, #tpu.memory_space<vmem>> -> memref<80xi32, #tpu.memory_space<vmem>>
        %dma_wait3A_860 = arith.constant 0 : i32
        %dma_wait3A_861 = tpu.memref_slice %arg3[%dma_wait3A_860] : memref<640000xi32, #tpu.memory_space<hbm>> -> memref<80xi32, #tpu.memory_space<hbm>>
        %dma_wait3A_862 = tpu.memref_slice %arg10[%dma_wait3A_856] : memref<5x!tpu.dma_semaphore, #tpu.memory_space<semaphore_mem>> -> memref<1x!tpu.dma_semaphore, #tpu.memory_space<semaphore_mem>>
        %dma_wait3A_863 = tpu.memref_squeeze %dma_wait3A_862 : memref<1x!tpu.dma_semaphore, #tpu.memory_space<semaphore_mem>> -> memref<!tpu.dma_semaphore, #tpu.memory_space<semaphore_mem>>
        %dma_wait3A_864 = arith.constant 0 : i32
        %dma_wait3A_865 = tpu.memref_slice %arg5[%dma_wait3A_855, %dma_wait3A_864] : memref<5x80xi32, #tpu.memory_space<vmem>> -> memref<1x80xi32, #tpu.memory_space<vmem>>
        %dma_wait3A_866 = tpu.memref_squeeze %dma_wait3A_865 : memref<1x80xi32, #tpu.memory_space<vmem>> -> memref<80xi32, #tpu.memory_space<vmem>>
        %dma_wait3A_867 = arith.constant 0 : i32
        %dma_wait3A_868 = tpu.memref_slice %arg3[%dma_wait3A_867] : memref<640000xi32, #tpu.memory_space<hbm>> -> memref<80xi32, #tpu.memory_space<hbm>>
        tpu.wait_dma2 semaphore(%dma_wait3A_863 : memref<!tpu.dma_semaphore, #tpu.memory_space<semaphore_mem>>) src(%dma_wait3A_868 : memref<80xi32, #tpu.memory_space<hbm>>) dst(%dma_wait3A_866 : memref<80xi32, #tpu.memory_space<vmem>>)
        %dma_wait3A_869 = arith.constant 2 : i32
        %dma_wait3A_870 = arith.constant 2 : i32
        %dma_wait3A_871 = arith.constant 0 : i32
        %dma_wait3A_872 = tpu.memref_slice %arg6[%dma_wait3A_869, %dma_wait3A_871] : memref<5x80xi32, #tpu.memory_space<vmem>> -> memref<1x80xi32, #tpu.memory_space<vmem>>
        %dma_wait3A_873 = tpu.memref_squeeze %dma_wait3A_872 : memref<1x80xi32, #tpu.memory_space<vmem>> -> memref<80xi32, #tpu.memory_space<vmem>>
        %dma_wait3A_874 = arith.constant 0 : i32
        %dma_wait3A_875 = tpu.memref_slice %arg3[%dma_wait3A_874] : memref<640000xi32, #tpu.memory_space<hbm>> -> memref<80xi32, #tpu.memory_space<hbm>>
        %dma_wait3A_876 = tpu.memref_slice %arg10[%dma_wait3A_870] : memref<5x!tpu.dma_semaphore, #tpu.memory_space<semaphore_mem>> -> memref<1x!tpu.dma_semaphore, #tpu.memory_space<semaphore_mem>>
        %dma_wait3A_877 = tpu.memref_squeeze %dma_wait3A_876 : memref<1x!tpu.dma_semaphore, #tpu.memory_space<semaphore_mem>> -> memref<!tpu.dma_semaphore, #tpu.memory_space<semaphore_mem>>
        %dma_wait3A_878 = arith.constant 0 : i32
        %dma_wait3A_879 = tpu.memref_slice %arg6[%dma_wait3A_869, %dma_wait3A_878] : memref<5x80xi32, #tpu.memory_space<vmem>> -> memref<1x80xi32, #tpu.memory_space<vmem>>
        %dma_wait3A_880 = tpu.memref_squeeze %dma_wait3A_879 : memref<1x80xi32, #tpu.memory_space<vmem>> -> memref<80xi32, #tpu.memory_space<vmem>>
        %dma_wait3A_881 = arith.constant 0 : i32
        %dma_wait3A_882 = tpu.memref_slice %arg3[%dma_wait3A_881] : memref<640000xi32, #tpu.memory_space<hbm>> -> memref<80xi32, #tpu.memory_space<hbm>>
        tpu.wait_dma2 semaphore(%dma_wait3A_877 : memref<!tpu.dma_semaphore, #tpu.memory_space<semaphore_mem>>) src(%dma_wait3A_882 : memref<80xi32, #tpu.memory_space<hbm>>) dst(%dma_wait3A_880 : memref<80xi32, #tpu.memory_space<vmem>>)
        %dma_start3A_883 = arith.constant 2 : i32
        %dma_start3A_884 = arith.constant 2 : i32
        %dma_start3A_885 = arith.constant 2 : i32
        %dma_start3A_886 = arith.constant 0 : i32
        %dma_start3A_887 = arith.constant 0 : i32
        %dma_start3A_888 = tpu.memref_slice %arg7[%dma_start3A_884, %dma_start3A_886, %dma_start3A_887] : memref<3x80x128xf32, #tpu.memory_space<vmem>> -> memref<1x80x128xf32, #tpu.memory_space<vmem>>
        %dma_start3A_889 = tpu.memref_squeeze %dma_start3A_888 : memref<1x80x128xf32, #tpu.memory_space<vmem>> -> memref<80x128xf32, #tpu.memory_space<vmem>>
        %dma_start3A_890 = arith.constant 0 : i32
        %dma_start3A_891 = tpu.memref_slice %arg5[%dma_start3A_883, %dma_start3A_890] : memref<5x80xi32, #tpu.memory_space<vmem>> -> memref<1x80xi32, #tpu.memory_space<vmem>>
        %dma_start3A_892 = tpu.memref_squeeze %dma_start3A_891 : memref<1x80xi32, #tpu.memory_space<vmem>> -> memref<80xi32, #tpu.memory_space<vmem>>
        %dma_start3A_893 = arith.constant 0 : i32
        %dma_start3A_894 = arith.constant 0 : i32
        %dma_start3A_895 = tpu.memref_slice %arg2[%dma_start3A_893, %dma_start3A_894] : memref<10000x128xf32, #tpu.memory_space<hbm>> -> memref<10000x128xf32, #tpu.memory_space<hbm>>
        %dma_start3A_896 = tpu.memref_slice %arg11[%dma_start3A_885] : memref<3x!tpu.dma_semaphore, #tpu.memory_space<semaphore_mem>> -> memref<1x!tpu.dma_semaphore, #tpu.memory_space<semaphore_mem>>
        %dma_start3A_897 = tpu.memref_squeeze %dma_start3A_896 : memref<1x!tpu.dma_semaphore, #tpu.memory_space<semaphore_mem>> -> memref<!tpu.dma_semaphore, #tpu.memory_space<semaphore_mem>>
        tpu.enqueue_indirect_dma source(%dma_start3A_895 : memref<10000x128xf32, #tpu.memory_space<hbm>>) target(%dma_start3A_889 : memref<80x128xf32, #tpu.memory_space<vmem>>) offsets(%dma_start3A_892 : memref<80xi32, #tpu.memory_space<vmem>>) semaphore(%dma_start3A_897 : memref<!tpu.dma_semaphore, #tpu.memory_space<semaphore_mem>>)
      } else {
      }
      %lt3A_447 = arith.constant 125 : i32
      %lt3A_448 = arith.cmpi slt, %add3A_424, %lt3A_447 : i32
      %convert_element_type3A_449 = arith.extui %lt3A_448 : i1 to i32
      %cond3A_450 = arith.constant 0 : i32
      %cond3A_451 = arith.cmpi ne, %convert_element_type3A_449, %cond3A_450 : i32
      scf.if %cond3A_451 {
        %dma_wait3A_855 = arith.constant 1 : i32
        %dma_wait3A_856 = arith.constant 1 : i32
        %dma_wait3A_857 = arith.constant 0 : i32
        %dma_wait3A_858 = arith.constant 0 : i32
        %dma_wait3A_859 = tpu.memref_slice %arg7[%dma_wait3A_855, %dma_wait3A_857, %dma_wait3A_858] : memref<3x80x128xf32, #tpu.memory_space<vmem>> -> memref<1x80x128xf32, #tpu.memory_space<vmem>>
        %dma_wait3A_860 = tpu.memref_squeeze %dma_wait3A_859 : memref<1x80x128xf32, #tpu.memory_space<vmem>> -> memref<80x128xf32, #tpu.memory_space<vmem>>
        %dma_wait3A_861 = arith.constant 0 : i32
        %dma_wait3A_862 = arith.constant 0 : i32
        %dma_wait3A_863 = tpu.memref_slice %arg2[%dma_wait3A_861, %dma_wait3A_862] : memref<10000x128xf32, #tpu.memory_space<hbm>> -> memref<80x128xf32, #tpu.memory_space<hbm>>
        %dma_wait3A_864 = tpu.memref_slice %arg11[%dma_wait3A_856] : memref<3x!tpu.dma_semaphore, #tpu.memory_space<semaphore_mem>> -> memref<1x!tpu.dma_semaphore, #tpu.memory_space<semaphore_mem>>
        %dma_wait3A_865 = tpu.memref_squeeze %dma_wait3A_864 : memref<1x!tpu.dma_semaphore, #tpu.memory_space<semaphore_mem>> -> memref<!tpu.dma_semaphore, #tpu.memory_space<semaphore_mem>>
        %dma_wait3A_866 = arith.constant 0 : i32
        %dma_wait3A_867 = arith.constant 0 : i32
        %dma_wait3A_868 = tpu.memref_slice %arg7[%dma_wait3A_855, %dma_wait3A_866, %dma_wait3A_867] : memref<3x80x128xf32, #tpu.memory_space<vmem>> -> memref<1x80x128xf32, #tpu.memory_space<vmem>>
        %dma_wait3A_869 = tpu.memref_squeeze %dma_wait3A_868 : memref<1x80x128xf32, #tpu.memory_space<vmem>> -> memref<80x128xf32, #tpu.memory_space<vmem>>
        %dma_wait3A_870 = arith.constant 0 : i32
        %dma_wait3A_871 = arith.constant 0 : i32
        %dma_wait3A_872 = tpu.memref_slice %arg2[%dma_wait3A_870, %dma_wait3A_871] : memref<10000x128xf32, #tpu.memory_space<hbm>> -> memref<80x128xf32, #tpu.memory_space<hbm>>
        tpu.wait_dma2 semaphore(%dma_wait3A_865 : memref<!tpu.dma_semaphore, #tpu.memory_space<semaphore_mem>>) src(%dma_wait3A_872 : memref<80x128xf32, #tpu.memory_space<hbm>>) dst(%dma_wait3A_869 : memref<80x128xf32, #tpu.memory_space<vmem>>)
        %dma_start3A_873 = arith.constant 1 : i32
        %dma_start3A_874 = arith.constant 1 : i32
        %dma_start3A_875 = arith.constant 1 : i32
        %dma_start3A_876 = arith.constant 0 : i32
        %dma_start3A_877 = arith.constant 0 : i32
        %dma_start3A_878 = tpu.memref_slice %arg7[%dma_start3A_873, %dma_start3A_876, %dma_start3A_877] : memref<3x80x128xf32, #tpu.memory_space<vmem>> -> memref<1x80x128xf32, #tpu.memory_space<vmem>>
        %dma_start3A_879 = tpu.memref_squeeze %dma_start3A_878 : memref<1x80x128xf32, #tpu.memory_space<vmem>> -> memref<80x128xf32, #tpu.memory_space<vmem>>
        %dma_start3A_880 = arith.constant 0 : i32
        %dma_start3A_881 = tpu.memref_slice %arg6[%dma_start3A_874, %dma_start3A_880] : memref<5x80xi32, #tpu.memory_space<vmem>> -> memref<1x80xi32, #tpu.memory_space<vmem>>
        %dma_start3A_882 = tpu.memref_squeeze %dma_start3A_881 : memref<1x80xi32, #tpu.memory_space<vmem>> -> memref<80xi32, #tpu.memory_space<vmem>>
        %dma_start3A_883 = arith.constant 0 : i32
        %dma_start3A_884 = arith.constant 0 : i32
        %dma_start3A_885 = tpu.memref_slice %arg9[%dma_start3A_883, %dma_start3A_884] : memref<10000x128xf32, #tpu.memory_space<vmem_shared>> -> memref<10000x128xf32, #tpu.memory_space<vmem_shared>>
        %dma_start3A_886 = tpu.memref_slice %arg12[%dma_start3A_875] : memref<3x!tpu.dma_semaphore, #tpu.memory_space<semaphore_mem>> -> memref<1x!tpu.dma_semaphore, #tpu.memory_space<semaphore_mem>>
        %dma_start3A_887 = tpu.memref_squeeze %dma_start3A_886 : memref<1x!tpu.dma_semaphore, #tpu.memory_space<semaphore_mem>> -> memref<!tpu.dma_semaphore, #tpu.memory_space<semaphore_mem>>
        tpu.enqueue_indirect_dma source(%dma_start3A_879 : memref<80x128xf32, #tpu.memory_space<vmem>>) target(%dma_start3A_885 : memref<10000x128xf32, #tpu.memory_space<vmem_shared>>) offsets(%dma_start3A_882 : memref<80xi32, #tpu.memory_space<vmem>>) semaphore(%dma_start3A_887 : memref<!tpu.dma_semaphore, #tpu.memory_space<semaphore_mem>>) {add = true}
      } else {
      }
      %mul3A_452 = arith.constant 15 : i32
      %mul3A_453 = arith.muli %scan3A_392, %mul3A_452 : i32
      %add3A_454 = arith.constant 2 : i32
      %add3A_455 = arith.addi %mul3A_453, %add3A_454 : i32
      %ge3A_456 = arith.constant 2 : i32
      %ge3A_457 = arith.cmpi sge, %add3A_455, %ge3A_456 : i32
      %lt3A_458 = arith.constant 127 : i32
      %lt3A_459 = arith.cmpi slt, %add3A_455, %lt3A_458 : i32
      %and3A_460 = arith.andi %ge3A_457, %lt3A_459 : i1
      %convert_element_type3A_461 = arith.extui %and3A_460 : i1 to i32
      %cond3A_462 = arith.constant 0 : i32
      %cond3A_463 = arith.cmpi ne, %convert_element_type3A_461, %cond3A_462 : i32
      scf.if %cond3A_463 {
        %dma_wait3A_855 = arith.constant 0 : i32
        %dma_wait3A_856 = arith.constant 0 : i32
        %dma_wait3A_857 = arith.constant 0 : i32
        %dma_wait3A_858 = arith.constant 0 : i32
        %dma_wait3A_859 = tpu.memref_slice %arg7[%dma_wait3A_855, %dma_wait3A_857, %dma_wait3A_858] : memref<3x80x128xf32, #tpu.memory_space<vmem>> -> memref<1x80x128xf32, #tpu.memory_space<vmem>>
        %dma_wait3A_860 = tpu.memref_squeeze %dma_wait3A_859 : memref<1x80x128xf32, #tpu.memory_space<vmem>> -> memref<80x128xf32, #tpu.memory_space<vmem>>
        %dma_wait3A_861 = arith.constant 0 : i32
        %dma_wait3A_862 = arith.constant 0 : i32
        %dma_wait3A_863 = tpu.memref_slice %arg2[%dma_wait3A_861, %dma_wait3A_862] : memref<10000x128xf32, #tpu.memory_space<hbm>> -> memref<80x128xf32, #tpu.memory_space<hbm>>
        %dma_wait3A_864 = tpu.memref_slice %arg12[%dma_wait3A_856] : memref<3x!tpu.dma_semaphore, #tpu.memory_space<semaphore_mem>> -> memref<1x!tpu.dma_semaphore, #tpu.memory_space<semaphore_mem>>
        %dma_wait3A_865 = tpu.memref_squeeze %dma_wait3A_864 : memref<1x!tpu.dma_semaphore, #tpu.memory_space<semaphore_mem>> -> memref<!tpu.dma_semaphore, #tpu.memory_space<semaphore_mem>>
        %dma_wait3A_866 = arith.constant 0 : i32
        %dma_wait3A_867 = arith.constant 0 : i32
        %dma_wait3A_868 = tpu.memref_slice %arg7[%dma_wait3A_855, %dma_wait3A_866, %dma_wait3A_867] : memref<3x80x128xf32, #tpu.memory_space<vmem>> -> memref<1x80x128xf32, #tpu.memory_space<vmem>>
        %dma_wait3A_869 = tpu.memref_squeeze %dma_wait3A_868 : memref<1x80x128xf32, #tpu.memory_space<vmem>> -> memref<80x128xf32, #tpu.memory_space<vmem>>
        %dma_wait3A_870 = arith.constant 0 : i32
        %dma_wait3A_871 = arith.constant 0 : i32
        %dma_wait3A_872 = tpu.memref_slice %arg2[%dma_wait3A_870, %dma_wait3A_871] : memref<10000x128xf32, #tpu.memory_space<hbm>> -> memref<80x128xf32, #tpu.memory_space<hbm>>
        tpu.wait_dma2 semaphore(%dma_wait3A_865 : memref<!tpu.dma_semaphore, #tpu.memory_space<semaphore_mem>>) src(%dma_wait3A_872 : memref<80x128xf32, #tpu.memory_space<hbm>>) dst(%dma_wait3A_869 : memref<80x128xf32, #tpu.memory_space<vmem>>)
      } else {
      }
      %add3A_464 = arith.constant 3 : i32
      %add3A_465 = arith.addi %add3A_455, %add3A_464 : i32
      %lt3A_466 = arith.constant 125 : i32
      %lt3A_467 = arith.cmpi slt, %add3A_465, %lt3A_466 : i32
      %convert_element_type3A_468 = arith.extui %lt3A_467 : i1 to i32
      %cond3A_469 = arith.constant 0 : i32
      %cond3A_470 = arith.cmpi ne, %convert_element_type3A_468, %cond3A_469 : i32
      scf.if %cond3A_470 {
        %add3A_855 = arith.constant 3 : i32
        %add3A_856 = arith.addi %add3A_455, %add3A_855 : i32
        %mul3A_857 = arith.constant 80 : i32
        %mul3A_858 = arith.muli %add3A_856, %mul3A_857 : i32
        %add3A_859 = arith.addi %mul3A_2, %mul3A_858 : i32
        %dma_start3A_860 = arith.constant 0 : i32
        %dma_start3A_861 = arith.constant 0 : i32
        %dma_start3A_862 = arith.constant 0 : i32
        %dma_start3A_863 = tpu.memref_slice %arg5[%dma_start3A_860, %dma_start3A_862] : memref<5x80xi32, #tpu.memory_space<vmem>> -> memref<1x80xi32, #tpu.memory_space<vmem>>
        %dma_start3A_864 = tpu.memref_squeeze %dma_start3A_863 : memref<1x80xi32, #tpu.memory_space<vmem>> -> memref<80xi32, #tpu.memory_space<vmem>>
        %dma_start3A_865 = tpu.memref_slice %arg3[%add3A_859] : memref<640000xi32, #tpu.memory_space<hbm>> -> memref<80xi32, #tpu.memory_space<hbm>>
        %dma_start3A_866 = tpu.memref_slice %arg10[%dma_start3A_861] : memref<5x!tpu.dma_semaphore, #tpu.memory_space<semaphore_mem>> -> memref<1x!tpu.dma_semaphore, #tpu.memory_space<semaphore_mem>>
        %dma_start3A_867 = tpu.memref_squeeze %dma_start3A_866 : memref<1x!tpu.dma_semaphore, #tpu.memory_space<semaphore_mem>> -> memref<!tpu.dma_semaphore, #tpu.memory_space<semaphore_mem>>
        %dma_start3A_868 = arith.constant 0 : i32
        %dma_start3A_869 = tpu.memref_slice %arg5[%dma_start3A_860, %dma_start3A_868] : memref<5x80xi32, #tpu.memory_space<vmem>> -> memref<1x80xi32, #tpu.memory_space<vmem>>
        %dma_start3A_870 = tpu.memref_squeeze %dma_start3A_869 : memref<1x80xi32, #tpu.memory_space<vmem>> -> memref<80xi32, #tpu.memory_space<vmem>>
        %dma_start3A_871 = tpu.memref_slice %arg3[%add3A_859] : memref<640000xi32, #tpu.memory_space<hbm>> -> memref<80xi32, #tpu.memory_space<hbm>>
        tpu.enqueue_dma source(%dma_start3A_871 : memref<80xi32, #tpu.memory_space<hbm>>) target(%dma_start3A_870 : memref<80xi32, #tpu.memory_space<vmem>>) target_semaphore(%dma_start3A_867 : memref<!tpu.dma_semaphore, #tpu.memory_space<semaphore_mem>>)
        %add3A_872 = arith.constant 320000 : i32
        %add3A_873 = arith.addi %add3A_872, %mul3A_2 : i32
        %mul3A_874 = arith.constant 80 : i32
        %mul3A_875 = arith.muli %add3A_856, %mul3A_874 : i32
        %add3A_876 = arith.addi %add3A_873, %mul3A_875 : i32
        %dma_start3A_877 = arith.constant 0 : i32
        %dma_start3A_878 = arith.constant 0 : i32
        %dma_start3A_879 = arith.constant 0 : i32
        %dma_start3A_880 = tpu.memref_slice %arg6[%dma_start3A_877, %dma_start3A_879] : memref<5x80xi32, #tpu.memory_space<vmem>> -> memref<1x80xi32, #tpu.memory_space<vmem>>
        %dma_start3A_881 = tpu.memref_squeeze %dma_start3A_880 : memref<1x80xi32, #tpu.memory_space<vmem>> -> memref<80xi32, #tpu.memory_space<vmem>>
        %dma_start3A_882 = tpu.memref_slice %arg3[%add3A_876] : memref<640000xi32, #tpu.memory_space<hbm>> -> memref<80xi32, #tpu.memory_space<hbm>>
        %dma_start3A_883 = tpu.memref_slice %arg10[%dma_start3A_878] : memref<5x!tpu.dma_semaphore, #tpu.memory_space<semaphore_mem>> -> memref<1x!tpu.dma_semaphore, #tpu.memory_space<semaphore_mem>>
        %dma_start3A_884 = tpu.memref_squeeze %dma_start3A_883 : memref<1x!tpu.dma_semaphore, #tpu.memory_space<semaphore_mem>> -> memref<!tpu.dma_semaphore, #tpu.memory_space<semaphore_mem>>
        %dma_start3A_885 = arith.constant 0 : i32
        %dma_start3A_886 = tpu.memref_slice %arg6[%dma_start3A_877, %dma_start3A_885] : memref<5x80xi32, #tpu.memory_space<vmem>> -> memref<1x80xi32, #tpu.memory_space<vmem>>
        %dma_start3A_887 = tpu.memref_squeeze %dma_start3A_886 : memref<1x80xi32, #tpu.memory_space<vmem>> -> memref<80xi32, #tpu.memory_space<vmem>>
        %dma_start3A_888 = tpu.memref_slice %arg3[%add3A_876] : memref<640000xi32, #tpu.memory_space<hbm>> -> memref<80xi32, #tpu.memory_space<hbm>>
        tpu.enqueue_dma source(%dma_start3A_888 : memref<80xi32, #tpu.memory_space<hbm>>) target(%dma_start3A_887 : memref<80xi32, #tpu.memory_space<vmem>>) target_semaphore(%dma_start3A_884 : memref<!tpu.dma_semaphore, #tpu.memory_space<semaphore_mem>>)
      } else {
      }
      %add3A_471 = arith.constant 1 : i32
      %add3A_472 = arith.addi %add3A_455, %add3A_471 : i32
      %lt3A_473 = arith.constant 125 : i32
      %lt3A_474 = arith.cmpi slt, %add3A_472, %lt3A_473 : i32
      %convert_element_type3A_475 = arith.extui %lt3A_474 : i1 to i32
      %cond3A_476 = arith.constant 0 : i32
      %cond3A_477 = arith.cmpi ne, %convert_element_type3A_475, %cond3A_476 : i32
      scf.if %cond3A_477 {
        %dma_wait3A_855 = arith.constant 3 : i32
        %dma_wait3A_856 = arith.constant 3 : i32
        %dma_wait3A_857 = arith.constant 0 : i32
        %dma_wait3A_858 = tpu.memref_slice %arg5[%dma_wait3A_855, %dma_wait3A_857] : memref<5x80xi32, #tpu.memory_space<vmem>> -> memref<1x80xi32, #tpu.memory_space<vmem>>
        %dma_wait3A_859 = tpu.memref_squeeze %dma_wait3A_858 : memref<1x80xi32, #tpu.memory_space<vmem>> -> memref<80xi32, #tpu.memory_space<vmem>>
        %dma_wait3A_860 = arith.constant 0 : i32
        %dma_wait3A_861 = tpu.memref_slice %arg3[%dma_wait3A_860] : memref<640000xi32, #tpu.memory_space<hbm>> -> memref<80xi32, #tpu.memory_space<hbm>>
        %dma_wait3A_862 = tpu.memref_slice %arg10[%dma_wait3A_856] : memref<5x!tpu.dma_semaphore, #tpu.memory_space<semaphore_mem>> -> memref<1x!tpu.dma_semaphore, #tpu.memory_space<semaphore_mem>>
        %dma_wait3A_863 = tpu.memref_squeeze %dma_wait3A_862 : memref<1x!tpu.dma_semaphore, #tpu.memory_space<semaphore_mem>> -> memref<!tpu.dma_semaphore, #tpu.memory_space<semaphore_mem>>
        %dma_wait3A_864 = arith.constant 0 : i32
        %dma_wait3A_865 = tpu.memref_slice %arg5[%dma_wait3A_855, %dma_wait3A_864] : memref<5x80xi32, #tpu.memory_space<vmem>> -> memref<1x80xi32, #tpu.memory_space<vmem>>
        %dma_wait3A_866 = tpu.memref_squeeze %dma_wait3A_865 : memref<1x80xi32, #tpu.memory_space<vmem>> -> memref<80xi32, #tpu.memory_space<vmem>>
        %dma_wait3A_867 = arith.constant 0 : i32
        %dma_wait3A_868 = tpu.memref_slice %arg3[%dma_wait3A_867] : memref<640000xi32, #tpu.memory_space<hbm>> -> memref<80xi32, #tpu.memory_space<hbm>>
        tpu.wait_dma2 semaphore(%dma_wait3A_863 : memref<!tpu.dma_semaphore, #tpu.memory_space<semaphore_mem>>) src(%dma_wait3A_868 : memref<80xi32, #tpu.memory_space<hbm>>) dst(%dma_wait3A_866 : memref<80xi32, #tpu.memory_space<vmem>>)
        %dma_wait3A_869 = arith.constant 3 : i32
        %dma_wait3A_870 = arith.constant 3 : i32
        %dma_wait3A_871 = arith.constant 0 : i32
        %dma_wait3A_872 = tpu.memref_slice %arg6[%dma_wait3A_869, %dma_wait3A_871] : memref<5x80xi32, #tpu.memory_space<vmem>> -> memref<1x80xi32, #tpu.memory_space<vmem>>
        %dma_wait3A_873 = tpu.memref_squeeze %dma_wait3A_872 : memref<1x80xi32, #tpu.memory_space<vmem>> -> memref<80xi32, #tpu.memory_space<vmem>>
        %dma_wait3A_874 = arith.constant 0 : i32
        %dma_wait3A_875 = tpu.memref_slice %arg3[%dma_wait3A_874] : memref<640000xi32, #tpu.memory_space<hbm>> -> memref<80xi32, #tpu.memory_space<hbm>>
        %dma_wait3A_876 = tpu.memref_slice %arg10[%dma_wait3A_870] : memref<5x!tpu.dma_semaphore, #tpu.memory_space<semaphore_mem>> -> memref<1x!tpu.dma_semaphore, #tpu.memory_space<semaphore_mem>>
        %dma_wait3A_877 = tpu.memref_squeeze %dma_wait3A_876 : memref<1x!tpu.dma_semaphore, #tpu.memory_space<semaphore_mem>> -> memref<!tpu.dma_semaphore, #tpu.memory_space<semaphore_mem>>
        %dma_wait3A_878 = arith.constant 0 : i32
        %dma_wait3A_879 = tpu.memref_slice %arg6[%dma_wait3A_869, %dma_wait3A_878] : memref<5x80xi32, #tpu.memory_space<vmem>> -> memref<1x80xi32, #tpu.memory_space<vmem>>
        %dma_wait3A_880 = tpu.memref_squeeze %dma_wait3A_879 : memref<1x80xi32, #tpu.memory_space<vmem>> -> memref<80xi32, #tpu.memory_space<vmem>>
        %dma_wait3A_881 = arith.constant 0 : i32
        %dma_wait3A_882 = tpu.memref_slice %arg3[%dma_wait3A_881] : memref<640000xi32, #tpu.memory_space<hbm>> -> memref<80xi32, #tpu.memory_space<hbm>>
        tpu.wait_dma2 semaphore(%dma_wait3A_877 : memref<!tpu.dma_semaphore, #tpu.memory_space<semaphore_mem>>) src(%dma_wait3A_882 : memref<80xi32, #tpu.memory_space<hbm>>) dst(%dma_wait3A_880 : memref<80xi32, #tpu.memory_space<vmem>>)
        %dma_start3A_883 = arith.constant 3 : i32
        %dma_start3A_884 = arith.constant 0 : i32
        %dma_start3A_885 = arith.constant 0 : i32
        %dma_start3A_886 = arith.constant 0 : i32
        %dma_start3A_887 = arith.constant 0 : i32
        %dma_start3A_888 = tpu.memref_slice %arg7[%dma_start3A_884, %dma_start3A_886, %dma_start3A_887] : memref<3x80x128xf32, #tpu.memory_space<vmem>> -> memref<1x80x128xf32, #tpu.memory_space<vmem>>
        %dma_start3A_889 = tpu.memref_squeeze %dma_start3A_888 : memref<1x80x128xf32, #tpu.memory_space<vmem>> -> memref<80x128xf32, #tpu.memory_space<vmem>>
        %dma_start3A_890 = arith.constant 0 : i32
        %dma_start3A_891 = tpu.memref_slice %arg5[%dma_start3A_883, %dma_start3A_890] : memref<5x80xi32, #tpu.memory_space<vmem>> -> memref<1x80xi32, #tpu.memory_space<vmem>>
        %dma_start3A_892 = tpu.memref_squeeze %dma_start3A_891 : memref<1x80xi32, #tpu.memory_space<vmem>> -> memref<80xi32, #tpu.memory_space<vmem>>
        %dma_start3A_893 = arith.constant 0 : i32
        %dma_start3A_894 = arith.constant 0 : i32
        %dma_start3A_895 = tpu.memref_slice %arg2[%dma_start3A_893, %dma_start3A_894] : memref<10000x128xf32, #tpu.memory_space<hbm>> -> memref<10000x128xf32, #tpu.memory_space<hbm>>
        %dma_start3A_896 = tpu.memref_slice %arg11[%dma_start3A_885] : memref<3x!tpu.dma_semaphore, #tpu.memory_space<semaphore_mem>> -> memref<1x!tpu.dma_semaphore, #tpu.memory_space<semaphore_mem>>
        %dma_start3A_897 = tpu.memref_squeeze %dma_start3A_896 : memref<1x!tpu.dma_semaphore, #tpu.memory_space<semaphore_mem>> -> memref<!tpu.dma_semaphore, #tpu.memory_space<semaphore_mem>>
        tpu.enqueue_indirect_dma source(%dma_start3A_895 : memref<10000x128xf32, #tpu.memory_space<hbm>>) target(%dma_start3A_889 : memref<80x128xf32, #tpu.memory_space<vmem>>) offsets(%dma_start3A_892 : memref<80xi32, #tpu.memory_space<vmem>>) semaphore(%dma_start3A_897 : memref<!tpu.dma_semaphore, #tpu.memory_space<semaphore_mem>>)
      } else {
      }
      %lt3A_478 = arith.constant 125 : i32
      %lt3A_479 = arith.cmpi slt, %add3A_455, %lt3A_478 : i32
      %convert_element_type3A_480 = arith.extui %lt3A_479 : i1 to i32
      %cond3A_481 = arith.constant 0 : i32
      %cond3A_482 = arith.cmpi ne, %convert_element_type3A_480, %cond3A_481 : i32
      scf.if %cond3A_482 {
        %dma_wait3A_855 = arith.constant 2 : i32
        %dma_wait3A_856 = arith.constant 2 : i32
        %dma_wait3A_857 = arith.constant 0 : i32
        %dma_wait3A_858 = arith.constant 0 : i32
        %dma_wait3A_859 = tpu.memref_slice %arg7[%dma_wait3A_855, %dma_wait3A_857, %dma_wait3A_858] : memref<3x80x128xf32, #tpu.memory_space<vmem>> -> memref<1x80x128xf32, #tpu.memory_space<vmem>>
        %dma_wait3A_860 = tpu.memref_squeeze %dma_wait3A_859 : memref<1x80x128xf32, #tpu.memory_space<vmem>> -> memref<80x128xf32, #tpu.memory_space<vmem>>
        %dma_wait3A_861 = arith.constant 0 : i32
        %dma_wait3A_862 = arith.constant 0 : i32
        %dma_wait3A_863 = tpu.memref_slice %arg2[%dma_wait3A_861, %dma_wait3A_862] : memref<10000x128xf32, #tpu.memory_space<hbm>> -> memref<80x128xf32, #tpu.memory_space<hbm>>
        %dma_wait3A_864 = tpu.memref_slice %arg11[%dma_wait3A_856] : memref<3x!tpu.dma_semaphore, #tpu.memory_space<semaphore_mem>> -> memref<1x!tpu.dma_semaphore, #tpu.memory_space<semaphore_mem>>
        %dma_wait3A_865 = tpu.memref_squeeze %dma_wait3A_864 : memref<1x!tpu.dma_semaphore, #tpu.memory_space<semaphore_mem>> -> memref<!tpu.dma_semaphore, #tpu.memory_space<semaphore_mem>>
        %dma_wait3A_866 = arith.constant 0 : i32
        %dma_wait3A_867 = arith.constant 0 : i32
        %dma_wait3A_868 = tpu.memref_slice %arg7[%dma_wait3A_855, %dma_wait3A_866, %dma_wait3A_867] : memref<3x80x128xf32, #tpu.memory_space<vmem>> -> memref<1x80x128xf32, #tpu.memory_space<vmem>>
        %dma_wait3A_869 = tpu.memref_squeeze %dma_wait3A_868 : memref<1x80x128xf32, #tpu.memory_space<vmem>> -> memref<80x128xf32, #tpu.memory_space<vmem>>
        %dma_wait3A_870 = arith.constant 0 : i32
        %dma_wait3A_871 = arith.constant 0 : i32
        %dma_wait3A_872 = tpu.memref_slice %arg2[%dma_wait3A_870, %dma_wait3A_871] : memref<10000x128xf32, #tpu.memory_space<hbm>> -> memref<80x128xf32, #tpu.memory_space<hbm>>
        tpu.wait_dma2 semaphore(%dma_wait3A_865 : memref<!tpu.dma_semaphore, #tpu.memory_space<semaphore_mem>>) src(%dma_wait3A_872 : memref<80x128xf32, #tpu.memory_space<hbm>>) dst(%dma_wait3A_869 : memref<80x128xf32, #tpu.memory_space<vmem>>)
        %dma_start3A_873 = arith.constant 2 : i32
        %dma_start3A_874 = arith.constant 2 : i32
        %dma_start3A_875 = arith.constant 2 : i32
        %dma_start3A_876 = arith.constant 0 : i32
        %dma_start3A_877 = arith.constant 0 : i32
        %dma_start3A_878 = tpu.memref_slice %arg7[%dma_start3A_873, %dma_start3A_876, %dma_start3A_877] : memref<3x80x128xf32, #tpu.memory_space<vmem>> -> memref<1x80x128xf32, #tpu.memory_space<vmem>>
        %dma_start3A_879 = tpu.memref_squeeze %dma_start3A_878 : memref<1x80x128xf32, #tpu.memory_space<vmem>> -> memref<80x128xf32, #tpu.memory_space<vmem>>
        %dma_start3A_880 = arith.constant 0 : i32
        %dma_start3A_881 = tpu.memref_slice %arg6[%dma_start3A_874, %dma_start3A_880] : memref<5x80xi32, #tpu.memory_space<vmem>> -> memref<1x80xi32, #tpu.memory_space<vmem>>
        %dma_start3A_882 = tpu.memref_squeeze %dma_start3A_881 : memref<1x80xi32, #tpu.memory_space<vmem>> -> memref<80xi32, #tpu.memory_space<vmem>>
        %dma_start3A_883 = arith.constant 0 : i32
        %dma_start3A_884 = arith.constant 0 : i32
        %dma_start3A_885 = tpu.memref_slice %arg9[%dma_start3A_883, %dma_start3A_884] : memref<10000x128xf32, #tpu.memory_space<vmem_shared>> -> memref<10000x128xf32, #tpu.memory_space<vmem_shared>>
        %dma_start3A_886 = tpu.memref_slice %arg12[%dma_start3A_875] : memref<3x!tpu.dma_semaphore, #tpu.memory_space<semaphore_mem>> -> memref<1x!tpu.dma_semaphore, #tpu.memory_space<semaphore_mem>>
        %dma_start3A_887 = tpu.memref_squeeze %dma_start3A_886 : memref<1x!tpu.dma_semaphore, #tpu.memory_space<semaphore_mem>> -> memref<!tpu.dma_semaphore, #tpu.memory_space<semaphore_mem>>
        tpu.enqueue_indirect_dma source(%dma_start3A_879 : memref<80x128xf32, #tpu.memory_space<vmem>>) target(%dma_start3A_885 : memref<10000x128xf32, #tpu.memory_space<vmem_shared>>) offsets(%dma_start3A_882 : memref<80xi32, #tpu.memory_space<vmem>>) semaphore(%dma_start3A_887 : memref<!tpu.dma_semaphore, #tpu.memory_space<semaphore_mem>>) {add = true}
      } else {
      }
      %mul3A_483 = arith.constant 15 : i32
      %mul3A_484 = arith.muli %scan3A_392, %mul3A_483 : i32
      %add3A_485 = arith.constant 3 : i32
      %add3A_486 = arith.addi %mul3A_484, %add3A_485 : i32
      %ge3A_487 = arith.constant 2 : i32
      %ge3A_488 = arith.cmpi sge, %add3A_486, %ge3A_487 : i32
      %lt3A_489 = arith.constant 127 : i32
      %lt3A_490 = arith.cmpi slt, %add3A_486, %lt3A_489 : i32
      %and3A_491 = arith.andi %ge3A_488, %lt3A_490 : i1
      %convert_element_type3A_492 = arith.extui %and3A_491 : i1 to i32
      %cond3A_493 = arith.constant 0 : i32
      %cond3A_494 = arith.cmpi ne, %convert_element_type3A_492, %cond3A_493 : i32
      scf.if %cond3A_494 {
        %dma_wait3A_855 = arith.constant 1 : i32
        %dma_wait3A_856 = arith.constant 1 : i32
        %dma_wait3A_857 = arith.constant 0 : i32
        %dma_wait3A_858 = arith.constant 0 : i32
        %dma_wait3A_859 = tpu.memref_slice %arg7[%dma_wait3A_855, %dma_wait3A_857, %dma_wait3A_858] : memref<3x80x128xf32, #tpu.memory_space<vmem>> -> memref<1x80x128xf32, #tpu.memory_space<vmem>>
        %dma_wait3A_860 = tpu.memref_squeeze %dma_wait3A_859 : memref<1x80x128xf32, #tpu.memory_space<vmem>> -> memref<80x128xf32, #tpu.memory_space<vmem>>
        %dma_wait3A_861 = arith.constant 0 : i32
        %dma_wait3A_862 = arith.constant 0 : i32
        %dma_wait3A_863 = tpu.memref_slice %arg2[%dma_wait3A_861, %dma_wait3A_862] : memref<10000x128xf32, #tpu.memory_space<hbm>> -> memref<80x128xf32, #tpu.memory_space<hbm>>
        %dma_wait3A_864 = tpu.memref_slice %arg12[%dma_wait3A_856] : memref<3x!tpu.dma_semaphore, #tpu.memory_space<semaphore_mem>> -> memref<1x!tpu.dma_semaphore, #tpu.memory_space<semaphore_mem>>
        %dma_wait3A_865 = tpu.memref_squeeze %dma_wait3A_864 : memref<1x!tpu.dma_semaphore, #tpu.memory_space<semaphore_mem>> -> memref<!tpu.dma_semaphore, #tpu.memory_space<semaphore_mem>>
        %dma_wait3A_866 = arith.constant 0 : i32
        %dma_wait3A_867 = arith.constant 0 : i32
        %dma_wait3A_868 = tpu.memref_slice %arg7[%dma_wait3A_855, %dma_wait3A_866, %dma_wait3A_867] : memref<3x80x128xf32, #tpu.memory_space<vmem>> -> memref<1x80x128xf32, #tpu.memory_space<vmem>>
        %dma_wait3A_869 = tpu.memref_squeeze %dma_wait3A_868 : memref<1x80x128xf32, #tpu.memory_space<vmem>> -> memref<80x128xf32, #tpu.memory_space<vmem>>
        %dma_wait3A_870 = arith.constant 0 : i32
        %dma_wait3A_871 = arith.constant 0 : i32
        %dma_wait3A_872 = tpu.memref_slice %arg2[%dma_wait3A_870, %dma_wait3A_871] : memref<10000x128xf32, #tpu.memory_space<hbm>> -> memref<80x128xf32, #tpu.memory_space<hbm>>
        tpu.wait_dma2 semaphore(%dma_wait3A_865 : memref<!tpu.dma_semaphore, #tpu.memory_space<semaphore_mem>>) src(%dma_wait3A_872 : memref<80x128xf32, #tpu.memory_space<hbm>>) dst(%dma_wait3A_869 : memref<80x128xf32, #tpu.memory_space<vmem>>)
      } else {
      }
      %add3A_495 = arith.constant 3 : i32
      %add3A_496 = arith.addi %add3A_486, %add3A_495 : i32
      %lt3A_497 = arith.constant 125 : i32
      %lt3A_498 = arith.cmpi slt, %add3A_496, %lt3A_497 : i32
      %convert_element_type3A_499 = arith.extui %lt3A_498 : i1 to i32
      %cond3A_500 = arith.constant 0 : i32
      %cond3A_501 = arith.cmpi ne, %convert_element_type3A_499, %cond3A_500 : i32
      scf.if %cond3A_501 {
        %add3A_855 = arith.constant 3 : i32
        %add3A_856 = arith.addi %add3A_486, %add3A_855 : i32
        %mul3A_857 = arith.constant 80 : i32
        %mul3A_858 = arith.muli %add3A_856, %mul3A_857 : i32
        %add3A_859 = arith.addi %mul3A_2, %mul3A_858 : i32
        %dma_start3A_860 = arith.constant 1 : i32
        %dma_start3A_861 = arith.constant 1 : i32
        %dma_start3A_862 = arith.constant 0 : i32
        %dma_start3A_863 = tpu.memref_slice %arg5[%dma_start3A_860, %dma_start3A_862] : memref<5x80xi32, #tpu.memory_space<vmem>> -> memref<1x80xi32, #tpu.memory_space<vmem>>
        %dma_start3A_864 = tpu.memref_squeeze %dma_start3A_863 : memref<1x80xi32, #tpu.memory_space<vmem>> -> memref<80xi32, #tpu.memory_space<vmem>>
        %dma_start3A_865 = tpu.memref_slice %arg3[%add3A_859] : memref<640000xi32, #tpu.memory_space<hbm>> -> memref<80xi32, #tpu.memory_space<hbm>>
        %dma_start3A_866 = tpu.memref_slice %arg10[%dma_start3A_861] : memref<5x!tpu.dma_semaphore, #tpu.memory_space<semaphore_mem>> -> memref<1x!tpu.dma_semaphore, #tpu.memory_space<semaphore_mem>>
        %dma_start3A_867 = tpu.memref_squeeze %dma_start3A_866 : memref<1x!tpu.dma_semaphore, #tpu.memory_space<semaphore_mem>> -> memref<!tpu.dma_semaphore, #tpu.memory_space<semaphore_mem>>
        %dma_start3A_868 = arith.constant 0 : i32
        %dma_start3A_869 = tpu.memref_slice %arg5[%dma_start3A_860, %dma_start3A_868] : memref<5x80xi32, #tpu.memory_space<vmem>> -> memref<1x80xi32, #tpu.memory_space<vmem>>
        %dma_start3A_870 = tpu.memref_squeeze %dma_start3A_869 : memref<1x80xi32, #tpu.memory_space<vmem>> -> memref<80xi32, #tpu.memory_space<vmem>>
        %dma_start3A_871 = tpu.memref_slice %arg3[%add3A_859] : memref<640000xi32, #tpu.memory_space<hbm>> -> memref<80xi32, #tpu.memory_space<hbm>>
        tpu.enqueue_dma source(%dma_start3A_871 : memref<80xi32, #tpu.memory_space<hbm>>) target(%dma_start3A_870 : memref<80xi32, #tpu.memory_space<vmem>>) target_semaphore(%dma_start3A_867 : memref<!tpu.dma_semaphore, #tpu.memory_space<semaphore_mem>>)
        %add3A_872 = arith.constant 320000 : i32
        %add3A_873 = arith.addi %add3A_872, %mul3A_2 : i32
        %mul3A_874 = arith.constant 80 : i32
        %mul3A_875 = arith.muli %add3A_856, %mul3A_874 : i32
        %add3A_876 = arith.addi %add3A_873, %mul3A_875 : i32
        %dma_start3A_877 = arith.constant 1 : i32
        %dma_start3A_878 = arith.constant 1 : i32
        %dma_start3A_879 = arith.constant 0 : i32
        %dma_start3A_880 = tpu.memref_slice %arg6[%dma_start3A_877, %dma_start3A_879] : memref<5x80xi32, #tpu.memory_space<vmem>> -> memref<1x80xi32, #tpu.memory_space<vmem>>
        %dma_start3A_881 = tpu.memref_squeeze %dma_start3A_880 : memref<1x80xi32, #tpu.memory_space<vmem>> -> memref<80xi32, #tpu.memory_space<vmem>>
        %dma_start3A_882 = tpu.memref_slice %arg3[%add3A_876] : memref<640000xi32, #tpu.memory_space<hbm>> -> memref<80xi32, #tpu.memory_space<hbm>>
        %dma_start3A_883 = tpu.memref_slice %arg10[%dma_start3A_878] : memref<5x!tpu.dma_semaphore, #tpu.memory_space<semaphore_mem>> -> memref<1x!tpu.dma_semaphore, #tpu.memory_space<semaphore_mem>>
        %dma_start3A_884 = tpu.memref_squeeze %dma_start3A_883 : memref<1x!tpu.dma_semaphore, #tpu.memory_space<semaphore_mem>> -> memref<!tpu.dma_semaphore, #tpu.memory_space<semaphore_mem>>
        %dma_start3A_885 = arith.constant 0 : i32
        %dma_start3A_886 = tpu.memref_slice %arg6[%dma_start3A_877, %dma_start3A_885] : memref<5x80xi32, #tpu.memory_space<vmem>> -> memref<1x80xi32, #tpu.memory_space<vmem>>
        %dma_start3A_887 = tpu.memref_squeeze %dma_start3A_886 : memref<1x80xi32, #tpu.memory_space<vmem>> -> memref<80xi32, #tpu.memory_space<vmem>>
        %dma_start3A_888 = tpu.memref_slice %arg3[%add3A_876] : memref<640000xi32, #tpu.memory_space<hbm>> -> memref<80xi32, #tpu.memory_space<hbm>>
        tpu.enqueue_dma source(%dma_start3A_888 : memref<80xi32, #tpu.memory_space<hbm>>) target(%dma_start3A_887 : memref<80xi32, #tpu.memory_space<vmem>>) target_semaphore(%dma_start3A_884 : memref<!tpu.dma_semaphore, #tpu.memory_space<semaphore_mem>>)
      } else {
      }
      %add3A_502 = arith.constant 1 : i32
      %add3A_503 = arith.addi %add3A_486, %add3A_502 : i32
      %lt3A_504 = arith.constant 125 : i32
      %lt3A_505 = arith.cmpi slt, %add3A_503, %lt3A_504 : i32
      %convert_element_type3A_506 = arith.extui %lt3A_505 : i1 to i32
      %cond3A_507 = arith.constant 0 : i32
      %cond3A_508 = arith.cmpi ne, %convert_element_type3A_506, %cond3A_507 : i32
      scf.if %cond3A_508 {
        %dma_wait3A_855 = arith.constant 4 : i32
        %dma_wait3A_856 = arith.constant 4 : i32
        %dma_wait3A_857 = arith.constant 0 : i32
        %dma_wait3A_858 = tpu.memref_slice %arg5[%dma_wait3A_855, %dma_wait3A_857] : memref<5x80xi32, #tpu.memory_space<vmem>> -> memref<1x80xi32, #tpu.memory_space<vmem>>
        %dma_wait3A_859 = tpu.memref_squeeze %dma_wait3A_858 : memref<1x80xi32, #tpu.memory_space<vmem>> -> memref<80xi32, #tpu.memory_space<vmem>>
        %dma_wait3A_860 = arith.constant 0 : i32
        %dma_wait3A_861 = tpu.memref_slice %arg3[%dma_wait3A_860] : memref<640000xi32, #tpu.memory_space<hbm>> -> memref<80xi32, #tpu.memory_space<hbm>>
        %dma_wait3A_862 = tpu.memref_slice %arg10[%dma_wait3A_856] : memref<5x!tpu.dma_semaphore, #tpu.memory_space<semaphore_mem>> -> memref<1x!tpu.dma_semaphore, #tpu.memory_space<semaphore_mem>>
        %dma_wait3A_863 = tpu.memref_squeeze %dma_wait3A_862 : memref<1x!tpu.dma_semaphore, #tpu.memory_space<semaphore_mem>> -> memref<!tpu.dma_semaphore, #tpu.memory_space<semaphore_mem>>
        %dma_wait3A_864 = arith.constant 0 : i32
        %dma_wait3A_865 = tpu.memref_slice %arg5[%dma_wait3A_855, %dma_wait3A_864] : memref<5x80xi32, #tpu.memory_space<vmem>> -> memref<1x80xi32, #tpu.memory_space<vmem>>
        %dma_wait3A_866 = tpu.memref_squeeze %dma_wait3A_865 : memref<1x80xi32, #tpu.memory_space<vmem>> -> memref<80xi32, #tpu.memory_space<vmem>>
        %dma_wait3A_867 = arith.constant 0 : i32
        %dma_wait3A_868 = tpu.memref_slice %arg3[%dma_wait3A_867] : memref<640000xi32, #tpu.memory_space<hbm>> -> memref<80xi32, #tpu.memory_space<hbm>>
        tpu.wait_dma2 semaphore(%dma_wait3A_863 : memref<!tpu.dma_semaphore, #tpu.memory_space<semaphore_mem>>) src(%dma_wait3A_868 : memref<80xi32, #tpu.memory_space<hbm>>) dst(%dma_wait3A_866 : memref<80xi32, #tpu.memory_space<vmem>>)
        %dma_wait3A_869 = arith.constant 4 : i32
        %dma_wait3A_870 = arith.constant 4 : i32
        %dma_wait3A_871 = arith.constant 0 : i32
        %dma_wait3A_872 = tpu.memref_slice %arg6[%dma_wait3A_869, %dma_wait3A_871] : memref<5x80xi32, #tpu.memory_space<vmem>> -> memref<1x80xi32, #tpu.memory_space<vmem>>
        %dma_wait3A_873 = tpu.memref_squeeze %dma_wait3A_872 : memref<1x80xi32, #tpu.memory_space<vmem>> -> memref<80xi32, #tpu.memory_space<vmem>>
        %dma_wait3A_874 = arith.constant 0 : i32
        %dma_wait3A_875 = tpu.memref_slice %arg3[%dma_wait3A_874] : memref<640000xi32, #tpu.memory_space<hbm>> -> memref<80xi32, #tpu.memory_space<hbm>>
        %dma_wait3A_876 = tpu.memref_slice %arg10[%dma_wait3A_870] : memref<5x!tpu.dma_semaphore, #tpu.memory_space<semaphore_mem>> -> memref<1x!tpu.dma_semaphore, #tpu.memory_space<semaphore_mem>>
        %dma_wait3A_877 = tpu.memref_squeeze %dma_wait3A_876 : memref<1x!tpu.dma_semaphore, #tpu.memory_space<semaphore_mem>> -> memref<!tpu.dma_semaphore, #tpu.memory_space<semaphore_mem>>
        %dma_wait3A_878 = arith.constant 0 : i32
        %dma_wait3A_879 = tpu.memref_slice %arg6[%dma_wait3A_869, %dma_wait3A_878] : memref<5x80xi32, #tpu.memory_space<vmem>> -> memref<1x80xi32, #tpu.memory_space<vmem>>
        %dma_wait3A_880 = tpu.memref_squeeze %dma_wait3A_879 : memref<1x80xi32, #tpu.memory_space<vmem>> -> memref<80xi32, #tpu.memory_space<vmem>>
        %dma_wait3A_881 = arith.constant 0 : i32
        %dma_wait3A_882 = tpu.memref_slice %arg3[%dma_wait3A_881] : memref<640000xi32, #tpu.memory_space<hbm>> -> memref<80xi32, #tpu.memory_space<hbm>>
        tpu.wait_dma2 semaphore(%dma_wait3A_877 : memref<!tpu.dma_semaphore, #tpu.memory_space<semaphore_mem>>) src(%dma_wait3A_882 : memref<80xi32, #tpu.memory_space<hbm>>) dst(%dma_wait3A_880 : memref<80xi32, #tpu.memory_space<vmem>>)
        %dma_start3A_883 = arith.constant 4 : i32
        %dma_start3A_884 = arith.constant 1 : i32
        %dma_start3A_885 = arith.constant 1 : i32
        %dma_start3A_886 = arith.constant 0 : i32
        %dma_start3A_887 = arith.constant 0 : i32
        %dma_start3A_888 = tpu.memref_slice %arg7[%dma_start3A_884, %dma_start3A_886, %dma_start3A_887] : memref<3x80x128xf32, #tpu.memory_space<vmem>> -> memref<1x80x128xf32, #tpu.memory_space<vmem>>
        %dma_start3A_889 = tpu.memref_squeeze %dma_start3A_888 : memref<1x80x128xf32, #tpu.memory_space<vmem>> -> memref<80x128xf32, #tpu.memory_space<vmem>>
        %dma_start3A_890 = arith.constant 0 : i32
        %dma_start3A_891 = tpu.memref_slice %arg5[%dma_start3A_883, %dma_start3A_890] : memref<5x80xi32, #tpu.memory_space<vmem>> -> memref<1x80xi32, #tpu.memory_space<vmem>>
        %dma_start3A_892 = tpu.memref_squeeze %dma_start3A_891 : memref<1x80xi32, #tpu.memory_space<vmem>> -> memref<80xi32, #tpu.memory_space<vmem>>
        %dma_start3A_893 = arith.constant 0 : i32
        %dma_start3A_894 = arith.constant 0 : i32
        %dma_start3A_895 = tpu.memref_slice %arg2[%dma_start3A_893, %dma_start3A_894] : memref<10000x128xf32, #tpu.memory_space<hbm>> -> memref<10000x128xf32, #tpu.memory_space<hbm>>
        %dma_start3A_896 = tpu.memref_slice %arg11[%dma_start3A_885] : memref<3x!tpu.dma_semaphore, #tpu.memory_space<semaphore_mem>> -> memref<1x!tpu.dma_semaphore, #tpu.memory_space<semaphore_mem>>
        %dma_start3A_897 = tpu.memref_squeeze %dma_start3A_896 : memref<1x!tpu.dma_semaphore, #tpu.memory_space<semaphore_mem>> -> memref<!tpu.dma_semaphore, #tpu.memory_space<semaphore_mem>>
        tpu.enqueue_indirect_dma source(%dma_start3A_895 : memref<10000x128xf32, #tpu.memory_space<hbm>>) target(%dma_start3A_889 : memref<80x128xf32, #tpu.memory_space<vmem>>) offsets(%dma_start3A_892 : memref<80xi32, #tpu.memory_space<vmem>>) semaphore(%dma_start3A_897 : memref<!tpu.dma_semaphore, #tpu.memory_space<semaphore_mem>>)
      } else {
      }
      %lt3A_509 = arith.constant 125 : i32
      %lt3A_510 = arith.cmpi slt, %add3A_486, %lt3A_509 : i32
      %convert_element_type3A_511 = arith.extui %lt3A_510 : i1 to i32
      %cond3A_512 = arith.constant 0 : i32
      %cond3A_513 = arith.cmpi ne, %convert_element_type3A_511, %cond3A_512 : i32
      scf.if %cond3A_513 {
        %dma_wait3A_855 = arith.constant 0 : i32
        %dma_wait3A_856 = arith.constant 0 : i32
        %dma_wait3A_857 = arith.constant 0 : i32
        %dma_wait3A_858 = arith.constant 0 : i32
        %dma_wait3A_859 = tpu.memref_slice %arg7[%dma_wait3A_855, %dma_wait3A_857, %dma_wait3A_858] : memref<3x80x128xf32, #tpu.memory_space<vmem>> -> memref<1x80x128xf32, #tpu.memory_space<vmem>>
        %dma_wait3A_860 = tpu.memref_squeeze %dma_wait3A_859 : memref<1x80x128xf32, #tpu.memory_space<vmem>> -> memref<80x128xf32, #tpu.memory_space<vmem>>
        %dma_wait3A_861 = arith.constant 0 : i32
        %dma_wait3A_862 = arith.constant 0 : i32
        %dma_wait3A_863 = tpu.memref_slice %arg2[%dma_wait3A_861, %dma_wait3A_862] : memref<10000x128xf32, #tpu.memory_space<hbm>> -> memref<80x128xf32, #tpu.memory_space<hbm>>
        %dma_wait3A_864 = tpu.memref_slice %arg11[%dma_wait3A_856] : memref<3x!tpu.dma_semaphore, #tpu.memory_space<semaphore_mem>> -> memref<1x!tpu.dma_semaphore, #tpu.memory_space<semaphore_mem>>
        %dma_wait3A_865 = tpu.memref_squeeze %dma_wait3A_864 : memref<1x!tpu.dma_semaphore, #tpu.memory_space<semaphore_mem>> -> memref<!tpu.dma_semaphore, #tpu.memory_space<semaphore_mem>>
        %dma_wait3A_866 = arith.constant 0 : i32
        %dma_wait3A_867 = arith.constant 0 : i32
        %dma_wait3A_868 = tpu.memref_slice %arg7[%dma_wait3A_855, %dma_wait3A_866, %dma_wait3A_867] : memref<3x80x128xf32, #tpu.memory_space<vmem>> -> memref<1x80x128xf32, #tpu.memory_space<vmem>>
        %dma_wait3A_869 = tpu.memref_squeeze %dma_wait3A_868 : memref<1x80x128xf32, #tpu.memory_space<vmem>> -> memref<80x128xf32, #tpu.memory_space<vmem>>
        %dma_wait3A_870 = arith.constant 0 : i32
        %dma_wait3A_871 = arith.constant 0 : i32
        %dma_wait3A_872 = tpu.memref_slice %arg2[%dma_wait3A_870, %dma_wait3A_871] : memref<10000x128xf32, #tpu.memory_space<hbm>> -> memref<80x128xf32, #tpu.memory_space<hbm>>
        tpu.wait_dma2 semaphore(%dma_wait3A_865 : memref<!tpu.dma_semaphore, #tpu.memory_space<semaphore_mem>>) src(%dma_wait3A_872 : memref<80x128xf32, #tpu.memory_space<hbm>>) dst(%dma_wait3A_869 : memref<80x128xf32, #tpu.memory_space<vmem>>)
        %dma_start3A_873 = arith.constant 0 : i32
        %dma_start3A_874 = arith.constant 3 : i32
        %dma_start3A_875 = arith.constant 0 : i32
        %dma_start3A_876 = arith.constant 0 : i32
        %dma_start3A_877 = arith.constant 0 : i32
        %dma_start3A_878 = tpu.memref_slice %arg7[%dma_start3A_873, %dma_start3A_876, %dma_start3A_877] : memref<3x80x128xf32, #tpu.memory_space<vmem>> -> memref<1x80x128xf32, #tpu.memory_space<vmem>>
        %dma_start3A_879 = tpu.memref_squeeze %dma_start3A_878 : memref<1x80x128xf32, #tpu.memory_space<vmem>> -> memref<80x128xf32, #tpu.memory_space<vmem>>
        %dma_start3A_880 = arith.constant 0 : i32
        %dma_start3A_881 = tpu.memref_slice %arg6[%dma_start3A_874, %dma_start3A_880] : memref<5x80xi32, #tpu.memory_space<vmem>> -> memref<1x80xi32, #tpu.memory_space<vmem>>
        %dma_start3A_882 = tpu.memref_squeeze %dma_start3A_881 : memref<1x80xi32, #tpu.memory_space<vmem>> -> memref<80xi32, #tpu.memory_space<vmem>>
        %dma_start3A_883 = arith.constant 0 : i32
        %dma_start3A_884 = arith.constant 0 : i32
        %dma_start3A_885 = tpu.memref_slice %arg9[%dma_start3A_883, %dma_start3A_884] : memref<10000x128xf32, #tpu.memory_space<vmem_shared>> -> memref<10000x128xf32, #tpu.memory_space<vmem_shared>>
        %dma_start3A_886 = tpu.memref_slice %arg12[%dma_start3A_875] : memref<3x!tpu.dma_semaphore, #tpu.memory_space<semaphore_mem>> -> memref<1x!tpu.dma_semaphore, #tpu.memory_space<semaphore_mem>>
        %dma_start3A_887 = tpu.memref_squeeze %dma_start3A_886 : memref<1x!tpu.dma_semaphore, #tpu.memory_space<semaphore_mem>> -> memref<!tpu.dma_semaphore, #tpu.memory_space<semaphore_mem>>
        tpu.enqueue_indirect_dma source(%dma_start3A_879 : memref<80x128xf32, #tpu.memory_space<vmem>>) target(%dma_start3A_885 : memref<10000x128xf32, #tpu.memory_space<vmem_shared>>) offsets(%dma_start3A_882 : memref<80xi32, #tpu.memory_space<vmem>>) semaphore(%dma_start3A_887 : memref<!tpu.dma_semaphore, #tpu.memory_space<semaphore_mem>>) {add = true}
      } else {
      }
      %mul3A_514 = arith.constant 15 : i32
      %mul3A_515 = arith.muli %scan3A_392, %mul3A_514 : i32
      %add3A_516 = arith.constant 4 : i32
      %add3A_517 = arith.addi %mul3A_515, %add3A_516 : i32
      %ge3A_518 = arith.constant 2 : i32
      %ge3A_519 = arith.cmpi sge, %add3A_517, %ge3A_518 : i32
      %lt3A_520 = arith.constant 127 : i32
      %lt3A_521 = arith.cmpi slt, %add3A_517, %lt3A_520 : i32
      %and3A_522 = arith.andi %ge3A_519, %lt3A_521 : i1
      %convert_element_type3A_523 = arith.extui %and3A_522 : i1 to i32
      %cond3A_524 = arith.constant 0 : i32
      %cond3A_525 = arith.cmpi ne, %convert_element_type3A_523, %cond3A_524 : i32
      scf.if %cond3A_525 {
        %dma_wait3A_855 = arith.constant 2 : i32
        %dma_wait3A_856 = arith.constant 2 : i32
        %dma_wait3A_857 = arith.constant 0 : i32
        %dma_wait3A_858 = arith.constant 0 : i32
        %dma_wait3A_859 = tpu.memref_slice %arg7[%dma_wait3A_855, %dma_wait3A_857, %dma_wait3A_858] : memref<3x80x128xf32, #tpu.memory_space<vmem>> -> memref<1x80x128xf32, #tpu.memory_space<vmem>>
        %dma_wait3A_860 = tpu.memref_squeeze %dma_wait3A_859 : memref<1x80x128xf32, #tpu.memory_space<vmem>> -> memref<80x128xf32, #tpu.memory_space<vmem>>
        %dma_wait3A_861 = arith.constant 0 : i32
        %dma_wait3A_862 = arith.constant 0 : i32
        %dma_wait3A_863 = tpu.memref_slice %arg2[%dma_wait3A_861, %dma_wait3A_862] : memref<10000x128xf32, #tpu.memory_space<hbm>> -> memref<80x128xf32, #tpu.memory_space<hbm>>
        %dma_wait3A_864 = tpu.memref_slice %arg12[%dma_wait3A_856] : memref<3x!tpu.dma_semaphore, #tpu.memory_space<semaphore_mem>> -> memref<1x!tpu.dma_semaphore, #tpu.memory_space<semaphore_mem>>
        %dma_wait3A_865 = tpu.memref_squeeze %dma_wait3A_864 : memref<1x!tpu.dma_semaphore, #tpu.memory_space<semaphore_mem>> -> memref<!tpu.dma_semaphore, #tpu.memory_space<semaphore_mem>>
        %dma_wait3A_866 = arith.constant 0 : i32
        %dma_wait3A_867 = arith.constant 0 : i32
        %dma_wait3A_868 = tpu.memref_slice %arg7[%dma_wait3A_855, %dma_wait3A_866, %dma_wait3A_867] : memref<3x80x128xf32, #tpu.memory_space<vmem>> -> memref<1x80x128xf32, #tpu.memory_space<vmem>>
        %dma_wait3A_869 = tpu.memref_squeeze %dma_wait3A_868 : memref<1x80x128xf32, #tpu.memory_space<vmem>> -> memref<80x128xf32, #tpu.memory_space<vmem>>
        %dma_wait3A_870 = arith.constant 0 : i32
        %dma_wait3A_871 = arith.constant 0 : i32
        %dma_wait3A_872 = tpu.memref_slice %arg2[%dma_wait3A_870, %dma_wait3A_871] : memref<10000x128xf32, #tpu.memory_space<hbm>> -> memref<80x128xf32, #tpu.memory_space<hbm>>
        tpu.wait_dma2 semaphore(%dma_wait3A_865 : memref<!tpu.dma_semaphore, #tpu.memory_space<semaphore_mem>>) src(%dma_wait3A_872 : memref<80x128xf32, #tpu.memory_space<hbm>>) dst(%dma_wait3A_869 : memref<80x128xf32, #tpu.memory_space<vmem>>)
      } else {
      }
      %add3A_526 = arith.constant 3 : i32
      %add3A_527 = arith.addi %add3A_517, %add3A_526 : i32
      %lt3A_528 = arith.constant 125 : i32
      %lt3A_529 = arith.cmpi slt, %add3A_527, %lt3A_528 : i32
      %convert_element_type3A_530 = arith.extui %lt3A_529 : i1 to i32
      %cond3A_531 = arith.constant 0 : i32
      %cond3A_532 = arith.cmpi ne, %convert_element_type3A_530, %cond3A_531 : i32
      scf.if %cond3A_532 {
        %add3A_855 = arith.constant 3 : i32
        %add3A_856 = arith.addi %add3A_517, %add3A_855 : i32
        %mul3A_857 = arith.constant 80 : i32
        %mul3A_858 = arith.muli %add3A_856, %mul3A_857 : i32
        %add3A_859 = arith.addi %mul3A_2, %mul3A_858 : i32
        %dma_start3A_860 = arith.constant 2 : i32
        %dma_start3A_861 = arith.constant 2 : i32
        %dma_start3A_862 = arith.constant 0 : i32
        %dma_start3A_863 = tpu.memref_slice %arg5[%dma_start3A_860, %dma_start3A_862] : memref<5x80xi32, #tpu.memory_space<vmem>> -> memref<1x80xi32, #tpu.memory_space<vmem>>
        %dma_start3A_864 = tpu.memref_squeeze %dma_start3A_863 : memref<1x80xi32, #tpu.memory_space<vmem>> -> memref<80xi32, #tpu.memory_space<vmem>>
        %dma_start3A_865 = tpu.memref_slice %arg3[%add3A_859] : memref<640000xi32, #tpu.memory_space<hbm>> -> memref<80xi32, #tpu.memory_space<hbm>>
        %dma_start3A_866 = tpu.memref_slice %arg10[%dma_start3A_861] : memref<5x!tpu.dma_semaphore, #tpu.memory_space<semaphore_mem>> -> memref<1x!tpu.dma_semaphore, #tpu.memory_space<semaphore_mem>>
        %dma_start3A_867 = tpu.memref_squeeze %dma_start3A_866 : memref<1x!tpu.dma_semaphore, #tpu.memory_space<semaphore_mem>> -> memref<!tpu.dma_semaphore, #tpu.memory_space<semaphore_mem>>
        %dma_start3A_868 = arith.constant 0 : i32
        %dma_start3A_869 = tpu.memref_slice %arg5[%dma_start3A_860, %dma_start3A_868] : memref<5x80xi32, #tpu.memory_space<vmem>> -> memref<1x80xi32, #tpu.memory_space<vmem>>
        %dma_start3A_870 = tpu.memref_squeeze %dma_start3A_869 : memref<1x80xi32, #tpu.memory_space<vmem>> -> memref<80xi32, #tpu.memory_space<vmem>>
        %dma_start3A_871 = tpu.memref_slice %arg3[%add3A_859] : memref<640000xi32, #tpu.memory_space<hbm>> -> memref<80xi32, #tpu.memory_space<hbm>>
        tpu.enqueue_dma source(%dma_start3A_871 : memref<80xi32, #tpu.memory_space<hbm>>) target(%dma_start3A_870 : memref<80xi32, #tpu.memory_space<vmem>>) target_semaphore(%dma_start3A_867 : memref<!tpu.dma_semaphore, #tpu.memory_space<semaphore_mem>>)
        %add3A_872 = arith.constant 320000 : i32
        %add3A_873 = arith.addi %add3A_872, %mul3A_2 : i32
        %mul3A_874 = arith.constant 80 : i32
        %mul3A_875 = arith.muli %add3A_856, %mul3A_874 : i32
        %add3A_876 = arith.addi %add3A_873, %mul3A_875 : i32
        %dma_start3A_877 = arith.constant 2 : i32
        %dma_start3A_878 = arith.constant 2 : i32
        %dma_start3A_879 = arith.constant 0 : i32
        %dma_start3A_880 = tpu.memref_slice %arg6[%dma_start3A_877, %dma_start3A_879] : memref<5x80xi32, #tpu.memory_space<vmem>> -> memref<1x80xi32, #tpu.memory_space<vmem>>
        %dma_start3A_881 = tpu.memref_squeeze %dma_start3A_880 : memref<1x80xi32, #tpu.memory_space<vmem>> -> memref<80xi32, #tpu.memory_space<vmem>>
        %dma_start3A_882 = tpu.memref_slice %arg3[%add3A_876] : memref<640000xi32, #tpu.memory_space<hbm>> -> memref<80xi32, #tpu.memory_space<hbm>>
        %dma_start3A_883 = tpu.memref_slice %arg10[%dma_start3A_878] : memref<5x!tpu.dma_semaphore, #tpu.memory_space<semaphore_mem>> -> memref<1x!tpu.dma_semaphore, #tpu.memory_space<semaphore_mem>>
        %dma_start3A_884 = tpu.memref_squeeze %dma_start3A_883 : memref<1x!tpu.dma_semaphore, #tpu.memory_space<semaphore_mem>> -> memref<!tpu.dma_semaphore, #tpu.memory_space<semaphore_mem>>
        %dma_start3A_885 = arith.constant 0 : i32
        %dma_start3A_886 = tpu.memref_slice %arg6[%dma_start3A_877, %dma_start3A_885] : memref<5x80xi32, #tpu.memory_space<vmem>> -> memref<1x80xi32, #tpu.memory_space<vmem>>
        %dma_start3A_887 = tpu.memref_squeeze %dma_start3A_886 : memref<1x80xi32, #tpu.memory_space<vmem>> -> memref<80xi32, #tpu.memory_space<vmem>>
        %dma_start3A_888 = tpu.memref_slice %arg3[%add3A_876] : memref<640000xi32, #tpu.memory_space<hbm>> -> memref<80xi32, #tpu.memory_space<hbm>>
        tpu.enqueue_dma source(%dma_start3A_888 : memref<80xi32, #tpu.memory_space<hbm>>) target(%dma_start3A_887 : memref<80xi32, #tpu.memory_space<vmem>>) target_semaphore(%dma_start3A_884 : memref<!tpu.dma_semaphore, #tpu.memory_space<semaphore_mem>>)
      } else {
      }
      %add3A_533 = arith.constant 1 : i32
      %add3A_534 = arith.addi %add3A_517, %add3A_533 : i32
      %lt3A_535 = arith.constant 125 : i32
      %lt3A_536 = arith.cmpi slt, %add3A_534, %lt3A_535 : i32
      %convert_element_type3A_537 = arith.extui %lt3A_536 : i1 to i32
      %cond3A_538 = arith.constant 0 : i32
      %cond3A_539 = arith.cmpi ne, %convert_element_type3A_537, %cond3A_538 : i32
      scf.if %cond3A_539 {
        %dma_wait3A_855 = arith.constant 0 : i32
        %dma_wait3A_856 = arith.constant 0 : i32
        %dma_wait3A_857 = arith.constant 0 : i32
        %dma_wait3A_858 = tpu.memref_slice %arg5[%dma_wait3A_855, %dma_wait3A_857] : memref<5x80xi32, #tpu.memory_space<vmem>> -> memref<1x80xi32, #tpu.memory_space<vmem>>
        %dma_wait3A_859 = tpu.memref_squeeze %dma_wait3A_858 : memref<1x80xi32, #tpu.memory_space<vmem>> -> memref<80xi32, #tpu.memory_space<vmem>>
        %dma_wait3A_860 = arith.constant 0 : i32
        %dma_wait3A_861 = tpu.memref_slice %arg3[%dma_wait3A_860] : memref<640000xi32, #tpu.memory_space<hbm>> -> memref<80xi32, #tpu.memory_space<hbm>>
        %dma_wait3A_862 = tpu.memref_slice %arg10[%dma_wait3A_856] : memref<5x!tpu.dma_semaphore, #tpu.memory_space<semaphore_mem>> -> memref<1x!tpu.dma_semaphore, #tpu.memory_space<semaphore_mem>>
        %dma_wait3A_863 = tpu.memref_squeeze %dma_wait3A_862 : memref<1x!tpu.dma_semaphore, #tpu.memory_space<semaphore_mem>> -> memref<!tpu.dma_semaphore, #tpu.memory_space<semaphore_mem>>
        %dma_wait3A_864 = arith.constant 0 : i32
        %dma_wait3A_865 = tpu.memref_slice %arg5[%dma_wait3A_855, %dma_wait3A_864] : memref<5x80xi32, #tpu.memory_space<vmem>> -> memref<1x80xi32, #tpu.memory_space<vmem>>
        %dma_wait3A_866 = tpu.memref_squeeze %dma_wait3A_865 : memref<1x80xi32, #tpu.memory_space<vmem>> -> memref<80xi32, #tpu.memory_space<vmem>>
        %dma_wait3A_867 = arith.constant 0 : i32
        %dma_wait3A_868 = tpu.memref_slice %arg3[%dma_wait3A_867] : memref<640000xi32, #tpu.memory_space<hbm>> -> memref<80xi32, #tpu.memory_space<hbm>>
        tpu.wait_dma2 semaphore(%dma_wait3A_863 : memref<!tpu.dma_semaphore, #tpu.memory_space<semaphore_mem>>) src(%dma_wait3A_868 : memref<80xi32, #tpu.memory_space<hbm>>) dst(%dma_wait3A_866 : memref<80xi32, #tpu.memory_space<vmem>>)
        %dma_wait3A_869 = arith.constant 0 : i32
        %dma_wait3A_870 = arith.constant 0 : i32
        %dma_wait3A_871 = arith.constant 0 : i32
        %dma_wait3A_872 = tpu.memref_slice %arg6[%dma_wait3A_869, %dma_wait3A_871] : memref<5x80xi32, #tpu.memory_space<vmem>> -> memref<1x80xi32, #tpu.memory_space<vmem>>
        %dma_wait3A_873 = tpu.memref_squeeze %dma_wait3A_872 : memref<1x80xi32, #tpu.memory_space<vmem>> -> memref<80xi32, #tpu.memory_space<vmem>>
        %dma_wait3A_874 = arith.constant 0 : i32
        %dma_wait3A_875 = tpu.memref_slice %arg3[%dma_wait3A_874] : memref<640000xi32, #tpu.memory_space<hbm>> -> memref<80xi32, #tpu.memory_space<hbm>>
        %dma_wait3A_876 = tpu.memref_slice %arg10[%dma_wait3A_870] : memref<5x!tpu.dma_semaphore, #tpu.memory_space<semaphore_mem>> -> memref<1x!tpu.dma_semaphore, #tpu.memory_space<semaphore_mem>>
        %dma_wait3A_877 = tpu.memref_squeeze %dma_wait3A_876 : memref<1x!tpu.dma_semaphore, #tpu.memory_space<semaphore_mem>> -> memref<!tpu.dma_semaphore, #tpu.memory_space<semaphore_mem>>
        %dma_wait3A_878 = arith.constant 0 : i32
        %dma_wait3A_879 = tpu.memref_slice %arg6[%dma_wait3A_869, %dma_wait3A_878] : memref<5x80xi32, #tpu.memory_space<vmem>> -> memref<1x80xi32, #tpu.memory_space<vmem>>
        %dma_wait3A_880 = tpu.memref_squeeze %dma_wait3A_879 : memref<1x80xi32, #tpu.memory_space<vmem>> -> memref<80xi32, #tpu.memory_space<vmem>>
        %dma_wait3A_881 = arith.constant 0 : i32
        %dma_wait3A_882 = tpu.memref_slice %arg3[%dma_wait3A_881] : memref<640000xi32, #tpu.memory_space<hbm>> -> memref<80xi32, #tpu.memory_space<hbm>>
        tpu.wait_dma2 semaphore(%dma_wait3A_877 : memref<!tpu.dma_semaphore, #tpu.memory_space<semaphore_mem>>) src(%dma_wait3A_882 : memref<80xi32, #tpu.memory_space<hbm>>) dst(%dma_wait3A_880 : memref<80xi32, #tpu.memory_space<vmem>>)
        %dma_start3A_883 = arith.constant 0 : i32
        %dma_start3A_884 = arith.constant 2 : i32
        %dma_start3A_885 = arith.constant 2 : i32
        %dma_start3A_886 = arith.constant 0 : i32
        %dma_start3A_887 = arith.constant 0 : i32
        %dma_start3A_888 = tpu.memref_slice %arg7[%dma_start3A_884, %dma_start3A_886, %dma_start3A_887] : memref<3x80x128xf32, #tpu.memory_space<vmem>> -> memref<1x80x128xf32, #tpu.memory_space<vmem>>
        %dma_start3A_889 = tpu.memref_squeeze %dma_start3A_888 : memref<1x80x128xf32, #tpu.memory_space<vmem>> -> memref<80x128xf32, #tpu.memory_space<vmem>>
        %dma_start3A_890 = arith.constant 0 : i32
        %dma_start3A_891 = tpu.memref_slice %arg5[%dma_start3A_883, %dma_start3A_890] : memref<5x80xi32, #tpu.memory_space<vmem>> -> memref<1x80xi32, #tpu.memory_space<vmem>>
        %dma_start3A_892 = tpu.memref_squeeze %dma_start3A_891 : memref<1x80xi32, #tpu.memory_space<vmem>> -> memref<80xi32, #tpu.memory_space<vmem>>
        %dma_start3A_893 = arith.constant 0 : i32
        %dma_start3A_894 = arith.constant 0 : i32
        %dma_start3A_895 = tpu.memref_slice %arg2[%dma_start3A_893, %dma_start3A_894] : memref<10000x128xf32, #tpu.memory_space<hbm>> -> memref<10000x128xf32, #tpu.memory_space<hbm>>
        %dma_start3A_896 = tpu.memref_slice %arg11[%dma_start3A_885] : memref<3x!tpu.dma_semaphore, #tpu.memory_space<semaphore_mem>> -> memref<1x!tpu.dma_semaphore, #tpu.memory_space<semaphore_mem>>
        %dma_start3A_897 = tpu.memref_squeeze %dma_start3A_896 : memref<1x!tpu.dma_semaphore, #tpu.memory_space<semaphore_mem>> -> memref<!tpu.dma_semaphore, #tpu.memory_space<semaphore_mem>>
        tpu.enqueue_indirect_dma source(%dma_start3A_895 : memref<10000x128xf32, #tpu.memory_space<hbm>>) target(%dma_start3A_889 : memref<80x128xf32, #tpu.memory_space<vmem>>) offsets(%dma_start3A_892 : memref<80xi32, #tpu.memory_space<vmem>>) semaphore(%dma_start3A_897 : memref<!tpu.dma_semaphore, #tpu.memory_space<semaphore_mem>>)
      } else {
      }
      %lt3A_540 = arith.constant 125 : i32
      %lt3A_541 = arith.cmpi slt, %add3A_517, %lt3A_540 : i32
      %convert_element_type3A_542 = arith.extui %lt3A_541 : i1 to i32
      %cond3A_543 = arith.constant 0 : i32
      %cond3A_544 = arith.cmpi ne, %convert_element_type3A_542, %cond3A_543 : i32
      scf.if %cond3A_544 {
        %dma_wait3A_855 = arith.constant 1 : i32
        %dma_wait3A_856 = arith.constant 1 : i32
        %dma_wait3A_857 = arith.constant 0 : i32
        %dma_wait3A_858 = arith.constant 0 : i32
        %dma_wait3A_859 = tpu.memref_slice %arg7[%dma_wait3A_855, %dma_wait3A_857, %dma_wait3A_858] : memref<3x80x128xf32, #tpu.memory_space<vmem>> -> memref<1x80x128xf32, #tpu.memory_space<vmem>>
        %dma_wait3A_860 = tpu.memref_squeeze %dma_wait3A_859 : memref<1x80x128xf32, #tpu.memory_space<vmem>> -> memref<80x128xf32, #tpu.memory_space<vmem>>
        %dma_wait3A_861 = arith.constant 0 : i32
        %dma_wait3A_862 = arith.constant 0 : i32
        %dma_wait3A_863 = tpu.memref_slice %arg2[%dma_wait3A_861, %dma_wait3A_862] : memref<10000x128xf32, #tpu.memory_space<hbm>> -> memref<80x128xf32, #tpu.memory_space<hbm>>
        %dma_wait3A_864 = tpu.memref_slice %arg11[%dma_wait3A_856] : memref<3x!tpu.dma_semaphore, #tpu.memory_space<semaphore_mem>> -> memref<1x!tpu.dma_semaphore, #tpu.memory_space<semaphore_mem>>
        %dma_wait3A_865 = tpu.memref_squeeze %dma_wait3A_864 : memref<1x!tpu.dma_semaphore, #tpu.memory_space<semaphore_mem>> -> memref<!tpu.dma_semaphore, #tpu.memory_space<semaphore_mem>>
        %dma_wait3A_866 = arith.constant 0 : i32
        %dma_wait3A_867 = arith.constant 0 : i32
        %dma_wait3A_868 = tpu.memref_slice %arg7[%dma_wait3A_855, %dma_wait3A_866, %dma_wait3A_867] : memref<3x80x128xf32, #tpu.memory_space<vmem>> -> memref<1x80x128xf32, #tpu.memory_space<vmem>>
        %dma_wait3A_869 = tpu.memref_squeeze %dma_wait3A_868 : memref<1x80x128xf32, #tpu.memory_space<vmem>> -> memref<80x128xf32, #tpu.memory_space<vmem>>
        %dma_wait3A_870 = arith.constant 0 : i32
        %dma_wait3A_871 = arith.constant 0 : i32
        %dma_wait3A_872 = tpu.memref_slice %arg2[%dma_wait3A_870, %dma_wait3A_871] : memref<10000x128xf32, #tpu.memory_space<hbm>> -> memref<80x128xf32, #tpu.memory_space<hbm>>
        tpu.wait_dma2 semaphore(%dma_wait3A_865 : memref<!tpu.dma_semaphore, #tpu.memory_space<semaphore_mem>>) src(%dma_wait3A_872 : memref<80x128xf32, #tpu.memory_space<hbm>>) dst(%dma_wait3A_869 : memref<80x128xf32, #tpu.memory_space<vmem>>)
        %dma_start3A_873 = arith.constant 1 : i32
        %dma_start3A_874 = arith.constant 4 : i32
        %dma_start3A_875 = arith.constant 1 : i32
        %dma_start3A_876 = arith.constant 0 : i32
        %dma_start3A_877 = arith.constant 0 : i32
        %dma_start3A_878 = tpu.memref_slice %arg7[%dma_start3A_873, %dma_start3A_876, %dma_start3A_877] : memref<3x80x128xf32, #tpu.memory_space<vmem>> -> memref<1x80x128xf32, #tpu.memory_space<vmem>>
        %dma_start3A_879 = tpu.memref_squeeze %dma_start3A_878 : memref<1x80x128xf32, #tpu.memory_space<vmem>> -> memref<80x128xf32, #tpu.memory_space<vmem>>
        %dma_start3A_880 = arith.constant 0 : i32
        %dma_start3A_881 = tpu.memref_slice %arg6[%dma_start3A_874, %dma_start3A_880] : memref<5x80xi32, #tpu.memory_space<vmem>> -> memref<1x80xi32, #tpu.memory_space<vmem>>
        %dma_start3A_882 = tpu.memref_squeeze %dma_start3A_881 : memref<1x80xi32, #tpu.memory_space<vmem>> -> memref<80xi32, #tpu.memory_space<vmem>>
        %dma_start3A_883 = arith.constant 0 : i32
        %dma_start3A_884 = arith.constant 0 : i32
        %dma_start3A_885 = tpu.memref_slice %arg9[%dma_start3A_883, %dma_start3A_884] : memref<10000x128xf32, #tpu.memory_space<vmem_shared>> -> memref<10000x128xf32, #tpu.memory_space<vmem_shared>>
        %dma_start3A_886 = tpu.memref_slice %arg12[%dma_start3A_875] : memref<3x!tpu.dma_semaphore, #tpu.memory_space<semaphore_mem>> -> memref<1x!tpu.dma_semaphore, #tpu.memory_space<semaphore_mem>>
        %dma_start3A_887 = tpu.memref_squeeze %dma_start3A_886 : memref<1x!tpu.dma_semaphore, #tpu.memory_space<semaphore_mem>> -> memref<!tpu.dma_semaphore, #tpu.memory_space<semaphore_mem>>
        tpu.enqueue_indirect_dma source(%dma_start3A_879 : memref<80x128xf32, #tpu.memory_space<vmem>>) target(%dma_start3A_885 : memref<10000x128xf32, #tpu.memory_space<vmem_shared>>) offsets(%dma_start3A_882 : memref<80xi32, #tpu.memory_space<vmem>>) semaphore(%dma_start3A_887 : memref<!tpu.dma_semaphore, #tpu.memory_space<semaphore_mem>>) {add = true}
      } else {
      }
      %mul3A_545 = arith.constant 15 : i32
      %mul3A_546 = arith.muli %scan3A_392, %mul3A_545 : i32
      %add3A_547 = arith.constant 5 : i32
      %add3A_548 = arith.addi %mul3A_546, %add3A_547 : i32
      %ge3A_549 = arith.constant 2 : i32
      %ge3A_550 = arith.cmpi sge, %add3A_548, %ge3A_549 : i32
      %lt3A_551 = arith.constant 127 : i32
      %lt3A_552 = arith.cmpi slt, %add3A_548, %lt3A_551 : i32
      %and3A_553 = arith.andi %ge3A_550, %lt3A_552 : i1
      %convert_element_type3A_554 = arith.extui %and3A_553 : i1 to i32
      %cond3A_555 = arith.constant 0 : i32
      %cond3A_556 = arith.cmpi ne, %convert_element_type3A_554, %cond3A_555 : i32
      scf.if %cond3A_556 {
        %dma_wait3A_855 = arith.constant 0 : i32
        %dma_wait3A_856 = arith.constant 0 : i32
        %dma_wait3A_857 = arith.constant 0 : i32
        %dma_wait3A_858 = arith.constant 0 : i32
        %dma_wait3A_859 = tpu.memref_slice %arg7[%dma_wait3A_855, %dma_wait3A_857, %dma_wait3A_858] : memref<3x80x128xf32, #tpu.memory_space<vmem>> -> memref<1x80x128xf32, #tpu.memory_space<vmem>>
        %dma_wait3A_860 = tpu.memref_squeeze %dma_wait3A_859 : memref<1x80x128xf32, #tpu.memory_space<vmem>> -> memref<80x128xf32, #tpu.memory_space<vmem>>
        %dma_wait3A_861 = arith.constant 0 : i32
        %dma_wait3A_862 = arith.constant 0 : i32
        %dma_wait3A_863 = tpu.memref_slice %arg2[%dma_wait3A_861, %dma_wait3A_862] : memref<10000x128xf32, #tpu.memory_space<hbm>> -> memref<80x128xf32, #tpu.memory_space<hbm>>
        %dma_wait3A_864 = tpu.memref_slice %arg12[%dma_wait3A_856] : memref<3x!tpu.dma_semaphore, #tpu.memory_space<semaphore_mem>> -> memref<1x!tpu.dma_semaphore, #tpu.memory_space<semaphore_mem>>
        %dma_wait3A_865 = tpu.memref_squeeze %dma_wait3A_864 : memref<1x!tpu.dma_semaphore, #tpu.memory_space<semaphore_mem>> -> memref<!tpu.dma_semaphore, #tpu.memory_space<semaphore_mem>>
        %dma_wait3A_866 = arith.constant 0 : i32
        %dma_wait3A_867 = arith.constant 0 : i32
        %dma_wait3A_868 = tpu.memref_slice %arg7[%dma_wait3A_855, %dma_wait3A_866, %dma_wait3A_867] : memref<3x80x128xf32, #tpu.memory_space<vmem>> -> memref<1x80x128xf32, #tpu.memory_space<vmem>>
        %dma_wait3A_869 = tpu.memref_squeeze %dma_wait3A_868 : memref<1x80x128xf32, #tpu.memory_space<vmem>> -> memref<80x128xf32, #tpu.memory_space<vmem>>
        %dma_wait3A_870 = arith.constant 0 : i32
        %dma_wait3A_871 = arith.constant 0 : i32
        %dma_wait3A_872 = tpu.memref_slice %arg2[%dma_wait3A_870, %dma_wait3A_871] : memref<10000x128xf32, #tpu.memory_space<hbm>> -> memref<80x128xf32, #tpu.memory_space<hbm>>
        tpu.wait_dma2 semaphore(%dma_wait3A_865 : memref<!tpu.dma_semaphore, #tpu.memory_space<semaphore_mem>>) src(%dma_wait3A_872 : memref<80x128xf32, #tpu.memory_space<hbm>>) dst(%dma_wait3A_869 : memref<80x128xf32, #tpu.memory_space<vmem>>)
      } else {
      }
      %add3A_557 = arith.constant 3 : i32
      %add3A_558 = arith.addi %add3A_548, %add3A_557 : i32
      %lt3A_559 = arith.constant 125 : i32
      %lt3A_560 = arith.cmpi slt, %add3A_558, %lt3A_559 : i32
      %convert_element_type3A_561 = arith.extui %lt3A_560 : i1 to i32
      %cond3A_562 = arith.constant 0 : i32
      %cond3A_563 = arith.cmpi ne, %convert_element_type3A_561, %cond3A_562 : i32
      scf.if %cond3A_563 {
        %add3A_855 = arith.constant 3 : i32
        %add3A_856 = arith.addi %add3A_548, %add3A_855 : i32
        %mul3A_857 = arith.constant 80 : i32
        %mul3A_858 = arith.muli %add3A_856, %mul3A_857 : i32
        %add3A_859 = arith.addi %mul3A_2, %mul3A_858 : i32
        %dma_start3A_860 = arith.constant 3 : i32
        %dma_start3A_861 = arith.constant 3 : i32
        %dma_start3A_862 = arith.constant 0 : i32
        %dma_start3A_863 = tpu.memref_slice %arg5[%dma_start3A_860, %dma_start3A_862] : memref<5x80xi32, #tpu.memory_space<vmem>> -> memref<1x80xi32, #tpu.memory_space<vmem>>
        %dma_start3A_864 = tpu.memref_squeeze %dma_start3A_863 : memref<1x80xi32, #tpu.memory_space<vmem>> -> memref<80xi32, #tpu.memory_space<vmem>>
        %dma_start3A_865 = tpu.memref_slice %arg3[%add3A_859] : memref<640000xi32, #tpu.memory_space<hbm>> -> memref<80xi32, #tpu.memory_space<hbm>>
        %dma_start3A_866 = tpu.memref_slice %arg10[%dma_start3A_861] : memref<5x!tpu.dma_semaphore, #tpu.memory_space<semaphore_mem>> -> memref<1x!tpu.dma_semaphore, #tpu.memory_space<semaphore_mem>>
        %dma_start3A_867 = tpu.memref_squeeze %dma_start3A_866 : memref<1x!tpu.dma_semaphore, #tpu.memory_space<semaphore_mem>> -> memref<!tpu.dma_semaphore, #tpu.memory_space<semaphore_mem>>
        %dma_start3A_868 = arith.constant 0 : i32
        %dma_start3A_869 = tpu.memref_slice %arg5[%dma_start3A_860, %dma_start3A_868] : memref<5x80xi32, #tpu.memory_space<vmem>> -> memref<1x80xi32, #tpu.memory_space<vmem>>
        %dma_start3A_870 = tpu.memref_squeeze %dma_start3A_869 : memref<1x80xi32, #tpu.memory_space<vmem>> -> memref<80xi32, #tpu.memory_space<vmem>>
        %dma_start3A_871 = tpu.memref_slice %arg3[%add3A_859] : memref<640000xi32, #tpu.memory_space<hbm>> -> memref<80xi32, #tpu.memory_space<hbm>>
        tpu.enqueue_dma source(%dma_start3A_871 : memref<80xi32, #tpu.memory_space<hbm>>) target(%dma_start3A_870 : memref<80xi32, #tpu.memory_space<vmem>>) target_semaphore(%dma_start3A_867 : memref<!tpu.dma_semaphore, #tpu.memory_space<semaphore_mem>>)
        %add3A_872 = arith.constant 320000 : i32
        %add3A_873 = arith.addi %add3A_872, %mul3A_2 : i32
        %mul3A_874 = arith.constant 80 : i32
        %mul3A_875 = arith.muli %add3A_856, %mul3A_874 : i32
        %add3A_876 = arith.addi %add3A_873, %mul3A_875 : i32
        %dma_start3A_877 = arith.constant 3 : i32
        %dma_start3A_878 = arith.constant 3 : i32
        %dma_start3A_879 = arith.constant 0 : i32
        %dma_start3A_880 = tpu.memref_slice %arg6[%dma_start3A_877, %dma_start3A_879] : memref<5x80xi32, #tpu.memory_space<vmem>> -> memref<1x80xi32, #tpu.memory_space<vmem>>
        %dma_start3A_881 = tpu.memref_squeeze %dma_start3A_880 : memref<1x80xi32, #tpu.memory_space<vmem>> -> memref<80xi32, #tpu.memory_space<vmem>>
        %dma_start3A_882 = tpu.memref_slice %arg3[%add3A_876] : memref<640000xi32, #tpu.memory_space<hbm>> -> memref<80xi32, #tpu.memory_space<hbm>>
        %dma_start3A_883 = tpu.memref_slice %arg10[%dma_start3A_878] : memref<5x!tpu.dma_semaphore, #tpu.memory_space<semaphore_mem>> -> memref<1x!tpu.dma_semaphore, #tpu.memory_space<semaphore_mem>>
        %dma_start3A_884 = tpu.memref_squeeze %dma_start3A_883 : memref<1x!tpu.dma_semaphore, #tpu.memory_space<semaphore_mem>> -> memref<!tpu.dma_semaphore, #tpu.memory_space<semaphore_mem>>
        %dma_start3A_885 = arith.constant 0 : i32
        %dma_start3A_886 = tpu.memref_slice %arg6[%dma_start3A_877, %dma_start3A_885] : memref<5x80xi32, #tpu.memory_space<vmem>> -> memref<1x80xi32, #tpu.memory_space<vmem>>
        %dma_start3A_887 = tpu.memref_squeeze %dma_start3A_886 : memref<1x80xi32, #tpu.memory_space<vmem>> -> memref<80xi32, #tpu.memory_space<vmem>>
        %dma_start3A_888 = tpu.memref_slice %arg3[%add3A_876] : memref<640000xi32, #tpu.memory_space<hbm>> -> memref<80xi32, #tpu.memory_space<hbm>>
        tpu.enqueue_dma source(%dma_start3A_888 : memref<80xi32, #tpu.memory_space<hbm>>) target(%dma_start3A_887 : memref<80xi32, #tpu.memory_space<vmem>>) target_semaphore(%dma_start3A_884 : memref<!tpu.dma_semaphore, #tpu.memory_space<semaphore_mem>>)
      } else {
      }
      %add3A_564 = arith.constant 1 : i32
      %add3A_565 = arith.addi %add3A_548, %add3A_564 : i32
      %lt3A_566 = arith.constant 125 : i32
      %lt3A_567 = arith.cmpi slt, %add3A_565, %lt3A_566 : i32
      %convert_element_type3A_568 = arith.extui %lt3A_567 : i1 to i32
      %cond3A_569 = arith.constant 0 : i32
      %cond3A_570 = arith.cmpi ne, %convert_element_type3A_568, %cond3A_569 : i32
      scf.if %cond3A_570 {
        %dma_wait3A_855 = arith.constant 1 : i32
        %dma_wait3A_856 = arith.constant 1 : i32
        %dma_wait3A_857 = arith.constant 0 : i32
        %dma_wait3A_858 = tpu.memref_slice %arg5[%dma_wait3A_855, %dma_wait3A_857] : memref<5x80xi32, #tpu.memory_space<vmem>> -> memref<1x80xi32, #tpu.memory_space<vmem>>
        %dma_wait3A_859 = tpu.memref_squeeze %dma_wait3A_858 : memref<1x80xi32, #tpu.memory_space<vmem>> -> memref<80xi32, #tpu.memory_space<vmem>>
        %dma_wait3A_860 = arith.constant 0 : i32
        %dma_wait3A_861 = tpu.memref_slice %arg3[%dma_wait3A_860] : memref<640000xi32, #tpu.memory_space<hbm>> -> memref<80xi32, #tpu.memory_space<hbm>>
        %dma_wait3A_862 = tpu.memref_slice %arg10[%dma_wait3A_856] : memref<5x!tpu.dma_semaphore, #tpu.memory_space<semaphore_mem>> -> memref<1x!tpu.dma_semaphore, #tpu.memory_space<semaphore_mem>>
        %dma_wait3A_863 = tpu.memref_squeeze %dma_wait3A_862 : memref<1x!tpu.dma_semaphore, #tpu.memory_space<semaphore_mem>> -> memref<!tpu.dma_semaphore, #tpu.memory_space<semaphore_mem>>
        %dma_wait3A_864 = arith.constant 0 : i32
        %dma_wait3A_865 = tpu.memref_slice %arg5[%dma_wait3A_855, %dma_wait3A_864] : memref<5x80xi32, #tpu.memory_space<vmem>> -> memref<1x80xi32, #tpu.memory_space<vmem>>
        %dma_wait3A_866 = tpu.memref_squeeze %dma_wait3A_865 : memref<1x80xi32, #tpu.memory_space<vmem>> -> memref<80xi32, #tpu.memory_space<vmem>>
        %dma_wait3A_867 = arith.constant 0 : i32
        %dma_wait3A_868 = tpu.memref_slice %arg3[%dma_wait3A_867] : memref<640000xi32, #tpu.memory_space<hbm>> -> memref<80xi32, #tpu.memory_space<hbm>>
        tpu.wait_dma2 semaphore(%dma_wait3A_863 : memref<!tpu.dma_semaphore, #tpu.memory_space<semaphore_mem>>) src(%dma_wait3A_868 : memref<80xi32, #tpu.memory_space<hbm>>) dst(%dma_wait3A_866 : memref<80xi32, #tpu.memory_space<vmem>>)
        %dma_wait3A_869 = arith.constant 1 : i32
        %dma_wait3A_870 = arith.constant 1 : i32
        %dma_wait3A_871 = arith.constant 0 : i32
        %dma_wait3A_872 = tpu.memref_slice %arg6[%dma_wait3A_869, %dma_wait3A_871] : memref<5x80xi32, #tpu.memory_space<vmem>> -> memref<1x80xi32, #tpu.memory_space<vmem>>
        %dma_wait3A_873 = tpu.memref_squeeze %dma_wait3A_872 : memref<1x80xi32, #tpu.memory_space<vmem>> -> memref<80xi32, #tpu.memory_space<vmem>>
        %dma_wait3A_874 = arith.constant 0 : i32
        %dma_wait3A_875 = tpu.memref_slice %arg3[%dma_wait3A_874] : memref<640000xi32, #tpu.memory_space<hbm>> -> memref<80xi32, #tpu.memory_space<hbm>>
        %dma_wait3A_876 = tpu.memref_slice %arg10[%dma_wait3A_870] : memref<5x!tpu.dma_semaphore, #tpu.memory_space<semaphore_mem>> -> memref<1x!tpu.dma_semaphore, #tpu.memory_space<semaphore_mem>>
        %dma_wait3A_877 = tpu.memref_squeeze %dma_wait3A_876 : memref<1x!tpu.dma_semaphore, #tpu.memory_space<semaphore_mem>> -> memref<!tpu.dma_semaphore, #tpu.memory_space<semaphore_mem>>
        %dma_wait3A_878 = arith.constant 0 : i32
        %dma_wait3A_879 = tpu.memref_slice %arg6[%dma_wait3A_869, %dma_wait3A_878] : memref<5x80xi32, #tpu.memory_space<vmem>> -> memref<1x80xi32, #tpu.memory_space<vmem>>
        %dma_wait3A_880 = tpu.memref_squeeze %dma_wait3A_879 : memref<1x80xi32, #tpu.memory_space<vmem>> -> memref<80xi32, #tpu.memory_space<vmem>>
        %dma_wait3A_881 = arith.constant 0 : i32
        %dma_wait3A_882 = tpu.memref_slice %arg3[%dma_wait3A_881] : memref<640000xi32, #tpu.memory_space<hbm>> -> memref<80xi32, #tpu.memory_space<hbm>>
        tpu.wait_dma2 semaphore(%dma_wait3A_877 : memref<!tpu.dma_semaphore, #tpu.memory_space<semaphore_mem>>) src(%dma_wait3A_882 : memref<80xi32, #tpu.memory_space<hbm>>) dst(%dma_wait3A_880 : memref<80xi32, #tpu.memory_space<vmem>>)
        %dma_start3A_883 = arith.constant 1 : i32
        %dma_start3A_884 = arith.constant 0 : i32
        %dma_start3A_885 = arith.constant 0 : i32
        %dma_start3A_886 = arith.constant 0 : i32
        %dma_start3A_887 = arith.constant 0 : i32
        %dma_start3A_888 = tpu.memref_slice %arg7[%dma_start3A_884, %dma_start3A_886, %dma_start3A_887] : memref<3x80x128xf32, #tpu.memory_space<vmem>> -> memref<1x80x128xf32, #tpu.memory_space<vmem>>
        %dma_start3A_889 = tpu.memref_squeeze %dma_start3A_888 : memref<1x80x128xf32, #tpu.memory_space<vmem>> -> memref<80x128xf32, #tpu.memory_space<vmem>>
        %dma_start3A_890 = arith.constant 0 : i32
        %dma_start3A_891 = tpu.memref_slice %arg5[%dma_start3A_883, %dma_start3A_890] : memref<5x80xi32, #tpu.memory_space<vmem>> -> memref<1x80xi32, #tpu.memory_space<vmem>>
        %dma_start3A_892 = tpu.memref_squeeze %dma_start3A_891 : memref<1x80xi32, #tpu.memory_space<vmem>> -> memref<80xi32, #tpu.memory_space<vmem>>
        %dma_start3A_893 = arith.constant 0 : i32
        %dma_start3A_894 = arith.constant 0 : i32
        %dma_start3A_895 = tpu.memref_slice %arg2[%dma_start3A_893, %dma_start3A_894] : memref<10000x128xf32, #tpu.memory_space<hbm>> -> memref<10000x128xf32, #tpu.memory_space<hbm>>
        %dma_start3A_896 = tpu.memref_slice %arg11[%dma_start3A_885] : memref<3x!tpu.dma_semaphore, #tpu.memory_space<semaphore_mem>> -> memref<1x!tpu.dma_semaphore, #tpu.memory_space<semaphore_mem>>
        %dma_start3A_897 = tpu.memref_squeeze %dma_start3A_896 : memref<1x!tpu.dma_semaphore, #tpu.memory_space<semaphore_mem>> -> memref<!tpu.dma_semaphore, #tpu.memory_space<semaphore_mem>>
        tpu.enqueue_indirect_dma source(%dma_start3A_895 : memref<10000x128xf32, #tpu.memory_space<hbm>>) target(%dma_start3A_889 : memref<80x128xf32, #tpu.memory_space<vmem>>) offsets(%dma_start3A_892 : memref<80xi32, #tpu.memory_space<vmem>>) semaphore(%dma_start3A_897 : memref<!tpu.dma_semaphore, #tpu.memory_space<semaphore_mem>>)
      } else {
      }
      %lt3A_571 = arith.constant 125 : i32
      %lt3A_572 = arith.cmpi slt, %add3A_548, %lt3A_571 : i32
      %convert_element_type3A_573 = arith.extui %lt3A_572 : i1 to i32
      %cond3A_574 = arith.constant 0 : i32
      %cond3A_575 = arith.cmpi ne, %convert_element_type3A_573, %cond3A_574 : i32
      scf.if %cond3A_575 {
        %dma_wait3A_855 = arith.constant 2 : i32
        %dma_wait3A_856 = arith.constant 2 : i32
        %dma_wait3A_857 = arith.constant 0 : i32
        %dma_wait3A_858 = arith.constant 0 : i32
        %dma_wait3A_859 = tpu.memref_slice %arg7[%dma_wait3A_855, %dma_wait3A_857, %dma_wait3A_858] : memref<3x80x128xf32, #tpu.memory_space<vmem>> -> memref<1x80x128xf32, #tpu.memory_space<vmem>>
        %dma_wait3A_860 = tpu.memref_squeeze %dma_wait3A_859 : memref<1x80x128xf32, #tpu.memory_space<vmem>> -> memref<80x128xf32, #tpu.memory_space<vmem>>
        %dma_wait3A_861 = arith.constant 0 : i32
        %dma_wait3A_862 = arith.constant 0 : i32
        %dma_wait3A_863 = tpu.memref_slice %arg2[%dma_wait3A_861, %dma_wait3A_862] : memref<10000x128xf32, #tpu.memory_space<hbm>> -> memref<80x128xf32, #tpu.memory_space<hbm>>
        %dma_wait3A_864 = tpu.memref_slice %arg11[%dma_wait3A_856] : memref<3x!tpu.dma_semaphore, #tpu.memory_space<semaphore_mem>> -> memref<1x!tpu.dma_semaphore, #tpu.memory_space<semaphore_mem>>
        %dma_wait3A_865 = tpu.memref_squeeze %dma_wait3A_864 : memref<1x!tpu.dma_semaphore, #tpu.memory_space<semaphore_mem>> -> memref<!tpu.dma_semaphore, #tpu.memory_space<semaphore_mem>>
        %dma_wait3A_866 = arith.constant 0 : i32
        %dma_wait3A_867 = arith.constant 0 : i32
        %dma_wait3A_868 = tpu.memref_slice %arg7[%dma_wait3A_855, %dma_wait3A_866, %dma_wait3A_867] : memref<3x80x128xf32, #tpu.memory_space<vmem>> -> memref<1x80x128xf32, #tpu.memory_space<vmem>>
        %dma_wait3A_869 = tpu.memref_squeeze %dma_wait3A_868 : memref<1x80x128xf32, #tpu.memory_space<vmem>> -> memref<80x128xf32, #tpu.memory_space<vmem>>
        %dma_wait3A_870 = arith.constant 0 : i32
        %dma_wait3A_871 = arith.constant 0 : i32
        %dma_wait3A_872 = tpu.memref_slice %arg2[%dma_wait3A_870, %dma_wait3A_871] : memref<10000x128xf32, #tpu.memory_space<hbm>> -> memref<80x128xf32, #tpu.memory_space<hbm>>
        tpu.wait_dma2 semaphore(%dma_wait3A_865 : memref<!tpu.dma_semaphore, #tpu.memory_space<semaphore_mem>>) src(%dma_wait3A_872 : memref<80x128xf32, #tpu.memory_space<hbm>>) dst(%dma_wait3A_869 : memref<80x128xf32, #tpu.memory_space<vmem>>)
        %dma_start3A_873 = arith.constant 2 : i32
        %dma_start3A_874 = arith.constant 0 : i32
        %dma_start3A_875 = arith.constant 2 : i32
        %dma_start3A_876 = arith.constant 0 : i32
        %dma_start3A_877 = arith.constant 0 : i32
        %dma_start3A_878 = tpu.memref_slice %arg7[%dma_start3A_873, %dma_start3A_876, %dma_start3A_877] : memref<3x80x128xf32, #tpu.memory_space<vmem>> -> memref<1x80x128xf32, #tpu.memory_space<vmem>>
        %dma_start3A_879 = tpu.memref_squeeze %dma_start3A_878 : memref<1x80x128xf32, #tpu.memory_space<vmem>> -> memref<80x128xf32, #tpu.memory_space<vmem>>
        %dma_start3A_880 = arith.constant 0 : i32
        %dma_start3A_881 = tpu.memref_slice %arg6[%dma_start3A_874, %dma_start3A_880] : memref<5x80xi32, #tpu.memory_space<vmem>> -> memref<1x80xi32, #tpu.memory_space<vmem>>
        %dma_start3A_882 = tpu.memref_squeeze %dma_start3A_881 : memref<1x80xi32, #tpu.memory_space<vmem>> -> memref<80xi32, #tpu.memory_space<vmem>>
        %dma_start3A_883 = arith.constant 0 : i32
        %dma_start3A_884 = arith.constant 0 : i32
        %dma_start3A_885 = tpu.memref_slice %arg9[%dma_start3A_883, %dma_start3A_884] : memref<10000x128xf32, #tpu.memory_space<vmem_shared>> -> memref<10000x128xf32, #tpu.memory_space<vmem_shared>>
        %dma_start3A_886 = tpu.memref_slice %arg12[%dma_start3A_875] : memref<3x!tpu.dma_semaphore, #tpu.memory_space<semaphore_mem>> -> memref<1x!tpu.dma_semaphore, #tpu.memory_space<semaphore_mem>>
        %dma_start3A_887 = tpu.memref_squeeze %dma_start3A_886 : memref<1x!tpu.dma_semaphore, #tpu.memory_space<semaphore_mem>> -> memref<!tpu.dma_semaphore, #tpu.memory_space<semaphore_mem>>
        tpu.enqueue_indirect_dma source(%dma_start3A_879 : memref<80x128xf32, #tpu.memory_space<vmem>>) target(%dma_start3A_885 : memref<10000x128xf32, #tpu.memory_space<vmem_shared>>) offsets(%dma_start3A_882 : memref<80xi32, #tpu.memory_space<vmem>>) semaphore(%dma_start3A_887 : memref<!tpu.dma_semaphore, #tpu.memory_space<semaphore_mem>>) {add = true}
      } else {
      }
      %mul3A_576 = arith.constant 15 : i32
      %mul3A_577 = arith.muli %scan3A_392, %mul3A_576 : i32
      %add3A_578 = arith.constant 6 : i32
      %add3A_579 = arith.addi %mul3A_577, %add3A_578 : i32
      %ge3A_580 = arith.constant 2 : i32
      %ge3A_581 = arith.cmpi sge, %add3A_579, %ge3A_580 : i32
      %lt3A_582 = arith.constant 127 : i32
      %lt3A_583 = arith.cmpi slt, %add3A_579, %lt3A_582 : i32
      %and3A_584 = arith.andi %ge3A_581, %lt3A_583 : i1
      %convert_element_type3A_585 = arith.extui %and3A_584 : i1 to i32
      %cond3A_586 = arith.constant 0 : i32
      %cond3A_587 = arith.cmpi ne, %convert_element_type3A_585, %cond3A_586 : i32
      scf.if %cond3A_587 {
        %dma_wait3A_855 = arith.constant 1 : i32
        %dma_wait3A_856 = arith.constant 1 : i32
        %dma_wait3A_857 = arith.constant 0 : i32
        %dma_wait3A_858 = arith.constant 0 : i32
        %dma_wait3A_859 = tpu.memref_slice %arg7[%dma_wait3A_855, %dma_wait3A_857, %dma_wait3A_858] : memref<3x80x128xf32, #tpu.memory_space<vmem>> -> memref<1x80x128xf32, #tpu.memory_space<vmem>>
        %dma_wait3A_860 = tpu.memref_squeeze %dma_wait3A_859 : memref<1x80x128xf32, #tpu.memory_space<vmem>> -> memref<80x128xf32, #tpu.memory_space<vmem>>
        %dma_wait3A_861 = arith.constant 0 : i32
        %dma_wait3A_862 = arith.constant 0 : i32
        %dma_wait3A_863 = tpu.memref_slice %arg2[%dma_wait3A_861, %dma_wait3A_862] : memref<10000x128xf32, #tpu.memory_space<hbm>> -> memref<80x128xf32, #tpu.memory_space<hbm>>
        %dma_wait3A_864 = tpu.memref_slice %arg12[%dma_wait3A_856] : memref<3x!tpu.dma_semaphore, #tpu.memory_space<semaphore_mem>> -> memref<1x!tpu.dma_semaphore, #tpu.memory_space<semaphore_mem>>
        %dma_wait3A_865 = tpu.memref_squeeze %dma_wait3A_864 : memref<1x!tpu.dma_semaphore, #tpu.memory_space<semaphore_mem>> -> memref<!tpu.dma_semaphore, #tpu.memory_space<semaphore_mem>>
        %dma_wait3A_866 = arith.constant 0 : i32
        %dma_wait3A_867 = arith.constant 0 : i32
        %dma_wait3A_868 = tpu.memref_slice %arg7[%dma_wait3A_855, %dma_wait3A_866, %dma_wait3A_867] : memref<3x80x128xf32, #tpu.memory_space<vmem>> -> memref<1x80x128xf32, #tpu.memory_space<vmem>>
        %dma_wait3A_869 = tpu.memref_squeeze %dma_wait3A_868 : memref<1x80x128xf32, #tpu.memory_space<vmem>> -> memref<80x128xf32, #tpu.memory_space<vmem>>
        %dma_wait3A_870 = arith.constant 0 : i32
        %dma_wait3A_871 = arith.constant 0 : i32
        %dma_wait3A_872 = tpu.memref_slice %arg2[%dma_wait3A_870, %dma_wait3A_871] : memref<10000x128xf32, #tpu.memory_space<hbm>> -> memref<80x128xf32, #tpu.memory_space<hbm>>
        tpu.wait_dma2 semaphore(%dma_wait3A_865 : memref<!tpu.dma_semaphore, #tpu.memory_space<semaphore_mem>>) src(%dma_wait3A_872 : memref<80x128xf32, #tpu.memory_space<hbm>>) dst(%dma_wait3A_869 : memref<80x128xf32, #tpu.memory_space<vmem>>)
      } else {
      }
      %add3A_588 = arith.constant 3 : i32
      %add3A_589 = arith.addi %add3A_579, %add3A_588 : i32
      %lt3A_590 = arith.constant 125 : i32
      %lt3A_591 = arith.cmpi slt, %add3A_589, %lt3A_590 : i32
      %convert_element_type3A_592 = arith.extui %lt3A_591 : i1 to i32
      %cond3A_593 = arith.constant 0 : i32
      %cond3A_594 = arith.cmpi ne, %convert_element_type3A_592, %cond3A_593 : i32
      scf.if %cond3A_594 {
        %add3A_855 = arith.constant 3 : i32
        %add3A_856 = arith.addi %add3A_579, %add3A_855 : i32
        %mul3A_857 = arith.constant 80 : i32
        %mul3A_858 = arith.muli %add3A_856, %mul3A_857 : i32
        %add3A_859 = arith.addi %mul3A_2, %mul3A_858 : i32
        %dma_start3A_860 = arith.constant 4 : i32
        %dma_start3A_861 = arith.constant 4 : i32
        %dma_start3A_862 = arith.constant 0 : i32
        %dma_start3A_863 = tpu.memref_slice %arg5[%dma_start3A_860, %dma_start3A_862] : memref<5x80xi32, #tpu.memory_space<vmem>> -> memref<1x80xi32, #tpu.memory_space<vmem>>
        %dma_start3A_864 = tpu.memref_squeeze %dma_start3A_863 : memref<1x80xi32, #tpu.memory_space<vmem>> -> memref<80xi32, #tpu.memory_space<vmem>>
        %dma_start3A_865 = tpu.memref_slice %arg3[%add3A_859] : memref<640000xi32, #tpu.memory_space<hbm>> -> memref<80xi32, #tpu.memory_space<hbm>>
        %dma_start3A_866 = tpu.memref_slice %arg10[%dma_start3A_861] : memref<5x!tpu.dma_semaphore, #tpu.memory_space<semaphore_mem>> -> memref<1x!tpu.dma_semaphore, #tpu.memory_space<semaphore_mem>>
        %dma_start3A_867 = tpu.memref_squeeze %dma_start3A_866 : memref<1x!tpu.dma_semaphore, #tpu.memory_space<semaphore_mem>> -> memref<!tpu.dma_semaphore, #tpu.memory_space<semaphore_mem>>
        %dma_start3A_868 = arith.constant 0 : i32
        %dma_start3A_869 = tpu.memref_slice %arg5[%dma_start3A_860, %dma_start3A_868] : memref<5x80xi32, #tpu.memory_space<vmem>> -> memref<1x80xi32, #tpu.memory_space<vmem>>
        %dma_start3A_870 = tpu.memref_squeeze %dma_start3A_869 : memref<1x80xi32, #tpu.memory_space<vmem>> -> memref<80xi32, #tpu.memory_space<vmem>>
        %dma_start3A_871 = tpu.memref_slice %arg3[%add3A_859] : memref<640000xi32, #tpu.memory_space<hbm>> -> memref<80xi32, #tpu.memory_space<hbm>>
        tpu.enqueue_dma source(%dma_start3A_871 : memref<80xi32, #tpu.memory_space<hbm>>) target(%dma_start3A_870 : memref<80xi32, #tpu.memory_space<vmem>>) target_semaphore(%dma_start3A_867 : memref<!tpu.dma_semaphore, #tpu.memory_space<semaphore_mem>>)
        %add3A_872 = arith.constant 320000 : i32
        %add3A_873 = arith.addi %add3A_872, %mul3A_2 : i32
        %mul3A_874 = arith.constant 80 : i32
        %mul3A_875 = arith.muli %add3A_856, %mul3A_874 : i32
        %add3A_876 = arith.addi %add3A_873, %mul3A_875 : i32
        %dma_start3A_877 = arith.constant 4 : i32
        %dma_start3A_878 = arith.constant 4 : i32
        %dma_start3A_879 = arith.constant 0 : i32
        %dma_start3A_880 = tpu.memref_slice %arg6[%dma_start3A_877, %dma_start3A_879] : memref<5x80xi32, #tpu.memory_space<vmem>> -> memref<1x80xi32, #tpu.memory_space<vmem>>
        %dma_start3A_881 = tpu.memref_squeeze %dma_start3A_880 : memref<1x80xi32, #tpu.memory_space<vmem>> -> memref<80xi32, #tpu.memory_space<vmem>>
        %dma_start3A_882 = tpu.memref_slice %arg3[%add3A_876] : memref<640000xi32, #tpu.memory_space<hbm>> -> memref<80xi32, #tpu.memory_space<hbm>>
        %dma_start3A_883 = tpu.memref_slice %arg10[%dma_start3A_878] : memref<5x!tpu.dma_semaphore, #tpu.memory_space<semaphore_mem>> -> memref<1x!tpu.dma_semaphore, #tpu.memory_space<semaphore_mem>>
        %dma_start3A_884 = tpu.memref_squeeze %dma_start3A_883 : memref<1x!tpu.dma_semaphore, #tpu.memory_space<semaphore_mem>> -> memref<!tpu.dma_semaphore, #tpu.memory_space<semaphore_mem>>
        %dma_start3A_885 = arith.constant 0 : i32
        %dma_start3A_886 = tpu.memref_slice %arg6[%dma_start3A_877, %dma_start3A_885] : memref<5x80xi32, #tpu.memory_space<vmem>> -> memref<1x80xi32, #tpu.memory_space<vmem>>
        %dma_start3A_887 = tpu.memref_squeeze %dma_start3A_886 : memref<1x80xi32, #tpu.memory_space<vmem>> -> memref<80xi32, #tpu.memory_space<vmem>>
        %dma_start3A_888 = tpu.memref_slice %arg3[%add3A_876] : memref<640000xi32, #tpu.memory_space<hbm>> -> memref<80xi32, #tpu.memory_space<hbm>>
        tpu.enqueue_dma source(%dma_start3A_888 : memref<80xi32, #tpu.memory_space<hbm>>) target(%dma_start3A_887 : memref<80xi32, #tpu.memory_space<vmem>>) target_semaphore(%dma_start3A_884 : memref<!tpu.dma_semaphore, #tpu.memory_space<semaphore_mem>>)
      } else {
      }
      %add3A_595 = arith.constant 1 : i32
      %add3A_596 = arith.addi %add3A_579, %add3A_595 : i32
      %lt3A_597 = arith.constant 125 : i32
      %lt3A_598 = arith.cmpi slt, %add3A_596, %lt3A_597 : i32
      %convert_element_type3A_599 = arith.extui %lt3A_598 : i1 to i32
      %cond3A_600 = arith.constant 0 : i32
      %cond3A_601 = arith.cmpi ne, %convert_element_type3A_599, %cond3A_600 : i32
      scf.if %cond3A_601 {
        %dma_wait3A_855 = arith.constant 2 : i32
        %dma_wait3A_856 = arith.constant 2 : i32
        %dma_wait3A_857 = arith.constant 0 : i32
        %dma_wait3A_858 = tpu.memref_slice %arg5[%dma_wait3A_855, %dma_wait3A_857] : memref<5x80xi32, #tpu.memory_space<vmem>> -> memref<1x80xi32, #tpu.memory_space<vmem>>
        %dma_wait3A_859 = tpu.memref_squeeze %dma_wait3A_858 : memref<1x80xi32, #tpu.memory_space<vmem>> -> memref<80xi32, #tpu.memory_space<vmem>>
        %dma_wait3A_860 = arith.constant 0 : i32
        %dma_wait3A_861 = tpu.memref_slice %arg3[%dma_wait3A_860] : memref<640000xi32, #tpu.memory_space<hbm>> -> memref<80xi32, #tpu.memory_space<hbm>>
        %dma_wait3A_862 = tpu.memref_slice %arg10[%dma_wait3A_856] : memref<5x!tpu.dma_semaphore, #tpu.memory_space<semaphore_mem>> -> memref<1x!tpu.dma_semaphore, #tpu.memory_space<semaphore_mem>>
        %dma_wait3A_863 = tpu.memref_squeeze %dma_wait3A_862 : memref<1x!tpu.dma_semaphore, #tpu.memory_space<semaphore_mem>> -> memref<!tpu.dma_semaphore, #tpu.memory_space<semaphore_mem>>
        %dma_wait3A_864 = arith.constant 0 : i32
        %dma_wait3A_865 = tpu.memref_slice %arg5[%dma_wait3A_855, %dma_wait3A_864] : memref<5x80xi32, #tpu.memory_space<vmem>> -> memref<1x80xi32, #tpu.memory_space<vmem>>
        %dma_wait3A_866 = tpu.memref_squeeze %dma_wait3A_865 : memref<1x80xi32, #tpu.memory_space<vmem>> -> memref<80xi32, #tpu.memory_space<vmem>>
        %dma_wait3A_867 = arith.constant 0 : i32
        %dma_wait3A_868 = tpu.memref_slice %arg3[%dma_wait3A_867] : memref<640000xi32, #tpu.memory_space<hbm>> -> memref<80xi32, #tpu.memory_space<hbm>>
        tpu.wait_dma2 semaphore(%dma_wait3A_863 : memref<!tpu.dma_semaphore, #tpu.memory_space<semaphore_mem>>) src(%dma_wait3A_868 : memref<80xi32, #tpu.memory_space<hbm>>) dst(%dma_wait3A_866 : memref<80xi32, #tpu.memory_space<vmem>>)
        %dma_wait3A_869 = arith.constant 2 : i32
        %dma_wait3A_870 = arith.constant 2 : i32
        %dma_wait3A_871 = arith.constant 0 : i32
        %dma_wait3A_872 = tpu.memref_slice %arg6[%dma_wait3A_869, %dma_wait3A_871] : memref<5x80xi32, #tpu.memory_space<vmem>> -> memref<1x80xi32, #tpu.memory_space<vmem>>
        %dma_wait3A_873 = tpu.memref_squeeze %dma_wait3A_872 : memref<1x80xi32, #tpu.memory_space<vmem>> -> memref<80xi32, #tpu.memory_space<vmem>>
        %dma_wait3A_874 = arith.constant 0 : i32
        %dma_wait3A_875 = tpu.memref_slice %arg3[%dma_wait3A_874] : memref<640000xi32, #tpu.memory_space<hbm>> -> memref<80xi32, #tpu.memory_space<hbm>>
        %dma_wait3A_876 = tpu.memref_slice %arg10[%dma_wait3A_870] : memref<5x!tpu.dma_semaphore, #tpu.memory_space<semaphore_mem>> -> memref<1x!tpu.dma_semaphore, #tpu.memory_space<semaphore_mem>>
        %dma_wait3A_877 = tpu.memref_squeeze %dma_wait3A_876 : memref<1x!tpu.dma_semaphore, #tpu.memory_space<semaphore_mem>> -> memref<!tpu.dma_semaphore, #tpu.memory_space<semaphore_mem>>
        %dma_wait3A_878 = arith.constant 0 : i32
        %dma_wait3A_879 = tpu.memref_slice %arg6[%dma_wait3A_869, %dma_wait3A_878] : memref<5x80xi32, #tpu.memory_space<vmem>> -> memref<1x80xi32, #tpu.memory_space<vmem>>
        %dma_wait3A_880 = tpu.memref_squeeze %dma_wait3A_879 : memref<1x80xi32, #tpu.memory_space<vmem>> -> memref<80xi32, #tpu.memory_space<vmem>>
        %dma_wait3A_881 = arith.constant 0 : i32
        %dma_wait3A_882 = tpu.memref_slice %arg3[%dma_wait3A_881] : memref<640000xi32, #tpu.memory_space<hbm>> -> memref<80xi32, #tpu.memory_space<hbm>>
        tpu.wait_dma2 semaphore(%dma_wait3A_877 : memref<!tpu.dma_semaphore, #tpu.memory_space<semaphore_mem>>) src(%dma_wait3A_882 : memref<80xi32, #tpu.memory_space<hbm>>) dst(%dma_wait3A_880 : memref<80xi32, #tpu.memory_space<vmem>>)
        %dma_start3A_883 = arith.constant 2 : i32
        %dma_start3A_884 = arith.constant 1 : i32
        %dma_start3A_885 = arith.constant 1 : i32
        %dma_start3A_886 = arith.constant 0 : i32
        %dma_start3A_887 = arith.constant 0 : i32
        %dma_start3A_888 = tpu.memref_slice %arg7[%dma_start3A_884, %dma_start3A_886, %dma_start3A_887] : memref<3x80x128xf32, #tpu.memory_space<vmem>> -> memref<1x80x128xf32, #tpu.memory_space<vmem>>
        %dma_start3A_889 = tpu.memref_squeeze %dma_start3A_888 : memref<1x80x128xf32, #tpu.memory_space<vmem>> -> memref<80x128xf32, #tpu.memory_space<vmem>>
        %dma_start3A_890 = arith.constant 0 : i32
        %dma_start3A_891 = tpu.memref_slice %arg5[%dma_start3A_883, %dma_start3A_890] : memref<5x80xi32, #tpu.memory_space<vmem>> -> memref<1x80xi32, #tpu.memory_space<vmem>>
        %dma_start3A_892 = tpu.memref_squeeze %dma_start3A_891 : memref<1x80xi32, #tpu.memory_space<vmem>> -> memref<80xi32, #tpu.memory_space<vmem>>
        %dma_start3A_893 = arith.constant 0 : i32
        %dma_start3A_894 = arith.constant 0 : i32
        %dma_start3A_895 = tpu.memref_slice %arg2[%dma_start3A_893, %dma_start3A_894] : memref<10000x128xf32, #tpu.memory_space<hbm>> -> memref<10000x128xf32, #tpu.memory_space<hbm>>
        %dma_start3A_896 = tpu.memref_slice %arg11[%dma_start3A_885] : memref<3x!tpu.dma_semaphore, #tpu.memory_space<semaphore_mem>> -> memref<1x!tpu.dma_semaphore, #tpu.memory_space<semaphore_mem>>
        %dma_start3A_897 = tpu.memref_squeeze %dma_start3A_896 : memref<1x!tpu.dma_semaphore, #tpu.memory_space<semaphore_mem>> -> memref<!tpu.dma_semaphore, #tpu.memory_space<semaphore_mem>>
        tpu.enqueue_indirect_dma source(%dma_start3A_895 : memref<10000x128xf32, #tpu.memory_space<hbm>>) target(%dma_start3A_889 : memref<80x128xf32, #tpu.memory_space<vmem>>) offsets(%dma_start3A_892 : memref<80xi32, #tpu.memory_space<vmem>>) semaphore(%dma_start3A_897 : memref<!tpu.dma_semaphore, #tpu.memory_space<semaphore_mem>>)
      } else {
      }
      %lt3A_602 = arith.constant 125 : i32
      %lt3A_603 = arith.cmpi slt, %add3A_579, %lt3A_602 : i32
      %convert_element_type3A_604 = arith.extui %lt3A_603 : i1 to i32
      %cond3A_605 = arith.constant 0 : i32
      %cond3A_606 = arith.cmpi ne, %convert_element_type3A_604, %cond3A_605 : i32
      scf.if %cond3A_606 {
        %dma_wait3A_855 = arith.constant 0 : i32
        %dma_wait3A_856 = arith.constant 0 : i32
        %dma_wait3A_857 = arith.constant 0 : i32
        %dma_wait3A_858 = arith.constant 0 : i32
        %dma_wait3A_859 = tpu.memref_slice %arg7[%dma_wait3A_855, %dma_wait3A_857, %dma_wait3A_858] : memref<3x80x128xf32, #tpu.memory_space<vmem>> -> memref<1x80x128xf32, #tpu.memory_space<vmem>>
        %dma_wait3A_860 = tpu.memref_squeeze %dma_wait3A_859 : memref<1x80x128xf32, #tpu.memory_space<vmem>> -> memref<80x128xf32, #tpu.memory_space<vmem>>
        %dma_wait3A_861 = arith.constant 0 : i32
        %dma_wait3A_862 = arith.constant 0 : i32
        %dma_wait3A_863 = tpu.memref_slice %arg2[%dma_wait3A_861, %dma_wait3A_862] : memref<10000x128xf32, #tpu.memory_space<hbm>> -> memref<80x128xf32, #tpu.memory_space<hbm>>
        %dma_wait3A_864 = tpu.memref_slice %arg11[%dma_wait3A_856] : memref<3x!tpu.dma_semaphore, #tpu.memory_space<semaphore_mem>> -> memref<1x!tpu.dma_semaphore, #tpu.memory_space<semaphore_mem>>
        %dma_wait3A_865 = tpu.memref_squeeze %dma_wait3A_864 : memref<1x!tpu.dma_semaphore, #tpu.memory_space<semaphore_mem>> -> memref<!tpu.dma_semaphore, #tpu.memory_space<semaphore_mem>>
        %dma_wait3A_866 = arith.constant 0 : i32
        %dma_wait3A_867 = arith.constant 0 : i32
        %dma_wait3A_868 = tpu.memref_slice %arg7[%dma_wait3A_855, %dma_wait3A_866, %dma_wait3A_867] : memref<3x80x128xf32, #tpu.memory_space<vmem>> -> memref<1x80x128xf32, #tpu.memory_space<vmem>>
        %dma_wait3A_869 = tpu.memref_squeeze %dma_wait3A_868 : memref<1x80x128xf32, #tpu.memory_space<vmem>> -> memref<80x128xf32, #tpu.memory_space<vmem>>
        %dma_wait3A_870 = arith.constant 0 : i32
        %dma_wait3A_871 = arith.constant 0 : i32
        %dma_wait3A_872 = tpu.memref_slice %arg2[%dma_wait3A_870, %dma_wait3A_871] : memref<10000x128xf32, #tpu.memory_space<hbm>> -> memref<80x128xf32, #tpu.memory_space<hbm>>
        tpu.wait_dma2 semaphore(%dma_wait3A_865 : memref<!tpu.dma_semaphore, #tpu.memory_space<semaphore_mem>>) src(%dma_wait3A_872 : memref<80x128xf32, #tpu.memory_space<hbm>>) dst(%dma_wait3A_869 : memref<80x128xf32, #tpu.memory_space<vmem>>)
        %dma_start3A_873 = arith.constant 0 : i32
        %dma_start3A_874 = arith.constant 1 : i32
        %dma_start3A_875 = arith.constant 0 : i32
        %dma_start3A_876 = arith.constant 0 : i32
        %dma_start3A_877 = arith.constant 0 : i32
        %dma_start3A_878 = tpu.memref_slice %arg7[%dma_start3A_873, %dma_start3A_876, %dma_start3A_877] : memref<3x80x128xf32, #tpu.memory_space<vmem>> -> memref<1x80x128xf32, #tpu.memory_space<vmem>>
        %dma_start3A_879 = tpu.memref_squeeze %dma_start3A_878 : memref<1x80x128xf32, #tpu.memory_space<vmem>> -> memref<80x128xf32, #tpu.memory_space<vmem>>
        %dma_start3A_880 = arith.constant 0 : i32
        %dma_start3A_881 = tpu.memref_slice %arg6[%dma_start3A_874, %dma_start3A_880] : memref<5x80xi32, #tpu.memory_space<vmem>> -> memref<1x80xi32, #tpu.memory_space<vmem>>
        %dma_start3A_882 = tpu.memref_squeeze %dma_start3A_881 : memref<1x80xi32, #tpu.memory_space<vmem>> -> memref<80xi32, #tpu.memory_space<vmem>>
        %dma_start3A_883 = arith.constant 0 : i32
        %dma_start3A_884 = arith.constant 0 : i32
        %dma_start3A_885 = tpu.memref_slice %arg9[%dma_start3A_883, %dma_start3A_884] : memref<10000x128xf32, #tpu.memory_space<vmem_shared>> -> memref<10000x128xf32, #tpu.memory_space<vmem_shared>>
        %dma_start3A_886 = tpu.memref_slice %arg12[%dma_start3A_875] : memref<3x!tpu.dma_semaphore, #tpu.memory_space<semaphore_mem>> -> memref<1x!tpu.dma_semaphore, #tpu.memory_space<semaphore_mem>>
        %dma_start3A_887 = tpu.memref_squeeze %dma_start3A_886 : memref<1x!tpu.dma_semaphore, #tpu.memory_space<semaphore_mem>> -> memref<!tpu.dma_semaphore, #tpu.memory_space<semaphore_mem>>
        tpu.enqueue_indirect_dma source(%dma_start3A_879 : memref<80x128xf32, #tpu.memory_space<vmem>>) target(%dma_start3A_885 : memref<10000x128xf32, #tpu.memory_space<vmem_shared>>) offsets(%dma_start3A_882 : memref<80xi32, #tpu.memory_space<vmem>>) semaphore(%dma_start3A_887 : memref<!tpu.dma_semaphore, #tpu.memory_space<semaphore_mem>>) {add = true}
      } else {
      }
      %mul3A_607 = arith.constant 15 : i32
      %mul3A_608 = arith.muli %scan3A_392, %mul3A_607 : i32
      %add3A_609 = arith.constant 7 : i32
      %add3A_610 = arith.addi %mul3A_608, %add3A_609 : i32
      %ge3A_611 = arith.constant 2 : i32
      %ge3A_612 = arith.cmpi sge, %add3A_610, %ge3A_611 : i32
      %lt3A_613 = arith.constant 127 : i32
      %lt3A_614 = arith.cmpi slt, %add3A_610, %lt3A_613 : i32
      %and3A_615 = arith.andi %ge3A_612, %lt3A_614 : i1
      %convert_element_type3A_616 = arith.extui %and3A_615 : i1 to i32
      %cond3A_617 = arith.constant 0 : i32
      %cond3A_618 = arith.cmpi ne, %convert_element_type3A_616, %cond3A_617 : i32
      scf.if %cond3A_618 {
        %dma_wait3A_855 = arith.constant 2 : i32
        %dma_wait3A_856 = arith.constant 2 : i32
        %dma_wait3A_857 = arith.constant 0 : i32
        %dma_wait3A_858 = arith.constant 0 : i32
        %dma_wait3A_859 = tpu.memref_slice %arg7[%dma_wait3A_855, %dma_wait3A_857, %dma_wait3A_858] : memref<3x80x128xf32, #tpu.memory_space<vmem>> -> memref<1x80x128xf32, #tpu.memory_space<vmem>>
        %dma_wait3A_860 = tpu.memref_squeeze %dma_wait3A_859 : memref<1x80x128xf32, #tpu.memory_space<vmem>> -> memref<80x128xf32, #tpu.memory_space<vmem>>
        %dma_wait3A_861 = arith.constant 0 : i32
        %dma_wait3A_862 = arith.constant 0 : i32
        %dma_wait3A_863 = tpu.memref_slice %arg2[%dma_wait3A_861, %dma_wait3A_862] : memref<10000x128xf32, #tpu.memory_space<hbm>> -> memref<80x128xf32, #tpu.memory_space<hbm>>
        %dma_wait3A_864 = tpu.memref_slice %arg12[%dma_wait3A_856] : memref<3x!tpu.dma_semaphore, #tpu.memory_space<semaphore_mem>> -> memref<1x!tpu.dma_semaphore, #tpu.memory_space<semaphore_mem>>
        %dma_wait3A_865 = tpu.memref_squeeze %dma_wait3A_864 : memref<1x!tpu.dma_semaphore, #tpu.memory_space<semaphore_mem>> -> memref<!tpu.dma_semaphore, #tpu.memory_space<semaphore_mem>>
        %dma_wait3A_866 = arith.constant 0 : i32
        %dma_wait3A_867 = arith.constant 0 : i32
        %dma_wait3A_868 = tpu.memref_slice %arg7[%dma_wait3A_855, %dma_wait3A_866, %dma_wait3A_867] : memref<3x80x128xf32, #tpu.memory_space<vmem>> -> memref<1x80x128xf32, #tpu.memory_space<vmem>>
        %dma_wait3A_869 = tpu.memref_squeeze %dma_wait3A_868 : memref<1x80x128xf32, #tpu.memory_space<vmem>> -> memref<80x128xf32, #tpu.memory_space<vmem>>
        %dma_wait3A_870 = arith.constant 0 : i32
        %dma_wait3A_871 = arith.constant 0 : i32
        %dma_wait3A_872 = tpu.memref_slice %arg2[%dma_wait3A_870, %dma_wait3A_871] : memref<10000x128xf32, #tpu.memory_space<hbm>> -> memref<80x128xf32, #tpu.memory_space<hbm>>
        tpu.wait_dma2 semaphore(%dma_wait3A_865 : memref<!tpu.dma_semaphore, #tpu.memory_space<semaphore_mem>>) src(%dma_wait3A_872 : memref<80x128xf32, #tpu.memory_space<hbm>>) dst(%dma_wait3A_869 : memref<80x128xf32, #tpu.memory_space<vmem>>)
      } else {
      }
      %add3A_619 = arith.constant 3 : i32
      %add3A_620 = arith.addi %add3A_610, %add3A_619 : i32
      %lt3A_621 = arith.constant 125 : i32
      %lt3A_622 = arith.cmpi slt, %add3A_620, %lt3A_621 : i32
      %convert_element_type3A_623 = arith.extui %lt3A_622 : i1 to i32
      %cond3A_624 = arith.constant 0 : i32
      %cond3A_625 = arith.cmpi ne, %convert_element_type3A_623, %cond3A_624 : i32
      scf.if %cond3A_625 {
        %add3A_855 = arith.constant 3 : i32
        %add3A_856 = arith.addi %add3A_610, %add3A_855 : i32
        %mul3A_857 = arith.constant 80 : i32
        %mul3A_858 = arith.muli %add3A_856, %mul3A_857 : i32
        %add3A_859 = arith.addi %mul3A_2, %mul3A_858 : i32
        %dma_start3A_860 = arith.constant 0 : i32
        %dma_start3A_861 = arith.constant 0 : i32
        %dma_start3A_862 = arith.constant 0 : i32
        %dma_start3A_863 = tpu.memref_slice %arg5[%dma_start3A_860, %dma_start3A_862] : memref<5x80xi32, #tpu.memory_space<vmem>> -> memref<1x80xi32, #tpu.memory_space<vmem>>
        %dma_start3A_864 = tpu.memref_squeeze %dma_start3A_863 : memref<1x80xi32, #tpu.memory_space<vmem>> -> memref<80xi32, #tpu.memory_space<vmem>>
        %dma_start3A_865 = tpu.memref_slice %arg3[%add3A_859] : memref<640000xi32, #tpu.memory_space<hbm>> -> memref<80xi32, #tpu.memory_space<hbm>>
        %dma_start3A_866 = tpu.memref_slice %arg10[%dma_start3A_861] : memref<5x!tpu.dma_semaphore, #tpu.memory_space<semaphore_mem>> -> memref<1x!tpu.dma_semaphore, #tpu.memory_space<semaphore_mem>>
        %dma_start3A_867 = tpu.memref_squeeze %dma_start3A_866 : memref<1x!tpu.dma_semaphore, #tpu.memory_space<semaphore_mem>> -> memref<!tpu.dma_semaphore, #tpu.memory_space<semaphore_mem>>
        %dma_start3A_868 = arith.constant 0 : i32
        %dma_start3A_869 = tpu.memref_slice %arg5[%dma_start3A_860, %dma_start3A_868] : memref<5x80xi32, #tpu.memory_space<vmem>> -> memref<1x80xi32, #tpu.memory_space<vmem>>
        %dma_start3A_870 = tpu.memref_squeeze %dma_start3A_869 : memref<1x80xi32, #tpu.memory_space<vmem>> -> memref<80xi32, #tpu.memory_space<vmem>>
        %dma_start3A_871 = tpu.memref_slice %arg3[%add3A_859] : memref<640000xi32, #tpu.memory_space<hbm>> -> memref<80xi32, #tpu.memory_space<hbm>>
        tpu.enqueue_dma source(%dma_start3A_871 : memref<80xi32, #tpu.memory_space<hbm>>) target(%dma_start3A_870 : memref<80xi32, #tpu.memory_space<vmem>>) target_semaphore(%dma_start3A_867 : memref<!tpu.dma_semaphore, #tpu.memory_space<semaphore_mem>>)
        %add3A_872 = arith.constant 320000 : i32
        %add3A_873 = arith.addi %add3A_872, %mul3A_2 : i32
        %mul3A_874 = arith.constant 80 : i32
        %mul3A_875 = arith.muli %add3A_856, %mul3A_874 : i32
        %add3A_876 = arith.addi %add3A_873, %mul3A_875 : i32
        %dma_start3A_877 = arith.constant 0 : i32
        %dma_start3A_878 = arith.constant 0 : i32
        %dma_start3A_879 = arith.constant 0 : i32
        %dma_start3A_880 = tpu.memref_slice %arg6[%dma_start3A_877, %dma_start3A_879] : memref<5x80xi32, #tpu.memory_space<vmem>> -> memref<1x80xi32, #tpu.memory_space<vmem>>
        %dma_start3A_881 = tpu.memref_squeeze %dma_start3A_880 : memref<1x80xi32, #tpu.memory_space<vmem>> -> memref<80xi32, #tpu.memory_space<vmem>>
        %dma_start3A_882 = tpu.memref_slice %arg3[%add3A_876] : memref<640000xi32, #tpu.memory_space<hbm>> -> memref<80xi32, #tpu.memory_space<hbm>>
        %dma_start3A_883 = tpu.memref_slice %arg10[%dma_start3A_878] : memref<5x!tpu.dma_semaphore, #tpu.memory_space<semaphore_mem>> -> memref<1x!tpu.dma_semaphore, #tpu.memory_space<semaphore_mem>>
        %dma_start3A_884 = tpu.memref_squeeze %dma_start3A_883 : memref<1x!tpu.dma_semaphore, #tpu.memory_space<semaphore_mem>> -> memref<!tpu.dma_semaphore, #tpu.memory_space<semaphore_mem>>
        %dma_start3A_885 = arith.constant 0 : i32
        %dma_start3A_886 = tpu.memref_slice %arg6[%dma_start3A_877, %dma_start3A_885] : memref<5x80xi32, #tpu.memory_space<vmem>> -> memref<1x80xi32, #tpu.memory_space<vmem>>
        %dma_start3A_887 = tpu.memref_squeeze %dma_start3A_886 : memref<1x80xi32, #tpu.memory_space<vmem>> -> memref<80xi32, #tpu.memory_space<vmem>>
        %dma_start3A_888 = tpu.memref_slice %arg3[%add3A_876] : memref<640000xi32, #tpu.memory_space<hbm>> -> memref<80xi32, #tpu.memory_space<hbm>>
        tpu.enqueue_dma source(%dma_start3A_888 : memref<80xi32, #tpu.memory_space<hbm>>) target(%dma_start3A_887 : memref<80xi32, #tpu.memory_space<vmem>>) target_semaphore(%dma_start3A_884 : memref<!tpu.dma_semaphore, #tpu.memory_space<semaphore_mem>>)
      } else {
      }
      %add3A_626 = arith.constant 1 : i32
      %add3A_627 = arith.addi %add3A_610, %add3A_626 : i32
      %lt3A_628 = arith.constant 125 : i32
      %lt3A_629 = arith.cmpi slt, %add3A_627, %lt3A_628 : i32
      %convert_element_type3A_630 = arith.extui %lt3A_629 : i1 to i32
      %cond3A_631 = arith.constant 0 : i32
      %cond3A_632 = arith.cmpi ne, %convert_element_type3A_630, %cond3A_631 : i32
      scf.if %cond3A_632 {
        %dma_wait3A_855 = arith.constant 3 : i32
        %dma_wait3A_856 = arith.constant 3 : i32
        %dma_wait3A_857 = arith.constant 0 : i32
        %dma_wait3A_858 = tpu.memref_slice %arg5[%dma_wait3A_855, %dma_wait3A_857] : memref<5x80xi32, #tpu.memory_space<vmem>> -> memref<1x80xi32, #tpu.memory_space<vmem>>
        %dma_wait3A_859 = tpu.memref_squeeze %dma_wait3A_858 : memref<1x80xi32, #tpu.memory_space<vmem>> -> memref<80xi32, #tpu.memory_space<vmem>>
        %dma_wait3A_860 = arith.constant 0 : i32
        %dma_wait3A_861 = tpu.memref_slice %arg3[%dma_wait3A_860] : memref<640000xi32, #tpu.memory_space<hbm>> -> memref<80xi32, #tpu.memory_space<hbm>>
        %dma_wait3A_862 = tpu.memref_slice %arg10[%dma_wait3A_856] : memref<5x!tpu.dma_semaphore, #tpu.memory_space<semaphore_mem>> -> memref<1x!tpu.dma_semaphore, #tpu.memory_space<semaphore_mem>>
        %dma_wait3A_863 = tpu.memref_squeeze %dma_wait3A_862 : memref<1x!tpu.dma_semaphore, #tpu.memory_space<semaphore_mem>> -> memref<!tpu.dma_semaphore, #tpu.memory_space<semaphore_mem>>
        %dma_wait3A_864 = arith.constant 0 : i32
        %dma_wait3A_865 = tpu.memref_slice %arg5[%dma_wait3A_855, %dma_wait3A_864] : memref<5x80xi32, #tpu.memory_space<vmem>> -> memref<1x80xi32, #tpu.memory_space<vmem>>
        %dma_wait3A_866 = tpu.memref_squeeze %dma_wait3A_865 : memref<1x80xi32, #tpu.memory_space<vmem>> -> memref<80xi32, #tpu.memory_space<vmem>>
        %dma_wait3A_867 = arith.constant 0 : i32
        %dma_wait3A_868 = tpu.memref_slice %arg3[%dma_wait3A_867] : memref<640000xi32, #tpu.memory_space<hbm>> -> memref<80xi32, #tpu.memory_space<hbm>>
        tpu.wait_dma2 semaphore(%dma_wait3A_863 : memref<!tpu.dma_semaphore, #tpu.memory_space<semaphore_mem>>) src(%dma_wait3A_868 : memref<80xi32, #tpu.memory_space<hbm>>) dst(%dma_wait3A_866 : memref<80xi32, #tpu.memory_space<vmem>>)
        %dma_wait3A_869 = arith.constant 3 : i32
        %dma_wait3A_870 = arith.constant 3 : i32
        %dma_wait3A_871 = arith.constant 0 : i32
        %dma_wait3A_872 = tpu.memref_slice %arg6[%dma_wait3A_869, %dma_wait3A_871] : memref<5x80xi32, #tpu.memory_space<vmem>> -> memref<1x80xi32, #tpu.memory_space<vmem>>
        %dma_wait3A_873 = tpu.memref_squeeze %dma_wait3A_872 : memref<1x80xi32, #tpu.memory_space<vmem>> -> memref<80xi32, #tpu.memory_space<vmem>>
        %dma_wait3A_874 = arith.constant 0 : i32
        %dma_wait3A_875 = tpu.memref_slice %arg3[%dma_wait3A_874] : memref<640000xi32, #tpu.memory_space<hbm>> -> memref<80xi32, #tpu.memory_space<hbm>>
        %dma_wait3A_876 = tpu.memref_slice %arg10[%dma_wait3A_870] : memref<5x!tpu.dma_semaphore, #tpu.memory_space<semaphore_mem>> -> memref<1x!tpu.dma_semaphore, #tpu.memory_space<semaphore_mem>>
        %dma_wait3A_877 = tpu.memref_squeeze %dma_wait3A_876 : memref<1x!tpu.dma_semaphore, #tpu.memory_space<semaphore_mem>> -> memref<!tpu.dma_semaphore, #tpu.memory_space<semaphore_mem>>
        %dma_wait3A_878 = arith.constant 0 : i32
        %dma_wait3A_879 = tpu.memref_slice %arg6[%dma_wait3A_869, %dma_wait3A_878] : memref<5x80xi32, #tpu.memory_space<vmem>> -> memref<1x80xi32, #tpu.memory_space<vmem>>
        %dma_wait3A_880 = tpu.memref_squeeze %dma_wait3A_879 : memref<1x80xi32, #tpu.memory_space<vmem>> -> memref<80xi32, #tpu.memory_space<vmem>>
        %dma_wait3A_881 = arith.constant 0 : i32
        %dma_wait3A_882 = tpu.memref_slice %arg3[%dma_wait3A_881] : memref<640000xi32, #tpu.memory_space<hbm>> -> memref<80xi32, #tpu.memory_space<hbm>>
        tpu.wait_dma2 semaphore(%dma_wait3A_877 : memref<!tpu.dma_semaphore, #tpu.memory_space<semaphore_mem>>) src(%dma_wait3A_882 : memref<80xi32, #tpu.memory_space<hbm>>) dst(%dma_wait3A_880 : memref<80xi32, #tpu.memory_space<vmem>>)
        %dma_start3A_883 = arith.constant 3 : i32
        %dma_start3A_884 = arith.constant 2 : i32
        %dma_start3A_885 = arith.constant 2 : i32
        %dma_start3A_886 = arith.constant 0 : i32
        %dma_start3A_887 = arith.constant 0 : i32
        %dma_start3A_888 = tpu.memref_slice %arg7[%dma_start3A_884, %dma_start3A_886, %dma_start3A_887] : memref<3x80x128xf32, #tpu.memory_space<vmem>> -> memref<1x80x128xf32, #tpu.memory_space<vmem>>
        %dma_start3A_889 = tpu.memref_squeeze %dma_start3A_888 : memref<1x80x128xf32, #tpu.memory_space<vmem>> -> memref<80x128xf32, #tpu.memory_space<vmem>>
        %dma_start3A_890 = arith.constant 0 : i32
        %dma_start3A_891 = tpu.memref_slice %arg5[%dma_start3A_883, %dma_start3A_890] : memref<5x80xi32, #tpu.memory_space<vmem>> -> memref<1x80xi32, #tpu.memory_space<vmem>>
        %dma_start3A_892 = tpu.memref_squeeze %dma_start3A_891 : memref<1x80xi32, #tpu.memory_space<vmem>> -> memref<80xi32, #tpu.memory_space<vmem>>
        %dma_start3A_893 = arith.constant 0 : i32
        %dma_start3A_894 = arith.constant 0 : i32
        %dma_start3A_895 = tpu.memref_slice %arg2[%dma_start3A_893, %dma_start3A_894] : memref<10000x128xf32, #tpu.memory_space<hbm>> -> memref<10000x128xf32, #tpu.memory_space<hbm>>
        %dma_start3A_896 = tpu.memref_slice %arg11[%dma_start3A_885] : memref<3x!tpu.dma_semaphore, #tpu.memory_space<semaphore_mem>> -> memref<1x!tpu.dma_semaphore, #tpu.memory_space<semaphore_mem>>
        %dma_start3A_897 = tpu.memref_squeeze %dma_start3A_896 : memref<1x!tpu.dma_semaphore, #tpu.memory_space<semaphore_mem>> -> memref<!tpu.dma_semaphore, #tpu.memory_space<semaphore_mem>>
        tpu.enqueue_indirect_dma source(%dma_start3A_895 : memref<10000x128xf32, #tpu.memory_space<hbm>>) target(%dma_start3A_889 : memref<80x128xf32, #tpu.memory_space<vmem>>) offsets(%dma_start3A_892 : memref<80xi32, #tpu.memory_space<vmem>>) semaphore(%dma_start3A_897 : memref<!tpu.dma_semaphore, #tpu.memory_space<semaphore_mem>>)
      } else {
      }
      %lt3A_633 = arith.constant 125 : i32
      %lt3A_634 = arith.cmpi slt, %add3A_610, %lt3A_633 : i32
      %convert_element_type3A_635 = arith.extui %lt3A_634 : i1 to i32
      %cond3A_636 = arith.constant 0 : i32
      %cond3A_637 = arith.cmpi ne, %convert_element_type3A_635, %cond3A_636 : i32
      scf.if %cond3A_637 {
        %dma_wait3A_855 = arith.constant 1 : i32
        %dma_wait3A_856 = arith.constant 1 : i32
        %dma_wait3A_857 = arith.constant 0 : i32
        %dma_wait3A_858 = arith.constant 0 : i32
        %dma_wait3A_859 = tpu.memref_slice %arg7[%dma_wait3A_855, %dma_wait3A_857, %dma_wait3A_858] : memref<3x80x128xf32, #tpu.memory_space<vmem>> -> memref<1x80x128xf32, #tpu.memory_space<vmem>>
        %dma_wait3A_860 = tpu.memref_squeeze %dma_wait3A_859 : memref<1x80x128xf32, #tpu.memory_space<vmem>> -> memref<80x128xf32, #tpu.memory_space<vmem>>
        %dma_wait3A_861 = arith.constant 0 : i32
        %dma_wait3A_862 = arith.constant 0 : i32
        %dma_wait3A_863 = tpu.memref_slice %arg2[%dma_wait3A_861, %dma_wait3A_862] : memref<10000x128xf32, #tpu.memory_space<hbm>> -> memref<80x128xf32, #tpu.memory_space<hbm>>
        %dma_wait3A_864 = tpu.memref_slice %arg11[%dma_wait3A_856] : memref<3x!tpu.dma_semaphore, #tpu.memory_space<semaphore_mem>> -> memref<1x!tpu.dma_semaphore, #tpu.memory_space<semaphore_mem>>
        %dma_wait3A_865 = tpu.memref_squeeze %dma_wait3A_864 : memref<1x!tpu.dma_semaphore, #tpu.memory_space<semaphore_mem>> -> memref<!tpu.dma_semaphore, #tpu.memory_space<semaphore_mem>>
        %dma_wait3A_866 = arith.constant 0 : i32
        %dma_wait3A_867 = arith.constant 0 : i32
        %dma_wait3A_868 = tpu.memref_slice %arg7[%dma_wait3A_855, %dma_wait3A_866, %dma_wait3A_867] : memref<3x80x128xf32, #tpu.memory_space<vmem>> -> memref<1x80x128xf32, #tpu.memory_space<vmem>>
        %dma_wait3A_869 = tpu.memref_squeeze %dma_wait3A_868 : memref<1x80x128xf32, #tpu.memory_space<vmem>> -> memref<80x128xf32, #tpu.memory_space<vmem>>
        %dma_wait3A_870 = arith.constant 0 : i32
        %dma_wait3A_871 = arith.constant 0 : i32
        %dma_wait3A_872 = tpu.memref_slice %arg2[%dma_wait3A_870, %dma_wait3A_871] : memref<10000x128xf32, #tpu.memory_space<hbm>> -> memref<80x128xf32, #tpu.memory_space<hbm>>
        tpu.wait_dma2 semaphore(%dma_wait3A_865 : memref<!tpu.dma_semaphore, #tpu.memory_space<semaphore_mem>>) src(%dma_wait3A_872 : memref<80x128xf32, #tpu.memory_space<hbm>>) dst(%dma_wait3A_869 : memref<80x128xf32, #tpu.memory_space<vmem>>)
        %dma_start3A_873 = arith.constant 1 : i32
        %dma_start3A_874 = arith.constant 2 : i32
        %dma_start3A_875 = arith.constant 1 : i32
        %dma_start3A_876 = arith.constant 0 : i32
        %dma_start3A_877 = arith.constant 0 : i32
        %dma_start3A_878 = tpu.memref_slice %arg7[%dma_start3A_873, %dma_start3A_876, %dma_start3A_877] : memref<3x80x128xf32, #tpu.memory_space<vmem>> -> memref<1x80x128xf32, #tpu.memory_space<vmem>>
        %dma_start3A_879 = tpu.memref_squeeze %dma_start3A_878 : memref<1x80x128xf32, #tpu.memory_space<vmem>> -> memref<80x128xf32, #tpu.memory_space<vmem>>
        %dma_start3A_880 = arith.constant 0 : i32
        %dma_start3A_881 = tpu.memref_slice %arg6[%dma_start3A_874, %dma_start3A_880] : memref<5x80xi32, #tpu.memory_space<vmem>> -> memref<1x80xi32, #tpu.memory_space<vmem>>
        %dma_start3A_882 = tpu.memref_squeeze %dma_start3A_881 : memref<1x80xi32, #tpu.memory_space<vmem>> -> memref<80xi32, #tpu.memory_space<vmem>>
        %dma_start3A_883 = arith.constant 0 : i32
        %dma_start3A_884 = arith.constant 0 : i32
        %dma_start3A_885 = tpu.memref_slice %arg9[%dma_start3A_883, %dma_start3A_884] : memref<10000x128xf32, #tpu.memory_space<vmem_shared>> -> memref<10000x128xf32, #tpu.memory_space<vmem_shared>>
        %dma_start3A_886 = tpu.memref_slice %arg12[%dma_start3A_875] : memref<3x!tpu.dma_semaphore, #tpu.memory_space<semaphore_mem>> -> memref<1x!tpu.dma_semaphore, #tpu.memory_space<semaphore_mem>>
        %dma_start3A_887 = tpu.memref_squeeze %dma_start3A_886 : memref<1x!tpu.dma_semaphore, #tpu.memory_space<semaphore_mem>> -> memref<!tpu.dma_semaphore, #tpu.memory_space<semaphore_mem>>
        tpu.enqueue_indirect_dma source(%dma_start3A_879 : memref<80x128xf32, #tpu.memory_space<vmem>>) target(%dma_start3A_885 : memref<10000x128xf32, #tpu.memory_space<vmem_shared>>) offsets(%dma_start3A_882 : memref<80xi32, #tpu.memory_space<vmem>>) semaphore(%dma_start3A_887 : memref<!tpu.dma_semaphore, #tpu.memory_space<semaphore_mem>>) {add = true}
      } else {
      }
      %mul3A_638 = arith.constant 15 : i32
      %mul3A_639 = arith.muli %scan3A_392, %mul3A_638 : i32
      %add3A_640 = arith.constant 8 : i32
      %add3A_641 = arith.addi %mul3A_639, %add3A_640 : i32
      %ge3A_642 = arith.constant 2 : i32
      %ge3A_643 = arith.cmpi sge, %add3A_641, %ge3A_642 : i32
      %lt3A_644 = arith.constant 127 : i32
      %lt3A_645 = arith.cmpi slt, %add3A_641, %lt3A_644 : i32
      %and3A_646 = arith.andi %ge3A_643, %lt3A_645 : i1
      %convert_element_type3A_647 = arith.extui %and3A_646 : i1 to i32
      %cond3A_648 = arith.constant 0 : i32
      %cond3A_649 = arith.cmpi ne, %convert_element_type3A_647, %cond3A_648 : i32
      scf.if %cond3A_649 {
        %dma_wait3A_855 = arith.constant 0 : i32
        %dma_wait3A_856 = arith.constant 0 : i32
        %dma_wait3A_857 = arith.constant 0 : i32
        %dma_wait3A_858 = arith.constant 0 : i32
        %dma_wait3A_859 = tpu.memref_slice %arg7[%dma_wait3A_855, %dma_wait3A_857, %dma_wait3A_858] : memref<3x80x128xf32, #tpu.memory_space<vmem>> -> memref<1x80x128xf32, #tpu.memory_space<vmem>>
        %dma_wait3A_860 = tpu.memref_squeeze %dma_wait3A_859 : memref<1x80x128xf32, #tpu.memory_space<vmem>> -> memref<80x128xf32, #tpu.memory_space<vmem>>
        %dma_wait3A_861 = arith.constant 0 : i32
        %dma_wait3A_862 = arith.constant 0 : i32
        %dma_wait3A_863 = tpu.memref_slice %arg2[%dma_wait3A_861, %dma_wait3A_862] : memref<10000x128xf32, #tpu.memory_space<hbm>> -> memref<80x128xf32, #tpu.memory_space<hbm>>
        %dma_wait3A_864 = tpu.memref_slice %arg12[%dma_wait3A_856] : memref<3x!tpu.dma_semaphore, #tpu.memory_space<semaphore_mem>> -> memref<1x!tpu.dma_semaphore, #tpu.memory_space<semaphore_mem>>
        %dma_wait3A_865 = tpu.memref_squeeze %dma_wait3A_864 : memref<1x!tpu.dma_semaphore, #tpu.memory_space<semaphore_mem>> -> memref<!tpu.dma_semaphore, #tpu.memory_space<semaphore_mem>>
        %dma_wait3A_866 = arith.constant 0 : i32
        %dma_wait3A_867 = arith.constant 0 : i32
        %dma_wait3A_868 = tpu.memref_slice %arg7[%dma_wait3A_855, %dma_wait3A_866, %dma_wait3A_867] : memref<3x80x128xf32, #tpu.memory_space<vmem>> -> memref<1x80x128xf32, #tpu.memory_space<vmem>>
        %dma_wait3A_869 = tpu.memref_squeeze %dma_wait3A_868 : memref<1x80x128xf32, #tpu.memory_space<vmem>> -> memref<80x128xf32, #tpu.memory_space<vmem>>
        %dma_wait3A_870 = arith.constant 0 : i32
        %dma_wait3A_871 = arith.constant 0 : i32
        %dma_wait3A_872 = tpu.memref_slice %arg2[%dma_wait3A_870, %dma_wait3A_871] : memref<10000x128xf32, #tpu.memory_space<hbm>> -> memref<80x128xf32, #tpu.memory_space<hbm>>
        tpu.wait_dma2 semaphore(%dma_wait3A_865 : memref<!tpu.dma_semaphore, #tpu.memory_space<semaphore_mem>>) src(%dma_wait3A_872 : memref<80x128xf32, #tpu.memory_space<hbm>>) dst(%dma_wait3A_869 : memref<80x128xf32, #tpu.memory_space<vmem>>)
      } else {
      }
      %add3A_650 = arith.constant 3 : i32
      %add3A_651 = arith.addi %add3A_641, %add3A_650 : i32
      %lt3A_652 = arith.constant 125 : i32
      %lt3A_653 = arith.cmpi slt, %add3A_651, %lt3A_652 : i32
      %convert_element_type3A_654 = arith.extui %lt3A_653 : i1 to i32
      %cond3A_655 = arith.constant 0 : i32
      %cond3A_656 = arith.cmpi ne, %convert_element_type3A_654, %cond3A_655 : i32
      scf.if %cond3A_656 {
        %add3A_855 = arith.constant 3 : i32
        %add3A_856 = arith.addi %add3A_641, %add3A_855 : i32
        %mul3A_857 = arith.constant 80 : i32
        %mul3A_858 = arith.muli %add3A_856, %mul3A_857 : i32
        %add3A_859 = arith.addi %mul3A_2, %mul3A_858 : i32
        %dma_start3A_860 = arith.constant 1 : i32
        %dma_start3A_861 = arith.constant 1 : i32
        %dma_start3A_862 = arith.constant 0 : i32
        %dma_start3A_863 = tpu.memref_slice %arg5[%dma_start3A_860, %dma_start3A_862] : memref<5x80xi32, #tpu.memory_space<vmem>> -> memref<1x80xi32, #tpu.memory_space<vmem>>
        %dma_start3A_864 = tpu.memref_squeeze %dma_start3A_863 : memref<1x80xi32, #tpu.memory_space<vmem>> -> memref<80xi32, #tpu.memory_space<vmem>>
        %dma_start3A_865 = tpu.memref_slice %arg3[%add3A_859] : memref<640000xi32, #tpu.memory_space<hbm>> -> memref<80xi32, #tpu.memory_space<hbm>>
        %dma_start3A_866 = tpu.memref_slice %arg10[%dma_start3A_861] : memref<5x!tpu.dma_semaphore, #tpu.memory_space<semaphore_mem>> -> memref<1x!tpu.dma_semaphore, #tpu.memory_space<semaphore_mem>>
        %dma_start3A_867 = tpu.memref_squeeze %dma_start3A_866 : memref<1x!tpu.dma_semaphore, #tpu.memory_space<semaphore_mem>> -> memref<!tpu.dma_semaphore, #tpu.memory_space<semaphore_mem>>
        %dma_start3A_868 = arith.constant 0 : i32
        %dma_start3A_869 = tpu.memref_slice %arg5[%dma_start3A_860, %dma_start3A_868] : memref<5x80xi32, #tpu.memory_space<vmem>> -> memref<1x80xi32, #tpu.memory_space<vmem>>
        %dma_start3A_870 = tpu.memref_squeeze %dma_start3A_869 : memref<1x80xi32, #tpu.memory_space<vmem>> -> memref<80xi32, #tpu.memory_space<vmem>>
        %dma_start3A_871 = tpu.memref_slice %arg3[%add3A_859] : memref<640000xi32, #tpu.memory_space<hbm>> -> memref<80xi32, #tpu.memory_space<hbm>>
        tpu.enqueue_dma source(%dma_start3A_871 : memref<80xi32, #tpu.memory_space<hbm>>) target(%dma_start3A_870 : memref<80xi32, #tpu.memory_space<vmem>>) target_semaphore(%dma_start3A_867 : memref<!tpu.dma_semaphore, #tpu.memory_space<semaphore_mem>>)
        %add3A_872 = arith.constant 320000 : i32
        %add3A_873 = arith.addi %add3A_872, %mul3A_2 : i32
        %mul3A_874 = arith.constant 80 : i32
        %mul3A_875 = arith.muli %add3A_856, %mul3A_874 : i32
        %add3A_876 = arith.addi %add3A_873, %mul3A_875 : i32
        %dma_start3A_877 = arith.constant 1 : i32
        %dma_start3A_878 = arith.constant 1 : i32
        %dma_start3A_879 = arith.constant 0 : i32
        %dma_start3A_880 = tpu.memref_slice %arg6[%dma_start3A_877, %dma_start3A_879] : memref<5x80xi32, #tpu.memory_space<vmem>> -> memref<1x80xi32, #tpu.memory_space<vmem>>
        %dma_start3A_881 = tpu.memref_squeeze %dma_start3A_880 : memref<1x80xi32, #tpu.memory_space<vmem>> -> memref<80xi32, #tpu.memory_space<vmem>>
        %dma_start3A_882 = tpu.memref_slice %arg3[%add3A_876] : memref<640000xi32, #tpu.memory_space<hbm>> -> memref<80xi32, #tpu.memory_space<hbm>>
        %dma_start3A_883 = tpu.memref_slice %arg10[%dma_start3A_878] : memref<5x!tpu.dma_semaphore, #tpu.memory_space<semaphore_mem>> -> memref<1x!tpu.dma_semaphore, #tpu.memory_space<semaphore_mem>>
        %dma_start3A_884 = tpu.memref_squeeze %dma_start3A_883 : memref<1x!tpu.dma_semaphore, #tpu.memory_space<semaphore_mem>> -> memref<!tpu.dma_semaphore, #tpu.memory_space<semaphore_mem>>
        %dma_start3A_885 = arith.constant 0 : i32
        %dma_start3A_886 = tpu.memref_slice %arg6[%dma_start3A_877, %dma_start3A_885] : memref<5x80xi32, #tpu.memory_space<vmem>> -> memref<1x80xi32, #tpu.memory_space<vmem>>
        %dma_start3A_887 = tpu.memref_squeeze %dma_start3A_886 : memref<1x80xi32, #tpu.memory_space<vmem>> -> memref<80xi32, #tpu.memory_space<vmem>>
        %dma_start3A_888 = tpu.memref_slice %arg3[%add3A_876] : memref<640000xi32, #tpu.memory_space<hbm>> -> memref<80xi32, #tpu.memory_space<hbm>>
        tpu.enqueue_dma source(%dma_start3A_888 : memref<80xi32, #tpu.memory_space<hbm>>) target(%dma_start3A_887 : memref<80xi32, #tpu.memory_space<vmem>>) target_semaphore(%dma_start3A_884 : memref<!tpu.dma_semaphore, #tpu.memory_space<semaphore_mem>>)
      } else {
      }
      %add3A_657 = arith.constant 1 : i32
      %add3A_658 = arith.addi %add3A_641, %add3A_657 : i32
      %lt3A_659 = arith.constant 125 : i32
      %lt3A_660 = arith.cmpi slt, %add3A_658, %lt3A_659 : i32
      %convert_element_type3A_661 = arith.extui %lt3A_660 : i1 to i32
      %cond3A_662 = arith.constant 0 : i32
      %cond3A_663 = arith.cmpi ne, %convert_element_type3A_661, %cond3A_662 : i32
      scf.if %cond3A_663 {
        %dma_wait3A_855 = arith.constant 4 : i32
        %dma_wait3A_856 = arith.constant 4 : i32
        %dma_wait3A_857 = arith.constant 0 : i32
        %dma_wait3A_858 = tpu.memref_slice %arg5[%dma_wait3A_855, %dma_wait3A_857] : memref<5x80xi32, #tpu.memory_space<vmem>> -> memref<1x80xi32, #tpu.memory_space<vmem>>
        %dma_wait3A_859 = tpu.memref_squeeze %dma_wait3A_858 : memref<1x80xi32, #tpu.memory_space<vmem>> -> memref<80xi32, #tpu.memory_space<vmem>>
        %dma_wait3A_860 = arith.constant 0 : i32
        %dma_wait3A_861 = tpu.memref_slice %arg3[%dma_wait3A_860] : memref<640000xi32, #tpu.memory_space<hbm>> -> memref<80xi32, #tpu.memory_space<hbm>>
        %dma_wait3A_862 = tpu.memref_slice %arg10[%dma_wait3A_856] : memref<5x!tpu.dma_semaphore, #tpu.memory_space<semaphore_mem>> -> memref<1x!tpu.dma_semaphore, #tpu.memory_space<semaphore_mem>>
        %dma_wait3A_863 = tpu.memref_squeeze %dma_wait3A_862 : memref<1x!tpu.dma_semaphore, #tpu.memory_space<semaphore_mem>> -> memref<!tpu.dma_semaphore, #tpu.memory_space<semaphore_mem>>
        %dma_wait3A_864 = arith.constant 0 : i32
        %dma_wait3A_865 = tpu.memref_slice %arg5[%dma_wait3A_855, %dma_wait3A_864] : memref<5x80xi32, #tpu.memory_space<vmem>> -> memref<1x80xi32, #tpu.memory_space<vmem>>
        %dma_wait3A_866 = tpu.memref_squeeze %dma_wait3A_865 : memref<1x80xi32, #tpu.memory_space<vmem>> -> memref<80xi32, #tpu.memory_space<vmem>>
        %dma_wait3A_867 = arith.constant 0 : i32
        %dma_wait3A_868 = tpu.memref_slice %arg3[%dma_wait3A_867] : memref<640000xi32, #tpu.memory_space<hbm>> -> memref<80xi32, #tpu.memory_space<hbm>>
        tpu.wait_dma2 semaphore(%dma_wait3A_863 : memref<!tpu.dma_semaphore, #tpu.memory_space<semaphore_mem>>) src(%dma_wait3A_868 : memref<80xi32, #tpu.memory_space<hbm>>) dst(%dma_wait3A_866 : memref<80xi32, #tpu.memory_space<vmem>>)
        %dma_wait3A_869 = arith.constant 4 : i32
        %dma_wait3A_870 = arith.constant 4 : i32
        %dma_wait3A_871 = arith.constant 0 : i32
        %dma_wait3A_872 = tpu.memref_slice %arg6[%dma_wait3A_869, %dma_wait3A_871] : memref<5x80xi32, #tpu.memory_space<vmem>> -> memref<1x80xi32, #tpu.memory_space<vmem>>
        %dma_wait3A_873 = tpu.memref_squeeze %dma_wait3A_872 : memref<1x80xi32, #tpu.memory_space<vmem>> -> memref<80xi32, #tpu.memory_space<vmem>>
        %dma_wait3A_874 = arith.constant 0 : i32
        %dma_wait3A_875 = tpu.memref_slice %arg3[%dma_wait3A_874] : memref<640000xi32, #tpu.memory_space<hbm>> -> memref<80xi32, #tpu.memory_space<hbm>>
        %dma_wait3A_876 = tpu.memref_slice %arg10[%dma_wait3A_870] : memref<5x!tpu.dma_semaphore, #tpu.memory_space<semaphore_mem>> -> memref<1x!tpu.dma_semaphore, #tpu.memory_space<semaphore_mem>>
        %dma_wait3A_877 = tpu.memref_squeeze %dma_wait3A_876 : memref<1x!tpu.dma_semaphore, #tpu.memory_space<semaphore_mem>> -> memref<!tpu.dma_semaphore, #tpu.memory_space<semaphore_mem>>
        %dma_wait3A_878 = arith.constant 0 : i32
        %dma_wait3A_879 = tpu.memref_slice %arg6[%dma_wait3A_869, %dma_wait3A_878] : memref<5x80xi32, #tpu.memory_space<vmem>> -> memref<1x80xi32, #tpu.memory_space<vmem>>
        %dma_wait3A_880 = tpu.memref_squeeze %dma_wait3A_879 : memref<1x80xi32, #tpu.memory_space<vmem>> -> memref<80xi32, #tpu.memory_space<vmem>>
        %dma_wait3A_881 = arith.constant 0 : i32
        %dma_wait3A_882 = tpu.memref_slice %arg3[%dma_wait3A_881] : memref<640000xi32, #tpu.memory_space<hbm>> -> memref<80xi32, #tpu.memory_space<hbm>>
        tpu.wait_dma2 semaphore(%dma_wait3A_877 : memref<!tpu.dma_semaphore, #tpu.memory_space<semaphore_mem>>) src(%dma_wait3A_882 : memref<80xi32, #tpu.memory_space<hbm>>) dst(%dma_wait3A_880 : memref<80xi32, #tpu.memory_space<vmem>>)
        %dma_start3A_883 = arith.constant 4 : i32
        %dma_start3A_884 = arith.constant 0 : i32
        %dma_start3A_885 = arith.constant 0 : i32
        %dma_start3A_886 = arith.constant 0 : i32
        %dma_start3A_887 = arith.constant 0 : i32
        %dma_start3A_888 = tpu.memref_slice %arg7[%dma_start3A_884, %dma_start3A_886, %dma_start3A_887] : memref<3x80x128xf32, #tpu.memory_space<vmem>> -> memref<1x80x128xf32, #tpu.memory_space<vmem>>
        %dma_start3A_889 = tpu.memref_squeeze %dma_start3A_888 : memref<1x80x128xf32, #tpu.memory_space<vmem>> -> memref<80x128xf32, #tpu.memory_space<vmem>>
        %dma_start3A_890 = arith.constant 0 : i32
        %dma_start3A_891 = tpu.memref_slice %arg5[%dma_start3A_883, %dma_start3A_890] : memref<5x80xi32, #tpu.memory_space<vmem>> -> memref<1x80xi32, #tpu.memory_space<vmem>>
        %dma_start3A_892 = tpu.memref_squeeze %dma_start3A_891 : memref<1x80xi32, #tpu.memory_space<vmem>> -> memref<80xi32, #tpu.memory_space<vmem>>
        %dma_start3A_893 = arith.constant 0 : i32
        %dma_start3A_894 = arith.constant 0 : i32
        %dma_start3A_895 = tpu.memref_slice %arg2[%dma_start3A_893, %dma_start3A_894] : memref<10000x128xf32, #tpu.memory_space<hbm>> -> memref<10000x128xf32, #tpu.memory_space<hbm>>
        %dma_start3A_896 = tpu.memref_slice %arg11[%dma_start3A_885] : memref<3x!tpu.dma_semaphore, #tpu.memory_space<semaphore_mem>> -> memref<1x!tpu.dma_semaphore, #tpu.memory_space<semaphore_mem>>
        %dma_start3A_897 = tpu.memref_squeeze %dma_start3A_896 : memref<1x!tpu.dma_semaphore, #tpu.memory_space<semaphore_mem>> -> memref<!tpu.dma_semaphore, #tpu.memory_space<semaphore_mem>>
        tpu.enqueue_indirect_dma source(%dma_start3A_895 : memref<10000x128xf32, #tpu.memory_space<hbm>>) target(%dma_start3A_889 : memref<80x128xf32, #tpu.memory_space<vmem>>) offsets(%dma_start3A_892 : memref<80xi32, #tpu.memory_space<vmem>>) semaphore(%dma_start3A_897 : memref<!tpu.dma_semaphore, #tpu.memory_space<semaphore_mem>>)
      } else {
      }
      %lt3A_664 = arith.constant 125 : i32
      %lt3A_665 = arith.cmpi slt, %add3A_641, %lt3A_664 : i32
      %convert_element_type3A_666 = arith.extui %lt3A_665 : i1 to i32
      %cond3A_667 = arith.constant 0 : i32
      %cond3A_668 = arith.cmpi ne, %convert_element_type3A_666, %cond3A_667 : i32
      scf.if %cond3A_668 {
        %dma_wait3A_855 = arith.constant 2 : i32
        %dma_wait3A_856 = arith.constant 2 : i32
        %dma_wait3A_857 = arith.constant 0 : i32
        %dma_wait3A_858 = arith.constant 0 : i32
        %dma_wait3A_859 = tpu.memref_slice %arg7[%dma_wait3A_855, %dma_wait3A_857, %dma_wait3A_858] : memref<3x80x128xf32, #tpu.memory_space<vmem>> -> memref<1x80x128xf32, #tpu.memory_space<vmem>>
        %dma_wait3A_860 = tpu.memref_squeeze %dma_wait3A_859 : memref<1x80x128xf32, #tpu.memory_space<vmem>> -> memref<80x128xf32, #tpu.memory_space<vmem>>
        %dma_wait3A_861 = arith.constant 0 : i32
        %dma_wait3A_862 = arith.constant 0 : i32
        %dma_wait3A_863 = tpu.memref_slice %arg2[%dma_wait3A_861, %dma_wait3A_862] : memref<10000x128xf32, #tpu.memory_space<hbm>> -> memref<80x128xf32, #tpu.memory_space<hbm>>
        %dma_wait3A_864 = tpu.memref_slice %arg11[%dma_wait3A_856] : memref<3x!tpu.dma_semaphore, #tpu.memory_space<semaphore_mem>> -> memref<1x!tpu.dma_semaphore, #tpu.memory_space<semaphore_mem>>
        %dma_wait3A_865 = tpu.memref_squeeze %dma_wait3A_864 : memref<1x!tpu.dma_semaphore, #tpu.memory_space<semaphore_mem>> -> memref<!tpu.dma_semaphore, #tpu.memory_space<semaphore_mem>>
        %dma_wait3A_866 = arith.constant 0 : i32
        %dma_wait3A_867 = arith.constant 0 : i32
        %dma_wait3A_868 = tpu.memref_slice %arg7[%dma_wait3A_855, %dma_wait3A_866, %dma_wait3A_867] : memref<3x80x128xf32, #tpu.memory_space<vmem>> -> memref<1x80x128xf32, #tpu.memory_space<vmem>>
        %dma_wait3A_869 = tpu.memref_squeeze %dma_wait3A_868 : memref<1x80x128xf32, #tpu.memory_space<vmem>> -> memref<80x128xf32, #tpu.memory_space<vmem>>
        %dma_wait3A_870 = arith.constant 0 : i32
        %dma_wait3A_871 = arith.constant 0 : i32
        %dma_wait3A_872 = tpu.memref_slice %arg2[%dma_wait3A_870, %dma_wait3A_871] : memref<10000x128xf32, #tpu.memory_space<hbm>> -> memref<80x128xf32, #tpu.memory_space<hbm>>
        tpu.wait_dma2 semaphore(%dma_wait3A_865 : memref<!tpu.dma_semaphore, #tpu.memory_space<semaphore_mem>>) src(%dma_wait3A_872 : memref<80x128xf32, #tpu.memory_space<hbm>>) dst(%dma_wait3A_869 : memref<80x128xf32, #tpu.memory_space<vmem>>)
        %dma_start3A_873 = arith.constant 2 : i32
        %dma_start3A_874 = arith.constant 3 : i32
        %dma_start3A_875 = arith.constant 2 : i32
        %dma_start3A_876 = arith.constant 0 : i32
        %dma_start3A_877 = arith.constant 0 : i32
        %dma_start3A_878 = tpu.memref_slice %arg7[%dma_start3A_873, %dma_start3A_876, %dma_start3A_877] : memref<3x80x128xf32, #tpu.memory_space<vmem>> -> memref<1x80x128xf32, #tpu.memory_space<vmem>>
        %dma_start3A_879 = tpu.memref_squeeze %dma_start3A_878 : memref<1x80x128xf32, #tpu.memory_space<vmem>> -> memref<80x128xf32, #tpu.memory_space<vmem>>
        %dma_start3A_880 = arith.constant 0 : i32
        %dma_start3A_881 = tpu.memref_slice %arg6[%dma_start3A_874, %dma_start3A_880] : memref<5x80xi32, #tpu.memory_space<vmem>> -> memref<1x80xi32, #tpu.memory_space<vmem>>
        %dma_start3A_882 = tpu.memref_squeeze %dma_start3A_881 : memref<1x80xi32, #tpu.memory_space<vmem>> -> memref<80xi32, #tpu.memory_space<vmem>>
        %dma_start3A_883 = arith.constant 0 : i32
        %dma_start3A_884 = arith.constant 0 : i32
        %dma_start3A_885 = tpu.memref_slice %arg9[%dma_start3A_883, %dma_start3A_884] : memref<10000x128xf32, #tpu.memory_space<vmem_shared>> -> memref<10000x128xf32, #tpu.memory_space<vmem_shared>>
        %dma_start3A_886 = tpu.memref_slice %arg12[%dma_start3A_875] : memref<3x!tpu.dma_semaphore, #tpu.memory_space<semaphore_mem>> -> memref<1x!tpu.dma_semaphore, #tpu.memory_space<semaphore_mem>>
        %dma_start3A_887 = tpu.memref_squeeze %dma_start3A_886 : memref<1x!tpu.dma_semaphore, #tpu.memory_space<semaphore_mem>> -> memref<!tpu.dma_semaphore, #tpu.memory_space<semaphore_mem>>
        tpu.enqueue_indirect_dma source(%dma_start3A_879 : memref<80x128xf32, #tpu.memory_space<vmem>>) target(%dma_start3A_885 : memref<10000x128xf32, #tpu.memory_space<vmem_shared>>) offsets(%dma_start3A_882 : memref<80xi32, #tpu.memory_space<vmem>>) semaphore(%dma_start3A_887 : memref<!tpu.dma_semaphore, #tpu.memory_space<semaphore_mem>>) {add = true}
      } else {
      }
      %mul3A_669 = arith.constant 15 : i32
      %mul3A_670 = arith.muli %scan3A_392, %mul3A_669 : i32
      %add3A_671 = arith.constant 9 : i32
      %add3A_672 = arith.addi %mul3A_670, %add3A_671 : i32
      %ge3A_673 = arith.constant 2 : i32
      %ge3A_674 = arith.cmpi sge, %add3A_672, %ge3A_673 : i32
      %lt3A_675 = arith.constant 127 : i32
      %lt3A_676 = arith.cmpi slt, %add3A_672, %lt3A_675 : i32
      %and3A_677 = arith.andi %ge3A_674, %lt3A_676 : i1
      %convert_element_type3A_678 = arith.extui %and3A_677 : i1 to i32
      %cond3A_679 = arith.constant 0 : i32
      %cond3A_680 = arith.cmpi ne, %convert_element_type3A_678, %cond3A_679 : i32
      scf.if %cond3A_680 {
        %dma_wait3A_855 = arith.constant 1 : i32
        %dma_wait3A_856 = arith.constant 1 : i32
        %dma_wait3A_857 = arith.constant 0 : i32
        %dma_wait3A_858 = arith.constant 0 : i32
        %dma_wait3A_859 = tpu.memref_slice %arg7[%dma_wait3A_855, %dma_wait3A_857, %dma_wait3A_858] : memref<3x80x128xf32, #tpu.memory_space<vmem>> -> memref<1x80x128xf32, #tpu.memory_space<vmem>>
        %dma_wait3A_860 = tpu.memref_squeeze %dma_wait3A_859 : memref<1x80x128xf32, #tpu.memory_space<vmem>> -> memref<80x128xf32, #tpu.memory_space<vmem>>
        %dma_wait3A_861 = arith.constant 0 : i32
        %dma_wait3A_862 = arith.constant 0 : i32
        %dma_wait3A_863 = tpu.memref_slice %arg2[%dma_wait3A_861, %dma_wait3A_862] : memref<10000x128xf32, #tpu.memory_space<hbm>> -> memref<80x128xf32, #tpu.memory_space<hbm>>
        %dma_wait3A_864 = tpu.memref_slice %arg12[%dma_wait3A_856] : memref<3x!tpu.dma_semaphore, #tpu.memory_space<semaphore_mem>> -> memref<1x!tpu.dma_semaphore, #tpu.memory_space<semaphore_mem>>
        %dma_wait3A_865 = tpu.memref_squeeze %dma_wait3A_864 : memref<1x!tpu.dma_semaphore, #tpu.memory_space<semaphore_mem>> -> memref<!tpu.dma_semaphore, #tpu.memory_space<semaphore_mem>>
        %dma_wait3A_866 = arith.constant 0 : i32
        %dma_wait3A_867 = arith.constant 0 : i32
        %dma_wait3A_868 = tpu.memref_slice %arg7[%dma_wait3A_855, %dma_wait3A_866, %dma_wait3A_867] : memref<3x80x128xf32, #tpu.memory_space<vmem>> -> memref<1x80x128xf32, #tpu.memory_space<vmem>>
        %dma_wait3A_869 = tpu.memref_squeeze %dma_wait3A_868 : memref<1x80x128xf32, #tpu.memory_space<vmem>> -> memref<80x128xf32, #tpu.memory_space<vmem>>
        %dma_wait3A_870 = arith.constant 0 : i32
        %dma_wait3A_871 = arith.constant 0 : i32
        %dma_wait3A_872 = tpu.memref_slice %arg2[%dma_wait3A_870, %dma_wait3A_871] : memref<10000x128xf32, #tpu.memory_space<hbm>> -> memref<80x128xf32, #tpu.memory_space<hbm>>
        tpu.wait_dma2 semaphore(%dma_wait3A_865 : memref<!tpu.dma_semaphore, #tpu.memory_space<semaphore_mem>>) src(%dma_wait3A_872 : memref<80x128xf32, #tpu.memory_space<hbm>>) dst(%dma_wait3A_869 : memref<80x128xf32, #tpu.memory_space<vmem>>)
      } else {
      }
      %add3A_681 = arith.constant 3 : i32
      %add3A_682 = arith.addi %add3A_672, %add3A_681 : i32
      %lt3A_683 = arith.constant 125 : i32
      %lt3A_684 = arith.cmpi slt, %add3A_682, %lt3A_683 : i32
      %convert_element_type3A_685 = arith.extui %lt3A_684 : i1 to i32
      %cond3A_686 = arith.constant 0 : i32
      %cond3A_687 = arith.cmpi ne, %convert_element_type3A_685, %cond3A_686 : i32
      scf.if %cond3A_687 {
        %add3A_855 = arith.constant 3 : i32
        %add3A_856 = arith.addi %add3A_672, %add3A_855 : i32
        %mul3A_857 = arith.constant 80 : i32
        %mul3A_858 = arith.muli %add3A_856, %mul3A_857 : i32
        %add3A_859 = arith.addi %mul3A_2, %mul3A_858 : i32
        %dma_start3A_860 = arith.constant 2 : i32
        %dma_start3A_861 = arith.constant 2 : i32
        %dma_start3A_862 = arith.constant 0 : i32
        %dma_start3A_863 = tpu.memref_slice %arg5[%dma_start3A_860, %dma_start3A_862] : memref<5x80xi32, #tpu.memory_space<vmem>> -> memref<1x80xi32, #tpu.memory_space<vmem>>
        %dma_start3A_864 = tpu.memref_squeeze %dma_start3A_863 : memref<1x80xi32, #tpu.memory_space<vmem>> -> memref<80xi32, #tpu.memory_space<vmem>>
        %dma_start3A_865 = tpu.memref_slice %arg3[%add3A_859] : memref<640000xi32, #tpu.memory_space<hbm>> -> memref<80xi32, #tpu.memory_space<hbm>>
        %dma_start3A_866 = tpu.memref_slice %arg10[%dma_start3A_861] : memref<5x!tpu.dma_semaphore, #tpu.memory_space<semaphore_mem>> -> memref<1x!tpu.dma_semaphore, #tpu.memory_space<semaphore_mem>>
        %dma_start3A_867 = tpu.memref_squeeze %dma_start3A_866 : memref<1x!tpu.dma_semaphore, #tpu.memory_space<semaphore_mem>> -> memref<!tpu.dma_semaphore, #tpu.memory_space<semaphore_mem>>
        %dma_start3A_868 = arith.constant 0 : i32
        %dma_start3A_869 = tpu.memref_slice %arg5[%dma_start3A_860, %dma_start3A_868] : memref<5x80xi32, #tpu.memory_space<vmem>> -> memref<1x80xi32, #tpu.memory_space<vmem>>
        %dma_start3A_870 = tpu.memref_squeeze %dma_start3A_869 : memref<1x80xi32, #tpu.memory_space<vmem>> -> memref<80xi32, #tpu.memory_space<vmem>>
        %dma_start3A_871 = tpu.memref_slice %arg3[%add3A_859] : memref<640000xi32, #tpu.memory_space<hbm>> -> memref<80xi32, #tpu.memory_space<hbm>>
        tpu.enqueue_dma source(%dma_start3A_871 : memref<80xi32, #tpu.memory_space<hbm>>) target(%dma_start3A_870 : memref<80xi32, #tpu.memory_space<vmem>>) target_semaphore(%dma_start3A_867 : memref<!tpu.dma_semaphore, #tpu.memory_space<semaphore_mem>>)
        %add3A_872 = arith.constant 320000 : i32
        %add3A_873 = arith.addi %add3A_872, %mul3A_2 : i32
        %mul3A_874 = arith.constant 80 : i32
        %mul3A_875 = arith.muli %add3A_856, %mul3A_874 : i32
        %add3A_876 = arith.addi %add3A_873, %mul3A_875 : i32
        %dma_start3A_877 = arith.constant 2 : i32
        %dma_start3A_878 = arith.constant 2 : i32
        %dma_start3A_879 = arith.constant 0 : i32
        %dma_start3A_880 = tpu.memref_slice %arg6[%dma_start3A_877, %dma_start3A_879] : memref<5x80xi32, #tpu.memory_space<vmem>> -> memref<1x80xi32, #tpu.memory_space<vmem>>
        %dma_start3A_881 = tpu.memref_squeeze %dma_start3A_880 : memref<1x80xi32, #tpu.memory_space<vmem>> -> memref<80xi32, #tpu.memory_space<vmem>>
        %dma_start3A_882 = tpu.memref_slice %arg3[%add3A_876] : memref<640000xi32, #tpu.memory_space<hbm>> -> memref<80xi32, #tpu.memory_space<hbm>>
        %dma_start3A_883 = tpu.memref_slice %arg10[%dma_start3A_878] : memref<5x!tpu.dma_semaphore, #tpu.memory_space<semaphore_mem>> -> memref<1x!tpu.dma_semaphore, #tpu.memory_space<semaphore_mem>>
        %dma_start3A_884 = tpu.memref_squeeze %dma_start3A_883 : memref<1x!tpu.dma_semaphore, #tpu.memory_space<semaphore_mem>> -> memref<!tpu.dma_semaphore, #tpu.memory_space<semaphore_mem>>
        %dma_start3A_885 = arith.constant 0 : i32
        %dma_start3A_886 = tpu.memref_slice %arg6[%dma_start3A_877, %dma_start3A_885] : memref<5x80xi32, #tpu.memory_space<vmem>> -> memref<1x80xi32, #tpu.memory_space<vmem>>
        %dma_start3A_887 = tpu.memref_squeeze %dma_start3A_886 : memref<1x80xi32, #tpu.memory_space<vmem>> -> memref<80xi32, #tpu.memory_space<vmem>>
        %dma_start3A_888 = tpu.memref_slice %arg3[%add3A_876] : memref<640000xi32, #tpu.memory_space<hbm>> -> memref<80xi32, #tpu.memory_space<hbm>>
        tpu.enqueue_dma source(%dma_start3A_888 : memref<80xi32, #tpu.memory_space<hbm>>) target(%dma_start3A_887 : memref<80xi32, #tpu.memory_space<vmem>>) target_semaphore(%dma_start3A_884 : memref<!tpu.dma_semaphore, #tpu.memory_space<semaphore_mem>>)
      } else {
      }
      %add3A_688 = arith.constant 1 : i32
      %add3A_689 = arith.addi %add3A_672, %add3A_688 : i32
      %lt3A_690 = arith.constant 125 : i32
      %lt3A_691 = arith.cmpi slt, %add3A_689, %lt3A_690 : i32
      %convert_element_type3A_692 = arith.extui %lt3A_691 : i1 to i32
      %cond3A_693 = arith.constant 0 : i32
      %cond3A_694 = arith.cmpi ne, %convert_element_type3A_692, %cond3A_693 : i32
      scf.if %cond3A_694 {
        %dma_wait3A_855 = arith.constant 0 : i32
        %dma_wait3A_856 = arith.constant 0 : i32
        %dma_wait3A_857 = arith.constant 0 : i32
        %dma_wait3A_858 = tpu.memref_slice %arg5[%dma_wait3A_855, %dma_wait3A_857] : memref<5x80xi32, #tpu.memory_space<vmem>> -> memref<1x80xi32, #tpu.memory_space<vmem>>
        %dma_wait3A_859 = tpu.memref_squeeze %dma_wait3A_858 : memref<1x80xi32, #tpu.memory_space<vmem>> -> memref<80xi32, #tpu.memory_space<vmem>>
        %dma_wait3A_860 = arith.constant 0 : i32
        %dma_wait3A_861 = tpu.memref_slice %arg3[%dma_wait3A_860] : memref<640000xi32, #tpu.memory_space<hbm>> -> memref<80xi32, #tpu.memory_space<hbm>>
        %dma_wait3A_862 = tpu.memref_slice %arg10[%dma_wait3A_856] : memref<5x!tpu.dma_semaphore, #tpu.memory_space<semaphore_mem>> -> memref<1x!tpu.dma_semaphore, #tpu.memory_space<semaphore_mem>>
        %dma_wait3A_863 = tpu.memref_squeeze %dma_wait3A_862 : memref<1x!tpu.dma_semaphore, #tpu.memory_space<semaphore_mem>> -> memref<!tpu.dma_semaphore, #tpu.memory_space<semaphore_mem>>
        %dma_wait3A_864 = arith.constant 0 : i32
        %dma_wait3A_865 = tpu.memref_slice %arg5[%dma_wait3A_855, %dma_wait3A_864] : memref<5x80xi32, #tpu.memory_space<vmem>> -> memref<1x80xi32, #tpu.memory_space<vmem>>
        %dma_wait3A_866 = tpu.memref_squeeze %dma_wait3A_865 : memref<1x80xi32, #tpu.memory_space<vmem>> -> memref<80xi32, #tpu.memory_space<vmem>>
        %dma_wait3A_867 = arith.constant 0 : i32
        %dma_wait3A_868 = tpu.memref_slice %arg3[%dma_wait3A_867] : memref<640000xi32, #tpu.memory_space<hbm>> -> memref<80xi32, #tpu.memory_space<hbm>>
        tpu.wait_dma2 semaphore(%dma_wait3A_863 : memref<!tpu.dma_semaphore, #tpu.memory_space<semaphore_mem>>) src(%dma_wait3A_868 : memref<80xi32, #tpu.memory_space<hbm>>) dst(%dma_wait3A_866 : memref<80xi32, #tpu.memory_space<vmem>>)
        %dma_wait3A_869 = arith.constant 0 : i32
        %dma_wait3A_870 = arith.constant 0 : i32
        %dma_wait3A_871 = arith.constant 0 : i32
        %dma_wait3A_872 = tpu.memref_slice %arg6[%dma_wait3A_869, %dma_wait3A_871] : memref<5x80xi32, #tpu.memory_space<vmem>> -> memref<1x80xi32, #tpu.memory_space<vmem>>
        %dma_wait3A_873 = tpu.memref_squeeze %dma_wait3A_872 : memref<1x80xi32, #tpu.memory_space<vmem>> -> memref<80xi32, #tpu.memory_space<vmem>>
        %dma_wait3A_874 = arith.constant 0 : i32
        %dma_wait3A_875 = tpu.memref_slice %arg3[%dma_wait3A_874] : memref<640000xi32, #tpu.memory_space<hbm>> -> memref<80xi32, #tpu.memory_space<hbm>>
        %dma_wait3A_876 = tpu.memref_slice %arg10[%dma_wait3A_870] : memref<5x!tpu.dma_semaphore, #tpu.memory_space<semaphore_mem>> -> memref<1x!tpu.dma_semaphore, #tpu.memory_space<semaphore_mem>>
        %dma_wait3A_877 = tpu.memref_squeeze %dma_wait3A_876 : memref<1x!tpu.dma_semaphore, #tpu.memory_space<semaphore_mem>> -> memref<!tpu.dma_semaphore, #tpu.memory_space<semaphore_mem>>
        %dma_wait3A_878 = arith.constant 0 : i32
        %dma_wait3A_879 = tpu.memref_slice %arg6[%dma_wait3A_869, %dma_wait3A_878] : memref<5x80xi32, #tpu.memory_space<vmem>> -> memref<1x80xi32, #tpu.memory_space<vmem>>
        %dma_wait3A_880 = tpu.memref_squeeze %dma_wait3A_879 : memref<1x80xi32, #tpu.memory_space<vmem>> -> memref<80xi32, #tpu.memory_space<vmem>>
        %dma_wait3A_881 = arith.constant 0 : i32
        %dma_wait3A_882 = tpu.memref_slice %arg3[%dma_wait3A_881] : memref<640000xi32, #tpu.memory_space<hbm>> -> memref<80xi32, #tpu.memory_space<hbm>>
        tpu.wait_dma2 semaphore(%dma_wait3A_877 : memref<!tpu.dma_semaphore, #tpu.memory_space<semaphore_mem>>) src(%dma_wait3A_882 : memref<80xi32, #tpu.memory_space<hbm>>) dst(%dma_wait3A_880 : memref<80xi32, #tpu.memory_space<vmem>>)
        %dma_start3A_883 = arith.constant 0 : i32
        %dma_start3A_884 = arith.constant 1 : i32
        %dma_start3A_885 = arith.constant 1 : i32
        %dma_start3A_886 = arith.constant 0 : i32
        %dma_start3A_887 = arith.constant 0 : i32
        %dma_start3A_888 = tpu.memref_slice %arg7[%dma_start3A_884, %dma_start3A_886, %dma_start3A_887] : memref<3x80x128xf32, #tpu.memory_space<vmem>> -> memref<1x80x128xf32, #tpu.memory_space<vmem>>
        %dma_start3A_889 = tpu.memref_squeeze %dma_start3A_888 : memref<1x80x128xf32, #tpu.memory_space<vmem>> -> memref<80x128xf32, #tpu.memory_space<vmem>>
        %dma_start3A_890 = arith.constant 0 : i32
        %dma_start3A_891 = tpu.memref_slice %arg5[%dma_start3A_883, %dma_start3A_890] : memref<5x80xi32, #tpu.memory_space<vmem>> -> memref<1x80xi32, #tpu.memory_space<vmem>>
        %dma_start3A_892 = tpu.memref_squeeze %dma_start3A_891 : memref<1x80xi32, #tpu.memory_space<vmem>> -> memref<80xi32, #tpu.memory_space<vmem>>
        %dma_start3A_893 = arith.constant 0 : i32
        %dma_start3A_894 = arith.constant 0 : i32
        %dma_start3A_895 = tpu.memref_slice %arg2[%dma_start3A_893, %dma_start3A_894] : memref<10000x128xf32, #tpu.memory_space<hbm>> -> memref<10000x128xf32, #tpu.memory_space<hbm>>
        %dma_start3A_896 = tpu.memref_slice %arg11[%dma_start3A_885] : memref<3x!tpu.dma_semaphore, #tpu.memory_space<semaphore_mem>> -> memref<1x!tpu.dma_semaphore, #tpu.memory_space<semaphore_mem>>
        %dma_start3A_897 = tpu.memref_squeeze %dma_start3A_896 : memref<1x!tpu.dma_semaphore, #tpu.memory_space<semaphore_mem>> -> memref<!tpu.dma_semaphore, #tpu.memory_space<semaphore_mem>>
        tpu.enqueue_indirect_dma source(%dma_start3A_895 : memref<10000x128xf32, #tpu.memory_space<hbm>>) target(%dma_start3A_889 : memref<80x128xf32, #tpu.memory_space<vmem>>) offsets(%dma_start3A_892 : memref<80xi32, #tpu.memory_space<vmem>>) semaphore(%dma_start3A_897 : memref<!tpu.dma_semaphore, #tpu.memory_space<semaphore_mem>>)
      } else {
      }
      %lt3A_695 = arith.constant 125 : i32
      %lt3A_696 = arith.cmpi slt, %add3A_672, %lt3A_695 : i32
      %convert_element_type3A_697 = arith.extui %lt3A_696 : i1 to i32
      %cond3A_698 = arith.constant 0 : i32
      %cond3A_699 = arith.cmpi ne, %convert_element_type3A_697, %cond3A_698 : i32
      scf.if %cond3A_699 {
        %dma_wait3A_855 = arith.constant 0 : i32
        %dma_wait3A_856 = arith.constant 0 : i32
        %dma_wait3A_857 = arith.constant 0 : i32
        %dma_wait3A_858 = arith.constant 0 : i32
        %dma_wait3A_859 = tpu.memref_slice %arg7[%dma_wait3A_855, %dma_wait3A_857, %dma_wait3A_858] : memref<3x80x128xf32, #tpu.memory_space<vmem>> -> memref<1x80x128xf32, #tpu.memory_space<vmem>>
        %dma_wait3A_860 = tpu.memref_squeeze %dma_wait3A_859 : memref<1x80x128xf32, #tpu.memory_space<vmem>> -> memref<80x128xf32, #tpu.memory_space<vmem>>
        %dma_wait3A_861 = arith.constant 0 : i32
        %dma_wait3A_862 = arith.constant 0 : i32
        %dma_wait3A_863 = tpu.memref_slice %arg2[%dma_wait3A_861, %dma_wait3A_862] : memref<10000x128xf32, #tpu.memory_space<hbm>> -> memref<80x128xf32, #tpu.memory_space<hbm>>
        %dma_wait3A_864 = tpu.memref_slice %arg11[%dma_wait3A_856] : memref<3x!tpu.dma_semaphore, #tpu.memory_space<semaphore_mem>> -> memref<1x!tpu.dma_semaphore, #tpu.memory_space<semaphore_mem>>
        %dma_wait3A_865 = tpu.memref_squeeze %dma_wait3A_864 : memref<1x!tpu.dma_semaphore, #tpu.memory_space<semaphore_mem>> -> memref<!tpu.dma_semaphore, #tpu.memory_space<semaphore_mem>>
        %dma_wait3A_866 = arith.constant 0 : i32
        %dma_wait3A_867 = arith.constant 0 : i32
        %dma_wait3A_868 = tpu.memref_slice %arg7[%dma_wait3A_855, %dma_wait3A_866, %dma_wait3A_867] : memref<3x80x128xf32, #tpu.memory_space<vmem>> -> memref<1x80x128xf32, #tpu.memory_space<vmem>>
        %dma_wait3A_869 = tpu.memref_squeeze %dma_wait3A_868 : memref<1x80x128xf32, #tpu.memory_space<vmem>> -> memref<80x128xf32, #tpu.memory_space<vmem>>
        %dma_wait3A_870 = arith.constant 0 : i32
        %dma_wait3A_871 = arith.constant 0 : i32
        %dma_wait3A_872 = tpu.memref_slice %arg2[%dma_wait3A_870, %dma_wait3A_871] : memref<10000x128xf32, #tpu.memory_space<hbm>> -> memref<80x128xf32, #tpu.memory_space<hbm>>
        tpu.wait_dma2 semaphore(%dma_wait3A_865 : memref<!tpu.dma_semaphore, #tpu.memory_space<semaphore_mem>>) src(%dma_wait3A_872 : memref<80x128xf32, #tpu.memory_space<hbm>>) dst(%dma_wait3A_869 : memref<80x128xf32, #tpu.memory_space<vmem>>)
        %dma_start3A_873 = arith.constant 0 : i32
        %dma_start3A_874 = arith.constant 4 : i32
        %dma_start3A_875 = arith.constant 0 : i32
        %dma_start3A_876 = arith.constant 0 : i32
        %dma_start3A_877 = arith.constant 0 : i32
        %dma_start3A_878 = tpu.memref_slice %arg7[%dma_start3A_873, %dma_start3A_876, %dma_start3A_877] : memref<3x80x128xf32, #tpu.memory_space<vmem>> -> memref<1x80x128xf32, #tpu.memory_space<vmem>>
        %dma_start3A_879 = tpu.memref_squeeze %dma_start3A_878 : memref<1x80x128xf32, #tpu.memory_space<vmem>> -> memref<80x128xf32, #tpu.memory_space<vmem>>
        %dma_start3A_880 = arith.constant 0 : i32
        %dma_start3A_881 = tpu.memref_slice %arg6[%dma_start3A_874, %dma_start3A_880] : memref<5x80xi32, #tpu.memory_space<vmem>> -> memref<1x80xi32, #tpu.memory_space<vmem>>
        %dma_start3A_882 = tpu.memref_squeeze %dma_start3A_881 : memref<1x80xi32, #tpu.memory_space<vmem>> -> memref<80xi32, #tpu.memory_space<vmem>>
        %dma_start3A_883 = arith.constant 0 : i32
        %dma_start3A_884 = arith.constant 0 : i32
        %dma_start3A_885 = tpu.memref_slice %arg9[%dma_start3A_883, %dma_start3A_884] : memref<10000x128xf32, #tpu.memory_space<vmem_shared>> -> memref<10000x128xf32, #tpu.memory_space<vmem_shared>>
        %dma_start3A_886 = tpu.memref_slice %arg12[%dma_start3A_875] : memref<3x!tpu.dma_semaphore, #tpu.memory_space<semaphore_mem>> -> memref<1x!tpu.dma_semaphore, #tpu.memory_space<semaphore_mem>>
        %dma_start3A_887 = tpu.memref_squeeze %dma_start3A_886 : memref<1x!tpu.dma_semaphore, #tpu.memory_space<semaphore_mem>> -> memref<!tpu.dma_semaphore, #tpu.memory_space<semaphore_mem>>
        tpu.enqueue_indirect_dma source(%dma_start3A_879 : memref<80x128xf32, #tpu.memory_space<vmem>>) target(%dma_start3A_885 : memref<10000x128xf32, #tpu.memory_space<vmem_shared>>) offsets(%dma_start3A_882 : memref<80xi32, #tpu.memory_space<vmem>>) semaphore(%dma_start3A_887 : memref<!tpu.dma_semaphore, #tpu.memory_space<semaphore_mem>>) {add = true}
      } else {
      }
      %mul3A_700 = arith.constant 15 : i32
      %mul3A_701 = arith.muli %scan3A_392, %mul3A_700 : i32
      %add3A_702 = arith.constant 10 : i32
      %add3A_703 = arith.addi %mul3A_701, %add3A_702 : i32
      %ge3A_704 = arith.constant 2 : i32
      %ge3A_705 = arith.cmpi sge, %add3A_703, %ge3A_704 : i32
      %lt3A_706 = arith.constant 127 : i32
      %lt3A_707 = arith.cmpi slt, %add3A_703, %lt3A_706 : i32
      %and3A_708 = arith.andi %ge3A_705, %lt3A_707 : i1
      %convert_element_type3A_709 = arith.extui %and3A_708 : i1 to i32
      %cond3A_710 = arith.constant 0 : i32
      %cond3A_711 = arith.cmpi ne, %convert_element_type3A_709, %cond3A_710 : i32
      scf.if %cond3A_711 {
        %dma_wait3A_855 = arith.constant 2 : i32
        %dma_wait3A_856 = arith.constant 2 : i32
        %dma_wait3A_857 = arith.constant 0 : i32
        %dma_wait3A_858 = arith.constant 0 : i32
        %dma_wait3A_859 = tpu.memref_slice %arg7[%dma_wait3A_855, %dma_wait3A_857, %dma_wait3A_858] : memref<3x80x128xf32, #tpu.memory_space<vmem>> -> memref<1x80x128xf32, #tpu.memory_space<vmem>>
        %dma_wait3A_860 = tpu.memref_squeeze %dma_wait3A_859 : memref<1x80x128xf32, #tpu.memory_space<vmem>> -> memref<80x128xf32, #tpu.memory_space<vmem>>
        %dma_wait3A_861 = arith.constant 0 : i32
        %dma_wait3A_862 = arith.constant 0 : i32
        %dma_wait3A_863 = tpu.memref_slice %arg2[%dma_wait3A_861, %dma_wait3A_862] : memref<10000x128xf32, #tpu.memory_space<hbm>> -> memref<80x128xf32, #tpu.memory_space<hbm>>
        %dma_wait3A_864 = tpu.memref_slice %arg12[%dma_wait3A_856] : memref<3x!tpu.dma_semaphore, #tpu.memory_space<semaphore_mem>> -> memref<1x!tpu.dma_semaphore, #tpu.memory_space<semaphore_mem>>
        %dma_wait3A_865 = tpu.memref_squeeze %dma_wait3A_864 : memref<1x!tpu.dma_semaphore, #tpu.memory_space<semaphore_mem>> -> memref<!tpu.dma_semaphore, #tpu.memory_space<semaphore_mem>>
        %dma_wait3A_866 = arith.constant 0 : i32
        %dma_wait3A_867 = arith.constant 0 : i32
        %dma_wait3A_868 = tpu.memref_slice %arg7[%dma_wait3A_855, %dma_wait3A_866, %dma_wait3A_867] : memref<3x80x128xf32, #tpu.memory_space<vmem>> -> memref<1x80x128xf32, #tpu.memory_space<vmem>>
        %dma_wait3A_869 = tpu.memref_squeeze %dma_wait3A_868 : memref<1x80x128xf32, #tpu.memory_space<vmem>> -> memref<80x128xf32, #tpu.memory_space<vmem>>
        %dma_wait3A_870 = arith.constant 0 : i32
        %dma_wait3A_871 = arith.constant 0 : i32
        %dma_wait3A_872 = tpu.memref_slice %arg2[%dma_wait3A_870, %dma_wait3A_871] : memref<10000x128xf32, #tpu.memory_space<hbm>> -> memref<80x128xf32, #tpu.memory_space<hbm>>
        tpu.wait_dma2 semaphore(%dma_wait3A_865 : memref<!tpu.dma_semaphore, #tpu.memory_space<semaphore_mem>>) src(%dma_wait3A_872 : memref<80x128xf32, #tpu.memory_space<hbm>>) dst(%dma_wait3A_869 : memref<80x128xf32, #tpu.memory_space<vmem>>)
      } else {
      }
      %add3A_712 = arith.constant 3 : i32
      %add3A_713 = arith.addi %add3A_703, %add3A_712 : i32
      %lt3A_714 = arith.constant 125 : i32
      %lt3A_715 = arith.cmpi slt, %add3A_713, %lt3A_714 : i32
      %convert_element_type3A_716 = arith.extui %lt3A_715 : i1 to i32
      %cond3A_717 = arith.constant 0 : i32
      %cond3A_718 = arith.cmpi ne, %convert_element_type3A_716, %cond3A_717 : i32
      scf.if %cond3A_718 {
        %add3A_855 = arith.constant 3 : i32
        %add3A_856 = arith.addi %add3A_703, %add3A_855 : i32
        %mul3A_857 = arith.constant 80 : i32
        %mul3A_858 = arith.muli %add3A_856, %mul3A_857 : i32
        %add3A_859 = arith.addi %mul3A_2, %mul3A_858 : i32
        %dma_start3A_860 = arith.constant 3 : i32
        %dma_start3A_861 = arith.constant 3 : i32
        %dma_start3A_862 = arith.constant 0 : i32
        %dma_start3A_863 = tpu.memref_slice %arg5[%dma_start3A_860, %dma_start3A_862] : memref<5x80xi32, #tpu.memory_space<vmem>> -> memref<1x80xi32, #tpu.memory_space<vmem>>
        %dma_start3A_864 = tpu.memref_squeeze %dma_start3A_863 : memref<1x80xi32, #tpu.memory_space<vmem>> -> memref<80xi32, #tpu.memory_space<vmem>>
        %dma_start3A_865 = tpu.memref_slice %arg3[%add3A_859] : memref<640000xi32, #tpu.memory_space<hbm>> -> memref<80xi32, #tpu.memory_space<hbm>>
        %dma_start3A_866 = tpu.memref_slice %arg10[%dma_start3A_861] : memref<5x!tpu.dma_semaphore, #tpu.memory_space<semaphore_mem>> -> memref<1x!tpu.dma_semaphore, #tpu.memory_space<semaphore_mem>>
        %dma_start3A_867 = tpu.memref_squeeze %dma_start3A_866 : memref<1x!tpu.dma_semaphore, #tpu.memory_space<semaphore_mem>> -> memref<!tpu.dma_semaphore, #tpu.memory_space<semaphore_mem>>
        %dma_start3A_868 = arith.constant 0 : i32
        %dma_start3A_869 = tpu.memref_slice %arg5[%dma_start3A_860, %dma_start3A_868] : memref<5x80xi32, #tpu.memory_space<vmem>> -> memref<1x80xi32, #tpu.memory_space<vmem>>
        %dma_start3A_870 = tpu.memref_squeeze %dma_start3A_869 : memref<1x80xi32, #tpu.memory_space<vmem>> -> memref<80xi32, #tpu.memory_space<vmem>>
        %dma_start3A_871 = tpu.memref_slice %arg3[%add3A_859] : memref<640000xi32, #tpu.memory_space<hbm>> -> memref<80xi32, #tpu.memory_space<hbm>>
        tpu.enqueue_dma source(%dma_start3A_871 : memref<80xi32, #tpu.memory_space<hbm>>) target(%dma_start3A_870 : memref<80xi32, #tpu.memory_space<vmem>>) target_semaphore(%dma_start3A_867 : memref<!tpu.dma_semaphore, #tpu.memory_space<semaphore_mem>>)
        %add3A_872 = arith.constant 320000 : i32
        %add3A_873 = arith.addi %add3A_872, %mul3A_2 : i32
        %mul3A_874 = arith.constant 80 : i32
        %mul3A_875 = arith.muli %add3A_856, %mul3A_874 : i32
        %add3A_876 = arith.addi %add3A_873, %mul3A_875 : i32
        %dma_start3A_877 = arith.constant 3 : i32
        %dma_start3A_878 = arith.constant 3 : i32
        %dma_start3A_879 = arith.constant 0 : i32
        %dma_start3A_880 = tpu.memref_slice %arg6[%dma_start3A_877, %dma_start3A_879] : memref<5x80xi32, #tpu.memory_space<vmem>> -> memref<1x80xi32, #tpu.memory_space<vmem>>
        %dma_start3A_881 = tpu.memref_squeeze %dma_start3A_880 : memref<1x80xi32, #tpu.memory_space<vmem>> -> memref<80xi32, #tpu.memory_space<vmem>>
        %dma_start3A_882 = tpu.memref_slice %arg3[%add3A_876] : memref<640000xi32, #tpu.memory_space<hbm>> -> memref<80xi32, #tpu.memory_space<hbm>>
        %dma_start3A_883 = tpu.memref_slice %arg10[%dma_start3A_878] : memref<5x!tpu.dma_semaphore, #tpu.memory_space<semaphore_mem>> -> memref<1x!tpu.dma_semaphore, #tpu.memory_space<semaphore_mem>>
        %dma_start3A_884 = tpu.memref_squeeze %dma_start3A_883 : memref<1x!tpu.dma_semaphore, #tpu.memory_space<semaphore_mem>> -> memref<!tpu.dma_semaphore, #tpu.memory_space<semaphore_mem>>
        %dma_start3A_885 = arith.constant 0 : i32
        %dma_start3A_886 = tpu.memref_slice %arg6[%dma_start3A_877, %dma_start3A_885] : memref<5x80xi32, #tpu.memory_space<vmem>> -> memref<1x80xi32, #tpu.memory_space<vmem>>
        %dma_start3A_887 = tpu.memref_squeeze %dma_start3A_886 : memref<1x80xi32, #tpu.memory_space<vmem>> -> memref<80xi32, #tpu.memory_space<vmem>>
        %dma_start3A_888 = tpu.memref_slice %arg3[%add3A_876] : memref<640000xi32, #tpu.memory_space<hbm>> -> memref<80xi32, #tpu.memory_space<hbm>>
        tpu.enqueue_dma source(%dma_start3A_888 : memref<80xi32, #tpu.memory_space<hbm>>) target(%dma_start3A_887 : memref<80xi32, #tpu.memory_space<vmem>>) target_semaphore(%dma_start3A_884 : memref<!tpu.dma_semaphore, #tpu.memory_space<semaphore_mem>>)
      } else {
      }
      %add3A_719 = arith.constant 1 : i32
      %add3A_720 = arith.addi %add3A_703, %add3A_719 : i32
      %lt3A_721 = arith.constant 125 : i32
      %lt3A_722 = arith.cmpi slt, %add3A_720, %lt3A_721 : i32
      %convert_element_type3A_723 = arith.extui %lt3A_722 : i1 to i32
      %cond3A_724 = arith.constant 0 : i32
      %cond3A_725 = arith.cmpi ne, %convert_element_type3A_723, %cond3A_724 : i32
      scf.if %cond3A_725 {
        %dma_wait3A_855 = arith.constant 1 : i32
        %dma_wait3A_856 = arith.constant 1 : i32
        %dma_wait3A_857 = arith.constant 0 : i32
        %dma_wait3A_858 = tpu.memref_slice %arg5[%dma_wait3A_855, %dma_wait3A_857] : memref<5x80xi32, #tpu.memory_space<vmem>> -> memref<1x80xi32, #tpu.memory_space<vmem>>
        %dma_wait3A_859 = tpu.memref_squeeze %dma_wait3A_858 : memref<1x80xi32, #tpu.memory_space<vmem>> -> memref<80xi32, #tpu.memory_space<vmem>>
        %dma_wait3A_860 = arith.constant 0 : i32
        %dma_wait3A_861 = tpu.memref_slice %arg3[%dma_wait3A_860] : memref<640000xi32, #tpu.memory_space<hbm>> -> memref<80xi32, #tpu.memory_space<hbm>>
        %dma_wait3A_862 = tpu.memref_slice %arg10[%dma_wait3A_856] : memref<5x!tpu.dma_semaphore, #tpu.memory_space<semaphore_mem>> -> memref<1x!tpu.dma_semaphore, #tpu.memory_space<semaphore_mem>>
        %dma_wait3A_863 = tpu.memref_squeeze %dma_wait3A_862 : memref<1x!tpu.dma_semaphore, #tpu.memory_space<semaphore_mem>> -> memref<!tpu.dma_semaphore, #tpu.memory_space<semaphore_mem>>
        %dma_wait3A_864 = arith.constant 0 : i32
        %dma_wait3A_865 = tpu.memref_slice %arg5[%dma_wait3A_855, %dma_wait3A_864] : memref<5x80xi32, #tpu.memory_space<vmem>> -> memref<1x80xi32, #tpu.memory_space<vmem>>
        %dma_wait3A_866 = tpu.memref_squeeze %dma_wait3A_865 : memref<1x80xi32, #tpu.memory_space<vmem>> -> memref<80xi32, #tpu.memory_space<vmem>>
        %dma_wait3A_867 = arith.constant 0 : i32
        %dma_wait3A_868 = tpu.memref_slice %arg3[%dma_wait3A_867] : memref<640000xi32, #tpu.memory_space<hbm>> -> memref<80xi32, #tpu.memory_space<hbm>>
        tpu.wait_dma2 semaphore(%dma_wait3A_863 : memref<!tpu.dma_semaphore, #tpu.memory_space<semaphore_mem>>) src(%dma_wait3A_868 : memref<80xi32, #tpu.memory_space<hbm>>) dst(%dma_wait3A_866 : memref<80xi32, #tpu.memory_space<vmem>>)
        %dma_wait3A_869 = arith.constant 1 : i32
        %dma_wait3A_870 = arith.constant 1 : i32
        %dma_wait3A_871 = arith.constant 0 : i32
        %dma_wait3A_872 = tpu.memref_slice %arg6[%dma_wait3A_869, %dma_wait3A_871] : memref<5x80xi32, #tpu.memory_space<vmem>> -> memref<1x80xi32, #tpu.memory_space<vmem>>
        %dma_wait3A_873 = tpu.memref_squeeze %dma_wait3A_872 : memref<1x80xi32, #tpu.memory_space<vmem>> -> memref<80xi32, #tpu.memory_space<vmem>>
        %dma_wait3A_874 = arith.constant 0 : i32
        %dma_wait3A_875 = tpu.memref_slice %arg3[%dma_wait3A_874] : memref<640000xi32, #tpu.memory_space<hbm>> -> memref<80xi32, #tpu.memory_space<hbm>>
        %dma_wait3A_876 = tpu.memref_slice %arg10[%dma_wait3A_870] : memref<5x!tpu.dma_semaphore, #tpu.memory_space<semaphore_mem>> -> memref<1x!tpu.dma_semaphore, #tpu.memory_space<semaphore_mem>>
        %dma_wait3A_877 = tpu.memref_squeeze %dma_wait3A_876 : memref<1x!tpu.dma_semaphore, #tpu.memory_space<semaphore_mem>> -> memref<!tpu.dma_semaphore, #tpu.memory_space<semaphore_mem>>
        %dma_wait3A_878 = arith.constant 0 : i32
        %dma_wait3A_879 = tpu.memref_slice %arg6[%dma_wait3A_869, %dma_wait3A_878] : memref<5x80xi32, #tpu.memory_space<vmem>> -> memref<1x80xi32, #tpu.memory_space<vmem>>
        %dma_wait3A_880 = tpu.memref_squeeze %dma_wait3A_879 : memref<1x80xi32, #tpu.memory_space<vmem>> -> memref<80xi32, #tpu.memory_space<vmem>>
        %dma_wait3A_881 = arith.constant 0 : i32
        %dma_wait3A_882 = tpu.memref_slice %arg3[%dma_wait3A_881] : memref<640000xi32, #tpu.memory_space<hbm>> -> memref<80xi32, #tpu.memory_space<hbm>>
        tpu.wait_dma2 semaphore(%dma_wait3A_877 : memref<!tpu.dma_semaphore, #tpu.memory_space<semaphore_mem>>) src(%dma_wait3A_882 : memref<80xi32, #tpu.memory_space<hbm>>) dst(%dma_wait3A_880 : memref<80xi32, #tpu.memory_space<vmem>>)
        %dma_start3A_883 = arith.constant 1 : i32
        %dma_start3A_884 = arith.constant 2 : i32
        %dma_start3A_885 = arith.constant 2 : i32
        %dma_start3A_886 = arith.constant 0 : i32
        %dma_start3A_887 = arith.constant 0 : i32
        %dma_start3A_888 = tpu.memref_slice %arg7[%dma_start3A_884, %dma_start3A_886, %dma_start3A_887] : memref<3x80x128xf32, #tpu.memory_space<vmem>> -> memref<1x80x128xf32, #tpu.memory_space<vmem>>
        %dma_start3A_889 = tpu.memref_squeeze %dma_start3A_888 : memref<1x80x128xf32, #tpu.memory_space<vmem>> -> memref<80x128xf32, #tpu.memory_space<vmem>>
        %dma_start3A_890 = arith.constant 0 : i32
        %dma_start3A_891 = tpu.memref_slice %arg5[%dma_start3A_883, %dma_start3A_890] : memref<5x80xi32, #tpu.memory_space<vmem>> -> memref<1x80xi32, #tpu.memory_space<vmem>>
        %dma_start3A_892 = tpu.memref_squeeze %dma_start3A_891 : memref<1x80xi32, #tpu.memory_space<vmem>> -> memref<80xi32, #tpu.memory_space<vmem>>
        %dma_start3A_893 = arith.constant 0 : i32
        %dma_start3A_894 = arith.constant 0 : i32
        %dma_start3A_895 = tpu.memref_slice %arg2[%dma_start3A_893, %dma_start3A_894] : memref<10000x128xf32, #tpu.memory_space<hbm>> -> memref<10000x128xf32, #tpu.memory_space<hbm>>
        %dma_start3A_896 = tpu.memref_slice %arg11[%dma_start3A_885] : memref<3x!tpu.dma_semaphore, #tpu.memory_space<semaphore_mem>> -> memref<1x!tpu.dma_semaphore, #tpu.memory_space<semaphore_mem>>
        %dma_start3A_897 = tpu.memref_squeeze %dma_start3A_896 : memref<1x!tpu.dma_semaphore, #tpu.memory_space<semaphore_mem>> -> memref<!tpu.dma_semaphore, #tpu.memory_space<semaphore_mem>>
        tpu.enqueue_indirect_dma source(%dma_start3A_895 : memref<10000x128xf32, #tpu.memory_space<hbm>>) target(%dma_start3A_889 : memref<80x128xf32, #tpu.memory_space<vmem>>) offsets(%dma_start3A_892 : memref<80xi32, #tpu.memory_space<vmem>>) semaphore(%dma_start3A_897 : memref<!tpu.dma_semaphore, #tpu.memory_space<semaphore_mem>>)
      } else {
      }
      %lt3A_726 = arith.constant 125 : i32
      %lt3A_727 = arith.cmpi slt, %add3A_703, %lt3A_726 : i32
      %convert_element_type3A_728 = arith.extui %lt3A_727 : i1 to i32
      %cond3A_729 = arith.constant 0 : i32
      %cond3A_730 = arith.cmpi ne, %convert_element_type3A_728, %cond3A_729 : i32
      scf.if %cond3A_730 {
        %dma_wait3A_855 = arith.constant 1 : i32
        %dma_wait3A_856 = arith.constant 1 : i32
        %dma_wait3A_857 = arith.constant 0 : i32
        %dma_wait3A_858 = arith.constant 0 : i32
        %dma_wait3A_859 = tpu.memref_slice %arg7[%dma_wait3A_855, %dma_wait3A_857, %dma_wait3A_858] : memref<3x80x128xf32, #tpu.memory_space<vmem>> -> memref<1x80x128xf32, #tpu.memory_space<vmem>>
        %dma_wait3A_860 = tpu.memref_squeeze %dma_wait3A_859 : memref<1x80x128xf32, #tpu.memory_space<vmem>> -> memref<80x128xf32, #tpu.memory_space<vmem>>
        %dma_wait3A_861 = arith.constant 0 : i32
        %dma_wait3A_862 = arith.constant 0 : i32
        %dma_wait3A_863 = tpu.memref_slice %arg2[%dma_wait3A_861, %dma_wait3A_862] : memref<10000x128xf32, #tpu.memory_space<hbm>> -> memref<80x128xf32, #tpu.memory_space<hbm>>
        %dma_wait3A_864 = tpu.memref_slice %arg11[%dma_wait3A_856] : memref<3x!tpu.dma_semaphore, #tpu.memory_space<semaphore_mem>> -> memref<1x!tpu.dma_semaphore, #tpu.memory_space<semaphore_mem>>
        %dma_wait3A_865 = tpu.memref_squeeze %dma_wait3A_864 : memref<1x!tpu.dma_semaphore, #tpu.memory_space<semaphore_mem>> -> memref<!tpu.dma_semaphore, #tpu.memory_space<semaphore_mem>>
        %dma_wait3A_866 = arith.constant 0 : i32
        %dma_wait3A_867 = arith.constant 0 : i32
        %dma_wait3A_868 = tpu.memref_slice %arg7[%dma_wait3A_855, %dma_wait3A_866, %dma_wait3A_867] : memref<3x80x128xf32, #tpu.memory_space<vmem>> -> memref<1x80x128xf32, #tpu.memory_space<vmem>>
        %dma_wait3A_869 = tpu.memref_squeeze %dma_wait3A_868 : memref<1x80x128xf32, #tpu.memory_space<vmem>> -> memref<80x128xf32, #tpu.memory_space<vmem>>
        %dma_wait3A_870 = arith.constant 0 : i32
        %dma_wait3A_871 = arith.constant 0 : i32
        %dma_wait3A_872 = tpu.memref_slice %arg2[%dma_wait3A_870, %dma_wait3A_871] : memref<10000x128xf32, #tpu.memory_space<hbm>> -> memref<80x128xf32, #tpu.memory_space<hbm>>
        tpu.wait_dma2 semaphore(%dma_wait3A_865 : memref<!tpu.dma_semaphore, #tpu.memory_space<semaphore_mem>>) src(%dma_wait3A_872 : memref<80x128xf32, #tpu.memory_space<hbm>>) dst(%dma_wait3A_869 : memref<80x128xf32, #tpu.memory_space<vmem>>)
        %dma_start3A_873 = arith.constant 1 : i32
        %dma_start3A_874 = arith.constant 0 : i32
        %dma_start3A_875 = arith.constant 1 : i32
        %dma_start3A_876 = arith.constant 0 : i32
        %dma_start3A_877 = arith.constant 0 : i32
        %dma_start3A_878 = tpu.memref_slice %arg7[%dma_start3A_873, %dma_start3A_876, %dma_start3A_877] : memref<3x80x128xf32, #tpu.memory_space<vmem>> -> memref<1x80x128xf32, #tpu.memory_space<vmem>>
        %dma_start3A_879 = tpu.memref_squeeze %dma_start3A_878 : memref<1x80x128xf32, #tpu.memory_space<vmem>> -> memref<80x128xf32, #tpu.memory_space<vmem>>
        %dma_start3A_880 = arith.constant 0 : i32
        %dma_start3A_881 = tpu.memref_slice %arg6[%dma_start3A_874, %dma_start3A_880] : memref<5x80xi32, #tpu.memory_space<vmem>> -> memref<1x80xi32, #tpu.memory_space<vmem>>
        %dma_start3A_882 = tpu.memref_squeeze %dma_start3A_881 : memref<1x80xi32, #tpu.memory_space<vmem>> -> memref<80xi32, #tpu.memory_space<vmem>>
        %dma_start3A_883 = arith.constant 0 : i32
        %dma_start3A_884 = arith.constant 0 : i32
        %dma_start3A_885 = tpu.memref_slice %arg9[%dma_start3A_883, %dma_start3A_884] : memref<10000x128xf32, #tpu.memory_space<vmem_shared>> -> memref<10000x128xf32, #tpu.memory_space<vmem_shared>>
        %dma_start3A_886 = tpu.memref_slice %arg12[%dma_start3A_875] : memref<3x!tpu.dma_semaphore, #tpu.memory_space<semaphore_mem>> -> memref<1x!tpu.dma_semaphore, #tpu.memory_space<semaphore_mem>>
        %dma_start3A_887 = tpu.memref_squeeze %dma_start3A_886 : memref<1x!tpu.dma_semaphore, #tpu.memory_space<semaphore_mem>> -> memref<!tpu.dma_semaphore, #tpu.memory_space<semaphore_mem>>
        tpu.enqueue_indirect_dma source(%dma_start3A_879 : memref<80x128xf32, #tpu.memory_space<vmem>>) target(%dma_start3A_885 : memref<10000x128xf32, #tpu.memory_space<vmem_shared>>) offsets(%dma_start3A_882 : memref<80xi32, #tpu.memory_space<vmem>>) semaphore(%dma_start3A_887 : memref<!tpu.dma_semaphore, #tpu.memory_space<semaphore_mem>>) {add = true}
      } else {
      }
      %mul3A_731 = arith.constant 15 : i32
      %mul3A_732 = arith.muli %scan3A_392, %mul3A_731 : i32
      %add3A_733 = arith.constant 11 : i32
      %add3A_734 = arith.addi %mul3A_732, %add3A_733 : i32
      %ge3A_735 = arith.constant 2 : i32
      %ge3A_736 = arith.cmpi sge, %add3A_734, %ge3A_735 : i32
      %lt3A_737 = arith.constant 127 : i32
      %lt3A_738 = arith.cmpi slt, %add3A_734, %lt3A_737 : i32
      %and3A_739 = arith.andi %ge3A_736, %lt3A_738 : i1
      %convert_element_type3A_740 = arith.extui %and3A_739 : i1 to i32
      %cond3A_741 = arith.constant 0 : i32
      %cond3A_742 = arith.cmpi ne, %convert_element_type3A_740, %cond3A_741 : i32
      scf.if %cond3A_742 {
        %dma_wait3A_855 = arith.constant 0 : i32
        %dma_wait3A_856 = arith.constant 0 : i32
        %dma_wait3A_857 = arith.constant 0 : i32
        %dma_wait3A_858 = arith.constant 0 : i32
        %dma_wait3A_859 = tpu.memref_slice %arg7[%dma_wait3A_855, %dma_wait3A_857, %dma_wait3A_858] : memref<3x80x128xf32, #tpu.memory_space<vmem>> -> memref<1x80x128xf32, #tpu.memory_space<vmem>>
        %dma_wait3A_860 = tpu.memref_squeeze %dma_wait3A_859 : memref<1x80x128xf32, #tpu.memory_space<vmem>> -> memref<80x128xf32, #tpu.memory_space<vmem>>
        %dma_wait3A_861 = arith.constant 0 : i32
        %dma_wait3A_862 = arith.constant 0 : i32
        %dma_wait3A_863 = tpu.memref_slice %arg2[%dma_wait3A_861, %dma_wait3A_862] : memref<10000x128xf32, #tpu.memory_space<hbm>> -> memref<80x128xf32, #tpu.memory_space<hbm>>
        %dma_wait3A_864 = tpu.memref_slice %arg12[%dma_wait3A_856] : memref<3x!tpu.dma_semaphore, #tpu.memory_space<semaphore_mem>> -> memref<1x!tpu.dma_semaphore, #tpu.memory_space<semaphore_mem>>
        %dma_wait3A_865 = tpu.memref_squeeze %dma_wait3A_864 : memref<1x!tpu.dma_semaphore, #tpu.memory_space<semaphore_mem>> -> memref<!tpu.dma_semaphore, #tpu.memory_space<semaphore_mem>>
        %dma_wait3A_866 = arith.constant 0 : i32
        %dma_wait3A_867 = arith.constant 0 : i32
        %dma_wait3A_868 = tpu.memref_slice %arg7[%dma_wait3A_855, %dma_wait3A_866, %dma_wait3A_867] : memref<3x80x128xf32, #tpu.memory_space<vmem>> -> memref<1x80x128xf32, #tpu.memory_space<vmem>>
        %dma_wait3A_869 = tpu.memref_squeeze %dma_wait3A_868 : memref<1x80x128xf32, #tpu.memory_space<vmem>> -> memref<80x128xf32, #tpu.memory_space<vmem>>
        %dma_wait3A_870 = arith.constant 0 : i32
        %dma_wait3A_871 = arith.constant 0 : i32
        %dma_wait3A_872 = tpu.memref_slice %arg2[%dma_wait3A_870, %dma_wait3A_871] : memref<10000x128xf32, #tpu.memory_space<hbm>> -> memref<80x128xf32, #tpu.memory_space<hbm>>
        tpu.wait_dma2 semaphore(%dma_wait3A_865 : memref<!tpu.dma_semaphore, #tpu.memory_space<semaphore_mem>>) src(%dma_wait3A_872 : memref<80x128xf32, #tpu.memory_space<hbm>>) dst(%dma_wait3A_869 : memref<80x128xf32, #tpu.memory_space<vmem>>)
      } else {
      }
      %add3A_743 = arith.constant 3 : i32
      %add3A_744 = arith.addi %add3A_734, %add3A_743 : i32
      %lt3A_745 = arith.constant 125 : i32
      %lt3A_746 = arith.cmpi slt, %add3A_744, %lt3A_745 : i32
      %convert_element_type3A_747 = arith.extui %lt3A_746 : i1 to i32
      %cond3A_748 = arith.constant 0 : i32
      %cond3A_749 = arith.cmpi ne, %convert_element_type3A_747, %cond3A_748 : i32
      scf.if %cond3A_749 {
        %add3A_855 = arith.constant 3 : i32
        %add3A_856 = arith.addi %add3A_734, %add3A_855 : i32
        %mul3A_857 = arith.constant 80 : i32
        %mul3A_858 = arith.muli %add3A_856, %mul3A_857 : i32
        %add3A_859 = arith.addi %mul3A_2, %mul3A_858 : i32
        %dma_start3A_860 = arith.constant 4 : i32
        %dma_start3A_861 = arith.constant 4 : i32
        %dma_start3A_862 = arith.constant 0 : i32
        %dma_start3A_863 = tpu.memref_slice %arg5[%dma_start3A_860, %dma_start3A_862] : memref<5x80xi32, #tpu.memory_space<vmem>> -> memref<1x80xi32, #tpu.memory_space<vmem>>
        %dma_start3A_864 = tpu.memref_squeeze %dma_start3A_863 : memref<1x80xi32, #tpu.memory_space<vmem>> -> memref<80xi32, #tpu.memory_space<vmem>>
        %dma_start3A_865 = tpu.memref_slice %arg3[%add3A_859] : memref<640000xi32, #tpu.memory_space<hbm>> -> memref<80xi32, #tpu.memory_space<hbm>>
        %dma_start3A_866 = tpu.memref_slice %arg10[%dma_start3A_861] : memref<5x!tpu.dma_semaphore, #tpu.memory_space<semaphore_mem>> -> memref<1x!tpu.dma_semaphore, #tpu.memory_space<semaphore_mem>>
        %dma_start3A_867 = tpu.memref_squeeze %dma_start3A_866 : memref<1x!tpu.dma_semaphore, #tpu.memory_space<semaphore_mem>> -> memref<!tpu.dma_semaphore, #tpu.memory_space<semaphore_mem>>
        %dma_start3A_868 = arith.constant 0 : i32
        %dma_start3A_869 = tpu.memref_slice %arg5[%dma_start3A_860, %dma_start3A_868] : memref<5x80xi32, #tpu.memory_space<vmem>> -> memref<1x80xi32, #tpu.memory_space<vmem>>
        %dma_start3A_870 = tpu.memref_squeeze %dma_start3A_869 : memref<1x80xi32, #tpu.memory_space<vmem>> -> memref<80xi32, #tpu.memory_space<vmem>>
        %dma_start3A_871 = tpu.memref_slice %arg3[%add3A_859] : memref<640000xi32, #tpu.memory_space<hbm>> -> memref<80xi32, #tpu.memory_space<hbm>>
        tpu.enqueue_dma source(%dma_start3A_871 : memref<80xi32, #tpu.memory_space<hbm>>) target(%dma_start3A_870 : memref<80xi32, #tpu.memory_space<vmem>>) target_semaphore(%dma_start3A_867 : memref<!tpu.dma_semaphore, #tpu.memory_space<semaphore_mem>>)
        %add3A_872 = arith.constant 320000 : i32
        %add3A_873 = arith.addi %add3A_872, %mul3A_2 : i32
        %mul3A_874 = arith.constant 80 : i32
        %mul3A_875 = arith.muli %add3A_856, %mul3A_874 : i32
        %add3A_876 = arith.addi %add3A_873, %mul3A_875 : i32
        %dma_start3A_877 = arith.constant 4 : i32
        %dma_start3A_878 = arith.constant 4 : i32
        %dma_start3A_879 = arith.constant 0 : i32
        %dma_start3A_880 = tpu.memref_slice %arg6[%dma_start3A_877, %dma_start3A_879] : memref<5x80xi32, #tpu.memory_space<vmem>> -> memref<1x80xi32, #tpu.memory_space<vmem>>
        %dma_start3A_881 = tpu.memref_squeeze %dma_start3A_880 : memref<1x80xi32, #tpu.memory_space<vmem>> -> memref<80xi32, #tpu.memory_space<vmem>>
        %dma_start3A_882 = tpu.memref_slice %arg3[%add3A_876] : memref<640000xi32, #tpu.memory_space<hbm>> -> memref<80xi32, #tpu.memory_space<hbm>>
        %dma_start3A_883 = tpu.memref_slice %arg10[%dma_start3A_878] : memref<5x!tpu.dma_semaphore, #tpu.memory_space<semaphore_mem>> -> memref<1x!tpu.dma_semaphore, #tpu.memory_space<semaphore_mem>>
        %dma_start3A_884 = tpu.memref_squeeze %dma_start3A_883 : memref<1x!tpu.dma_semaphore, #tpu.memory_space<semaphore_mem>> -> memref<!tpu.dma_semaphore, #tpu.memory_space<semaphore_mem>>
        %dma_start3A_885 = arith.constant 0 : i32
        %dma_start3A_886 = tpu.memref_slice %arg6[%dma_start3A_877, %dma_start3A_885] : memref<5x80xi32, #tpu.memory_space<vmem>> -> memref<1x80xi32, #tpu.memory_space<vmem>>
        %dma_start3A_887 = tpu.memref_squeeze %dma_start3A_886 : memref<1x80xi32, #tpu.memory_space<vmem>> -> memref<80xi32, #tpu.memory_space<vmem>>
        %dma_start3A_888 = tpu.memref_slice %arg3[%add3A_876] : memref<640000xi32, #tpu.memory_space<hbm>> -> memref<80xi32, #tpu.memory_space<hbm>>
        tpu.enqueue_dma source(%dma_start3A_888 : memref<80xi32, #tpu.memory_space<hbm>>) target(%dma_start3A_887 : memref<80xi32, #tpu.memory_space<vmem>>) target_semaphore(%dma_start3A_884 : memref<!tpu.dma_semaphore, #tpu.memory_space<semaphore_mem>>)
      } else {
      }
      %add3A_750 = arith.constant 1 : i32
      %add3A_751 = arith.addi %add3A_734, %add3A_750 : i32
      %lt3A_752 = arith.constant 125 : i32
      %lt3A_753 = arith.cmpi slt, %add3A_751, %lt3A_752 : i32
      %convert_element_type3A_754 = arith.extui %lt3A_753 : i1 to i32
      %cond3A_755 = arith.constant 0 : i32
      %cond3A_756 = arith.cmpi ne, %convert_element_type3A_754, %cond3A_755 : i32
      scf.if %cond3A_756 {
        %dma_wait3A_855 = arith.constant 2 : i32
        %dma_wait3A_856 = arith.constant 2 : i32
        %dma_wait3A_857 = arith.constant 0 : i32
        %dma_wait3A_858 = tpu.memref_slice %arg5[%dma_wait3A_855, %dma_wait3A_857] : memref<5x80xi32, #tpu.memory_space<vmem>> -> memref<1x80xi32, #tpu.memory_space<vmem>>
        %dma_wait3A_859 = tpu.memref_squeeze %dma_wait3A_858 : memref<1x80xi32, #tpu.memory_space<vmem>> -> memref<80xi32, #tpu.memory_space<vmem>>
        %dma_wait3A_860 = arith.constant 0 : i32
        %dma_wait3A_861 = tpu.memref_slice %arg3[%dma_wait3A_860] : memref<640000xi32, #tpu.memory_space<hbm>> -> memref<80xi32, #tpu.memory_space<hbm>>
        %dma_wait3A_862 = tpu.memref_slice %arg10[%dma_wait3A_856] : memref<5x!tpu.dma_semaphore, #tpu.memory_space<semaphore_mem>> -> memref<1x!tpu.dma_semaphore, #tpu.memory_space<semaphore_mem>>
        %dma_wait3A_863 = tpu.memref_squeeze %dma_wait3A_862 : memref<1x!tpu.dma_semaphore, #tpu.memory_space<semaphore_mem>> -> memref<!tpu.dma_semaphore, #tpu.memory_space<semaphore_mem>>
        %dma_wait3A_864 = arith.constant 0 : i32
        %dma_wait3A_865 = tpu.memref_slice %arg5[%dma_wait3A_855, %dma_wait3A_864] : memref<5x80xi32, #tpu.memory_space<vmem>> -> memref<1x80xi32, #tpu.memory_space<vmem>>
        %dma_wait3A_866 = tpu.memref_squeeze %dma_wait3A_865 : memref<1x80xi32, #tpu.memory_space<vmem>> -> memref<80xi32, #tpu.memory_space<vmem>>
        %dma_wait3A_867 = arith.constant 0 : i32
        %dma_wait3A_868 = tpu.memref_slice %arg3[%dma_wait3A_867] : memref<640000xi32, #tpu.memory_space<hbm>> -> memref<80xi32, #tpu.memory_space<hbm>>
        tpu.wait_dma2 semaphore(%dma_wait3A_863 : memref<!tpu.dma_semaphore, #tpu.memory_space<semaphore_mem>>) src(%dma_wait3A_868 : memref<80xi32, #tpu.memory_space<hbm>>) dst(%dma_wait3A_866 : memref<80xi32, #tpu.memory_space<vmem>>)
        %dma_wait3A_869 = arith.constant 2 : i32
        %dma_wait3A_870 = arith.constant 2 : i32
        %dma_wait3A_871 = arith.constant 0 : i32
        %dma_wait3A_872 = tpu.memref_slice %arg6[%dma_wait3A_869, %dma_wait3A_871] : memref<5x80xi32, #tpu.memory_space<vmem>> -> memref<1x80xi32, #tpu.memory_space<vmem>>
        %dma_wait3A_873 = tpu.memref_squeeze %dma_wait3A_872 : memref<1x80xi32, #tpu.memory_space<vmem>> -> memref<80xi32, #tpu.memory_space<vmem>>
        %dma_wait3A_874 = arith.constant 0 : i32
        %dma_wait3A_875 = tpu.memref_slice %arg3[%dma_wait3A_874] : memref<640000xi32, #tpu.memory_space<hbm>> -> memref<80xi32, #tpu.memory_space<hbm>>
        %dma_wait3A_876 = tpu.memref_slice %arg10[%dma_wait3A_870] : memref<5x!tpu.dma_semaphore, #tpu.memory_space<semaphore_mem>> -> memref<1x!tpu.dma_semaphore, #tpu.memory_space<semaphore_mem>>
        %dma_wait3A_877 = tpu.memref_squeeze %dma_wait3A_876 : memref<1x!tpu.dma_semaphore, #tpu.memory_space<semaphore_mem>> -> memref<!tpu.dma_semaphore, #tpu.memory_space<semaphore_mem>>
        %dma_wait3A_878 = arith.constant 0 : i32
        %dma_wait3A_879 = tpu.memref_slice %arg6[%dma_wait3A_869, %dma_wait3A_878] : memref<5x80xi32, #tpu.memory_space<vmem>> -> memref<1x80xi32, #tpu.memory_space<vmem>>
        %dma_wait3A_880 = tpu.memref_squeeze %dma_wait3A_879 : memref<1x80xi32, #tpu.memory_space<vmem>> -> memref<80xi32, #tpu.memory_space<vmem>>
        %dma_wait3A_881 = arith.constant 0 : i32
        %dma_wait3A_882 = tpu.memref_slice %arg3[%dma_wait3A_881] : memref<640000xi32, #tpu.memory_space<hbm>> -> memref<80xi32, #tpu.memory_space<hbm>>
        tpu.wait_dma2 semaphore(%dma_wait3A_877 : memref<!tpu.dma_semaphore, #tpu.memory_space<semaphore_mem>>) src(%dma_wait3A_882 : memref<80xi32, #tpu.memory_space<hbm>>) dst(%dma_wait3A_880 : memref<80xi32, #tpu.memory_space<vmem>>)
        %dma_start3A_883 = arith.constant 2 : i32
        %dma_start3A_884 = arith.constant 0 : i32
        %dma_start3A_885 = arith.constant 0 : i32
        %dma_start3A_886 = arith.constant 0 : i32
        %dma_start3A_887 = arith.constant 0 : i32
        %dma_start3A_888 = tpu.memref_slice %arg7[%dma_start3A_884, %dma_start3A_886, %dma_start3A_887] : memref<3x80x128xf32, #tpu.memory_space<vmem>> -> memref<1x80x128xf32, #tpu.memory_space<vmem>>
        %dma_start3A_889 = tpu.memref_squeeze %dma_start3A_888 : memref<1x80x128xf32, #tpu.memory_space<vmem>> -> memref<80x128xf32, #tpu.memory_space<vmem>>
        %dma_start3A_890 = arith.constant 0 : i32
        %dma_start3A_891 = tpu.memref_slice %arg5[%dma_start3A_883, %dma_start3A_890] : memref<5x80xi32, #tpu.memory_space<vmem>> -> memref<1x80xi32, #tpu.memory_space<vmem>>
        %dma_start3A_892 = tpu.memref_squeeze %dma_start3A_891 : memref<1x80xi32, #tpu.memory_space<vmem>> -> memref<80xi32, #tpu.memory_space<vmem>>
        %dma_start3A_893 = arith.constant 0 : i32
        %dma_start3A_894 = arith.constant 0 : i32
        %dma_start3A_895 = tpu.memref_slice %arg2[%dma_start3A_893, %dma_start3A_894] : memref<10000x128xf32, #tpu.memory_space<hbm>> -> memref<10000x128xf32, #tpu.memory_space<hbm>>
        %dma_start3A_896 = tpu.memref_slice %arg11[%dma_start3A_885] : memref<3x!tpu.dma_semaphore, #tpu.memory_space<semaphore_mem>> -> memref<1x!tpu.dma_semaphore, #tpu.memory_space<semaphore_mem>>
        %dma_start3A_897 = tpu.memref_squeeze %dma_start3A_896 : memref<1x!tpu.dma_semaphore, #tpu.memory_space<semaphore_mem>> -> memref<!tpu.dma_semaphore, #tpu.memory_space<semaphore_mem>>
        tpu.enqueue_indirect_dma source(%dma_start3A_895 : memref<10000x128xf32, #tpu.memory_space<hbm>>) target(%dma_start3A_889 : memref<80x128xf32, #tpu.memory_space<vmem>>) offsets(%dma_start3A_892 : memref<80xi32, #tpu.memory_space<vmem>>) semaphore(%dma_start3A_897 : memref<!tpu.dma_semaphore, #tpu.memory_space<semaphore_mem>>)
      } else {
      }
      %lt3A_757 = arith.constant 125 : i32
      %lt3A_758 = arith.cmpi slt, %add3A_734, %lt3A_757 : i32
      %convert_element_type3A_759 = arith.extui %lt3A_758 : i1 to i32
      %cond3A_760 = arith.constant 0 : i32
      %cond3A_761 = arith.cmpi ne, %convert_element_type3A_759, %cond3A_760 : i32
      scf.if %cond3A_761 {
        %dma_wait3A_855 = arith.constant 2 : i32
        %dma_wait3A_856 = arith.constant 2 : i32
        %dma_wait3A_857 = arith.constant 0 : i32
        %dma_wait3A_858 = arith.constant 0 : i32
        %dma_wait3A_859 = tpu.memref_slice %arg7[%dma_wait3A_855, %dma_wait3A_857, %dma_wait3A_858] : memref<3x80x128xf32, #tpu.memory_space<vmem>> -> memref<1x80x128xf32, #tpu.memory_space<vmem>>
        %dma_wait3A_860 = tpu.memref_squeeze %dma_wait3A_859 : memref<1x80x128xf32, #tpu.memory_space<vmem>> -> memref<80x128xf32, #tpu.memory_space<vmem>>
        %dma_wait3A_861 = arith.constant 0 : i32
        %dma_wait3A_862 = arith.constant 0 : i32
        %dma_wait3A_863 = tpu.memref_slice %arg2[%dma_wait3A_861, %dma_wait3A_862] : memref<10000x128xf32, #tpu.memory_space<hbm>> -> memref<80x128xf32, #tpu.memory_space<hbm>>
        %dma_wait3A_864 = tpu.memref_slice %arg11[%dma_wait3A_856] : memref<3x!tpu.dma_semaphore, #tpu.memory_space<semaphore_mem>> -> memref<1x!tpu.dma_semaphore, #tpu.memory_space<semaphore_mem>>
        %dma_wait3A_865 = tpu.memref_squeeze %dma_wait3A_864 : memref<1x!tpu.dma_semaphore, #tpu.memory_space<semaphore_mem>> -> memref<!tpu.dma_semaphore, #tpu.memory_space<semaphore_mem>>
        %dma_wait3A_866 = arith.constant 0 : i32
        %dma_wait3A_867 = arith.constant 0 : i32
        %dma_wait3A_868 = tpu.memref_slice %arg7[%dma_wait3A_855, %dma_wait3A_866, %dma_wait3A_867] : memref<3x80x128xf32, #tpu.memory_space<vmem>> -> memref<1x80x128xf32, #tpu.memory_space<vmem>>
        %dma_wait3A_869 = tpu.memref_squeeze %dma_wait3A_868 : memref<1x80x128xf32, #tpu.memory_space<vmem>> -> memref<80x128xf32, #tpu.memory_space<vmem>>
        %dma_wait3A_870 = arith.constant 0 : i32
        %dma_wait3A_871 = arith.constant 0 : i32
        %dma_wait3A_872 = tpu.memref_slice %arg2[%dma_wait3A_870, %dma_wait3A_871] : memref<10000x128xf32, #tpu.memory_space<hbm>> -> memref<80x128xf32, #tpu.memory_space<hbm>>
        tpu.wait_dma2 semaphore(%dma_wait3A_865 : memref<!tpu.dma_semaphore, #tpu.memory_space<semaphore_mem>>) src(%dma_wait3A_872 : memref<80x128xf32, #tpu.memory_space<hbm>>) dst(%dma_wait3A_869 : memref<80x128xf32, #tpu.memory_space<vmem>>)
        %dma_start3A_873 = arith.constant 2 : i32
        %dma_start3A_874 = arith.constant 1 : i32
        %dma_start3A_875 = arith.constant 2 : i32
        %dma_start3A_876 = arith.constant 0 : i32
        %dma_start3A_877 = arith.constant 0 : i32
        %dma_start3A_878 = tpu.memref_slice %arg7[%dma_start3A_873, %dma_start3A_876, %dma_start3A_877] : memref<3x80x128xf32, #tpu.memory_space<vmem>> -> memref<1x80x128xf32, #tpu.memory_space<vmem>>
        %dma_start3A_879 = tpu.memref_squeeze %dma_start3A_878 : memref<1x80x128xf32, #tpu.memory_space<vmem>> -> memref<80x128xf32, #tpu.memory_space<vmem>>
        %dma_start3A_880 = arith.constant 0 : i32
        %dma_start3A_881 = tpu.memref_slice %arg6[%dma_start3A_874, %dma_start3A_880] : memref<5x80xi32, #tpu.memory_space<vmem>> -> memref<1x80xi32, #tpu.memory_space<vmem>>
        %dma_start3A_882 = tpu.memref_squeeze %dma_start3A_881 : memref<1x80xi32, #tpu.memory_space<vmem>> -> memref<80xi32, #tpu.memory_space<vmem>>
        %dma_start3A_883 = arith.constant 0 : i32
        %dma_start3A_884 = arith.constant 0 : i32
        %dma_start3A_885 = tpu.memref_slice %arg9[%dma_start3A_883, %dma_start3A_884] : memref<10000x128xf32, #tpu.memory_space<vmem_shared>> -> memref<10000x128xf32, #tpu.memory_space<vmem_shared>>
        %dma_start3A_886 = tpu.memref_slice %arg12[%dma_start3A_875] : memref<3x!tpu.dma_semaphore, #tpu.memory_space<semaphore_mem>> -> memref<1x!tpu.dma_semaphore, #tpu.memory_space<semaphore_mem>>
        %dma_start3A_887 = tpu.memref_squeeze %dma_start3A_886 : memref<1x!tpu.dma_semaphore, #tpu.memory_space<semaphore_mem>> -> memref<!tpu.dma_semaphore, #tpu.memory_space<semaphore_mem>>
        tpu.enqueue_indirect_dma source(%dma_start3A_879 : memref<80x128xf32, #tpu.memory_space<vmem>>) target(%dma_start3A_885 : memref<10000x128xf32, #tpu.memory_space<vmem_shared>>) offsets(%dma_start3A_882 : memref<80xi32, #tpu.memory_space<vmem>>) semaphore(%dma_start3A_887 : memref<!tpu.dma_semaphore, #tpu.memory_space<semaphore_mem>>) {add = true}
      } else {
      }
      %mul3A_762 = arith.constant 15 : i32
      %mul3A_763 = arith.muli %scan3A_392, %mul3A_762 : i32
      %add3A_764 = arith.constant 12 : i32
      %add3A_765 = arith.addi %mul3A_763, %add3A_764 : i32
      %ge3A_766 = arith.constant 2 : i32
      %ge3A_767 = arith.cmpi sge, %add3A_765, %ge3A_766 : i32
      %lt3A_768 = arith.constant 127 : i32
      %lt3A_769 = arith.cmpi slt, %add3A_765, %lt3A_768 : i32
      %and3A_770 = arith.andi %ge3A_767, %lt3A_769 : i1
      %convert_element_type3A_771 = arith.extui %and3A_770 : i1 to i32
      %cond3A_772 = arith.constant 0 : i32
      %cond3A_773 = arith.cmpi ne, %convert_element_type3A_771, %cond3A_772 : i32
      scf.if %cond3A_773 {
        %dma_wait3A_855 = arith.constant 1 : i32
        %dma_wait3A_856 = arith.constant 1 : i32
        %dma_wait3A_857 = arith.constant 0 : i32
        %dma_wait3A_858 = arith.constant 0 : i32
        %dma_wait3A_859 = tpu.memref_slice %arg7[%dma_wait3A_855, %dma_wait3A_857, %dma_wait3A_858] : memref<3x80x128xf32, #tpu.memory_space<vmem>> -> memref<1x80x128xf32, #tpu.memory_space<vmem>>
        %dma_wait3A_860 = tpu.memref_squeeze %dma_wait3A_859 : memref<1x80x128xf32, #tpu.memory_space<vmem>> -> memref<80x128xf32, #tpu.memory_space<vmem>>
        %dma_wait3A_861 = arith.constant 0 : i32
        %dma_wait3A_862 = arith.constant 0 : i32
        %dma_wait3A_863 = tpu.memref_slice %arg2[%dma_wait3A_861, %dma_wait3A_862] : memref<10000x128xf32, #tpu.memory_space<hbm>> -> memref<80x128xf32, #tpu.memory_space<hbm>>
        %dma_wait3A_864 = tpu.memref_slice %arg12[%dma_wait3A_856] : memref<3x!tpu.dma_semaphore, #tpu.memory_space<semaphore_mem>> -> memref<1x!tpu.dma_semaphore, #tpu.memory_space<semaphore_mem>>
        %dma_wait3A_865 = tpu.memref_squeeze %dma_wait3A_864 : memref<1x!tpu.dma_semaphore, #tpu.memory_space<semaphore_mem>> -> memref<!tpu.dma_semaphore, #tpu.memory_space<semaphore_mem>>
        %dma_wait3A_866 = arith.constant 0 : i32
        %dma_wait3A_867 = arith.constant 0 : i32
        %dma_wait3A_868 = tpu.memref_slice %arg7[%dma_wait3A_855, %dma_wait3A_866, %dma_wait3A_867] : memref<3x80x128xf32, #tpu.memory_space<vmem>> -> memref<1x80x128xf32, #tpu.memory_space<vmem>>
        %dma_wait3A_869 = tpu.memref_squeeze %dma_wait3A_868 : memref<1x80x128xf32, #tpu.memory_space<vmem>> -> memref<80x128xf32, #tpu.memory_space<vmem>>
        %dma_wait3A_870 = arith.constant 0 : i32
        %dma_wait3A_871 = arith.constant 0 : i32
        %dma_wait3A_872 = tpu.memref_slice %arg2[%dma_wait3A_870, %dma_wait3A_871] : memref<10000x128xf32, #tpu.memory_space<hbm>> -> memref<80x128xf32, #tpu.memory_space<hbm>>
        tpu.wait_dma2 semaphore(%dma_wait3A_865 : memref<!tpu.dma_semaphore, #tpu.memory_space<semaphore_mem>>) src(%dma_wait3A_872 : memref<80x128xf32, #tpu.memory_space<hbm>>) dst(%dma_wait3A_869 : memref<80x128xf32, #tpu.memory_space<vmem>>)
      } else {
      }
      %add3A_774 = arith.constant 3 : i32
      %add3A_775 = arith.addi %add3A_765, %add3A_774 : i32
      %lt3A_776 = arith.constant 125 : i32
      %lt3A_777 = arith.cmpi slt, %add3A_775, %lt3A_776 : i32
      %convert_element_type3A_778 = arith.extui %lt3A_777 : i1 to i32
      %cond3A_779 = arith.constant 0 : i32
      %cond3A_780 = arith.cmpi ne, %convert_element_type3A_778, %cond3A_779 : i32
      scf.if %cond3A_780 {
        %add3A_855 = arith.constant 3 : i32
        %add3A_856 = arith.addi %add3A_765, %add3A_855 : i32
        %mul3A_857 = arith.constant 80 : i32
        %mul3A_858 = arith.muli %add3A_856, %mul3A_857 : i32
        %add3A_859 = arith.addi %mul3A_2, %mul3A_858 : i32
        %dma_start3A_860 = arith.constant 0 : i32
        %dma_start3A_861 = arith.constant 0 : i32
        %dma_start3A_862 = arith.constant 0 : i32
        %dma_start3A_863 = tpu.memref_slice %arg5[%dma_start3A_860, %dma_start3A_862] : memref<5x80xi32, #tpu.memory_space<vmem>> -> memref<1x80xi32, #tpu.memory_space<vmem>>
        %dma_start3A_864 = tpu.memref_squeeze %dma_start3A_863 : memref<1x80xi32, #tpu.memory_space<vmem>> -> memref<80xi32, #tpu.memory_space<vmem>>
        %dma_start3A_865 = tpu.memref_slice %arg3[%add3A_859] : memref<640000xi32, #tpu.memory_space<hbm>> -> memref<80xi32, #tpu.memory_space<hbm>>
        %dma_start3A_866 = tpu.memref_slice %arg10[%dma_start3A_861] : memref<5x!tpu.dma_semaphore, #tpu.memory_space<semaphore_mem>> -> memref<1x!tpu.dma_semaphore, #tpu.memory_space<semaphore_mem>>
        %dma_start3A_867 = tpu.memref_squeeze %dma_start3A_866 : memref<1x!tpu.dma_semaphore, #tpu.memory_space<semaphore_mem>> -> memref<!tpu.dma_semaphore, #tpu.memory_space<semaphore_mem>>
        %dma_start3A_868 = arith.constant 0 : i32
        %dma_start3A_869 = tpu.memref_slice %arg5[%dma_start3A_860, %dma_start3A_868] : memref<5x80xi32, #tpu.memory_space<vmem>> -> memref<1x80xi32, #tpu.memory_space<vmem>>
        %dma_start3A_870 = tpu.memref_squeeze %dma_start3A_869 : memref<1x80xi32, #tpu.memory_space<vmem>> -> memref<80xi32, #tpu.memory_space<vmem>>
        %dma_start3A_871 = tpu.memref_slice %arg3[%add3A_859] : memref<640000xi32, #tpu.memory_space<hbm>> -> memref<80xi32, #tpu.memory_space<hbm>>
        tpu.enqueue_dma source(%dma_start3A_871 : memref<80xi32, #tpu.memory_space<hbm>>) target(%dma_start3A_870 : memref<80xi32, #tpu.memory_space<vmem>>) target_semaphore(%dma_start3A_867 : memref<!tpu.dma_semaphore, #tpu.memory_space<semaphore_mem>>)
        %add3A_872 = arith.constant 320000 : i32
        %add3A_873 = arith.addi %add3A_872, %mul3A_2 : i32
        %mul3A_874 = arith.constant 80 : i32
        %mul3A_875 = arith.muli %add3A_856, %mul3A_874 : i32
        %add3A_876 = arith.addi %add3A_873, %mul3A_875 : i32
        %dma_start3A_877 = arith.constant 0 : i32
        %dma_start3A_878 = arith.constant 0 : i32
        %dma_start3A_879 = arith.constant 0 : i32
        %dma_start3A_880 = tpu.memref_slice %arg6[%dma_start3A_877, %dma_start3A_879] : memref<5x80xi32, #tpu.memory_space<vmem>> -> memref<1x80xi32, #tpu.memory_space<vmem>>
        %dma_start3A_881 = tpu.memref_squeeze %dma_start3A_880 : memref<1x80xi32, #tpu.memory_space<vmem>> -> memref<80xi32, #tpu.memory_space<vmem>>
        %dma_start3A_882 = tpu.memref_slice %arg3[%add3A_876] : memref<640000xi32, #tpu.memory_space<hbm>> -> memref<80xi32, #tpu.memory_space<hbm>>
        %dma_start3A_883 = tpu.memref_slice %arg10[%dma_start3A_878] : memref<5x!tpu.dma_semaphore, #tpu.memory_space<semaphore_mem>> -> memref<1x!tpu.dma_semaphore, #tpu.memory_space<semaphore_mem>>
        %dma_start3A_884 = tpu.memref_squeeze %dma_start3A_883 : memref<1x!tpu.dma_semaphore, #tpu.memory_space<semaphore_mem>> -> memref<!tpu.dma_semaphore, #tpu.memory_space<semaphore_mem>>
        %dma_start3A_885 = arith.constant 0 : i32
        %dma_start3A_886 = tpu.memref_slice %arg6[%dma_start3A_877, %dma_start3A_885] : memref<5x80xi32, #tpu.memory_space<vmem>> -> memref<1x80xi32, #tpu.memory_space<vmem>>
        %dma_start3A_887 = tpu.memref_squeeze %dma_start3A_886 : memref<1x80xi32, #tpu.memory_space<vmem>> -> memref<80xi32, #tpu.memory_space<vmem>>
        %dma_start3A_888 = tpu.memref_slice %arg3[%add3A_876] : memref<640000xi32, #tpu.memory_space<hbm>> -> memref<80xi32, #tpu.memory_space<hbm>>
        tpu.enqueue_dma source(%dma_start3A_888 : memref<80xi32, #tpu.memory_space<hbm>>) target(%dma_start3A_887 : memref<80xi32, #tpu.memory_space<vmem>>) target_semaphore(%dma_start3A_884 : memref<!tpu.dma_semaphore, #tpu.memory_space<semaphore_mem>>)
      } else {
      }
      %add3A_781 = arith.constant 1 : i32
      %add3A_782 = arith.addi %add3A_765, %add3A_781 : i32
      %lt3A_783 = arith.constant 125 : i32
      %lt3A_784 = arith.cmpi slt, %add3A_782, %lt3A_783 : i32
      %convert_element_type3A_785 = arith.extui %lt3A_784 : i1 to i32
      %cond3A_786 = arith.constant 0 : i32
      %cond3A_787 = arith.cmpi ne, %convert_element_type3A_785, %cond3A_786 : i32
      scf.if %cond3A_787 {
        %dma_wait3A_855 = arith.constant 3 : i32
        %dma_wait3A_856 = arith.constant 3 : i32
        %dma_wait3A_857 = arith.constant 0 : i32
        %dma_wait3A_858 = tpu.memref_slice %arg5[%dma_wait3A_855, %dma_wait3A_857] : memref<5x80xi32, #tpu.memory_space<vmem>> -> memref<1x80xi32, #tpu.memory_space<vmem>>
        %dma_wait3A_859 = tpu.memref_squeeze %dma_wait3A_858 : memref<1x80xi32, #tpu.memory_space<vmem>> -> memref<80xi32, #tpu.memory_space<vmem>>
        %dma_wait3A_860 = arith.constant 0 : i32
        %dma_wait3A_861 = tpu.memref_slice %arg3[%dma_wait3A_860] : memref<640000xi32, #tpu.memory_space<hbm>> -> memref<80xi32, #tpu.memory_space<hbm>>
        %dma_wait3A_862 = tpu.memref_slice %arg10[%dma_wait3A_856] : memref<5x!tpu.dma_semaphore, #tpu.memory_space<semaphore_mem>> -> memref<1x!tpu.dma_semaphore, #tpu.memory_space<semaphore_mem>>
        %dma_wait3A_863 = tpu.memref_squeeze %dma_wait3A_862 : memref<1x!tpu.dma_semaphore, #tpu.memory_space<semaphore_mem>> -> memref<!tpu.dma_semaphore, #tpu.memory_space<semaphore_mem>>
        %dma_wait3A_864 = arith.constant 0 : i32
        %dma_wait3A_865 = tpu.memref_slice %arg5[%dma_wait3A_855, %dma_wait3A_864] : memref<5x80xi32, #tpu.memory_space<vmem>> -> memref<1x80xi32, #tpu.memory_space<vmem>>
        %dma_wait3A_866 = tpu.memref_squeeze %dma_wait3A_865 : memref<1x80xi32, #tpu.memory_space<vmem>> -> memref<80xi32, #tpu.memory_space<vmem>>
        %dma_wait3A_867 = arith.constant 0 : i32
        %dma_wait3A_868 = tpu.memref_slice %arg3[%dma_wait3A_867] : memref<640000xi32, #tpu.memory_space<hbm>> -> memref<80xi32, #tpu.memory_space<hbm>>
        tpu.wait_dma2 semaphore(%dma_wait3A_863 : memref<!tpu.dma_semaphore, #tpu.memory_space<semaphore_mem>>) src(%dma_wait3A_868 : memref<80xi32, #tpu.memory_space<hbm>>) dst(%dma_wait3A_866 : memref<80xi32, #tpu.memory_space<vmem>>)
        %dma_wait3A_869 = arith.constant 3 : i32
        %dma_wait3A_870 = arith.constant 3 : i32
        %dma_wait3A_871 = arith.constant 0 : i32
        %dma_wait3A_872 = tpu.memref_slice %arg6[%dma_wait3A_869, %dma_wait3A_871] : memref<5x80xi32, #tpu.memory_space<vmem>> -> memref<1x80xi32, #tpu.memory_space<vmem>>
        %dma_wait3A_873 = tpu.memref_squeeze %dma_wait3A_872 : memref<1x80xi32, #tpu.memory_space<vmem>> -> memref<80xi32, #tpu.memory_space<vmem>>
        %dma_wait3A_874 = arith.constant 0 : i32
        %dma_wait3A_875 = tpu.memref_slice %arg3[%dma_wait3A_874] : memref<640000xi32, #tpu.memory_space<hbm>> -> memref<80xi32, #tpu.memory_space<hbm>>
        %dma_wait3A_876 = tpu.memref_slice %arg10[%dma_wait3A_870] : memref<5x!tpu.dma_semaphore, #tpu.memory_space<semaphore_mem>> -> memref<1x!tpu.dma_semaphore, #tpu.memory_space<semaphore_mem>>
        %dma_wait3A_877 = tpu.memref_squeeze %dma_wait3A_876 : memref<1x!tpu.dma_semaphore, #tpu.memory_space<semaphore_mem>> -> memref<!tpu.dma_semaphore, #tpu.memory_space<semaphore_mem>>
        %dma_wait3A_878 = arith.constant 0 : i32
        %dma_wait3A_879 = tpu.memref_slice %arg6[%dma_wait3A_869, %dma_wait3A_878] : memref<5x80xi32, #tpu.memory_space<vmem>> -> memref<1x80xi32, #tpu.memory_space<vmem>>
        %dma_wait3A_880 = tpu.memref_squeeze %dma_wait3A_879 : memref<1x80xi32, #tpu.memory_space<vmem>> -> memref<80xi32, #tpu.memory_space<vmem>>
        %dma_wait3A_881 = arith.constant 0 : i32
        %dma_wait3A_882 = tpu.memref_slice %arg3[%dma_wait3A_881] : memref<640000xi32, #tpu.memory_space<hbm>> -> memref<80xi32, #tpu.memory_space<hbm>>
        tpu.wait_dma2 semaphore(%dma_wait3A_877 : memref<!tpu.dma_semaphore, #tpu.memory_space<semaphore_mem>>) src(%dma_wait3A_882 : memref<80xi32, #tpu.memory_space<hbm>>) dst(%dma_wait3A_880 : memref<80xi32, #tpu.memory_space<vmem>>)
        %dma_start3A_883 = arith.constant 3 : i32
        %dma_start3A_884 = arith.constant 1 : i32
        %dma_start3A_885 = arith.constant 1 : i32
        %dma_start3A_886 = arith.constant 0 : i32
        %dma_start3A_887 = arith.constant 0 : i32
        %dma_start3A_888 = tpu.memref_slice %arg7[%dma_start3A_884, %dma_start3A_886, %dma_start3A_887] : memref<3x80x128xf32, #tpu.memory_space<vmem>> -> memref<1x80x128xf32, #tpu.memory_space<vmem>>
        %dma_start3A_889 = tpu.memref_squeeze %dma_start3A_888 : memref<1x80x128xf32, #tpu.memory_space<vmem>> -> memref<80x128xf32, #tpu.memory_space<vmem>>
        %dma_start3A_890 = arith.constant 0 : i32
        %dma_start3A_891 = tpu.memref_slice %arg5[%dma_start3A_883, %dma_start3A_890] : memref<5x80xi32, #tpu.memory_space<vmem>> -> memref<1x80xi32, #tpu.memory_space<vmem>>
        %dma_start3A_892 = tpu.memref_squeeze %dma_start3A_891 : memref<1x80xi32, #tpu.memory_space<vmem>> -> memref<80xi32, #tpu.memory_space<vmem>>
        %dma_start3A_893 = arith.constant 0 : i32
        %dma_start3A_894 = arith.constant 0 : i32
        %dma_start3A_895 = tpu.memref_slice %arg2[%dma_start3A_893, %dma_start3A_894] : memref<10000x128xf32, #tpu.memory_space<hbm>> -> memref<10000x128xf32, #tpu.memory_space<hbm>>
        %dma_start3A_896 = tpu.memref_slice %arg11[%dma_start3A_885] : memref<3x!tpu.dma_semaphore, #tpu.memory_space<semaphore_mem>> -> memref<1x!tpu.dma_semaphore, #tpu.memory_space<semaphore_mem>>
        %dma_start3A_897 = tpu.memref_squeeze %dma_start3A_896 : memref<1x!tpu.dma_semaphore, #tpu.memory_space<semaphore_mem>> -> memref<!tpu.dma_semaphore, #tpu.memory_space<semaphore_mem>>
        tpu.enqueue_indirect_dma source(%dma_start3A_895 : memref<10000x128xf32, #tpu.memory_space<hbm>>) target(%dma_start3A_889 : memref<80x128xf32, #tpu.memory_space<vmem>>) offsets(%dma_start3A_892 : memref<80xi32, #tpu.memory_space<vmem>>) semaphore(%dma_start3A_897 : memref<!tpu.dma_semaphore, #tpu.memory_space<semaphore_mem>>)
      } else {
      }
      %lt3A_788 = arith.constant 125 : i32
      %lt3A_789 = arith.cmpi slt, %add3A_765, %lt3A_788 : i32
      %convert_element_type3A_790 = arith.extui %lt3A_789 : i1 to i32
      %cond3A_791 = arith.constant 0 : i32
      %cond3A_792 = arith.cmpi ne, %convert_element_type3A_790, %cond3A_791 : i32
      scf.if %cond3A_792 {
        %dma_wait3A_855 = arith.constant 0 : i32
        %dma_wait3A_856 = arith.constant 0 : i32
        %dma_wait3A_857 = arith.constant 0 : i32
        %dma_wait3A_858 = arith.constant 0 : i32
        %dma_wait3A_859 = tpu.memref_slice %arg7[%dma_wait3A_855, %dma_wait3A_857, %dma_wait3A_858] : memref<3x80x128xf32, #tpu.memory_space<vmem>> -> memref<1x80x128xf32, #tpu.memory_space<vmem>>
        %dma_wait3A_860 = tpu.memref_squeeze %dma_wait3A_859 : memref<1x80x128xf32, #tpu.memory_space<vmem>> -> memref<80x128xf32, #tpu.memory_space<vmem>>
        %dma_wait3A_861 = arith.constant 0 : i32
        %dma_wait3A_862 = arith.constant 0 : i32
        %dma_wait3A_863 = tpu.memref_slice %arg2[%dma_wait3A_861, %dma_wait3A_862] : memref<10000x128xf32, #tpu.memory_space<hbm>> -> memref<80x128xf32, #tpu.memory_space<hbm>>
        %dma_wait3A_864 = tpu.memref_slice %arg11[%dma_wait3A_856] : memref<3x!tpu.dma_semaphore, #tpu.memory_space<semaphore_mem>> -> memref<1x!tpu.dma_semaphore, #tpu.memory_space<semaphore_mem>>
        %dma_wait3A_865 = tpu.memref_squeeze %dma_wait3A_864 : memref<1x!tpu.dma_semaphore, #tpu.memory_space<semaphore_mem>> -> memref<!tpu.dma_semaphore, #tpu.memory_space<semaphore_mem>>
        %dma_wait3A_866 = arith.constant 0 : i32
        %dma_wait3A_867 = arith.constant 0 : i32
        %dma_wait3A_868 = tpu.memref_slice %arg7[%dma_wait3A_855, %dma_wait3A_866, %dma_wait3A_867] : memref<3x80x128xf32, #tpu.memory_space<vmem>> -> memref<1x80x128xf32, #tpu.memory_space<vmem>>
        %dma_wait3A_869 = tpu.memref_squeeze %dma_wait3A_868 : memref<1x80x128xf32, #tpu.memory_space<vmem>> -> memref<80x128xf32, #tpu.memory_space<vmem>>
        %dma_wait3A_870 = arith.constant 0 : i32
        %dma_wait3A_871 = arith.constant 0 : i32
        %dma_wait3A_872 = tpu.memref_slice %arg2[%dma_wait3A_870, %dma_wait3A_871] : memref<10000x128xf32, #tpu.memory_space<hbm>> -> memref<80x128xf32, #tpu.memory_space<hbm>>
        tpu.wait_dma2 semaphore(%dma_wait3A_865 : memref<!tpu.dma_semaphore, #tpu.memory_space<semaphore_mem>>) src(%dma_wait3A_872 : memref<80x128xf32, #tpu.memory_space<hbm>>) dst(%dma_wait3A_869 : memref<80x128xf32, #tpu.memory_space<vmem>>)
        %dma_start3A_873 = arith.constant 0 : i32
        %dma_start3A_874 = arith.constant 2 : i32
        %dma_start3A_875 = arith.constant 0 : i32
        %dma_start3A_876 = arith.constant 0 : i32
        %dma_start3A_877 = arith.constant 0 : i32
        %dma_start3A_878 = tpu.memref_slice %arg7[%dma_start3A_873, %dma_start3A_876, %dma_start3A_877] : memref<3x80x128xf32, #tpu.memory_space<vmem>> -> memref<1x80x128xf32, #tpu.memory_space<vmem>>
        %dma_start3A_879 = tpu.memref_squeeze %dma_start3A_878 : memref<1x80x128xf32, #tpu.memory_space<vmem>> -> memref<80x128xf32, #tpu.memory_space<vmem>>
        %dma_start3A_880 = arith.constant 0 : i32
        %dma_start3A_881 = tpu.memref_slice %arg6[%dma_start3A_874, %dma_start3A_880] : memref<5x80xi32, #tpu.memory_space<vmem>> -> memref<1x80xi32, #tpu.memory_space<vmem>>
        %dma_start3A_882 = tpu.memref_squeeze %dma_start3A_881 : memref<1x80xi32, #tpu.memory_space<vmem>> -> memref<80xi32, #tpu.memory_space<vmem>>
        %dma_start3A_883 = arith.constant 0 : i32
        %dma_start3A_884 = arith.constant 0 : i32
        %dma_start3A_885 = tpu.memref_slice %arg9[%dma_start3A_883, %dma_start3A_884] : memref<10000x128xf32, #tpu.memory_space<vmem_shared>> -> memref<10000x128xf32, #tpu.memory_space<vmem_shared>>
        %dma_start3A_886 = tpu.memref_slice %arg12[%dma_start3A_875] : memref<3x!tpu.dma_semaphore, #tpu.memory_space<semaphore_mem>> -> memref<1x!tpu.dma_semaphore, #tpu.memory_space<semaphore_mem>>
        %dma_start3A_887 = tpu.memref_squeeze %dma_start3A_886 : memref<1x!tpu.dma_semaphore, #tpu.memory_space<semaphore_mem>> -> memref<!tpu.dma_semaphore, #tpu.memory_space<semaphore_mem>>
        tpu.enqueue_indirect_dma source(%dma_start3A_879 : memref<80x128xf32, #tpu.memory_space<vmem>>) target(%dma_start3A_885 : memref<10000x128xf32, #tpu.memory_space<vmem_shared>>) offsets(%dma_start3A_882 : memref<80xi32, #tpu.memory_space<vmem>>) semaphore(%dma_start3A_887 : memref<!tpu.dma_semaphore, #tpu.memory_space<semaphore_mem>>) {add = true}
      } else {
      }
      %mul3A_793 = arith.constant 15 : i32
      %mul3A_794 = arith.muli %scan3A_392, %mul3A_793 : i32
      %add3A_795 = arith.constant 13 : i32
      %add3A_796 = arith.addi %mul3A_794, %add3A_795 : i32
      %ge3A_797 = arith.constant 2 : i32
      %ge3A_798 = arith.cmpi sge, %add3A_796, %ge3A_797 : i32
      %lt3A_799 = arith.constant 127 : i32
      %lt3A_800 = arith.cmpi slt, %add3A_796, %lt3A_799 : i32
      %and3A_801 = arith.andi %ge3A_798, %lt3A_800 : i1
      %convert_element_type3A_802 = arith.extui %and3A_801 : i1 to i32
      %cond3A_803 = arith.constant 0 : i32
      %cond3A_804 = arith.cmpi ne, %convert_element_type3A_802, %cond3A_803 : i32
      scf.if %cond3A_804 {
        %dma_wait3A_855 = arith.constant 2 : i32
        %dma_wait3A_856 = arith.constant 2 : i32
        %dma_wait3A_857 = arith.constant 0 : i32
        %dma_wait3A_858 = arith.constant 0 : i32
        %dma_wait3A_859 = tpu.memref_slice %arg7[%dma_wait3A_855, %dma_wait3A_857, %dma_wait3A_858] : memref<3x80x128xf32, #tpu.memory_space<vmem>> -> memref<1x80x128xf32, #tpu.memory_space<vmem>>
        %dma_wait3A_860 = tpu.memref_squeeze %dma_wait3A_859 : memref<1x80x128xf32, #tpu.memory_space<vmem>> -> memref<80x128xf32, #tpu.memory_space<vmem>>
        %dma_wait3A_861 = arith.constant 0 : i32
        %dma_wait3A_862 = arith.constant 0 : i32
        %dma_wait3A_863 = tpu.memref_slice %arg2[%dma_wait3A_861, %dma_wait3A_862] : memref<10000x128xf32, #tpu.memory_space<hbm>> -> memref<80x128xf32, #tpu.memory_space<hbm>>
        %dma_wait3A_864 = tpu.memref_slice %arg12[%dma_wait3A_856] : memref<3x!tpu.dma_semaphore, #tpu.memory_space<semaphore_mem>> -> memref<1x!tpu.dma_semaphore, #tpu.memory_space<semaphore_mem>>
        %dma_wait3A_865 = tpu.memref_squeeze %dma_wait3A_864 : memref<1x!tpu.dma_semaphore, #tpu.memory_space<semaphore_mem>> -> memref<!tpu.dma_semaphore, #tpu.memory_space<semaphore_mem>>
        %dma_wait3A_866 = arith.constant 0 : i32
        %dma_wait3A_867 = arith.constant 0 : i32
        %dma_wait3A_868 = tpu.memref_slice %arg7[%dma_wait3A_855, %dma_wait3A_866, %dma_wait3A_867] : memref<3x80x128xf32, #tpu.memory_space<vmem>> -> memref<1x80x128xf32, #tpu.memory_space<vmem>>
        %dma_wait3A_869 = tpu.memref_squeeze %dma_wait3A_868 : memref<1x80x128xf32, #tpu.memory_space<vmem>> -> memref<80x128xf32, #tpu.memory_space<vmem>>
        %dma_wait3A_870 = arith.constant 0 : i32
        %dma_wait3A_871 = arith.constant 0 : i32
        %dma_wait3A_872 = tpu.memref_slice %arg2[%dma_wait3A_870, %dma_wait3A_871] : memref<10000x128xf32, #tpu.memory_space<hbm>> -> memref<80x128xf32, #tpu.memory_space<hbm>>
        tpu.wait_dma2 semaphore(%dma_wait3A_865 : memref<!tpu.dma_semaphore, #tpu.memory_space<semaphore_mem>>) src(%dma_wait3A_872 : memref<80x128xf32, #tpu.memory_space<hbm>>) dst(%dma_wait3A_869 : memref<80x128xf32, #tpu.memory_space<vmem>>)
      } else {
      }
      %add3A_805 = arith.constant 3 : i32
      %add3A_806 = arith.addi %add3A_796, %add3A_805 : i32
      %lt3A_807 = arith.constant 125 : i32
      %lt3A_808 = arith.cmpi slt, %add3A_806, %lt3A_807 : i32
      %convert_element_type3A_809 = arith.extui %lt3A_808 : i1 to i32
      %cond3A_810 = arith.constant 0 : i32
      %cond3A_811 = arith.cmpi ne, %convert_element_type3A_809, %cond3A_810 : i32
      scf.if %cond3A_811 {
        %add3A_855 = arith.constant 3 : i32
        %add3A_856 = arith.addi %add3A_796, %add3A_855 : i32
        %mul3A_857 = arith.constant 80 : i32
        %mul3A_858 = arith.muli %add3A_856, %mul3A_857 : i32
        %add3A_859 = arith.addi %mul3A_2, %mul3A_858 : i32
        %dma_start3A_860 = arith.constant 1 : i32
        %dma_start3A_861 = arith.constant 1 : i32
        %dma_start3A_862 = arith.constant 0 : i32
        %dma_start3A_863 = tpu.memref_slice %arg5[%dma_start3A_860, %dma_start3A_862] : memref<5x80xi32, #tpu.memory_space<vmem>> -> memref<1x80xi32, #tpu.memory_space<vmem>>
        %dma_start3A_864 = tpu.memref_squeeze %dma_start3A_863 : memref<1x80xi32, #tpu.memory_space<vmem>> -> memref<80xi32, #tpu.memory_space<vmem>>
        %dma_start3A_865 = tpu.memref_slice %arg3[%add3A_859] : memref<640000xi32, #tpu.memory_space<hbm>> -> memref<80xi32, #tpu.memory_space<hbm>>
        %dma_start3A_866 = tpu.memref_slice %arg10[%dma_start3A_861] : memref<5x!tpu.dma_semaphore, #tpu.memory_space<semaphore_mem>> -> memref<1x!tpu.dma_semaphore, #tpu.memory_space<semaphore_mem>>
        %dma_start3A_867 = tpu.memref_squeeze %dma_start3A_866 : memref<1x!tpu.dma_semaphore, #tpu.memory_space<semaphore_mem>> -> memref<!tpu.dma_semaphore, #tpu.memory_space<semaphore_mem>>
        %dma_start3A_868 = arith.constant 0 : i32
        %dma_start3A_869 = tpu.memref_slice %arg5[%dma_start3A_860, %dma_start3A_868] : memref<5x80xi32, #tpu.memory_space<vmem>> -> memref<1x80xi32, #tpu.memory_space<vmem>>
        %dma_start3A_870 = tpu.memref_squeeze %dma_start3A_869 : memref<1x80xi32, #tpu.memory_space<vmem>> -> memref<80xi32, #tpu.memory_space<vmem>>
        %dma_start3A_871 = tpu.memref_slice %arg3[%add3A_859] : memref<640000xi32, #tpu.memory_space<hbm>> -> memref<80xi32, #tpu.memory_space<hbm>>
        tpu.enqueue_dma source(%dma_start3A_871 : memref<80xi32, #tpu.memory_space<hbm>>) target(%dma_start3A_870 : memref<80xi32, #tpu.memory_space<vmem>>) target_semaphore(%dma_start3A_867 : memref<!tpu.dma_semaphore, #tpu.memory_space<semaphore_mem>>)
        %add3A_872 = arith.constant 320000 : i32
        %add3A_873 = arith.addi %add3A_872, %mul3A_2 : i32
        %mul3A_874 = arith.constant 80 : i32
        %mul3A_875 = arith.muli %add3A_856, %mul3A_874 : i32
        %add3A_876 = arith.addi %add3A_873, %mul3A_875 : i32
        %dma_start3A_877 = arith.constant 1 : i32
        %dma_start3A_878 = arith.constant 1 : i32
        %dma_start3A_879 = arith.constant 0 : i32
        %dma_start3A_880 = tpu.memref_slice %arg6[%dma_start3A_877, %dma_start3A_879] : memref<5x80xi32, #tpu.memory_space<vmem>> -> memref<1x80xi32, #tpu.memory_space<vmem>>
        %dma_start3A_881 = tpu.memref_squeeze %dma_start3A_880 : memref<1x80xi32, #tpu.memory_space<vmem>> -> memref<80xi32, #tpu.memory_space<vmem>>
        %dma_start3A_882 = tpu.memref_slice %arg3[%add3A_876] : memref<640000xi32, #tpu.memory_space<hbm>> -> memref<80xi32, #tpu.memory_space<hbm>>
        %dma_start3A_883 = tpu.memref_slice %arg10[%dma_start3A_878] : memref<5x!tpu.dma_semaphore, #tpu.memory_space<semaphore_mem>> -> memref<1x!tpu.dma_semaphore, #tpu.memory_space<semaphore_mem>>
        %dma_start3A_884 = tpu.memref_squeeze %dma_start3A_883 : memref<1x!tpu.dma_semaphore, #tpu.memory_space<semaphore_mem>> -> memref<!tpu.dma_semaphore, #tpu.memory_space<semaphore_mem>>
        %dma_start3A_885 = arith.constant 0 : i32
        %dma_start3A_886 = tpu.memref_slice %arg6[%dma_start3A_877, %dma_start3A_885] : memref<5x80xi32, #tpu.memory_space<vmem>> -> memref<1x80xi32, #tpu.memory_space<vmem>>
        %dma_start3A_887 = tpu.memref_squeeze %dma_start3A_886 : memref<1x80xi32, #tpu.memory_space<vmem>> -> memref<80xi32, #tpu.memory_space<vmem>>
        %dma_start3A_888 = tpu.memref_slice %arg3[%add3A_876] : memref<640000xi32, #tpu.memory_space<hbm>> -> memref<80xi32, #tpu.memory_space<hbm>>
        tpu.enqueue_dma source(%dma_start3A_888 : memref<80xi32, #tpu.memory_space<hbm>>) target(%dma_start3A_887 : memref<80xi32, #tpu.memory_space<vmem>>) target_semaphore(%dma_start3A_884 : memref<!tpu.dma_semaphore, #tpu.memory_space<semaphore_mem>>)
      } else {
      }
      %add3A_812 = arith.constant 1 : i32
      %add3A_813 = arith.addi %add3A_796, %add3A_812 : i32
      %lt3A_814 = arith.constant 125 : i32
      %lt3A_815 = arith.cmpi slt, %add3A_813, %lt3A_814 : i32
      %convert_element_type3A_816 = arith.extui %lt3A_815 : i1 to i32
      %cond3A_817 = arith.constant 0 : i32
      %cond3A_818 = arith.cmpi ne, %convert_element_type3A_816, %cond3A_817 : i32
      scf.if %cond3A_818 {
        %dma_wait3A_855 = arith.constant 4 : i32
        %dma_wait3A_856 = arith.constant 4 : i32
        %dma_wait3A_857 = arith.constant 0 : i32
        %dma_wait3A_858 = tpu.memref_slice %arg5[%dma_wait3A_855, %dma_wait3A_857] : memref<5x80xi32, #tpu.memory_space<vmem>> -> memref<1x80xi32, #tpu.memory_space<vmem>>
        %dma_wait3A_859 = tpu.memref_squeeze %dma_wait3A_858 : memref<1x80xi32, #tpu.memory_space<vmem>> -> memref<80xi32, #tpu.memory_space<vmem>>
        %dma_wait3A_860 = arith.constant 0 : i32
        %dma_wait3A_861 = tpu.memref_slice %arg3[%dma_wait3A_860] : memref<640000xi32, #tpu.memory_space<hbm>> -> memref<80xi32, #tpu.memory_space<hbm>>
        %dma_wait3A_862 = tpu.memref_slice %arg10[%dma_wait3A_856] : memref<5x!tpu.dma_semaphore, #tpu.memory_space<semaphore_mem>> -> memref<1x!tpu.dma_semaphore, #tpu.memory_space<semaphore_mem>>
        %dma_wait3A_863 = tpu.memref_squeeze %dma_wait3A_862 : memref<1x!tpu.dma_semaphore, #tpu.memory_space<semaphore_mem>> -> memref<!tpu.dma_semaphore, #tpu.memory_space<semaphore_mem>>
        %dma_wait3A_864 = arith.constant 0 : i32
        %dma_wait3A_865 = tpu.memref_slice %arg5[%dma_wait3A_855, %dma_wait3A_864] : memref<5x80xi32, #tpu.memory_space<vmem>> -> memref<1x80xi32, #tpu.memory_space<vmem>>
        %dma_wait3A_866 = tpu.memref_squeeze %dma_wait3A_865 : memref<1x80xi32, #tpu.memory_space<vmem>> -> memref<80xi32, #tpu.memory_space<vmem>>
        %dma_wait3A_867 = arith.constant 0 : i32
        %dma_wait3A_868 = tpu.memref_slice %arg3[%dma_wait3A_867] : memref<640000xi32, #tpu.memory_space<hbm>> -> memref<80xi32, #tpu.memory_space<hbm>>
        tpu.wait_dma2 semaphore(%dma_wait3A_863 : memref<!tpu.dma_semaphore, #tpu.memory_space<semaphore_mem>>) src(%dma_wait3A_868 : memref<80xi32, #tpu.memory_space<hbm>>) dst(%dma_wait3A_866 : memref<80xi32, #tpu.memory_space<vmem>>)
        %dma_wait3A_869 = arith.constant 4 : i32
        %dma_wait3A_870 = arith.constant 4 : i32
        %dma_wait3A_871 = arith.constant 0 : i32
        %dma_wait3A_872 = tpu.memref_slice %arg6[%dma_wait3A_869, %dma_wait3A_871] : memref<5x80xi32, #tpu.memory_space<vmem>> -> memref<1x80xi32, #tpu.memory_space<vmem>>
        %dma_wait3A_873 = tpu.memref_squeeze %dma_wait3A_872 : memref<1x80xi32, #tpu.memory_space<vmem>> -> memref<80xi32, #tpu.memory_space<vmem>>
        %dma_wait3A_874 = arith.constant 0 : i32
        %dma_wait3A_875 = tpu.memref_slice %arg3[%dma_wait3A_874] : memref<640000xi32, #tpu.memory_space<hbm>> -> memref<80xi32, #tpu.memory_space<hbm>>
        %dma_wait3A_876 = tpu.memref_slice %arg10[%dma_wait3A_870] : memref<5x!tpu.dma_semaphore, #tpu.memory_space<semaphore_mem>> -> memref<1x!tpu.dma_semaphore, #tpu.memory_space<semaphore_mem>>
        %dma_wait3A_877 = tpu.memref_squeeze %dma_wait3A_876 : memref<1x!tpu.dma_semaphore, #tpu.memory_space<semaphore_mem>> -> memref<!tpu.dma_semaphore, #tpu.memory_space<semaphore_mem>>
        %dma_wait3A_878 = arith.constant 0 : i32
        %dma_wait3A_879 = tpu.memref_slice %arg6[%dma_wait3A_869, %dma_wait3A_878] : memref<5x80xi32, #tpu.memory_space<vmem>> -> memref<1x80xi32, #tpu.memory_space<vmem>>
        %dma_wait3A_880 = tpu.memref_squeeze %dma_wait3A_879 : memref<1x80xi32, #tpu.memory_space<vmem>> -> memref<80xi32, #tpu.memory_space<vmem>>
        %dma_wait3A_881 = arith.constant 0 : i32
        %dma_wait3A_882 = tpu.memref_slice %arg3[%dma_wait3A_881] : memref<640000xi32, #tpu.memory_space<hbm>> -> memref<80xi32, #tpu.memory_space<hbm>>
        tpu.wait_dma2 semaphore(%dma_wait3A_877 : memref<!tpu.dma_semaphore, #tpu.memory_space<semaphore_mem>>) src(%dma_wait3A_882 : memref<80xi32, #tpu.memory_space<hbm>>) dst(%dma_wait3A_880 : memref<80xi32, #tpu.memory_space<vmem>>)
        %dma_start3A_883 = arith.constant 4 : i32
        %dma_start3A_884 = arith.constant 2 : i32
        %dma_start3A_885 = arith.constant 2 : i32
        %dma_start3A_886 = arith.constant 0 : i32
        %dma_start3A_887 = arith.constant 0 : i32
        %dma_start3A_888 = tpu.memref_slice %arg7[%dma_start3A_884, %dma_start3A_886, %dma_start3A_887] : memref<3x80x128xf32, #tpu.memory_space<vmem>> -> memref<1x80x128xf32, #tpu.memory_space<vmem>>
        %dma_start3A_889 = tpu.memref_squeeze %dma_start3A_888 : memref<1x80x128xf32, #tpu.memory_space<vmem>> -> memref<80x128xf32, #tpu.memory_space<vmem>>
        %dma_start3A_890 = arith.constant 0 : i32
        %dma_start3A_891 = tpu.memref_slice %arg5[%dma_start3A_883, %dma_start3A_890] : memref<5x80xi32, #tpu.memory_space<vmem>> -> memref<1x80xi32, #tpu.memory_space<vmem>>
        %dma_start3A_892 = tpu.memref_squeeze %dma_start3A_891 : memref<1x80xi32, #tpu.memory_space<vmem>> -> memref<80xi32, #tpu.memory_space<vmem>>
        %dma_start3A_893 = arith.constant 0 : i32
        %dma_start3A_894 = arith.constant 0 : i32
        %dma_start3A_895 = tpu.memref_slice %arg2[%dma_start3A_893, %dma_start3A_894] : memref<10000x128xf32, #tpu.memory_space<hbm>> -> memref<10000x128xf32, #tpu.memory_space<hbm>>
        %dma_start3A_896 = tpu.memref_slice %arg11[%dma_start3A_885] : memref<3x!tpu.dma_semaphore, #tpu.memory_space<semaphore_mem>> -> memref<1x!tpu.dma_semaphore, #tpu.memory_space<semaphore_mem>>
        %dma_start3A_897 = tpu.memref_squeeze %dma_start3A_896 : memref<1x!tpu.dma_semaphore, #tpu.memory_space<semaphore_mem>> -> memref<!tpu.dma_semaphore, #tpu.memory_space<semaphore_mem>>
        tpu.enqueue_indirect_dma source(%dma_start3A_895 : memref<10000x128xf32, #tpu.memory_space<hbm>>) target(%dma_start3A_889 : memref<80x128xf32, #tpu.memory_space<vmem>>) offsets(%dma_start3A_892 : memref<80xi32, #tpu.memory_space<vmem>>) semaphore(%dma_start3A_897 : memref<!tpu.dma_semaphore, #tpu.memory_space<semaphore_mem>>)
      } else {
      }
      %lt3A_819 = arith.constant 125 : i32
      %lt3A_820 = arith.cmpi slt, %add3A_796, %lt3A_819 : i32
      %convert_element_type3A_821 = arith.extui %lt3A_820 : i1 to i32
      %cond3A_822 = arith.constant 0 : i32
      %cond3A_823 = arith.cmpi ne, %convert_element_type3A_821, %cond3A_822 : i32
      scf.if %cond3A_823 {
        %dma_wait3A_855 = arith.constant 1 : i32
        %dma_wait3A_856 = arith.constant 1 : i32
        %dma_wait3A_857 = arith.constant 0 : i32
        %dma_wait3A_858 = arith.constant 0 : i32
        %dma_wait3A_859 = tpu.memref_slice %arg7[%dma_wait3A_855, %dma_wait3A_857, %dma_wait3A_858] : memref<3x80x128xf32, #tpu.memory_space<vmem>> -> memref<1x80x128xf32, #tpu.memory_space<vmem>>
        %dma_wait3A_860 = tpu.memref_squeeze %dma_wait3A_859 : memref<1x80x128xf32, #tpu.memory_space<vmem>> -> memref<80x128xf32, #tpu.memory_space<vmem>>
        %dma_wait3A_861 = arith.constant 0 : i32
        %dma_wait3A_862 = arith.constant 0 : i32
        %dma_wait3A_863 = tpu.memref_slice %arg2[%dma_wait3A_861, %dma_wait3A_862] : memref<10000x128xf32, #tpu.memory_space<hbm>> -> memref<80x128xf32, #tpu.memory_space<hbm>>
        %dma_wait3A_864 = tpu.memref_slice %arg11[%dma_wait3A_856] : memref<3x!tpu.dma_semaphore, #tpu.memory_space<semaphore_mem>> -> memref<1x!tpu.dma_semaphore, #tpu.memory_space<semaphore_mem>>
        %dma_wait3A_865 = tpu.memref_squeeze %dma_wait3A_864 : memref<1x!tpu.dma_semaphore, #tpu.memory_space<semaphore_mem>> -> memref<!tpu.dma_semaphore, #tpu.memory_space<semaphore_mem>>
        %dma_wait3A_866 = arith.constant 0 : i32
        %dma_wait3A_867 = arith.constant 0 : i32
        %dma_wait3A_868 = tpu.memref_slice %arg7[%dma_wait3A_855, %dma_wait3A_866, %dma_wait3A_867] : memref<3x80x128xf32, #tpu.memory_space<vmem>> -> memref<1x80x128xf32, #tpu.memory_space<vmem>>
        %dma_wait3A_869 = tpu.memref_squeeze %dma_wait3A_868 : memref<1x80x128xf32, #tpu.memory_space<vmem>> -> memref<80x128xf32, #tpu.memory_space<vmem>>
        %dma_wait3A_870 = arith.constant 0 : i32
        %dma_wait3A_871 = arith.constant 0 : i32
        %dma_wait3A_872 = tpu.memref_slice %arg2[%dma_wait3A_870, %dma_wait3A_871] : memref<10000x128xf32, #tpu.memory_space<hbm>> -> memref<80x128xf32, #tpu.memory_space<hbm>>
        tpu.wait_dma2 semaphore(%dma_wait3A_865 : memref<!tpu.dma_semaphore, #tpu.memory_space<semaphore_mem>>) src(%dma_wait3A_872 : memref<80x128xf32, #tpu.memory_space<hbm>>) dst(%dma_wait3A_869 : memref<80x128xf32, #tpu.memory_space<vmem>>)
        %dma_start3A_873 = arith.constant 1 : i32
        %dma_start3A_874 = arith.constant 3 : i32
        %dma_start3A_875 = arith.constant 1 : i32
        %dma_start3A_876 = arith.constant 0 : i32
        %dma_start3A_877 = arith.constant 0 : i32
        %dma_start3A_878 = tpu.memref_slice %arg7[%dma_start3A_873, %dma_start3A_876, %dma_start3A_877] : memref<3x80x128xf32, #tpu.memory_space<vmem>> -> memref<1x80x128xf32, #tpu.memory_space<vmem>>
        %dma_start3A_879 = tpu.memref_squeeze %dma_start3A_878 : memref<1x80x128xf32, #tpu.memory_space<vmem>> -> memref<80x128xf32, #tpu.memory_space<vmem>>
        %dma_start3A_880 = arith.constant 0 : i32
        %dma_start3A_881 = tpu.memref_slice %arg6[%dma_start3A_874, %dma_start3A_880] : memref<5x80xi32, #tpu.memory_space<vmem>> -> memref<1x80xi32, #tpu.memory_space<vmem>>
        %dma_start3A_882 = tpu.memref_squeeze %dma_start3A_881 : memref<1x80xi32, #tpu.memory_space<vmem>> -> memref<80xi32, #tpu.memory_space<vmem>>
        %dma_start3A_883 = arith.constant 0 : i32
        %dma_start3A_884 = arith.constant 0 : i32
        %dma_start3A_885 = tpu.memref_slice %arg9[%dma_start3A_883, %dma_start3A_884] : memref<10000x128xf32, #tpu.memory_space<vmem_shared>> -> memref<10000x128xf32, #tpu.memory_space<vmem_shared>>
        %dma_start3A_886 = tpu.memref_slice %arg12[%dma_start3A_875] : memref<3x!tpu.dma_semaphore, #tpu.memory_space<semaphore_mem>> -> memref<1x!tpu.dma_semaphore, #tpu.memory_space<semaphore_mem>>
        %dma_start3A_887 = tpu.memref_squeeze %dma_start3A_886 : memref<1x!tpu.dma_semaphore, #tpu.memory_space<semaphore_mem>> -> memref<!tpu.dma_semaphore, #tpu.memory_space<semaphore_mem>>
        tpu.enqueue_indirect_dma source(%dma_start3A_879 : memref<80x128xf32, #tpu.memory_space<vmem>>) target(%dma_start3A_885 : memref<10000x128xf32, #tpu.memory_space<vmem_shared>>) offsets(%dma_start3A_882 : memref<80xi32, #tpu.memory_space<vmem>>) semaphore(%dma_start3A_887 : memref<!tpu.dma_semaphore, #tpu.memory_space<semaphore_mem>>) {add = true}
      } else {
      }
      %mul3A_824 = arith.constant 15 : i32
      %mul3A_825 = arith.muli %scan3A_392, %mul3A_824 : i32
      %add3A_826 = arith.constant 14 : i32
      %add3A_827 = arith.addi %mul3A_825, %add3A_826 : i32
      %ge3A_828 = arith.constant 2 : i32
      %ge3A_829 = arith.cmpi sge, %add3A_827, %ge3A_828 : i32
      %lt3A_830 = arith.constant 127 : i32
      %lt3A_831 = arith.cmpi slt, %add3A_827, %lt3A_830 : i32
      %and3A_832 = arith.andi %ge3A_829, %lt3A_831 : i1
      %convert_element_type3A_833 = arith.extui %and3A_832 : i1 to i32
      %cond3A_834 = arith.constant 0 : i32
      %cond3A_835 = arith.cmpi ne, %convert_element_type3A_833, %cond3A_834 : i32
      scf.if %cond3A_835 {
        %dma_wait3A_855 = arith.constant 0 : i32
        %dma_wait3A_856 = arith.constant 0 : i32
        %dma_wait3A_857 = arith.constant 0 : i32
        %dma_wait3A_858 = arith.constant 0 : i32
        %dma_wait3A_859 = tpu.memref_slice %arg7[%dma_wait3A_855, %dma_wait3A_857, %dma_wait3A_858] : memref<3x80x128xf32, #tpu.memory_space<vmem>> -> memref<1x80x128xf32, #tpu.memory_space<vmem>>
        %dma_wait3A_860 = tpu.memref_squeeze %dma_wait3A_859 : memref<1x80x128xf32, #tpu.memory_space<vmem>> -> memref<80x128xf32, #tpu.memory_space<vmem>>
        %dma_wait3A_861 = arith.constant 0 : i32
        %dma_wait3A_862 = arith.constant 0 : i32
        %dma_wait3A_863 = tpu.memref_slice %arg2[%dma_wait3A_861, %dma_wait3A_862] : memref<10000x128xf32, #tpu.memory_space<hbm>> -> memref<80x128xf32, #tpu.memory_space<hbm>>
        %dma_wait3A_864 = tpu.memref_slice %arg12[%dma_wait3A_856] : memref<3x!tpu.dma_semaphore, #tpu.memory_space<semaphore_mem>> -> memref<1x!tpu.dma_semaphore, #tpu.memory_space<semaphore_mem>>
        %dma_wait3A_865 = tpu.memref_squeeze %dma_wait3A_864 : memref<1x!tpu.dma_semaphore, #tpu.memory_space<semaphore_mem>> -> memref<!tpu.dma_semaphore, #tpu.memory_space<semaphore_mem>>
        %dma_wait3A_866 = arith.constant 0 : i32
        %dma_wait3A_867 = arith.constant 0 : i32
        %dma_wait3A_868 = tpu.memref_slice %arg7[%dma_wait3A_855, %dma_wait3A_866, %dma_wait3A_867] : memref<3x80x128xf32, #tpu.memory_space<vmem>> -> memref<1x80x128xf32, #tpu.memory_space<vmem>>
        %dma_wait3A_869 = tpu.memref_squeeze %dma_wait3A_868 : memref<1x80x128xf32, #tpu.memory_space<vmem>> -> memref<80x128xf32, #tpu.memory_space<vmem>>
        %dma_wait3A_870 = arith.constant 0 : i32
        %dma_wait3A_871 = arith.constant 0 : i32
        %dma_wait3A_872 = tpu.memref_slice %arg2[%dma_wait3A_870, %dma_wait3A_871] : memref<10000x128xf32, #tpu.memory_space<hbm>> -> memref<80x128xf32, #tpu.memory_space<hbm>>
        tpu.wait_dma2 semaphore(%dma_wait3A_865 : memref<!tpu.dma_semaphore, #tpu.memory_space<semaphore_mem>>) src(%dma_wait3A_872 : memref<80x128xf32, #tpu.memory_space<hbm>>) dst(%dma_wait3A_869 : memref<80x128xf32, #tpu.memory_space<vmem>>)
      } else {
      }
      %add3A_836 = arith.constant 3 : i32
      %add3A_837 = arith.addi %add3A_827, %add3A_836 : i32
      %lt3A_838 = arith.constant 125 : i32
      %lt3A_839 = arith.cmpi slt, %add3A_837, %lt3A_838 : i32
      %convert_element_type3A_840 = arith.extui %lt3A_839 : i1 to i32
      %cond3A_841 = arith.constant 0 : i32
      %cond3A_842 = arith.cmpi ne, %convert_element_type3A_840, %cond3A_841 : i32
      scf.if %cond3A_842 {
        %add3A_855 = arith.constant 3 : i32
        %add3A_856 = arith.addi %add3A_827, %add3A_855 : i32
        %mul3A_857 = arith.constant 80 : i32
        %mul3A_858 = arith.muli %add3A_856, %mul3A_857 : i32
        %add3A_859 = arith.addi %mul3A_2, %mul3A_858 : i32
        %dma_start3A_860 = arith.constant 2 : i32
        %dma_start3A_861 = arith.constant 2 : i32
        %dma_start3A_862 = arith.constant 0 : i32
        %dma_start3A_863 = tpu.memref_slice %arg5[%dma_start3A_860, %dma_start3A_862] : memref<5x80xi32, #tpu.memory_space<vmem>> -> memref<1x80xi32, #tpu.memory_space<vmem>>
        %dma_start3A_864 = tpu.memref_squeeze %dma_start3A_863 : memref<1x80xi32, #tpu.memory_space<vmem>> -> memref<80xi32, #tpu.memory_space<vmem>>
        %dma_start3A_865 = tpu.memref_slice %arg3[%add3A_859] : memref<640000xi32, #tpu.memory_space<hbm>> -> memref<80xi32, #tpu.memory_space<hbm>>
        %dma_start3A_866 = tpu.memref_slice %arg10[%dma_start3A_861] : memref<5x!tpu.dma_semaphore, #tpu.memory_space<semaphore_mem>> -> memref<1x!tpu.dma_semaphore, #tpu.memory_space<semaphore_mem>>
        %dma_start3A_867 = tpu.memref_squeeze %dma_start3A_866 : memref<1x!tpu.dma_semaphore, #tpu.memory_space<semaphore_mem>> -> memref<!tpu.dma_semaphore, #tpu.memory_space<semaphore_mem>>
        %dma_start3A_868 = arith.constant 0 : i32
        %dma_start3A_869 = tpu.memref_slice %arg5[%dma_start3A_860, %dma_start3A_868] : memref<5x80xi32, #tpu.memory_space<vmem>> -> memref<1x80xi32, #tpu.memory_space<vmem>>
        %dma_start3A_870 = tpu.memref_squeeze %dma_start3A_869 : memref<1x80xi32, #tpu.memory_space<vmem>> -> memref<80xi32, #tpu.memory_space<vmem>>
        %dma_start3A_871 = tpu.memref_slice %arg3[%add3A_859] : memref<640000xi32, #tpu.memory_space<hbm>> -> memref<80xi32, #tpu.memory_space<hbm>>
        tpu.enqueue_dma source(%dma_start3A_871 : memref<80xi32, #tpu.memory_space<hbm>>) target(%dma_start3A_870 : memref<80xi32, #tpu.memory_space<vmem>>) target_semaphore(%dma_start3A_867 : memref<!tpu.dma_semaphore, #tpu.memory_space<semaphore_mem>>)
        %add3A_872 = arith.constant 320000 : i32
        %add3A_873 = arith.addi %add3A_872, %mul3A_2 : i32
        %mul3A_874 = arith.constant 80 : i32
        %mul3A_875 = arith.muli %add3A_856, %mul3A_874 : i32
        %add3A_876 = arith.addi %add3A_873, %mul3A_875 : i32
        %dma_start3A_877 = arith.constant 2 : i32
        %dma_start3A_878 = arith.constant 2 : i32
        %dma_start3A_879 = arith.constant 0 : i32
        %dma_start3A_880 = tpu.memref_slice %arg6[%dma_start3A_877, %dma_start3A_879] : memref<5x80xi32, #tpu.memory_space<vmem>> -> memref<1x80xi32, #tpu.memory_space<vmem>>
        %dma_start3A_881 = tpu.memref_squeeze %dma_start3A_880 : memref<1x80xi32, #tpu.memory_space<vmem>> -> memref<80xi32, #tpu.memory_space<vmem>>
        %dma_start3A_882 = tpu.memref_slice %arg3[%add3A_876] : memref<640000xi32, #tpu.memory_space<hbm>> -> memref<80xi32, #tpu.memory_space<hbm>>
        %dma_start3A_883 = tpu.memref_slice %arg10[%dma_start3A_878] : memref<5x!tpu.dma_semaphore, #tpu.memory_space<semaphore_mem>> -> memref<1x!tpu.dma_semaphore, #tpu.memory_space<semaphore_mem>>
        %dma_start3A_884 = tpu.memref_squeeze %dma_start3A_883 : memref<1x!tpu.dma_semaphore, #tpu.memory_space<semaphore_mem>> -> memref<!tpu.dma_semaphore, #tpu.memory_space<semaphore_mem>>
        %dma_start3A_885 = arith.constant 0 : i32
        %dma_start3A_886 = tpu.memref_slice %arg6[%dma_start3A_877, %dma_start3A_885] : memref<5x80xi32, #tpu.memory_space<vmem>> -> memref<1x80xi32, #tpu.memory_space<vmem>>
        %dma_start3A_887 = tpu.memref_squeeze %dma_start3A_886 : memref<1x80xi32, #tpu.memory_space<vmem>> -> memref<80xi32, #tpu.memory_space<vmem>>
        %dma_start3A_888 = tpu.memref_slice %arg3[%add3A_876] : memref<640000xi32, #tpu.memory_space<hbm>> -> memref<80xi32, #tpu.memory_space<hbm>>
        tpu.enqueue_dma source(%dma_start3A_888 : memref<80xi32, #tpu.memory_space<hbm>>) target(%dma_start3A_887 : memref<80xi32, #tpu.memory_space<vmem>>) target_semaphore(%dma_start3A_884 : memref<!tpu.dma_semaphore, #tpu.memory_space<semaphore_mem>>)
      } else {
      }
      %add3A_843 = arith.constant 1 : i32
      %add3A_844 = arith.addi %add3A_827, %add3A_843 : i32
      %lt3A_845 = arith.constant 125 : i32
      %lt3A_846 = arith.cmpi slt, %add3A_844, %lt3A_845 : i32
      %convert_element_type3A_847 = arith.extui %lt3A_846 : i1 to i32
      %cond3A_848 = arith.constant 0 : i32
      %cond3A_849 = arith.cmpi ne, %convert_element_type3A_847, %cond3A_848 : i32
      scf.if %cond3A_849 {
        %dma_wait3A_855 = arith.constant 0 : i32
        %dma_wait3A_856 = arith.constant 0 : i32
        %dma_wait3A_857 = arith.constant 0 : i32
        %dma_wait3A_858 = tpu.memref_slice %arg5[%dma_wait3A_855, %dma_wait3A_857] : memref<5x80xi32, #tpu.memory_space<vmem>> -> memref<1x80xi32, #tpu.memory_space<vmem>>
        %dma_wait3A_859 = tpu.memref_squeeze %dma_wait3A_858 : memref<1x80xi32, #tpu.memory_space<vmem>> -> memref<80xi32, #tpu.memory_space<vmem>>
        %dma_wait3A_860 = arith.constant 0 : i32
        %dma_wait3A_861 = tpu.memref_slice %arg3[%dma_wait3A_860] : memref<640000xi32, #tpu.memory_space<hbm>> -> memref<80xi32, #tpu.memory_space<hbm>>
        %dma_wait3A_862 = tpu.memref_slice %arg10[%dma_wait3A_856] : memref<5x!tpu.dma_semaphore, #tpu.memory_space<semaphore_mem>> -> memref<1x!tpu.dma_semaphore, #tpu.memory_space<semaphore_mem>>
        %dma_wait3A_863 = tpu.memref_squeeze %dma_wait3A_862 : memref<1x!tpu.dma_semaphore, #tpu.memory_space<semaphore_mem>> -> memref<!tpu.dma_semaphore, #tpu.memory_space<semaphore_mem>>
        %dma_wait3A_864 = arith.constant 0 : i32
        %dma_wait3A_865 = tpu.memref_slice %arg5[%dma_wait3A_855, %dma_wait3A_864] : memref<5x80xi32, #tpu.memory_space<vmem>> -> memref<1x80xi32, #tpu.memory_space<vmem>>
        %dma_wait3A_866 = tpu.memref_squeeze %dma_wait3A_865 : memref<1x80xi32, #tpu.memory_space<vmem>> -> memref<80xi32, #tpu.memory_space<vmem>>
        %dma_wait3A_867 = arith.constant 0 : i32
        %dma_wait3A_868 = tpu.memref_slice %arg3[%dma_wait3A_867] : memref<640000xi32, #tpu.memory_space<hbm>> -> memref<80xi32, #tpu.memory_space<hbm>>
        tpu.wait_dma2 semaphore(%dma_wait3A_863 : memref<!tpu.dma_semaphore, #tpu.memory_space<semaphore_mem>>) src(%dma_wait3A_868 : memref<80xi32, #tpu.memory_space<hbm>>) dst(%dma_wait3A_866 : memref<80xi32, #tpu.memory_space<vmem>>)
        %dma_wait3A_869 = arith.constant 0 : i32
        %dma_wait3A_870 = arith.constant 0 : i32
        %dma_wait3A_871 = arith.constant 0 : i32
        %dma_wait3A_872 = tpu.memref_slice %arg6[%dma_wait3A_869, %dma_wait3A_871] : memref<5x80xi32, #tpu.memory_space<vmem>> -> memref<1x80xi32, #tpu.memory_space<vmem>>
        %dma_wait3A_873 = tpu.memref_squeeze %dma_wait3A_872 : memref<1x80xi32, #tpu.memory_space<vmem>> -> memref<80xi32, #tpu.memory_space<vmem>>
        %dma_wait3A_874 = arith.constant 0 : i32
        %dma_wait3A_875 = tpu.memref_slice %arg3[%dma_wait3A_874] : memref<640000xi32, #tpu.memory_space<hbm>> -> memref<80xi32, #tpu.memory_space<hbm>>
        %dma_wait3A_876 = tpu.memref_slice %arg10[%dma_wait3A_870] : memref<5x!tpu.dma_semaphore, #tpu.memory_space<semaphore_mem>> -> memref<1x!tpu.dma_semaphore, #tpu.memory_space<semaphore_mem>>
        %dma_wait3A_877 = tpu.memref_squeeze %dma_wait3A_876 : memref<1x!tpu.dma_semaphore, #tpu.memory_space<semaphore_mem>> -> memref<!tpu.dma_semaphore, #tpu.memory_space<semaphore_mem>>
        %dma_wait3A_878 = arith.constant 0 : i32
        %dma_wait3A_879 = tpu.memref_slice %arg6[%dma_wait3A_869, %dma_wait3A_878] : memref<5x80xi32, #tpu.memory_space<vmem>> -> memref<1x80xi32, #tpu.memory_space<vmem>>
        %dma_wait3A_880 = tpu.memref_squeeze %dma_wait3A_879 : memref<1x80xi32, #tpu.memory_space<vmem>> -> memref<80xi32, #tpu.memory_space<vmem>>
        %dma_wait3A_881 = arith.constant 0 : i32
        %dma_wait3A_882 = tpu.memref_slice %arg3[%dma_wait3A_881] : memref<640000xi32, #tpu.memory_space<hbm>> -> memref<80xi32, #tpu.memory_space<hbm>>
        tpu.wait_dma2 semaphore(%dma_wait3A_877 : memref<!tpu.dma_semaphore, #tpu.memory_space<semaphore_mem>>) src(%dma_wait3A_882 : memref<80xi32, #tpu.memory_space<hbm>>) dst(%dma_wait3A_880 : memref<80xi32, #tpu.memory_space<vmem>>)
        %dma_start3A_883 = arith.constant 0 : i32
        %dma_start3A_884 = arith.constant 0 : i32
        %dma_start3A_885 = arith.constant 0 : i32
        %dma_start3A_886 = arith.constant 0 : i32
        %dma_start3A_887 = arith.constant 0 : i32
        %dma_start3A_888 = tpu.memref_slice %arg7[%dma_start3A_884, %dma_start3A_886, %dma_start3A_887] : memref<3x80x128xf32, #tpu.memory_space<vmem>> -> memref<1x80x128xf32, #tpu.memory_space<vmem>>
        %dma_start3A_889 = tpu.memref_squeeze %dma_start3A_888 : memref<1x80x128xf32, #tpu.memory_space<vmem>> -> memref<80x128xf32, #tpu.memory_space<vmem>>
        %dma_start3A_890 = arith.constant 0 : i32
        %dma_start3A_891 = tpu.memref_slice %arg5[%dma_start3A_883, %dma_start3A_890] : memref<5x80xi32, #tpu.memory_space<vmem>> -> memref<1x80xi32, #tpu.memory_space<vmem>>
        %dma_start3A_892 = tpu.memref_squeeze %dma_start3A_891 : memref<1x80xi32, #tpu.memory_space<vmem>> -> memref<80xi32, #tpu.memory_space<vmem>>
        %dma_start3A_893 = arith.constant 0 : i32
        %dma_start3A_894 = arith.constant 0 : i32
        %dma_start3A_895 = tpu.memref_slice %arg2[%dma_start3A_893, %dma_start3A_894] : memref<10000x128xf32, #tpu.memory_space<hbm>> -> memref<10000x128xf32, #tpu.memory_space<hbm>>
        %dma_start3A_896 = tpu.memref_slice %arg11[%dma_start3A_885] : memref<3x!tpu.dma_semaphore, #tpu.memory_space<semaphore_mem>> -> memref<1x!tpu.dma_semaphore, #tpu.memory_space<semaphore_mem>>
        %dma_start3A_897 = tpu.memref_squeeze %dma_start3A_896 : memref<1x!tpu.dma_semaphore, #tpu.memory_space<semaphore_mem>> -> memref<!tpu.dma_semaphore, #tpu.memory_space<semaphore_mem>>
        tpu.enqueue_indirect_dma source(%dma_start3A_895 : memref<10000x128xf32, #tpu.memory_space<hbm>>) target(%dma_start3A_889 : memref<80x128xf32, #tpu.memory_space<vmem>>) offsets(%dma_start3A_892 : memref<80xi32, #tpu.memory_space<vmem>>) semaphore(%dma_start3A_897 : memref<!tpu.dma_semaphore, #tpu.memory_space<semaphore_mem>>)
      } else {
      }
      %lt3A_850 = arith.constant 125 : i32
      %lt3A_851 = arith.cmpi slt, %add3A_827, %lt3A_850 : i32
      %convert_element_type3A_852 = arith.extui %lt3A_851 : i1 to i32
      %cond3A_853 = arith.constant 0 : i32
      %cond3A_854 = arith.cmpi ne, %convert_element_type3A_852, %cond3A_853 : i32
      scf.if %cond3A_854 {
        %dma_wait3A_855 = arith.constant 2 : i32
        %dma_wait3A_856 = arith.constant 2 : i32
        %dma_wait3A_857 = arith.constant 0 : i32
        %dma_wait3A_858 = arith.constant 0 : i32
        %dma_wait3A_859 = tpu.memref_slice %arg7[%dma_wait3A_855, %dma_wait3A_857, %dma_wait3A_858] : memref<3x80x128xf32, #tpu.memory_space<vmem>> -> memref<1x80x128xf32, #tpu.memory_space<vmem>>
        %dma_wait3A_860 = tpu.memref_squeeze %dma_wait3A_859 : memref<1x80x128xf32, #tpu.memory_space<vmem>> -> memref<80x128xf32, #tpu.memory_space<vmem>>
        %dma_wait3A_861 = arith.constant 0 : i32
        %dma_wait3A_862 = arith.constant 0 : i32
        %dma_wait3A_863 = tpu.memref_slice %arg2[%dma_wait3A_861, %dma_wait3A_862] : memref<10000x128xf32, #tpu.memory_space<hbm>> -> memref<80x128xf32, #tpu.memory_space<hbm>>
        %dma_wait3A_864 = tpu.memref_slice %arg11[%dma_wait3A_856] : memref<3x!tpu.dma_semaphore, #tpu.memory_space<semaphore_mem>> -> memref<1x!tpu.dma_semaphore, #tpu.memory_space<semaphore_mem>>
        %dma_wait3A_865 = tpu.memref_squeeze %dma_wait3A_864 : memref<1x!tpu.dma_semaphore, #tpu.memory_space<semaphore_mem>> -> memref<!tpu.dma_semaphore, #tpu.memory_space<semaphore_mem>>
        %dma_wait3A_866 = arith.constant 0 : i32
        %dma_wait3A_867 = arith.constant 0 : i32
        %dma_wait3A_868 = tpu.memref_slice %arg7[%dma_wait3A_855, %dma_wait3A_866, %dma_wait3A_867] : memref<3x80x128xf32, #tpu.memory_space<vmem>> -> memref<1x80x128xf32, #tpu.memory_space<vmem>>
        %dma_wait3A_869 = tpu.memref_squeeze %dma_wait3A_868 : memref<1x80x128xf32, #tpu.memory_space<vmem>> -> memref<80x128xf32, #tpu.memory_space<vmem>>
        %dma_wait3A_870 = arith.constant 0 : i32
        %dma_wait3A_871 = arith.constant 0 : i32
        %dma_wait3A_872 = tpu.memref_slice %arg2[%dma_wait3A_870, %dma_wait3A_871] : memref<10000x128xf32, #tpu.memory_space<hbm>> -> memref<80x128xf32, #tpu.memory_space<hbm>>
        tpu.wait_dma2 semaphore(%dma_wait3A_865 : memref<!tpu.dma_semaphore, #tpu.memory_space<semaphore_mem>>) src(%dma_wait3A_872 : memref<80x128xf32, #tpu.memory_space<hbm>>) dst(%dma_wait3A_869 : memref<80x128xf32, #tpu.memory_space<vmem>>)
        %dma_start3A_873 = arith.constant 2 : i32
        %dma_start3A_874 = arith.constant 4 : i32
        %dma_start3A_875 = arith.constant 2 : i32
        %dma_start3A_876 = arith.constant 0 : i32
        %dma_start3A_877 = arith.constant 0 : i32
        %dma_start3A_878 = tpu.memref_slice %arg7[%dma_start3A_873, %dma_start3A_876, %dma_start3A_877] : memref<3x80x128xf32, #tpu.memory_space<vmem>> -> memref<1x80x128xf32, #tpu.memory_space<vmem>>
        %dma_start3A_879 = tpu.memref_squeeze %dma_start3A_878 : memref<1x80x128xf32, #tpu.memory_space<vmem>> -> memref<80x128xf32, #tpu.memory_space<vmem>>
        %dma_start3A_880 = arith.constant 0 : i32
        %dma_start3A_881 = tpu.memref_slice %arg6[%dma_start3A_874, %dma_start3A_880] : memref<5x80xi32, #tpu.memory_space<vmem>> -> memref<1x80xi32, #tpu.memory_space<vmem>>
        %dma_start3A_882 = tpu.memref_squeeze %dma_start3A_881 : memref<1x80xi32, #tpu.memory_space<vmem>> -> memref<80xi32, #tpu.memory_space<vmem>>
        %dma_start3A_883 = arith.constant 0 : i32
        %dma_start3A_884 = arith.constant 0 : i32
        %dma_start3A_885 = tpu.memref_slice %arg9[%dma_start3A_883, %dma_start3A_884] : memref<10000x128xf32, #tpu.memory_space<vmem_shared>> -> memref<10000x128xf32, #tpu.memory_space<vmem_shared>>
        %dma_start3A_886 = tpu.memref_slice %arg12[%dma_start3A_875] : memref<3x!tpu.dma_semaphore, #tpu.memory_space<semaphore_mem>> -> memref<1x!tpu.dma_semaphore, #tpu.memory_space<semaphore_mem>>
        %dma_start3A_887 = tpu.memref_squeeze %dma_start3A_886 : memref<1x!tpu.dma_semaphore, #tpu.memory_space<semaphore_mem>> -> memref<!tpu.dma_semaphore, #tpu.memory_space<semaphore_mem>>
        tpu.enqueue_indirect_dma source(%dma_start3A_879 : memref<80x128xf32, #tpu.memory_space<vmem>>) target(%dma_start3A_885 : memref<10000x128xf32, #tpu.memory_space<vmem_shared>>) offsets(%dma_start3A_882 : memref<80xi32, #tpu.memory_space<vmem>>) semaphore(%dma_start3A_887 : memref<!tpu.dma_semaphore, #tpu.memory_space<semaphore_mem>>) {add = true}
      } else {
      }
    }
    %scan3A_381 = arith.constant 9 : i32
    %barrier3A_382 = arith.constant 0 : index
    tpu.barrier barrier_id(%barrier3A_382)
    %mul3A_383 = arith.constant 624 : i32
    %mul3A_384 = arith.muli %arg1, %mul3A_383 : i32
    %mul3A_385 = arith.constant 624 : i32
    %mul3A_386 = arith.muli %arg1, %mul3A_385 : i32
    "tpu.region"() ({
      %run_scoped3A = tpu.sem_alloc : memref<!tpu.dma_semaphore, #tpu.memory_space<semaphore_mem>>
      %dma_start3A_392 = arith.constant 0 : i32
      %dma_start3A_393 = tpu.memref_slice %arg4[%arg0, %mul3A_386, %dma_start3A_392] : memref<2x10000x128xf32, #tpu.memory_space<hbm>> -> memref<1x624x128xf32, #tpu.memory_space<hbm>>
      %dma_start3A_394 = tpu.memref_squeeze %dma_start3A_393 : memref<1x624x128xf32, #tpu.memory_space<hbm>> -> memref<624x128xf32, #tpu.memory_space<hbm>>
      %dma_start3A_395 = arith.constant 0 : i32
      %dma_start3A_396 = tpu.memref_slice %arg9[%mul3A_384, %dma_start3A_395] : memref<10000x128xf32, #tpu.memory_space<vmem_shared>> -> memref<624x128xf32, #tpu.memory_space<vmem_shared>>
      tpu.enqueue_dma source(%dma_start3A_396 : memref<624x128xf32, #tpu.memory_space<vmem_shared>>) target(%dma_start3A_394 : memref<624x128xf32, #tpu.memory_space<hbm>>) target_semaphore(%run_scoped3A : memref<!tpu.dma_semaphore, #tpu.memory_space<semaphore_mem>>)
      %dma_wait3A_397 = arith.constant 0 : i32
      %dma_wait3A_398 = tpu.memref_slice %arg4[%arg0, %mul3A_386, %dma_wait3A_397] : memref<2x10000x128xf32, #tpu.memory_space<hbm>> -> memref<1x624x128xf32, #tpu.memory_space<hbm>>
      %dma_wait3A_399 = tpu.memref_squeeze %dma_wait3A_398 : memref<1x624x128xf32, #tpu.memory_space<hbm>> -> memref<624x128xf32, #tpu.memory_space<hbm>>
      %dma_wait3A_400 = arith.constant 0 : i32
      %dma_wait3A_401 = tpu.memref_slice %arg9[%mul3A_384, %dma_wait3A_400] : memref<10000x128xf32, #tpu.memory_space<vmem_shared>> -> memref<624x128xf32, #tpu.memory_space<vmem_shared>>
      tpu.wait_dma2 semaphore(%run_scoped3A : memref<!tpu.dma_semaphore, #tpu.memory_space<semaphore_mem>>) src(%dma_wait3A_401 : memref<624x128xf32, #tpu.memory_space<vmem_shared>>) dst(%dma_wait3A_399 : memref<624x128xf32, #tpu.memory_space<hbm>>)
      tpu.yield
    }) : () -> ()
    %eq3A_387 = arith.constant 15 : i32
    %eq3A_388 = arith.cmpi eq, %arg1, %eq3A_387 : i32
    %convert_element_type3A_389 = arith.extui %eq3A_388 : i1 to i32
    %cond3A_390 = arith.constant 0 : i32
    %cond3A_391 = arith.cmpi ne, %convert_element_type3A_389, %cond3A_390 : i32
    scf.if %cond3A_391 {
      "tpu.region"() ({
        %run_scoped3A = tpu.sem_alloc : memref<!tpu.dma_semaphore, #tpu.memory_space<semaphore_mem>>
        %dma_start3A_392 = arith.constant 9984 : i32
        %dma_start3A_393 = arith.constant 0 : i32
        %dma_start3A_394 = tpu.memref_slice %arg4[%arg0, %dma_start3A_392, %dma_start3A_393] : memref<2x10000x128xf32, #tpu.memory_space<hbm>> -> memref<1x16x128xf32, #tpu.memory_space<hbm>>
        %dma_start3A_395 = tpu.memref_squeeze %dma_start3A_394 : memref<1x16x128xf32, #tpu.memory_space<hbm>> -> memref<16x128xf32, #tpu.memory_space<hbm>>
        %dma_start3A_396 = arith.constant 9984 : i32
        %dma_start3A_397 = arith.constant 0 : i32
        %dma_start3A_398 = tpu.memref_slice %arg9[%dma_start3A_396, %dma_start3A_397] : memref<10000x128xf32, #tpu.memory_space<vmem_shared>> -> memref<16x128xf32, #tpu.memory_space<vmem_shared>>
        tpu.enqueue_dma source(%dma_start3A_398 : memref<16x128xf32, #tpu.memory_space<vmem_shared>>) target(%dma_start3A_395 : memref<16x128xf32, #tpu.memory_space<hbm>>) target_semaphore(%run_scoped3A : memref<!tpu.dma_semaphore, #tpu.memory_space<semaphore_mem>>)
        %dma_wait3A_399 = arith.constant 9984 : i32
        %dma_wait3A_400 = arith.constant 0 : i32
        %dma_wait3A_401 = tpu.memref_slice %arg4[%arg0, %dma_wait3A_399, %dma_wait3A_400] : memref<2x10000x128xf32, #tpu.memory_space<hbm>> -> memref<1x16x128xf32, #tpu.memory_space<hbm>>
        %dma_wait3A_402 = tpu.memref_squeeze %dma_wait3A_401 : memref<1x16x128xf32, #tpu.memory_space<hbm>> -> memref<16x128xf32, #tpu.memory_space<hbm>>
        %dma_wait3A_403 = arith.constant 9984 : i32
        %dma_wait3A_404 = arith.constant 0 : i32
        %dma_wait3A_405 = tpu.memref_slice %arg9[%dma_wait3A_403, %dma_wait3A_404] : memref<10000x128xf32, #tpu.memory_space<vmem_shared>> -> memref<16x128xf32, #tpu.memory_space<vmem_shared>>
        tpu.wait_dma2 semaphore(%run_scoped3A : memref<!tpu.dma_semaphore, #tpu.memory_space<semaphore_mem>>) src(%dma_wait3A_405 : memref<16x128xf32, #tpu.memory_space<vmem_shared>>) dst(%dma_wait3A_402 : memref<16x128xf32, #tpu.memory_space<hbm>>)
        tpu.yield
      }) : () -> ()
    } else {
    }
    return
  }
}

module attributes {stable_mosaic.version = 14 : i64} {
  func.func @_tc_body(%arg0: i32, %arg1: memref<2x5000x128xf32, #tpu.memory_space<vmem>>, %arg2: memref<5000x128xf32, #tpu.memory_space<vmem>>, %arg3: memref<128x128xf32, #tpu.memory_space<vmem>>, %arg4: memref<1x128xf32, #tpu.memory_space<vmem>>, %arg5: memref<1x128xf32, #tpu.memory_space<vmem>>, %arg6: memref<1x128xf32, #tpu.memory_space<vmem>>, %arg7: memref<5000x128xf32, #tpu.memory_space<vmem>>) attributes {dimension_semantics = [#tpu.dimension_semantics<arbitrary>], iteration_bounds = array<i64: 2>, scalar_prefetch = 0 : i64, scratch_operands = 0 : i64, tpu.core_type = #tpu.core_type<tc>, window_params = [{transform_indices = @transform_0, window_bounds = array<i64: 2, 5000, 128>}, {transform_indices = @transform_1, window_bounds = array<i64: 5000, 128>}, {pipeline_mode = #tpu.pipeline_mode<synchronous>, transform_indices = @transform_2, window_bounds = array<i64: 128, 128>}, {pipeline_mode = #tpu.pipeline_mode<synchronous>, transform_indices = @transform_3, window_bounds = array<i64: 1, 128>}, {pipeline_mode = #tpu.pipeline_mode<synchronous>, transform_indices = @transform_4, window_bounds = array<i64: 1, 128>}, {pipeline_mode = #tpu.pipeline_mode<synchronous>, transform_indices = @transform_5, window_bounds = array<i64: 1, 128>}, {transform_indices = @transform_6, window_bounds = array<i64: 5000, 128>}]} {
    %get3A = arith.constant 0 : index
    %get3A_0 = arith.constant 0 : index
    %get3A_1 = arith.constant 0 : index
    %get3A_2 = vector.load %arg1[%get3A, %get3A_0, %get3A_1] : memref<2x5000x128xf32, #tpu.memory_space<vmem>>, vector<1x5000x128xf32>
    %get3A_3 = vector.shape_cast %get3A_2 : vector<1x5000x128xf32> to vector<5000x128xf32>
    %get3A_4 = arith.constant 1 : index
    %get3A_5 = arith.constant 0 : index
    %get3A_6 = arith.constant 0 : index
    %get3A_7 = vector.load %arg1[%get3A_4, %get3A_5, %get3A_6] : memref<2x5000x128xf32, #tpu.memory_space<vmem>>, vector<1x5000x128xf32>
    %get3A_8 = vector.shape_cast %get3A_7 : vector<1x5000x128xf32> to vector<5000x128xf32>
    %add3A = arith.addf %get3A_3, %get3A_8 : vector<5000x128xf32>
    %get3A_9 = arith.constant 0 : index
    %get3A_10 = arith.constant 0 : index
    %get3A_11 = vector.load %arg3[%get3A_9, %get3A_10] : memref<128x128xf32, #tpu.memory_space<vmem>>, vector<128x128xf32>
    %dot_general3A = arith.constant dense<0.000000e+00> : vector<5000x128xf32>
    %dot_general3A_12 = tpu.matmul %add3A, %get3A_11, %dot_general3A {dimension_numbers = #tpu.dot_dimension_numbers<[1], [1], [0], [0], [0, 0, 1, 0], [], []>, transpose_lhs_hint = false} : vector<5000x128xf32>, vector<128x128xf32>, vector<5000x128xf32> -> vector<5000x128xf32>
    %get3A_13 = arith.constant 0 : index
    %get3A_14 = arith.constant 0 : index
    %get3A_15 = vector.load %arg4[%get3A_13, %get3A_14] : memref<1x128xf32, #tpu.memory_space<vmem>>, vector<1x128xf32>
    %add3A_16 = vector.broadcast %get3A_15 : vector<1x128xf32> to vector<5000x128xf32>
    %add3A_17 = arith.addf %dot_general3A_12, %add3A_16 : vector<5000x128xf32>
    %max3A = arith.constant 0.000000e+00 : f32
    %max3A_18 = vector.broadcast %max3A : f32 to vector<5000x128xf32>
    %max3A_19 = arith.maximumf %add3A_17, %max3A_18 : vector<5000x128xf32>
    %get3A_20 = arith.constant 0 : index
    %get3A_21 = arith.constant 0 : index
    %get3A_22 = vector.load %arg2[%get3A_20, %get3A_21] : memref<5000x128xf32, #tpu.memory_space<vmem>>, vector<5000x128xf32>
    %add3A_23 = arith.addf %max3A_19, %get3A_22 : vector<5000x128xf32>
    %reduce_sum3A = arith.constant dense<0.000000e+00> : vector<5000xf32>
    %reduce_sum3A_24 = vector.multi_reduction <add>, %add3A_23, %reduce_sum3A [1] : vector<5000x128xf32> to vector<5000xf32>
    %broadcast_in_dim3A = vector.shape_cast %reduce_sum3A_24 : vector<5000xf32> to vector<5000x1xf32>
    %div3A = arith.constant 1.280000e+02 : f32
    %div3A_25 = vector.broadcast %div3A : f32 to vector<5000x1xf32>
    %div3A_26 = arith.divf %broadcast_in_dim3A, %div3A_25 : vector<5000x1xf32>
    %sub3A = vector.broadcast %div3A_26 : vector<5000x1xf32> to vector<5000x128xf32>
    %sub3A_27 = arith.subf %add3A_23, %sub3A : vector<5000x128xf32>
    %integer_pow3A = arith.mulf %sub3A_27, %sub3A_27 : vector<5000x128xf32>
    %reduce_sum3A_28 = arith.constant dense<0.000000e+00> : vector<5000xf32>
    %reduce_sum3A_29 = vector.multi_reduction <add>, %integer_pow3A, %reduce_sum3A_28 [1] : vector<5000x128xf32> to vector<5000xf32>
    %broadcast_in_dim3A_30 = vector.shape_cast %reduce_sum3A_29 : vector<5000xf32> to vector<5000x1xf32>
    %div3A_31 = arith.constant 1.280000e+02 : f32
    %div3A_32 = vector.broadcast %div3A_31 : f32 to vector<5000x1xf32>
    %div3A_33 = arith.divf %broadcast_in_dim3A_30, %div3A_32 : vector<5000x1xf32>
    %sub3A_34 = vector.broadcast %div3A_26 : vector<5000x1xf32> to vector<5000x128xf32>
    %sub3A_35 = arith.subf %add3A_23, %sub3A_34 : vector<5000x128xf32>
    %add3A_36 = arith.constant 9.99999974E-6 : f32
    %add3A_37 = vector.broadcast %add3A_36 : f32 to vector<5000x1xf32>
    %add3A_38 = arith.addf %div3A_33, %add3A_37 : vector<5000x1xf32>
    %rsqrt3A = math.rsqrt %add3A_38 : vector<5000x1xf32>
    %mul3A = vector.broadcast %rsqrt3A : vector<5000x1xf32> to vector<5000x128xf32>
    %mul3A_39 = arith.mulf %sub3A_35, %mul3A : vector<5000x128xf32>
    %get3A_40 = arith.constant 0 : index
    %get3A_41 = arith.constant 0 : index
    %get3A_42 = vector.load %arg5[%get3A_40, %get3A_41] : memref<1x128xf32, #tpu.memory_space<vmem>>, vector<1x128xf32>
    %mul3A_43 = vector.broadcast %get3A_42 : vector<1x128xf32> to vector<5000x128xf32>
    %mul3A_44 = arith.mulf %mul3A_39, %mul3A_43 : vector<5000x128xf32>
    %get3A_45 = arith.constant 0 : index
    %get3A_46 = arith.constant 0 : index
    %get3A_47 = vector.load %arg6[%get3A_45, %get3A_46] : memref<1x128xf32, #tpu.memory_space<vmem>>, vector<1x128xf32>
    %add3A_48 = vector.broadcast %get3A_47 : vector<1x128xf32> to vector<5000x128xf32>
    %add3A_49 = arith.addf %mul3A_44, %add3A_48 : vector<5000x128xf32>
    %swap3A = arith.constant 0 : index
    %swap3A_50 = arith.constant 0 : index
    %swap3A_51 = vector.load %arg7[%swap3A, %swap3A_50] : memref<5000x128xf32, #tpu.memory_space<vmem>>, vector<5000x128xf32>
    tpu.vector_store %arg7[%swap3A, %swap3A_50], %add3A_49 {strides = array<i32>} : memref<5000x128xf32, #tpu.memory_space<vmem>>, vector<5000x128xf32>,
    return
  }
  func.func @transform_0(%arg0: i32) -> (i32, i32, i32) {
    %c0_i32 = arith.constant 0 : i32
    %c0_i32_0 = arith.constant 0 : i32
    %c0_i32_1 = arith.constant 0 : i32
    return %c0_i32, %arg0, %c0_i32_0 : i32, i32, i32
  }
  func.func @transform_1(%arg0: i32) -> (i32, i32) {
    %c0_i32 = arith.constant 0 : i32
    %c0_i32_0 = arith.constant 0 : i32
    return %arg0, %c0_i32 : i32, i32
  }
  func.func @transform_2(%arg0: i32) -> (i32, i32) {
    %c0_i32 = arith.constant 0 : i32
    %c0_i32_0 = arith.constant 0 : i32
    %c0_i32_1 = arith.constant 0 : i32
    return %c0_i32, %c0_i32_0 : i32, i32
  }
  func.func @transform_3(%arg0: i32) -> (i32, i32) {
    %c0_i32 = arith.constant 0 : i32
    %c0_i32_0 = arith.constant 0 : i32
    %c0_i32_1 = arith.constant 0 : i32
    return %c0_i32, %c0_i32_0 : i32, i32
  }
  func.func @transform_4(%arg0: i32) -> (i32, i32) {
    %c0_i32 = arith.constant 0 : i32
    %c0_i32_0 = arith.constant 0 : i32
    %c0_i32_1 = arith.constant 0 : i32
    return %c0_i32, %c0_i32_0 : i32, i32
  }
  func.func @transform_5(%arg0: i32) -> (i32, i32) {
    %c0_i32 = arith.constant 0 : i32
    %c0_i32_0 = arith.constant 0 : i32
    %c0_i32_1 = arith.constant 0 : i32
    return %c0_i32, %c0_i32_0 : i32, i32
  }
  func.func @transform_6(%arg0: i32) -> (i32, i32) {
    %c0_i32 = arith.constant 0 : i32
    %c0_i32_0 = arith.constant 0 : i32
    return %arg0, %c0_i32 : i32, i32
  }
}

</mosaic_0001>

<sc_bundles>
// kernel: kernel.4.cloned.1.call-start
scs
__scs_entry_jumppad:
0x0: {  	(pc) =	sbr.rel $0x88, $3  }
0x1: {  	(tag) =	ssettag $0x0;
	lr =	simm.s32 $0x1  }
0x2: {  	[smem:$0x3F9B] =	sst lr;
	_ =	strace $0xD0000000  }
0x3: {  	_ = 	snop  }
0x4: {  	_ = 	snop  }
0x5: {  	_ = 	snop  }
0x6: {  	_ = 	snop  }
0x7: {  	_ = 	snop  }
__scs_overlays_trampoline_lowered:
0x8: {  	[smem:$0x3FAA] =	sst s0  }
0x9: {  	[smem:$0x3FAB] =	sst s1  }
0xa: {  	[smem:$0x3FAC] =	sst s2  }
0xb: {  	[smem:$0x3FAD] =	sst s3  }
0xc: {  	[smem:$0x3FAE] =	sst s4  }
0xd: {  	[smem:$0x3FAF] =	sst s5  }
0xe: {  	[smem:$0x3FB0] =	sst s6  }
0xf: {  	[smem:$0x3FB1] =	sst s7  }
0x10: {  	[smem:$0x3FB2] =	sst s8  }
0x11: {  	[smem:$0x3FB3] =	sst s9;
	s0 =	simm.s32 @!p0 $0x0  }
0x12: {  	s1 =	sld [smem:$0x3F99];
	s0 =	simm.s32 @p0 $0x1  }
0x13: {  	[smem:$0x3FB4] =	sst s0;
	s0 =	simm.s32 @!p1 $0x0  }
0x14: {  	s2 =	sld [smem:$0x3F98];
	s0 =	simm.s32 @p1 $0x1  }
0x15: {  	[smem:$0x3FB5] =	sst s0;
	s0 =	simm.s32 @!p2 $0x0  }
0x16: {  	s3 =	sld [smem:$0x3FDB];
	s0 =	simm.s32 @p2 $0x1  }
0x17: {  	s4 =	simm.s32 $0x1BF5;
	[smem:$0x3FB7] =	sst s0  }
0x18: {  	s0 =	sld [smem:$0x3F9A];
	_ =	swait.ge [sflag:s4], $0x0  }
0x19: {  	s7 =	sld [smem:$0x3F9B]  }
0x1a: {  	s8 =	sadd.s32 $0xFFFFE003, lr  }
0x1b: {  	s9 =	sadd.s32 $0xFFFFFEF7, lr;
	s5 =	simm.s32 $0xFFFFFFFF;
	p2 =	slt.u32 s8, $0xFFFFF086  }
0x1c: {  	p1 =	slt.u32 s9, $0xF7A;
	s5 =	simm.s32 @!p2 $0x0  }
0x1d: {  	s5 =	simm.s32 @p1 $0x1;
	p0 =	seq.s32 s7, s2  }
0x1e: {  	s7 =	smul.u32 @!p0 $0xF7A, s2;
	p2 =	seq.s32 @!p0 s5, $0x0  }
0x1f: {  	s9 =	smul.u32 $0xF7A, s1;
	s8 =	simm.s32 @!p0 $0x1BF5;
	p2 =	por !p2, p0  }
0x20: {  	[sflag:s8] =	ssyncset.s32 @!p0 $0xFFFFF086;
	s6 =	sadd.s32 @!p0 s3, s7;
	s7 =	simm.s32 @!p0 $0x108  }
0x21: {  	s3 =	sadd.s32 s3, s9;
	s6 =	sadd.s32 @!p0 $0x88, s6;
	s7 =	simm.s32 @p2 $0x1082  }
0x22: {  	[simem:s7], [sflag:s8] =	dma.local @!p0 [hbm:s6], $0xF7A  }
0x23: {  	s9 =	sor.u32 $0xD0000000, s2;
	s6 =	simm.s32 $0x108;
	_ =	swait.ge @!p0 [sflag:s8], $0x0  }
0x24: {  	s3 =	sadd.s32 $0x88, s3;
	s6 =	simm.s32 @!p1 $0x1082;
	[sflag:s4] =	ssyncset.s32 $0xFFFFF086  }
0x25: {  	[simem:s6], [sflag:s4] =	dma.local [hbm:s3], $0xF7A  }
0x26: {  	[smem:$0x3F9B] =	sst s1;
	(tag) =	ssettag s2;
	_ =	strace s9  }
0x27: {  	s1 =	sld [smem:$0x3FAB]  }
0x28: {  	s2 =	sld [smem:$0x3FAC]  }
0x29: {  	s4 =	sld [smem:$0x3FAE]  }
0x2a: {  	p0 =	seq.s32 s5, $0x0;
	s5 =	sld [smem:$0x3FAF]  }
0x2b: {  	s6 =	sld [smem:$0x3FB0]  }
0x2c: {  	s7 =	sld [smem:$0x3FB1]  }
0x2d: {  	s3 =	simm.s32 $0x108;
	s8 =	sld [smem:$0x3FB2]  }
0x2e: {  	s3 =	simm.s32 @!p0 $0x1082;
	s9 =	sld [smem:$0x3FB3]  }
0x2f: {  	lr =	sadd.s32 s0, s3;
	s0 =	sld [smem:$0x3FAA]  }
0x30: {  	s3 =	sld [smem:$0x3FAD]  }
0x31: {  	[smem:$0x3FB6] =	sst s10  }
0x32: {  	s10 =	sld [smem:$0x3FB4];
	_ =	sdelay $0x3  }
0x33: {  	p0 =	seq.s32 s10, $0x1;
	s10 =	sld [smem:$0x3FB6];
	_ =	sdelay $0x3  }
0x34: {  	[smem:$0x3FB6] =	sst s10  }
0x35: {  	s10 =	sld [smem:$0x3FB5];
	_ =	sdelay $0x3  }
0x36: {  	p1 =	seq.s32 s10, $0x1;
	s10 =	sld [smem:$0x3FB6];
	_ =	sdelay $0x3  }
0x37: {  	[smem:$0x3FB6] =	sst s10  }
0x38: {  	s10 =	sld [smem:$0x3FB7]  }
0x39: {  	_ = 	snop;
	(pc) =	sbr.ind lr, $3  }
0x3a: {  	_ = 	snop  }
0x3b: {  	_ = 	snop  }
0x3c: {  	p2 =	seq.s32 s10, $0x1;
	s10 =	sld [smem:$0x3FB6]  }
0x3d: {  	_ =	shalt  }
0x3e: {  	_ =	shalt  }
0x3f: {  	_ =	shalt  }
0x40: {  	_ =	shalt  }
0x41: {  	_ =	shalt  }
0x42: {  	_ =	shalt  }
0x43: {  	_ =	shalt  }
0x44: {  	_ =	shalt  }
0x45: {  	_ =	shalt  }
0x46: {  	_ =	shalt  }
0x47: {  	_ =	shalt  }
0x48: {  	_ =	shalt  }
0x49: {  	_ =	shalt  }
0x4a: {  	_ =	shalt  }
0x4b: {  	_ =	shalt  }
0x4c: {  	_ =	shalt  }
0x4d: {  	_ =	shalt  }
0x4e: {  	_ =	shalt  }
0x4f: {  	_ =	shalt  }
0x50: {  	_ =	shalt  }
0x51: {  	_ =	shalt  }
0x52: {  	_ =	shalt  }
0x53: {  	_ =	shalt  }
0x54: {  	_ =	shalt  }
0x55: {  	_ =	shalt  }
0x56: {  	_ =	shalt  }
0x57: {  	_ =	shalt  }
0x58: {  	_ =	shalt  }
0x59: {  	_ =	shalt  }
0x5a: {  	_ =	shalt  }
0x5b: {  	_ =	shalt  }
0x5c: {  	_ =	shalt  }
0x5d: {  	_ =	shalt  }
0x5e: {  	_ =	shalt  }
0x5f: {  	_ =	shalt  }
0x60: {  	_ =	shalt  }
0x61: {  	_ =	shalt  }
0x62: {  	_ =	shalt  }
0x63: {  	_ =	shalt  }
0x64: {  	_ =	shalt  }
0x65: {  	_ =	shalt  }
0x66: {  	_ =	shalt  }
0x67: {  	_ =	shalt  }
0x68: {  	_ =	shalt  }
0x69: {  	_ =	shalt  }
0x6a: {  	_ =	shalt  }
0x6b: {  	_ =	shalt  }
0x6c: {  	_ =	shalt  }
0x6d: {  	_ =	shalt  }
0x6e: {  	_ =	shalt  }
0x6f: {  	_ =	shalt  }
0x70: {  	_ =	shalt  }
0x71: {  	_ =	shalt  }
0x72: {  	_ =	shalt  }
0x73: {  	_ =	shalt  }
0x74: {  	_ =	shalt  }
0x75: {  	_ =	shalt  }
0x76: {  	_ =	shalt  }
0x77: {  	_ =	shalt  }
0x78: {  	_ =	shalt  }
0x79: {  	_ =	shalt  }
0x7a: {  	_ =	shalt  }
0x7b: {  	_ =	shalt  }
0x7c: {  	_ =	shalt  }
0x7d: {  	_ =	shalt  }
0x7e: {  	_ =	shalt  }
0x7f: {  	_ =	shalt  }
0x80: {  	_ =	shalt  }
0x81: {  	_ =	shalt  }
0x82: {  	_ =	shalt  }
0x83: {  	_ =	shalt  }
0x84: {  	_ =	shalt  }
0x85: {  	_ =	shalt  }
0x86: {  	_ =	shalt  }
0x87: {  	_ =	shalt  }
.Lfunc_end0:
.L_simem_size_0:
called_computation_lowered:
.L_overlay_start_0:
0x88: {  	s2 =	sld [smem:$0x3FD9]  }
0x89: {  	s3 =	sld [smem:$0x3FFE];
	_ =	sdelay $0x1  }
0x8a: {  	s1 =	srdreg.scid  }
0x8b: {  	s0 =	sand.u32 $0x1, s1  }
0x8c: {  	s17 =	sshll.u32 s0, $0xA;
	s2 =	sadd.s32 s3, s2  }
0x8d: {  	s2 =	sadd.s32 s2, s17  }
0x8e: {  	[smem:$0x3FC2] =	sst s2  }
0x8f: {  	_ = 	snop  }
0x90: {  	s2 =	sld [smem:$0x3FC9]  }
0x91: {  	s18 =	sld [smem:$0x3FD0];
	(tm) =	ssettm $0x1  }
0x92: {  	s4 =	sld [smem:$0x3FFB];
	_ =	sdelay $0x3  }
0x93: {  	_ =	strace s4  }
0x94: {  	s4 =	sld [smem:$0x3FFC];
	_ =	sdelay $0x3  }
0x95: {  	_ =	strace s4  }
0x96: {  	s4 =	sld [smem:$0x3FFD];
	_ =	sdelay $0x3  }
0x97: {  	_ =	strace s4  }
0x98: {  	_ =	strace $0x8FFFFFFF  }
0x99: {  	s19 =	sld [smem:$0x3FDB];
	_ =	sdelay $0x1  }
0x9a: {  	s5 =	simm.s32 $_scs_section_size  }
0x9b: {  	s6 =	simm.s32 $_size__tile_overlayer_lowered;
	s7 =	simm.s32 $_tile_overlayer_lowered  }
0x9c: {  	s22 =	simm.s32 $0x1BFF;
	s21 =	sshll.u32 s7, $0x1;
	s4 =	sadd.s32 s5, s19  }
0x9d: {  	s8 =	simm.s32 $0x0;
	s20 =	sshll.u32 s6, $0x1;
	s6 =	sadd.s32 s21, s4  }
0x9e: {  	[timem:s8], [sflag:s22] =	dma.local [hbm:s6], s20  }
0x9f: {  	_ =	swait.ge [sflag:s22], s20  }
0xa0: {  	s5 =	ssub.s32 $0x0, s20;
	[sflag:s22] =	ssyncset.done $0x0  }
0xa1: {  	[sflag:s22] =	ssyncadd.s32 s5;
	_ =	sdelay $0x1  }
0xa2: {  	s23 =	simm.s32 $0x1B8B  }
0xa3: {  	_ =	swait.ge [sflag:s23], $0x1  }
0xa4: {  	[sflag:s23] =	ssyncset.done $0x0  }
0xa5: {  	s25 =	simm.s32 $0x1B8E;
	s24 =	sld [smem:$0x3FFE];
	[sflag:s23] =	ssyncadd.s32 $0xFFFFFFFF  }
0xa6: {  	s26 =	simm.s32 $execute0_lowered;
	[smem:$0x3FD2] =	sst s25  }
0xa7: {  	s6 =	sshll.u32 s26, $0x1;
	_ =	strace $0x80000046;
	[dreg:$0x1] =	wrdreg $0xFFFFFFFF  }
0xa8: {  	s28 =	simm.s32 $_size_execute0_lowered;
	s4 =	sadd.s32 s4, s6;
	[dreg:$0x0] =	wrdreg $0x0  }
0xa9: {  	s6 =	sshll.u32 s28, $0x1;
	[dreg:$0x2] =	wrdreg s4  }
0xaa: {  	[dreg:$0x3] =	wrdreg s6  }
0xab: {  	[dreg:$0x4] =	wrdreg $0xC0  }
0xac: {  	_ =	task [dreg:s8], $0x5FFFF  }
0xad: {  	[dreg:$0x1] =	wrdreg $0xFFFFFFFF  }
0xae: {  	[dreg:$0x0] =	wrdreg $0x60  }
0xaf: {  	[dreg:$0x2] =	wrdreg s2  }
0xb0: {  	[dreg:$0x3] =	wrdreg s18  }
0xb1: {  	[dreg:$0x4] =	wrdreg s24  }
0xb2: {  	[dreg:$0x5] =	wrdreg $0x98000  }
0xb3: {  	[dreg:$0x6] =	wrdreg $0x9  }
0xb4: {  	_ =	task.clear_ibuf [dreg:s8], $0x7FFFF;
	_ =	strace $0x90000046  }
0xb5: {  	s29 =	simm.s32 $0x9;
	_ =	strace $0x80000048  }
0xb6: {  	_ =	swait.ge [sflag:s29], $0x1  }
0xb7: {  	[sflag:s29] =	ssyncadd.s32 $0xFFFFFFFF  }
0xb8: {  	_ =	strace $0x90000048  }
0xb9: {  	_ =	sfence  }
0xba: {  	s30 =	sld [smem:$0x0];
	_ =	sdelay $0x2  }
0xbb: {  	s31 =	sshll.u32 s1, $0xD;
	s1 =	sshrl.u32 s1, $0x2  }
0xbc: {  	s3 =	sand.u32 $0x4000, s31;
	s1 =	sadd.s32 s1, s30  }
0xbd: {  	s0 =	sor.u32 s3, s0;
	s1 =	sshll.u32 s1, $0x11  }
0xbe: {  	s0 =	sor.u32 s1, s0  }
0xbf: {  	s0 =	sadd.s32 $0x8F2B, s0  }
0xc0: {  	[sflag:s0] =	ssyncadd.remote.s32 $0x1  }
0xc1: {  	_ =	sfence.sel $0xFFFF  }
0xc2: {  	[dreg:$0x0] =	wrdreg $0xFFFFFFFF;
	(pc) =	sbr.abs _section_cstart, $3  }
0xc3: {  	[dreg:$0x1] =	wrdreg $0xFFFFFFFF  }
0xc4: {  	_ =	task.clear_ibuf [dreg:s8], $0x2FFFF;
	_ =	strace $0x9FFFFFFF  }
0xc5: {  	(tm) =	ssettm $0x7FFFFFFF  }
tec
execute0_lowered:
.L_overlay_start_1:
0x0: {  	(tag) =	ssettag $0x1  }
0x1: {  	s1 =	rddreg [dreg:$0x0]  }
0x2: {  	s11 =	rddreg [dreg:$0x1]  }
0x3: {  	s0 =	rddreg [dreg:$0x2]  }
0x4: {  	s2 =	srdreg.scid;
	s10 =	stileid.u32  }
0x5: {  	s4 =	rddreg [dreg:$0x3];
	s5 =	simm.s32 $0x0;
	s29 =	simm.s32 $0x3  }
0x6: {  	s30 =	simm.s32 $0x5800;
	s31 =	simm.s32 $0x7;
	s7 =	smul.u32 $0x4E000, s10  }
0x7: {  	s2 =	sand.u32 $0x1, s2;
	s3 =	sshll.u32 s10, $0x1;
	s28 =	smul.u32 $0x13800, s10  }
0x8: {  	[smem:$0x7FF] =	sst s5;
	s0 =	sadd.s32 $0x1600, s0;
	s13 =	smul.u32 $0x4E20, s10  }
0x9: {  	s3 =	sor.u32 s2, s3;
	s6 =	ssub.s32 $0x2, s2;
	s9 =	smul.u32 $0x138800, s2  }
0xa: {  	_ =	strace $0x80000047;
	s2 =	smul.u32 $0x2710, s2;
	s8 =	sshrl.u32 s6, $0x1  }
0xb: {  	s3 =	smul.u32 $0x2710, s3;
	s7 =	sshrl.u32 s7, $0x2;
	s6 =	ssub.s32 s6, s8  }
0xc: {  	s8 =	sadd.s32 s28, s9;
	s9 =	sshrl.u32 s9, $0x3;
	s15 =	sadd.s32 s7, s4  }
0xd: {  	s14 =	sshrl.u32 s8, $0x3;
	s18 =	smax.u32 s6, $0x1;
	[dreg:$0x6] =	wrdreg s15  }
0xe: {  	s16 =	sadd.s32 s0, s9;
	s0 =	sadd.s32 s0, s14;
	[dreg:$0x9] =	wrdreg s18  }
0xf: {  	s3 =	sshrl.u32 s3, $0x3;
	s17 =	sadd.s32 $0x27000, s16;
	[dreg:$0x7] =	wrdreg s0  }
0x10: {  	p0 =	sne.s32 s10, $0xF;
	s12 =	sadd.s32 s11, s3;
	[dreg:$0x8] =	wrdreg s17  }
0x11: {  	s0 =	sadd.s32 s2, s13;
	s10 =	sadd.s32 $0xA, s12;
	[dreg:$0x5] =	wrdreg s12  }
0x12: {  	s19 =	sadd.s32 $0x190, s0;
	s20 =	sadd.s32 $0x4E390, s0;
	s21 =	sadd.s32 $0x1E0, s0  }
0x13: {  	s24 =	sadd.s32 $0x4E3E0, s0;
	s25 =	sadd.s32 $0x230, s0;
	s26 =	sadd.s32 $0x4E430, s0  }
0x14: {  	s6 =	sadd.s32 $0x280, s0;
	s7 =	sadd.s32 $0x4E480, s0;
	s8 =	sadd.s32 $0x2D0, s0  }
0x15: {  	s14 =	sadd.s32 $0x4E4D0, s0;
	s16 =	sadd.s32 $0x320, s0;
	s17 =	sadd.s32 $0x4E520, s0  }
0x16: {  	[smem:$0x7ED] =	sst s10;
	s10 =	simm.s32 $0xB;
	s2 =	sshrl.u32 s19, $0x3  }
0x17: {  	s3 =	sshrl.u32 s20, $0x3;
	s23 =	sshrl.u32 s21, $0x3;
	s13 =	sshrl.u32 s8, $0x3  }
0x18: {  	s19 =	sshrl.u32 s17, $0x3;
	s20 =	sadd.s32 $0x370, s0;
	s2 =	sadd.s32 s2, s11  }
0x19: {  	s21 =	sadd.s32 $0x4E570, s0;
	s22 =	sadd.s32 s3, s11;
	[dreg:$0xa] =	wrdreg s2  }
0x1a: {  	s3 =	sshrl.u32 s25, $0x3;
	s25 =	sadd.s32 $0x4E5C0, s0;
	[dreg:$0xb] =	wrdreg s22  }
0x1b: {  	s2 =	sadd.s32 s23, s11;
	s28 =	sadd.s32 s3, s11;
	s3 =	sshrl.u32 s26, $0x3  }
0x1c: {  	s22 =	sadd.s32 $0x3C0, s0;
	s26 =	sadd.s32 $0x410, s0;
	[dreg:$0xc] =	wrdreg s2  }
0x1d: {  	s2 =	sshrl.u32 s24, $0x3;
	[dreg:$0xe] =	wrdreg s28;
	s28 =	sadd.s32 $0x4E610, s0  }
0x1e: {  	s24 =	sshrl.u32 s22, $0x3;
	s2 =	sadd.s32 s2, s11;
	s8 =	sshrl.u32 s28, $0x3  }
0x1f: {  	[dreg:$0xd] =	wrdreg s2;
	s2 =	sadd.s32 s3, s11;
	s3 =	sshrl.u32 s7, $0x3  }
0x20: {  	[dreg:$0xf] =	wrdreg s2;
	s2 =	sshrl.u32 s6, $0x3;
	s9 =	sadd.s32 s3, s11  }
0x21: {  	s3 =	sshrl.u32 s16, $0x3;
	s6 =	sadd.s32 $0x4B0, s0;
	[dreg:$0x11] =	wrdreg s9  }
0x22: {  	s2 =	sadd.s32 s2, s11;
	s18 =	sadd.s32 s3, s11;
	[smem:$0x7E8] =	sst s6  }
0x23: {  	s3 =	sshrl.u32 s21, $0x3;
	s9 =	sadd.s32 $0x460, s0;
	[dreg:$0x10] =	wrdreg s2  }
0x24: {  	s6 =	simm.s32 $0x500;
	s2 =	sadd.s32 s13, s11;
	[dreg:$0x14] =	wrdreg s18  }
0x25: {  	s23 =	sadd.s32 s3, s11;
	s3 =	sshrl.u32 s26, $0x3;
	s13 =	sadd.s32 $0x4E660, s0  }
0x26: {  	s18 =	sadd.s32 $0x500, s0;
	[dreg:$0x12] =	wrdreg s2;
	s2 =	sshrl.u32 s14, $0x3  }
0x27: {  	[dreg:$0x17] =	wrdreg s23;
	s7 =	sadd.s32 s3, s11;
	s3 =	sshrl.u32 s13, $0x3  }
0x28: {  	s14 =	sadd.s32 $0x4E6B0, s0;
	s23 =	sadd.s32 $0x4E750, s0;
	s13 =	sadd.s32 $0x14, s12  }
0x29: {  	s2 =	sadd.s32 s2, s11;
	[dreg:$0x1a] =	wrdreg s7;
	s16 =	sadd.s32 s3, s11  }
0x2a: {  	s17 =	sshrl.u32 s14, $0x3;
	s7 =	sadd.s32 $0xF0, s0;
	[smem:$0x7EF] =	sst s13  }
0x2b: {  	s14 =	sadd.s32 $0x9C54, s12;
	s13 =	simm.s32 $0x50;
	[dreg:$0x13] =	wrdreg s2  }
0x2c: {  	s2 =	sadd.s32 s19, s11;
	[dreg:$0x1d] =	wrdreg s16;
	s19 =	sadd.s32 $0x4E700, s0  }
0x2d: {  	[smem:$0x7F0] =	sst s14;
	s16 =	sadd.s32 $0x1800, s15;
	s14 =	simm.s32 $0x800  }
0x2e: {  	[dreg:$0x15] =	wrdreg s2;
	s2 =	sshrl.u32 s20, $0x3;
	s3 =	sshrl.u32 s19, $0x3  }
0x2f: {  	s20 =	sadd.s32 $0x550, s0;
	[smem:$0x7F1] =	sst s16;
	s19 =	sadd.s32 $0x6000, s15  }
0x30: {  	s16 =	sadd.s32 $0x138000, s4;
	s2 =	sadd.s32 s2, s11;
	[smem:$0x7F4] =	sst s19  }
0x31: {  	s21 =	sadd.s32 s3, s11;
	s22 =	sshrl.u32 s20, $0x3;
	[smem:$0x7FD] =	sst s16  }
0x32: {  	s20 =	sadd.s32 $0x7800, s15;
	s19 =	simm.s32 $0x1;
	[dreg:$0x16] =	wrdreg s2  }
0x33: {  	s2 =	sadd.s32 s24, s11;
	[smem:$0x7E4] =	sst s21;
	s24 =	sadd.s32 $0x140, s0  }
0x34: {  	[smem:$0x7F5] =	sst s20;
	s21 =	sadd.s32 $0x9000, s15;
	s20 =	simm.s32 $0x9  }
0x35: {  	[dreg:$0x18] =	wrdreg s2;
	s2 =	sshrl.u32 s25, $0x3;
	s3 =	sshrl.u32 s24, $0x3  }
0x36: {  	s25 =	sadd.s32 $0x4E340, s0;
	[smem:$0x7F6] =	sst s21;
	s24 =	sadd.s32 $0xD800, s15  }
0x37: {  	s0 =	sadd.s32 $0x4E2F0, s0;
	s2 =	sadd.s32 s2, s11;
	[smem:$0x7F9] =	sst s24  }
0x38: {  	s21 =	simm.s32 $0x180;
	s26 =	sadd.s32 s3, s11;
	[dreg:$0x19] =	wrdreg s2  }
0x39: {  	s28 =	sshrl.u32 s25, $0x3;
	s25 =	sadd.s32 $0xF000, s15;
	[smem:$0x7E7] =	sst s26  }
0x3a: {  	s0 =	sshrl.u32 s0, $0x3;
	s2 =	sadd.s32 s8, s11;
	[smem:$0x7FA] =	sst s25  }
0x3b: {  	s3 =	simm.s32 $0x4;
	s0 =	sadd.s32 s0, s11;
	[dreg:$0x1b] =	wrdreg s2  }
0x3c: {  	s8 =	sshrl.u32 s7, $0x3;
	s26 =	sadd.s32 $0x10800, s15;
	[smem:$0x7EB] =	sst s0  }
0x3d: {  	s2 =	sshrl.u32 s9, $0x3;
	s9 =	sadd.s32 $0x9C40, s12;
	[smem:$0x7FB] =	sst s26  }
0x3e: {  	s25 =	simm.s32 $0x6;
	s2 =	sadd.s32 s2, s11;
	[smem:$0x7EC] =	sst s9  }
0x3f: {  	s7 =	simm.s32 $0x0;
	[dreg:$0x1c] =	wrdreg s2;
	s2 =	sadd.s32 s17, s11  }
0x40: {  	s26 =	simm.s32 $0x600;
	s17 =	sadd.s32 $0x3000, s15;
	[dreg:$0x1e] =	wrdreg s2  }
0x41: {  	s2 =	sshrl.u32 s18, $0x3;
	[smem:$0x7F2] =	sst s17;
	s18 =	sadd.s32 $0x4800, s15  }
0x42: {  	s0 =	simm.s32 $0x8;
	s2 =	sadd.s32 s2, s11;
	[smem:$0x7F3] =	sst s18  }
0x43: {  	s9 =	simm.s32 $0x5;
	[dreg:$0x1f] =	wrdreg s2;
	s2 =	sadd.s32 s22, s11  }
0x44: {  	s17 =	simm.s32 $0x80;
	s22 =	sadd.s32 $0xA800, s15;
	[smem:$0x7E5] =	sst s2  }
0x45: {  	s2 =	sshrl.u32 s23, $0x3;
	[smem:$0x7F7] =	sst s22;
	s23 =	sadd.s32 $0xC000, s15  }
0x46: {  	s18 =	simm.s32 $0x100;
	s2 =	sadd.s32 s2, s11;
	[smem:$0x7F8] =	sst s23  }
.Ltmp0:
0x47: {  	[smem:$0x7E6] =	sst s2;
	s2 =	sadd.s32 s28, s11;
	(pc) =	sbr.rel .LBB2_1-.Ltmp0, $4  }
0x48: {  	s22 =	simm.s32 $0x200;
	s28 =	sadd.s32 $0x12000, s15;
	[smem:$0x7E9] =	sst s2  }
0x49: {  	s23 =	simm.s32 $0x2;
	s2 =	sadd.s32 s8, s11;
	[smem:$0x7FC] =	sst s28  }
0x4a: {  	s11 =	sadd.s32 $0x9C4A, s12;
	s12 =	simm.s32 $0x480;
	[smem:$0x7EA] =	sst s2  }
0x4b: {  	v0 =	vimm.f32 $0.0e+00;
	s8 =	simm.s32 $0xA;
	[smem:$0x7EE] =	sst s11;
	s11 =	simm.s32 $0x400  }
.LBB2_6:
0x4c: {  	_ =	swait.ge [sflag:s31], $0x2800  }
0x4d: {  	[sflag:s31] =	ssyncset.done $0x0  }
0x4e: {  	[sflag:s31] =	ssyncadd.s32 $0xFFFFD800  }
0x4f: {  	[spmem:s4] =	stream.indirect.scatter.add.f32 [tilespmem:s16], [sflag:$0xA], $0x80, s2, s13, $0xb8;
	[tilespmem:$0x1D080] =	vst v63  }
0x50: {  	_ =	swait.ge [sflag:s20], $0x2800  }
0x51: {  	[sflag:s20] =	ssyncset.done $0x0  }
0x52: {  	[sflag:s20] =	ssyncadd.s32 $0xFFFFD800  }
0x53: {  	_ =	swait.ge [sflag:s8], $0x2800  }
0x54: {  	[sflag:s8] =	ssyncset.done $0x0  }
0x55: {  	[sflag:s8] =	ssyncadd.s32 $0xFFFFD800  }
0x56: {  	s22 =	stileid.u32;
	[bflag:$0x0] =	sbarrier.arrive $0xFFFF  }
0x57: {  	s24 =	simm.s32 $0xC;
	s2 =	sshll.u32 s22, $0x6;
	s15 =	rddreg [dreg:$0x6]  }
0x58: {  	s2 =	sor.u32 $0x1C0C, s2;
	s7 =	rddreg [dreg:$0x7];
	s6 =	sshrl.u32 s15, $0x3  }
0x59: {  	[hbm:s7], [sflag:s2] =	dma.local [spmem:s6], $0x2700  }
0x5a: {  	_ =	swait.ge [sflag:s24], $0x2700  }
0x5b: {  	s16 =	sld [smem:$0x7FD];
	_ =	sdelay $0x1  }
0x5c: {  	[sflag:s24] =	ssyncset.done $0x0  }
0x5d: {  	s7 =	rddreg [dreg:$0x8];
	[sflag:s24] =	ssyncadd.s32 $0xFFFFD900;
	s6 =	sshrl.u32 @!p0 s16, $0x3  }
0x5e: {  	[hbm:s7], [sflag:s2] =	dma.local @!p0 [spmem:s6], $0x100  }
0x5f: {  	s2 =	simm.s32 @!p0 $0xC  }
0x60: {  	_ =	swait.ge @!p0 [sflag:s2], $0x100  }
0x61: {  	s26 =	sld [smem:$0x7E3];
	_ =	sdelay $0x2  }
0x62: {  	s28 =	rddreg [dreg:$0x9];
	s7 =	sadd.s32 $0x1, s26  }
0x63: {  	p1 =	sne.s32 s7, s28  }
.Ltmp1:
0x64: {  	_ = 	snop;
	(pc) =	sbr.rel @!p1 .LBB2_7-.Ltmp1, $4  }
0x65: {  	s11 =	simm.s32 $0x400  }
0x66: {  	s17 =	simm.s32 $0x80;
	s12 =	simm.s32 $0x480;
	s18 =	simm.s32 $0x100  }
0x67: {  	s21 =	simm.s32 $0x180;
	s22 =	simm.s32 $0x200;
	[sflag:s2] =	ssyncset.done @!p0 $0x0  }
0x68: {  	s6 =	simm.s32 $0x500;
	[sflag:s2] =	ssyncadd.s32 @!p0 $0xFFFFFF00;
	s26 =	simm.s32 $0x600  }
.LBB2_1:
0x69: {  	[smem:$0x7E3] =	sst s7  }
0x6a: {  	s2 =	rddreg [dreg:$0x5]  }
0x6b: {  	s24 =	sld [smem:$0x7EC]  }
0x6c: {  	[tilespmem:s5], [sflag:$0x1] =	stream.linear.gather [hbm4b:s2+s5], $0x50, $0x38;
	[tilespmem:$0x1D080] =	vst v63  }
0x6d: {  	s28 =	sld [smem:$0x7ED]  }
0x6e: {  	[tilespmem:s11], [sflag:$0x1] =	stream.linear.gather [hbm4b:s24+s5], $0x50, $0x38;
	[tilespmem:$0x1D080] =	vst v63  }
0x6f: {  	s7 =	sld [smem:$0x7EE]  }
0x70: {  	[tilespmem:s17], [sflag:$0x2] =	stream.linear.gather [hbm4b:s28+s5], $0x50, $0x38;
	[tilespmem:$0x1D080] =	vst v63  }
0x71: {  	s24 =	sld [smem:$0x7EF]  }
0x72: {  	[tilespmem:s12], [sflag:$0x2] =	stream.linear.gather [hbm4b:s7+s5], $0x50, $0x38;
	[tilespmem:$0x1D080] =	vst v63  }
0x73: {  	s28 =	sld [smem:$0x7F0]  }
0x74: {  	[tilespmem:s18], [sflag:$0x3] =	stream.linear.gather [hbm4b:s24+s5], $0x50, $0x38;
	[tilespmem:$0x1D080] =	vst v63  }
0x75: {  	_ = 	snop  }
0x76: {  	[tilespmem:s6], [sflag:$0x3] =	stream.linear.gather [hbm4b:s28+s5], $0x50, $0x38;
	[tilespmem:$0x1D080] =	vst v63  }
0x77: {  	s2 =	simm.s32 $0x0;
	s6 =	simm.s32 $0x200  }
.LBB2_2:
0x78: {  	p1 =	sne.s32 s6, $0x5E00;
	[tilespmem:s2+$0x8070] =	vst v0  }
0x79: {  	[tilespmem:s2+$0x8000] =	vst v0  }
0x7a: {  	[tilespmem:s2+$0x8010] =	vst v0  }
.Ltmp2:
0x7b: {  	[tilespmem:s2+$0x8020] =	vst v0;
	(pc) =	sbr.rel @p1 .LBB2_2-.Ltmp2, $4  }
0x7c: {  	[tilespmem:s2+$0x8030] =	vst v0  }
0x7d: {  	[tilespmem:s2+$0x8040] =	vst v0  }
0x7e: {  	[tilespmem:s2+$0x8050] =	vst v0  }
0x7f: {  	[tilespmem:s2+$0x8060] =	vst v0;
	s2 =	sshra.s32 s6, $0x2;
	s6 =	sadd.s32 $0x200, s6  }
0x80: {  	[tilespmem:s2+$0x8070] =	vst v0  }
0x81: {  	[tilespmem:s2+$0x8000] =	vst v0  }
0x82: {  	[tilespmem:s2+$0x8010] =	vst v0  }
0x83: {  	[tilespmem:s2+$0x8020] =	vst v0  }
0x84: {  	[tilespmem:s2+$0x8030] =	vst v0  }
0x85: {  	[tilespmem:s2+$0x8040] =	vst v0  }
0x86: {  	[tilespmem:s2+$0x8050] =	vst v0  }
0x87: {  	[tilespmem:s2+$0x8060] =	vst v0;
	s6 =	simm.s32 $0x8000;
	s24 =	sld [smem:$0x7F1]  }
0x88: {  	[spmem:s15] =	stream.linear.scatter [tilespmem:s6], [sflag:$0x9], $0x1800, $0x38;
	[tilespmem:$0x1D080] =	vst v63  }
0x89: {  	s7 =	sld [smem:$0x7F2]  }
0x8a: {  	[spmem:s24] =	stream.linear.scatter [tilespmem:s6], [sflag:$0x9], $0x1800, $0x38;
	[tilespmem:$0x1D080] =	vst v63  }
0x8b: {  	s15 =	sld [smem:$0x7F3]  }
0x8c: {  	[spmem:s7] =	stream.linear.scatter [tilespmem:s6], [sflag:$0x9], $0x1800, $0x38;
	[tilespmem:$0x1D080] =	vst v63  }
0x8d: {  	s24 =	sld [smem:$0x7F4]  }
0x8e: {  	[spmem:s15] =	stream.linear.scatter [tilespmem:s6], [sflag:$0x9], $0x1800, $0x38;
	[tilespmem:$0x1D080] =	vst v63  }
0x8f: {  	s7 =	sld [smem:$0x7F5]  }
0x90: {  	[spmem:s24] =	stream.linear.scatter [tilespmem:s6], [sflag:$0x9], $0x1800, $0x38;
	[tilespmem:$0x1D080] =	vst v63  }
0x91: {  	s15 =	sld [smem:$0x7F6]  }
0x92: {  	[spmem:s7] =	stream.linear.scatter [tilespmem:s6], [sflag:$0x9], $0x1800, $0x38;
	[tilespmem:$0x1D080] =	vst v63  }
0x93: {  	s24 =	sld [smem:$0x7F7]  }
0x94: {  	[spmem:s15] =	stream.linear.scatter [tilespmem:s6], [sflag:$0x9], $0x1800, $0x38;
	[tilespmem:$0x1D080] =	vst v63  }
0x95: {  	s7 =	sld [smem:$0x7F8]  }
0x96: {  	[spmem:s24] =	stream.linear.scatter [tilespmem:s6], [sflag:$0x9], $0x1800, $0x38;
	[tilespmem:$0x1D080] =	vst v63  }
0x97: {  	s15 =	sld [smem:$0x7F9]  }
0x98: {  	[spmem:s7] =	stream.linear.scatter [tilespmem:s6], [sflag:$0x9], $0x1800, $0x38;
	[tilespmem:$0x1D080] =	vst v63  }
0x99: {  	s24 =	sld [smem:$0x7FA]  }
0x9a: {  	[spmem:s15] =	stream.linear.scatter [tilespmem:s6], [sflag:$0x9], $0x1800, $0x38;
	[tilespmem:$0x1D080] =	vst v63  }
0x9b: {  	s7 =	sld [smem:$0x7FB]  }
0x9c: {  	[spmem:s24] =	stream.linear.scatter [tilespmem:s6], [sflag:$0x9], $0x1800, $0x38;
	[tilespmem:$0x1D080] =	vst v63  }
0x9d: {  	s15 =	sld [smem:$0x7FC]  }
0x9e: {  	[spmem:s7] =	stream.linear.scatter [tilespmem:s6], [sflag:$0x9], $0x1800, $0x38;
	[tilespmem:$0x1D080] =	vst v63  }
0x9f: {  	_ = 	snop  }
0xa0: {  	[spmem:s15] =	stream.linear.scatter [tilespmem:s6], [sflag:$0x9], $0x1800, $0x38;
	[tilespmem:$0x1D080] =	vst v63  }
0xa1: {  	s2 =	simm.s32 @!p0 $0x8000  }
0xa2: {  	[spmem:s16] =	stream.linear.scatter @!p0 [tilespmem:s2], [sflag:$0x9], $0x800, $0x38;
	[tilespmem:$0x1D080] =	vst v63  }
0xa3: {  	s2 =	simm.s32 @!p0 $0x9  }
0xa4: {  	_ =	swait.ge @!p0 [sflag:s2], $0x800  }
0xa5: {  	[sflag:s2] =	ssyncset.done @!p0 $0x0  }
0xa6: {  	[sflag:s2] =	ssyncadd.s32 @!p0 $0xFFFFF800  }
0xa7: {  	_ =	swait.ge [sflag:s19], $0x50  }
0xa8: {  	[sflag:s19] =	ssyncset.done $0x0  }
0xa9: {  	[sflag:s19] =	ssyncadd.s32 $0xFFFFFFB0  }
0xaa: {  	_ =	swait.ge [sflag:s19], $0x50  }
0xab: {  	[sflag:s19] =	ssyncset.done $0x0  }
0xac: {  	s6 =	simm.s32 $0x0;
	[sflag:s19] =	ssyncadd.s32 $0xFFFFFFB0  }
0xad: {  	[tilespmem:s14], [sflag:$0x6] =	stream.indirect.gather [hbm4b:s1+s13], $0x80, s6, s13, $0xb8;
	[tilespmem:$0x1D080] =	vst v63  }
0xae: {  	_ =	swait.ge [sflag:s20], $0x1800  }
0xaf: {  	[sflag:s20] =	ssyncset.done $0x0  }
0xb0: {  	[sflag:s20] =	ssyncadd.s32 $0xFFFFE800  }
0xb1: {  	_ =	swait.ge [sflag:s20], $0x1800  }
0xb2: {  	[sflag:s20] =	ssyncset.done $0x0  }
0xb3: {  	[sflag:s20] =	ssyncadd.s32 $0xFFFFE800  }
0xb4: {  	_ =	swait.ge [sflag:s20], $0x1800  }
0xb5: {  	[sflag:s20] =	ssyncset.done $0x0  }
0xb6: {  	[sflag:s20] =	ssyncadd.s32 $0xFFFFE800  }
0xb7: {  	_ =	swait.ge [sflag:s20], $0x1800  }
0xb8: {  	[sflag:s20] =	ssyncset.done $0x0  }
0xb9: {  	[sflag:s20] =	ssyncadd.s32 $0xFFFFE800  }
0xba: {  	_ =	swait.ge [sflag:s20], $0x1800  }
0xbb: {  	[sflag:s20] =	ssyncset.done $0x0  }
0xbc: {  	[sflag:s20] =	ssyncadd.s32 $0xFFFFE800  }
0xbd: {  	_ =	swait.ge [sflag:s20], $0x1800  }
0xbe: {  	[sflag:s20] =	ssyncset.done $0x0  }
0xbf: {  	[sflag:s20] =	ssyncadd.s32 $0xFFFFE800  }
0xc0: {  	_ =	swait.ge [sflag:s20], $0x1800  }
0xc1: {  	[sflag:s20] =	ssyncset.done $0x0  }
0xc2: {  	[sflag:s20] =	ssyncadd.s32 $0xFFFFE800  }
0xc3: {  	_ =	swait.ge [sflag:s20], $0x1800  }
0xc4: {  	[sflag:s20] =	ssyncset.done $0x0  }
0xc5: {  	[sflag:s20] =	ssyncadd.s32 $0xFFFFE800  }
0xc6: {  	_ =	swait.ge [sflag:s20], $0x1800  }
0xc7: {  	[sflag:s20] =	ssyncset.done $0x0  }
0xc8: {  	[sflag:s20] =	ssyncadd.s32 $0xFFFFE800  }
0xc9: {  	_ =	swait.ge [sflag:s20], $0x1800  }
0xca: {  	[sflag:s20] =	ssyncset.done $0x0  }
0xcb: {  	[sflag:s20] =	ssyncadd.s32 $0xFFFFE800  }
0xcc: {  	_ =	swait.ge [sflag:s20], $0x1800  }
0xcd: {  	[sflag:s20] =	ssyncset.done $0x0  }
0xce: {  	[sflag:s20] =	ssyncadd.s32 $0xFFFFE800  }
0xcf: {  	_ =	swait.ge [sflag:s20], $0x1800  }
0xd0: {  	[sflag:s20] =	ssyncset.done $0x0  }
0xd1: {  	[sflag:s20] =	ssyncadd.s32 $0xFFFFE800  }
0xd2: {  	_ =	swait.ge [sflag:s20], $0x1800  }
0xd3: {  	[sflag:s20] =	ssyncset.done $0x0  }
0xd4: {  	[sflag:s20] =	ssyncadd.s32 $0xFFFFE800  }
0xd5: {  	[bflag:$0x0] =	sbarrier.arrive $0xFFFF  }
0xd6: {  	s24 =	sld [smem:$0x7E8];
	_ =	sdelay $0x1  }
0xd7: {  	s28 =	simm.s32 $0x580;
	s7 =	simm.s32 $0xFFFFFFFE  }
0xd8: {  	s16 =	simm.s32 $0x3000;
	[smem:$0x7E2] =	sst s24;
	s24 =	simm.s32 $0x500  }
.LBB2_4:
0xd9: {  	p1 =	sgt.u32 s7, $0x7C  }
0xda: {  	s15 =	simm.s32 @!p1 $0xA  }
0xdb: {  	_ =	swait.ge @!p1 [sflag:s15], $0x2800  }
0xdc: {  	s2 =	sld [smem:$0x7EA];
	_ =	sdelay $0x1  }
0xdd: {  	[sflag:s15] =	ssyncset.done @!p1 $0x0  }
0xde: {  	[sflag:s15] =	ssyncadd.s32 @!p1 $0xFFFFD800;
	s15 =	sadd.s32 s6, s2;
	s2 =	sld [smem:$0x7EB]  }
0xdf: {  	_ = 	snop  }
0xe0: {  	[tilespmem:s21], [sflag:$0x4] =	stream.linear.gather [hbm4b:s15+s5], $0x50, $0x38;
	[tilespmem:$0x1D080] =	vst v63  }
0xe1: {  	s15 =	sadd.s32 s6, s2  }
0xe2: {  	[tilespmem:s28], [sflag:$0x4] =	stream.linear.gather [hbm4b:s15+s5], $0x50, $0x38;
	[tilespmem:$0x1D080] =	vst v63  }
0xe3: {  	_ =	swait.ge [sflag:s23], $0x50  }
0xe4: {  	[sflag:s23] =	ssyncset.done $0x0  }
0xe5: {  	[sflag:s23] =	ssyncadd.s32 $0xFFFFFFB0  }
0xe6: {  	_ =	swait.ge [sflag:s23], $0x50  }
0xe7: {  	[sflag:s23] =	ssyncset.done $0x0  }
0xe8: {  	[sflag:s23] =	ssyncadd.s32 $0xFFFFFFB0  }
0xe9: {  	[tilespmem:s16], [sflag:$0x7] =	stream.indirect.gather [hbm4b:s1+s13], $0x80, s17, s13, $0xb8;
	[tilespmem:$0x1D080] =	vst v63  }
0xea: {  	s17 =	sadd.s32 $0x1, s7;
	_ =	swait.ge [sflag:s25], $0x2800  }
0xeb: {  	p1 =	sgt.u32 s17, $0x7C;
	[sflag:s25] =	ssyncset.done $0x0  }
0xec: {  	s15 =	simm.s32 @!p1 $0xB;
	[sflag:s25] =	ssyncadd.s32 $0xFFFFD800  }
0xed: {  	[spmem:s4] =	stream.indirect.scatter.add.f32 [tilespmem:s14], [sflag:$0x9], $0x80, s11, s13, $0xb8;
	[tilespmem:$0x1D080] =	vst v63  }
0xee: {  	_ =	swait.ge @!p1 [sflag:s15], $0x2800  }
0xef: {  	s21 =	sld [smem:$0x7E7];
	_ =	sdelay $0x1  }
0xf0: {  	[sflag:s15] =	ssyncset.done @!p1 $0x0  }
0xf1: {  	[sflag:s15] =	ssyncadd.s32 @!p1 $0xFFFFD800;
	s15 =	sadd.s32 s6, s21  }
0xf2: {  	[tilespmem:s22], [sflag:$0x5] =	stream.linear.gather [hbm4b:s15+s5], $0x50, $0x38;
	[tilespmem:$0x1D080] =	vst v63  }
0xf3: {  	s22 =	sld [smem:$0x7E9];
	_ =	sdelay $0x2  }
0xf4: {  	s15 =	sadd.s32 s6, s22  }
0xf5: {  	[tilespmem:s26], [sflag:$0x5] =	stream.linear.gather [hbm4b:s15+s5], $0x50, $0x38;
	[tilespmem:$0x1D080] =	vst v63  }
0xf6: {  	_ =	swait.ge [sflag:s29], $0x50  }
0xf7: {  	[sflag:s29] =	ssyncset.done $0x0  }
0xf8: {  	[sflag:s29] =	ssyncadd.s32 $0xFFFFFFB0  }
0xf9: {  	_ =	swait.ge [sflag:s29], $0x50  }
0xfa: {  	[sflag:s29] =	ssyncset.done $0x0  }
0xfb: {  	[sflag:s29] =	ssyncadd.s32 $0xFFFFFFB0  }
0xfc: {  	[tilespmem:s30], [sflag:$0x8] =	stream.indirect.gather [hbm4b:s1+s13], $0x80, s18, s13, $0xb8;
	[tilespmem:$0x1D080] =	vst v63  }
0xfd: {  	_ =	swait.ge [sflag:s31], $0x2800  }
0xfe: {  	[sflag:s31] =	ssyncset.done $0x0  }
0xff: {  	[sflag:s31] =	ssyncadd.s32 $0xFFFFD800  }
0x100: {  	[spmem:s4] =	stream.indirect.scatter.add.f32 [tilespmem:s16], [sflag:$0xA], $0x80, s12, s13, $0xb8;
	[tilespmem:$0x1D080] =	vst v63  }
0x101: {  	_ =	swait.ge [sflag:s20], $0x2800  }
0x102: {  	p1 =	seq.s32 s6, $0x4B0;
	[sflag:s20] =	ssyncset.done $0x0;
	s15 =	rddreg [dreg:$0xa]  }
0x103: {  	s16 =	simm.s32 @!p1 $0x0;
	[sflag:s20] =	ssyncadd.s32 $0xFFFFD800;
	s15 =	sadd.s32 @!p1 s6, s15  }
0x104: {  	[tilespmem:s16], [sflag:$0x1] =	stream.linear.gather @!p1 [hbm4b:s15+s16], $0x50, $0x38;
	[tilespmem:$0x1D080] =	vst v63  }
0x105: {  	s15 =	rddreg [dreg:$0xb]  }
0x106: {  	s17 =	simm.s32 @!p1 $0x400;
	s15 =	sadd.s32 @!p1 s6, s15  }
0x107: {  	[tilespmem:s17], [sflag:$0x1] =	stream.linear.gather @!p1 [hbm4b:s15+s16], $0x50, $0x38;
	[tilespmem:$0x1D080] =	vst v63  }
0x108: {  	_ =	swait.ge [sflag:s3], $0x50  }
0x109: {  	[sflag:s3] =	ssyncset.done $0x0  }
0x10a: {  	[sflag:s3] =	ssyncadd.s32 $0xFFFFFFB0  }
0x10b: {  	_ =	swait.ge [sflag:s3], $0x50  }
0x10c: {  	[sflag:s3] =	ssyncset.done $0x0  }
0x10d: {  	s26 =	simm.s32 $0x180;
	[sflag:s3] =	ssyncadd.s32 $0xFFFFFFB0  }
0x10e: {  	[tilespmem:s14], [sflag:$0x6] =	stream.indirect.gather [hbm4b:s1+s13], $0x80, s26, s13, $0xb8;
	[tilespmem:$0x1D080] =	vst v63  }
0x10f: {  	_ =	swait.ge [sflag:s0], $0x2800  }
0x110: {  	[sflag:s0] =	ssyncset.done $0x0  }
0x111: {  	[sflag:s0] =	ssyncadd.s32 $0xFFFFD800  }
0x112: {  	[spmem:s4] =	stream.indirect.scatter.add.f32 [tilespmem:s30], [sflag:$0xB], $0x80, s24, s13, $0xb8;
	[tilespmem:$0x1D080] =	vst v63  }
0x113: {  	_ =	swait.ge [sflag:s8], $0x2800  }
0x114: {  	[sflag:s8] =	ssyncset.done $0x0;
	s15 =	rddreg [dreg:$0xc]  }
0x115: {  	s17 =	simm.s32 @!p1 $0x80;
	[sflag:s8] =	ssyncadd.s32 $0xFFFFD800;
	s15 =	sadd.s32 @!p1 s6, s15  }
0x116: {  	[tilespmem:s17], [sflag:$0x2] =	stream.linear.gather @!p1 [hbm4b:s15+s16], $0x50, $0x38;
	[tilespmem:$0x1D080] =	vst v63  }
0x117: {  	s15 =	rddreg [dreg:$0xd]  }
0x118: {  	s17 =	simm.s32 @!p1 $0x480;
	s15 =	sadd.s32 @!p1 s6, s15  }
0x119: {  	[tilespmem:s17], [sflag:$0x2] =	stream.linear.gather @!p1 [hbm4b:s15+s16], $0x50, $0x38;
	[tilespmem:$0x1D080] =	vst v63  }
0x11a: {  	_ =	swait.ge [sflag:s9], $0x50  }
0x11b: {  	[sflag:s9] =	ssyncset.done $0x0  }
0x11c: {  	[sflag:s9] =	ssyncadd.s32 $0xFFFFFFB0  }
0x11d: {  	_ =	swait.ge [sflag:s9], $0x50  }
0x11e: {  	[sflag:s9] =	ssyncset.done $0x0  }
0x11f: {  	s22 =	simm.s32 $0x200;
	s16 =	simm.s32 $0x3000;
	[sflag:s9] =	ssyncadd.s32 $0xFFFFFFB0  }
0x120: {  	[tilespmem:s16], [sflag:$0x7] =	stream.indirect.gather [hbm4b:s1+s13], $0x80, s22, s13, $0xb8;
	[tilespmem:$0x1D080] =	vst v63  }
0x121: {  	_ =	swait.ge [sflag:s25], $0x2800  }
0x122: {  	[sflag:s25] =	ssyncset.done $0x0  }
.Ltmp3:
0x123: {  	[sflag:s25] =	ssyncadd.s32 $0xFFFFD800;
	(pc) =	sbr.rel @p1 .LBB2_6-.Ltmp3, $4  }
0x124: {  	[spmem:s4] =	stream.indirect.scatter.add.f32 [tilespmem:s14], [sflag:$0x9], $0x80, s28, s13, $0xb8;
	[tilespmem:$0x1D080] =	vst v63  }
0x125: {  	s2 =	simm.s32 $0x600;
	s11 =	simm.s32 $0x400;
	_ =	swait.ge [sflag:s10], $0x2800  }
0x126: {  	s21 =	simm.s32 $0x100;
	s18 =	simm.s32 $0x80;
	[sflag:s10] =	ssyncset.done $0x0  }
0x127: {  	s12 =	simm.s32 $0x480;
	s17 =	simm.s32 $0x580;
	[sflag:s10] =	ssyncadd.s32 $0xFFFFD800  }
0x128: {  	s15 =	rddreg [dreg:$0xe]  }
0x129: {  	s14 =	rddreg [dreg:$0xf];
	s15 =	sadd.s32 s6, s15  }
0x12a: {  	[tilespmem:s21], [sflag:$0x3] =	stream.linear.gather [hbm4b:s15+s5], $0x50, $0x38;
	[tilespmem:$0x1D080] =	vst v63  }
0x12b: {  	s15 =	sadd.s32 s6, s14;
	s14 =	simm.s32 $0x500  }
0x12c: {  	[tilespmem:s14], [sflag:$0x3] =	stream.linear.gather [hbm4b:s15+s5], $0x50, $0x38;
	[tilespmem:$0x1D080] =	vst v63  }
0x12d: {  	_ =	swait.ge [sflag:s19], $0x50  }
0x12e: {  	[sflag:s19] =	ssyncset.done $0x0  }
0x12f: {  	[sflag:s19] =	ssyncadd.s32 $0xFFFFFFB0  }
0x130: {  	_ =	swait.ge [sflag:s19], $0x50  }
0x131: {  	[sflag:s19] =	ssyncset.done $0x0  }
0x132: {  	[sflag:s19] =	ssyncadd.s32 $0xFFFFFFB0  }
0x133: {  	[tilespmem:s30], [sflag:$0x8] =	stream.indirect.gather [hbm4b:s1+s13], $0x80, s5, s13, $0xb8;
	[tilespmem:$0x1D080] =	vst v63  }
0x134: {  	_ =	swait.ge [sflag:s31], $0x2800  }
0x135: {  	[sflag:s31] =	ssyncset.done $0x0  }
0x136: {  	[sflag:s31] =	ssyncadd.s32 $0xFFFFD800  }
0x137: {  	[spmem:s4] =	stream.indirect.scatter.add.f32 [tilespmem:s16], [sflag:$0xA], $0x80, s2, s13, $0xb8;
	[tilespmem:$0x1D080] =	vst v63  }
0x138: {  	_ =	swait.ge [sflag:s20], $0x2800  }
0x139: {  	[sflag:s20] =	ssyncset.done $0x0;
	s15 =	rddreg [dreg:$0x10]  }
0x13a: {  	[sflag:s20] =	ssyncadd.s32 $0xFFFFD800;
	s15 =	sadd.s32 s6, s15  }
0x13b: {  	[tilespmem:s26], [sflag:$0x4] =	stream.linear.gather [hbm4b:s15+s5], $0x50, $0x38;
	[tilespmem:$0x1D080] =	vst v63  }
0x13c: {  	s15 =	rddreg [dreg:$0x11]  }
0x13d: {  	s15 =	sadd.s32 s6, s15  }
0x13e: {  	[tilespmem:s17], [sflag:$0x4] =	stream.linear.gather [hbm4b:s15+s5], $0x50, $0x38;
	[tilespmem:$0x1D080] =	vst v63  }
0x13f: {  	_ =	swait.ge [sflag:s23], $0x50  }
0x140: {  	[sflag:s23] =	ssyncset.done $0x0  }
0x141: {  	[sflag:s23] =	ssyncadd.s32 $0xFFFFFFB0  }
0x142: {  	_ =	swait.ge [sflag:s23], $0x50  }
0x143: {  	[sflag:s23] =	ssyncset.done $0x0  }
0x144: {  	s24 =	simm.s32 $0x800;
	[sflag:s23] =	ssyncadd.s32 $0xFFFFFFB0  }
0x145: {  	[tilespmem:s24], [sflag:$0x6] =	stream.indirect.gather [hbm4b:s1+s13], $0x80, s18, s13, $0xb8;
	[tilespmem:$0x1D080] =	vst v63  }
0x146: {  	_ =	swait.ge [sflag:s0], $0x2800  }
0x147: {  	[sflag:s0] =	ssyncset.done $0x0  }
0x148: {  	[sflag:s0] =	ssyncadd.s32 $0xFFFFD800  }
0x149: {  	[spmem:s4] =	stream.indirect.scatter.add.f32 [tilespmem:s30], [sflag:$0xB], $0x80, s11, s13, $0xb8;
	[tilespmem:$0x1D080] =	vst v63  }
0x14a: {  	_ =	swait.ge [sflag:s8], $0x2800  }
0x14b: {  	[sflag:s8] =	ssyncset.done $0x0;
	s15 =	rddreg [dreg:$0x12]  }
0x14c: {  	[sflag:s8] =	ssyncadd.s32 $0xFFFFD800;
	s15 =	sadd.s32 s6, s15  }
0x14d: {  	[tilespmem:s22], [sflag:$0x5] =	stream.linear.gather [hbm4b:s15+s5], $0x50, $0x38;
	[tilespmem:$0x1D080] =	vst v63  }
0x14e: {  	s15 =	rddreg [dreg:$0x13]  }
0x14f: {  	s15 =	sadd.s32 s6, s15  }
0x150: {  	[tilespmem:s2], [sflag:$0x5] =	stream.linear.gather [hbm4b:s15+s5], $0x50, $0x38;
	[tilespmem:$0x1D080] =	vst v63  }
0x151: {  	_ =	swait.ge [sflag:s29], $0x50  }
0x152: {  	[sflag:s29] =	ssyncset.done $0x0  }
0x153: {  	[sflag:s29] =	ssyncadd.s32 $0xFFFFFFB0  }
0x154: {  	_ =	swait.ge [sflag:s29], $0x50  }
0x155: {  	[sflag:s29] =	ssyncset.done $0x0  }
0x156: {  	[sflag:s29] =	ssyncadd.s32 $0xFFFFFFB0  }
0x157: {  	[tilespmem:s16], [sflag:$0x7] =	stream.indirect.gather [hbm4b:s1+s13], $0x80, s21, s13, $0xb8;
	[tilespmem:$0x1D080] =	vst v63  }
0x158: {  	_ =	swait.ge [sflag:s25], $0x2800  }
0x159: {  	[sflag:s25] =	ssyncset.done $0x0  }
0x15a: {  	[sflag:s25] =	ssyncadd.s32 $0xFFFFD800  }
0x15b: {  	[spmem:s4] =	stream.indirect.scatter.add.f32 [tilespmem:s24], [sflag:$0x9], $0x80, s12, s13, $0xb8;
	[tilespmem:$0x1D080] =	vst v63  }
0x15c: {  	_ =	swait.ge [sflag:s10], $0x2800  }
0x15d: {  	[sflag:s10] =	ssyncset.done $0x0;
	s15 =	rddreg [dreg:$0x14]  }
0x15e: {  	[sflag:s10] =	ssyncadd.s32 $0xFFFFD800;
	s15 =	sadd.s32 s6, s15  }
0x15f: {  	[tilespmem:s5], [sflag:$0x1] =	stream.linear.gather [hbm4b:s15+s5], $0x50, $0x38;
	[tilespmem:$0x1D080] =	vst v63  }
0x160: {  	s15 =	rddreg [dreg:$0x15]  }
0x161: {  	s15 =	sadd.s32 s6, s15  }
0x162: {  	[tilespmem:s11], [sflag:$0x1] =	stream.linear.gather [hbm4b:s15+s5], $0x50, $0x38;
	[tilespmem:$0x1D080] =	vst v63  }
0x163: {  	_ =	swait.ge [sflag:s3], $0x50  }
0x164: {  	[sflag:s3] =	ssyncset.done $0x0  }
0x165: {  	[sflag:s3] =	ssyncadd.s32 $0xFFFFFFB0  }
0x166: {  	_ =	swait.ge [sflag:s3], $0x50  }
0x167: {  	[sflag:s3] =	ssyncset.done $0x0  }
0x168: {  	[sflag:s3] =	ssyncadd.s32 $0xFFFFFFB0  }
0x169: {  	[tilespmem:s30], [sflag:$0x8] =	stream.indirect.gather [hbm4b:s1+s13], $0x80, s26, s13, $0xb8;
	[tilespmem:$0x1D080] =	vst v63  }
0x16a: {  	_ =	swait.ge [sflag:s31], $0x2800  }
0x16b: {  	[sflag:s31] =	ssyncset.done $0x0  }
0x16c: {  	[sflag:s31] =	ssyncadd.s32 $0xFFFFD800  }
0x16d: {  	[spmem:s4] =	stream.indirect.scatter.add.f32 [tilespmem:s16], [sflag:$0xA], $0x80, s14, s13, $0xb8;
	[tilespmem:$0x1D080] =	vst v63  }
0x16e: {  	_ =	swait.ge [sflag:s20], $0x2800  }
0x16f: {  	[sflag:s20] =	ssyncset.done $0x0;
	s15 =	rddreg [dreg:$0x16]  }
0x170: {  	[sflag:s20] =	ssyncadd.s32 $0xFFFFD800;
	s15 =	sadd.s32 s6, s15  }
0x171: {  	[tilespmem:s18], [sflag:$0x2] =	stream.linear.gather [hbm4b:s15+s5], $0x50, $0x38;
	[tilespmem:$0x1D080] =	vst v63  }
0x172: {  	s15 =	rddreg [dreg:$0x17]  }
0x173: {  	s15 =	sadd.s32 s6, s15  }
0x174: {  	[tilespmem:s12], [sflag:$0x2] =	stream.linear.gather [hbm4b:s15+s5], $0x50, $0x38;
	[tilespmem:$0x1D080] =	vst v63  }
0x175: {  	_ =	swait.ge [sflag:s9], $0x50  }
0x176: {  	[sflag:s9] =	ssyncset.done $0x0  }
0x177: {  	[sflag:s9] =	ssyncadd.s32 $0xFFFFFFB0  }
0x178: {  	_ =	swait.ge [sflag:s9], $0x50  }
0x179: {  	[sflag:s9] =	ssyncset.done $0x0  }
0x17a: {  	[sflag:s9] =	ssyncadd.s32 $0xFFFFFFB0  }
0x17b: {  	[tilespmem:s24], [sflag:$0x6] =	stream.indirect.gather [hbm4b:s1+s13], $0x80, s22, s13, $0xb8;
	[tilespmem:$0x1D080] =	vst v63  }
0x17c: {  	_ =	swait.ge [sflag:s0], $0x2800  }
0x17d: {  	[sflag:s0] =	ssyncset.done $0x0  }
0x17e: {  	[sflag:s0] =	ssyncadd.s32 $0xFFFFD800  }
0x17f: {  	[spmem:s4] =	stream.indirect.scatter.add.f32 [tilespmem:s30], [sflag:$0xB], $0x80, s17, s13, $0xb8;
	[tilespmem:$0x1D080] =	vst v63  }
0x180: {  	_ =	swait.ge [sflag:s8], $0x2800  }
0x181: {  	[sflag:s8] =	ssyncset.done $0x0;
	s15 =	rddreg [dreg:$0x18]  }
0x182: {  	[sflag:s8] =	ssyncadd.s32 $0xFFFFD800;
	s15 =	sadd.s32 s6, s15  }
0x183: {  	[tilespmem:s21], [sflag:$0x3] =	stream.linear.gather [hbm4b:s15+s5], $0x50, $0x38;
	[tilespmem:$0x1D080] =	vst v63  }
0x184: {  	s15 =	rddreg [dreg:$0x19]  }
0x185: {  	s15 =	sadd.s32 s6, s15  }
0x186: {  	[tilespmem:s14], [sflag:$0x3] =	stream.linear.gather [hbm4b:s15+s5], $0x50, $0x38;
	[tilespmem:$0x1D080] =	vst v63  }
0x187: {  	_ =	swait.ge [sflag:s19], $0x50  }
0x188: {  	[sflag:s19] =	ssyncset.done $0x0  }
0x189: {  	[sflag:s19] =	ssyncadd.s32 $0xFFFFFFB0  }
0x18a: {  	_ =	swait.ge [sflag:s19], $0x50  }
0x18b: {  	[sflag:s19] =	ssyncset.done $0x0  }
0x18c: {  	[sflag:s19] =	ssyncadd.s32 $0xFFFFFFB0  }
0x18d: {  	[tilespmem:s16], [sflag:$0x7] =	stream.indirect.gather [hbm4b:s1+s13], $0x80, s5, s13, $0xb8;
	[tilespmem:$0x1D080] =	vst v63  }
0x18e: {  	_ =	swait.ge [sflag:s25], $0x2800  }
0x18f: {  	[sflag:s25] =	ssyncset.done $0x0  }
0x190: {  	[sflag:s25] =	ssyncadd.s32 $0xFFFFD800  }
0x191: {  	[spmem:s4] =	stream.indirect.scatter.add.f32 [tilespmem:s24], [sflag:$0x9], $0x80, s2, s13, $0xb8;
	[tilespmem:$0x1D080] =	vst v63  }
0x192: {  	_ =	swait.ge [sflag:s10], $0x2800  }
0x193: {  	[sflag:s10] =	ssyncset.done $0x0;
	s15 =	rddreg [dreg:$0x1a]  }
0x194: {  	[sflag:s10] =	ssyncadd.s32 $0xFFFFD800;
	s15 =	sadd.s32 s6, s15  }
0x195: {  	[tilespmem:s26], [sflag:$0x4] =	stream.linear.gather [hbm4b:s15+s5], $0x50, $0x38;
	[tilespmem:$0x1D080] =	vst v63  }
0x196: {  	s15 =	rddreg [dreg:$0x1b]  }
0x197: {  	s15 =	sadd.s32 s6, s15  }
0x198: {  	[tilespmem:s17], [sflag:$0x4] =	stream.linear.gather [hbm4b:s15+s5], $0x50, $0x38;
	[tilespmem:$0x1D080] =	vst v63  }
0x199: {  	_ =	swait.ge [sflag:s23], $0x50  }
0x19a: {  	[sflag:s23] =	ssyncset.done $0x0  }
0x19b: {  	[sflag:s23] =	ssyncadd.s32 $0xFFFFFFB0  }
0x19c: {  	_ =	swait.ge [sflag:s23], $0x50  }
0x19d: {  	[sflag:s23] =	ssyncset.done $0x0  }
0x19e: {  	[sflag:s23] =	ssyncadd.s32 $0xFFFFFFB0  }
0x19f: {  	[tilespmem:s30], [sflag:$0x8] =	stream.indirect.gather [hbm4b:s1+s13], $0x80, s18, s13, $0xb8;
	[tilespmem:$0x1D080] =	vst v63  }
0x1a0: {  	_ =	swait.ge [sflag:s31], $0x2800  }
0x1a1: {  	[sflag:s31] =	ssyncset.done $0x0  }
0x1a2: {  	[sflag:s31] =	ssyncadd.s32 $0xFFFFD800  }
0x1a3: {  	[spmem:s4] =	stream.indirect.scatter.add.f32 [tilespmem:s16], [sflag:$0xA], $0x80, s11, s13, $0xb8;
	[tilespmem:$0x1D080] =	vst v63  }
0x1a4: {  	_ =	swait.ge [sflag:s20], $0x2800  }
0x1a5: {  	[sflag:s20] =	ssyncset.done $0x0;
	s16 =	rddreg [dreg:$0x1c]  }
0x1a6: {  	[sflag:s20] =	ssyncadd.s32 $0xFFFFD800;
	s15 =	sadd.s32 s6, s16;
	s16 =	rddreg [dreg:$0x1d]  }
0x1a7: {  	[tilespmem:s22], [sflag:$0x5] =	stream.linear.gather [hbm4b:s15+s5], $0x50, $0x38;
	[tilespmem:$0x1D080] =	vst v63  }
0x1a8: {  	s15 =	sadd.s32 s6, s16  }
0x1a9: {  	[tilespmem:s2], [sflag:$0x5] =	stream.linear.gather [hbm4b:s15+s5], $0x50, $0x38;
	[tilespmem:$0x1D080] =	vst v63  }
0x1aa: {  	_ =	swait.ge [sflag:s29], $0x50  }
0x1ab: {  	[sflag:s29] =	ssyncset.done $0x0  }
0x1ac: {  	[sflag:s29] =	ssyncadd.s32 $0xFFFFFFB0  }
0x1ad: {  	_ =	swait.ge [sflag:s29], $0x50  }
0x1ae: {  	[sflag:s29] =	ssyncset.done $0x0  }
0x1af: {  	[sflag:s29] =	ssyncadd.s32 $0xFFFFFFB0  }
0x1b0: {  	[tilespmem:s24], [sflag:$0x6] =	stream.indirect.gather [hbm4b:s1+s13], $0x80, s21, s13, $0xb8;
	[tilespmem:$0x1D080] =	vst v63  }
0x1b1: {  	_ =	swait.ge [sflag:s0], $0x2800  }
0x1b2: {  	[sflag:s0] =	ssyncset.done $0x0  }
0x1b3: {  	[sflag:s0] =	ssyncadd.s32 $0xFFFFD800  }
0x1b4: {  	[spmem:s4] =	stream.indirect.scatter.add.f32 [tilespmem:s30], [sflag:$0xB], $0x80, s12, s13, $0xb8;
	[tilespmem:$0x1D080] =	vst v63  }
0x1b5: {  	_ =	swait.ge [sflag:s8], $0x2800  }
0x1b6: {  	s28 =	sld [smem:$0x7E2]  }
0x1b7: {  	[sflag:s8] =	ssyncset.done $0x0  }
0x1b8: {  	[sflag:s8] =	ssyncadd.s32 $0xFFFFD800  }
0x1b9: {  	s16 =	rddreg [dreg:$0x1];
	s15 =	sshrl.u32 s28, $0x3  }
0x1ba: {  	s15 =	sadd.s32 s16, s15  }
0x1bb: {  	[tilespmem:s5], [sflag:$0x1] =	stream.linear.gather [hbm4b:s15+s5], $0x50, $0x38;
	[tilespmem:$0x1D080] =	vst v63  }
0x1bc: {  	s15 =	rddreg [dreg:$0x1e]  }
0x1bd: {  	s15 =	sadd.s32 s6, s15  }
0x1be: {  	[tilespmem:s11], [sflag:$0x1] =	stream.linear.gather [hbm4b:s15+s5], $0x50, $0x38;
	[tilespmem:$0x1D080] =	vst v63  }
0x1bf: {  	_ =	swait.ge [sflag:s3], $0x50  }
0x1c0: {  	[sflag:s3] =	ssyncset.done $0x0  }
0x1c1: {  	[sflag:s3] =	ssyncadd.s32 $0xFFFFFFB0  }
0x1c2: {  	_ =	swait.ge [sflag:s3], $0x50  }
0x1c3: {  	[sflag:s3] =	ssyncset.done $0x0  }
0x1c4: {  	s16 =	simm.s32 $0x3000;
	[sflag:s3] =	ssyncadd.s32 $0xFFFFFFB0  }
0x1c5: {  	[tilespmem:s16], [sflag:$0x7] =	stream.indirect.gather [hbm4b:s1+s13], $0x80, s26, s13, $0xb8;
	[tilespmem:$0x1D080] =	vst v63  }
0x1c6: {  	_ =	swait.ge [sflag:s25], $0x2800  }
0x1c7: {  	[sflag:s25] =	ssyncset.done $0x0  }
0x1c8: {  	[sflag:s25] =	ssyncadd.s32 $0xFFFFD800  }
0x1c9: {  	[spmem:s4] =	stream.indirect.scatter.add.f32 [tilespmem:s24], [sflag:$0x9], $0x80, s14, s13, $0xb8;
	[tilespmem:$0x1D080] =	vst v63  }
0x1ca: {  	_ =	swait.ge [sflag:s10], $0x2800  }
0x1cb: {  	[sflag:s10] =	ssyncset.done $0x0;
	s11 =	rddreg [dreg:$0x1f]  }
0x1cc: {  	[sflag:s10] =	ssyncadd.s32 $0xFFFFD800;
	s15 =	sadd.s32 s6, s11  }
0x1cd: {  	[tilespmem:s18], [sflag:$0x2] =	stream.linear.gather [hbm4b:s15+s5], $0x50, $0x38;
	[tilespmem:$0x1D080] =	vst v63  }
0x1ce: {  	s18 =	sld [smem:$0x7E4];
	_ =	sdelay $0x2  }
0x1cf: {  	s15 =	sadd.s32 s6, s18  }
0x1d0: {  	[tilespmem:s12], [sflag:$0x2] =	stream.linear.gather [hbm4b:s15+s5], $0x50, $0x38;
	[tilespmem:$0x1D080] =	vst v63  }
0x1d1: {  	_ =	swait.ge [sflag:s9], $0x50  }
0x1d2: {  	[sflag:s9] =	ssyncset.done $0x0  }
0x1d3: {  	[sflag:s9] =	ssyncadd.s32 $0xFFFFFFB0  }
0x1d4: {  	_ =	swait.ge [sflag:s9], $0x50  }
0x1d5: {  	[sflag:s9] =	ssyncset.done $0x0  }
0x1d6: {  	[sflag:s9] =	ssyncadd.s32 $0xFFFFFFB0  }
0x1d7: {  	[tilespmem:s30], [sflag:$0x8] =	stream.indirect.gather [hbm4b:s1+s13], $0x80, s22, s13, $0xb8;
	[tilespmem:$0x1D080] =	vst v63  }
0x1d8: {  	_ =	swait.ge [sflag:s31], $0x2800  }
0x1d9: {  	[sflag:s31] =	ssyncset.done $0x0  }
0x1da: {  	[sflag:s31] =	ssyncadd.s32 $0xFFFFD800  }
0x1db: {  	[spmem:s4] =	stream.indirect.scatter.add.f32 [tilespmem:s16], [sflag:$0xA], $0x80, s17, s13, $0xb8;
	[tilespmem:$0x1D080] =	vst v63  }
0x1dc: {  	_ =	swait.ge [sflag:s20], $0x2800  }
0x1dd: {  	s24 =	sld [smem:$0x7E5];
	_ =	sdelay $0x1  }
0x1de: {  	[sflag:s20] =	ssyncset.done $0x0;
	s26 =	sld [smem:$0x7E6]  }
0x1df: {  	[sflag:s20] =	ssyncadd.s32 $0xFFFFD800;
	s15 =	sadd.s32 s6, s24  }
0x1e0: {  	[tilespmem:s21], [sflag:$0x3] =	stream.linear.gather [hbm4b:s15+s5], $0x50, $0x38;
	[tilespmem:$0x1D080] =	vst v63  }
0x1e1: {  	s15 =	sadd.s32 s6, s26  }
0x1e2: {  	[tilespmem:s14], [sflag:$0x3] =	stream.linear.gather [hbm4b:s15+s5], $0x50, $0x38;
	[tilespmem:$0x1D080] =	vst v63  }
0x1e3: {  	_ =	swait.ge [sflag:s19], $0x50  }
0x1e4: {  	[sflag:s19] =	ssyncset.done $0x0  }
0x1e5: {  	[sflag:s19] =	ssyncadd.s32 $0xFFFFFFB0  }
0x1e6: {  	s7 =	sadd.s32 $0xF, s7;
	s28 =	sadd.s32 $0x4B0, s28;
	_ =	swait.ge [sflag:s19], $0x50  }
0x1e7: {  	s11 =	simm.s32 $0x400;
	s18 =	simm.s32 $0x100;
	[sflag:s19] =	ssyncset.done $0x0  }
0x1e8: {  	s12 =	simm.s32 $0x480;
	s14 =	simm.s32 $0x800;
	[sflag:s19] =	ssyncadd.s32 $0xFFFFFFB0  }
0x1e9: {  	[tilespmem:s14], [sflag:$0x6] =	stream.indirect.gather [hbm4b:s1+s13], $0x80, s5, s13, $0xb8;
	[tilespmem:$0x1D080] =	vst v63  }
.Ltmp4:
0x1ea: {  	s22 =	simm.s32 $0x200;
	s17 =	simm.s32 $0x80;
	(pc) =	sbr.rel .LBB2_4-.Ltmp4, $4  }
0x1eb: {  	s24 =	simm.s32 $0x500;
	s6 =	sadd.s32 $0x96, s6;
	_ =	swait.ge [sflag:s0], $0x2800  }
0x1ec: {  	s21 =	simm.s32 $0x180;
	s26 =	simm.s32 $0x600;
	[sflag:s0] =	ssyncset.done $0x0  }
0x1ed: {  	[smem:$0x7E2] =	sst s28;
	s28 =	simm.s32 $0x580;
	[sflag:s0] =	ssyncadd.s32 $0xFFFFD800  }
0x1ee: {  	[spmem:s4] =	stream.indirect.scatter.add.f32 [tilespmem:s30], [sflag:$0xB], $0x80, s2, s13, $0xb8;
	[tilespmem:$0x1D080] =	vst v63  }
.LBB2_7:
0x1ef: {  	_ =	sfence.sel $0x180000  }
0x1f0: {  	[bflag:$0x0] =	sbarrier.arrive $0xFFFF  }
0x1f1: {  	_ =	strace $0x90000047  }
0x1f2: {  	s0 =	stileid.u32;
	[bflag:$0x2] =	sbarrier.arrive $0xFFFF  }
0x1f3: {  	p0 =	sne.s32 s0, $0x0;
	s0 =	rddreg [dreg:$0x4]  }
0x1f4: {  	s0 =	sadd.s32 @!p0 $0x100000, s0  }
0x1f5: {  	[sflag:s0] =	ssyncadd.tile.s32 @!p0 $0x1;
	_ =	shalt  }
.Lfunc_end2:
_tile_overlayer_lowered:
.L_overlay_start_2:
0x1f6: {  	(tag) =	ssettag $0x2  }
0x1f7: {  	s0 =	rddreg [dreg:$0x0];
	s2 =	stileid.u32  }
0x1f8: {  	s1 =	rddreg [dreg:$0x1];
	p0 =	sne.s32 s2, $0x0  }
0x1f9: {  	s3 =	rddreg [dreg:$0x2];
	[bflag:$0x3] =	sbarrier.arrive $0xFFFF;
	s2 =	simm.s32 @!p0 $0x1C0C  }
0x1fa: {  	[timem:s3], [sflag:s2] =	dma.local @!p0 [hbm:s0], s1  }
0x1fb: {  	s0 =	simm.s32 @!p0 $0xC  }
0x1fc: {  	_ =	swait.ge @!p0 [sflag:s0], s1  }
0x1fd: {  	s1 =	ssub.s32 @!p0 $0x0, s1;
	[sflag:s0] =	ssyncset.done @!p0 $0x0  }
0x1fe: {  	[sflag:s0] =	ssyncadd.s32 @!p0 s1  }
0x1ff: {  	[bflag:$0x3] =	sbarrier.arrive $0xFFFF  }
0x200: {  	_ =	shalt  }

</sc_bundles>
